<compile_context>
chip_gen: v7x
topology: tpu7x:2x2x1
jax: 0.10.2.dev20260603
libtpu: 0.0.44.dev20260713+nightly
codegen_flags: <defaults>
</compile_context>

<pallas_src>
import functools

import jax
import jax.numpy as jnp
from jax import lax
from jax.experimental import pallas as pl
from jax.experimental.pallas import tpu as pltpu
from jax.experimental.pallas import tpu_sc as plsc

N = 10000
E = 320000
D_IN = 128
D_H = 256
D_OUT = 128

NPAD = 10240
NSUB = 16
NCORE = 2
NW = NSUB * NCORE
RPT = NPAD // NSUB
CK = 128
NCH2 = 79
NCH1 = 2 * NCH2
TOTCH = NW * NCH2
EPAD = TOTCH * CK
BLK = 1024

_mesh = plsc.VectorSubcoreMesh(
    core_axis_name="c", subcore_axis_name="s",
    num_cores=NCORE, num_subcores=NSUB)


def _zero_rows(buf, nrow, ncol):
    def row(i, _):
        def col(k, _):
            buf[i, pl.ds(k * 16, 16)] = jnp.zeros((16,), jnp.float32)
            return 0
        lax.fori_loop(0, ncol // 16, col, 0)
        return 0
    lax.fori_loop(0, nrow, row, 0)


@functools.partial(
    pl.kernel,
    out_type=jax.ShapeDtypeStruct((NPAD,), jnp.float32),
    mesh=_mesh,
    scratch_types=[
        pltpu.VMEM_SHARED((NPAD,), jnp.float32),
        pltpu.VMEM((NCH1, CK), jnp.int32),
        pltpu.VMEM((CK,), jnp.float32),
        pltpu.VMEM((RPT,), jnp.float32),
    ],
)
def _deg_kernel(dst_hbm, deg_hbm, deg_acc, didx, ones, wbuf):
    c = lax.axis_index("c")
    s = lax.axis_index("s")
    r0 = s * RPT

    def fill(i, _):
        wbuf[pl.ds(i * 16, 16)] = jnp.zeros((16,), jnp.float32)
        return 0
    lax.fori_loop(0, RPT // 16, fill, 0)

    def fill1(i, _):
        ones[pl.ds(i * 16, 16)] = jnp.ones((16,), jnp.float32)
        return 0
    lax.fori_loop(0, CK // 16, fill1, 0)

    pltpu.sync_copy(wbuf, deg_acc.at[pl.ds(r0, RPT)])
    pltpu.sync_copy(dst_hbm.at[s], didx)
    plsc.subcore_barrier()

    def scat(j, _):
        pltpu.sync_copy(ones, deg_acc.at[didx.at[j]], add=True)
        return 0
    lax.fori_loop(0, NCH1, scat, 0)
    plsc.subcore_barrier()

    @pl.when(c == 0)
    def _():
        pltpu.sync_copy(deg_acc.at[pl.ds(r0, RPT)], deg_hbm.at[pl.ds(r0, RPT)])


def _make_agg_kernel(col_split):
    nch = NCH1 if col_split else NCH2
    rbufs = 2
    ring = 4

    @functools.partial(
        pl.kernel,
        out_type=jax.ShapeDtypeStruct((2 * NPAD, 128), jnp.float32),
        mesh=_mesh,
        scratch_types=[
            pltpu.VMEM_SHARED((NPAD, 128), jnp.float32),
            pltpu.VMEM((ring, 2, CK), jnp.int32),
            pltpu.VMEM((CK, 128), jnp.float32),
            pltpu.VMEM((CK, 128), jnp.float32),
            pltpu.SemaphoreType.DMA,
            pltpu.SemaphoreType.DMA,
            pltpu.SemaphoreType.DMA,
            pltpu.SemaphoreType.DMA,
            pltpu.SemaphoreType.DMA,
            pltpu.SemaphoreType.DMA,
        ],
    )
    def _agg(g_hbm, esd_hbm, agg_hbm, acc, idxr, rb0, rb1,
             si0, si1, si2, si3, sem0, sem1):
        semis = (si0, si1, si2, si3)
        c = lax.axis_index("c")
        s = lax.axis_index("s")
        r0 = s * RPT
        if col_split:
            off = c * NPAD
            cb = s * nch
        else:
            off = 0
            cb = (s * NCORE + c) * nch
        rbs = (rb0, rb1)
        sems = (sem0, sem1)

        _zero_rows(rb0, CK, 128)

        def zacc(k, _):
            pltpu.sync_copy(rb0, acc.at[pl.ds(r0 + k * CK, CK)])
            return 0
        lax.fori_loop(0, RPT // CK, zacc, 0)

        def offset_src(u):
            if col_split:
                for k in range(CK // 16):
                    idxr[u, 0, pl.ds(k * 16, 16)] = (
                        idxr[u, 0, pl.ds(k * 16, 16)] + off)

        plsc.subcore_barrier()

        for u in range(ring):
            pltpu.async_copy(esd_hbm.at[cb + u], idxr.at[u], semis[u])
        for u in range(rbufs):
            pltpu.make_async_copy(
                esd_hbm.at[cb + u], idxr.at[u], semis[u]).wait()
            offset_src(u)
            pltpu.async_copy(g_hbm.at[idxr.at[u, 0]], rbs[u], sems[u])

        def substep(j, u):
            b = u % rbufs
            pltpu.make_async_copy(
                g_hbm.at[idxr.at[u, 0]], rbs[b], sems[b]).wait()
            pltpu.sync_copy(rbs[b], acc.at[idxr.at[u, 1]], add=True)

            @pl.when(j + ring < nch)
            def _():
                pltpu.async_copy(
                    esd_hbm.at[cb + j + ring], idxr.at[u], semis[u])

            u2 = (u + rbufs) % ring

            @pl.when(j + rbufs < nch)
            def _():
                pltpu.make_async_copy(
                    esd_hbm.at[cb + j + rbufs], idxr.at[u2], semis[u2]).wait()
                offset_src(u2)
                pltpu.async_copy(g_hbm.at[idxr.at[u2, 0]], rbs[b], sems[b])

        def step(k, _):
            for u in range(ring):
                substep(ring * k + u, u)
            return 0
        lax.fori_loop(0, nch // ring, step, 0)
        for u in range(nch % ring):
            substep(ring * (nch // ring) + u, u)

        plsc.subcore_barrier()

        def wb(k, _):
            pltpu.sync_copy(acc.at[pl.ds(r0 + k * CK, CK)], rb0)
            pltpu.sync_copy(
                rb0, agg_hbm.at[pl.ds(c * NPAD + r0 + k * CK, CK)])
            return 0
        lax.fori_loop(0, RPT // CK, wb, 0)

    return _agg


_agg_l1 = _make_agg_kernel(col_split=True)
_agg_l2 = _make_agg_kernel(col_split=False)


def _elu(v):
    return jnp.where(v > 0.0, v, jnp.exp(v) - 1.0)


def _mm1_body(x_ref, w_ref, deg_ref, o_ref):
    di = lax.rsqrt(deg_ref[...] + 1.0)
    o_ref[...] = jnp.dot(x_ref[...], w_ref[...],
                         preferred_element_type=jnp.float32) * di


def _l2_body(a0, a1, g0, g1, deg_ref, b1_ref, w2_ref, o_ref):
    di = lax.rsqrt(deg_ref[...] + 1.0)
    h0 = _elu(di * (a0[...] + g0[...]) + b1_ref[0:1, 0:128])
    h1 = _elu(di * (a1[...] + g1[...]) + b1_ref[0:1, 128:256])
    h = jnp.concatenate([h0, h1], axis=1)
    o_ref[...] = jnp.dot(h, w2_ref[...],
                         preferred_element_type=jnp.float32) * di


def _fin_body(p0, p1, g2, deg_ref, b2_ref, o_ref):
    di = lax.rsqrt(deg_ref[...] + 1.0)
    o_ref[...] = _elu(di * (p0[...] + p1[...] + g2[...]) + b2_ref[...])


def _mm1(x_pad, w1, deg2d):
    nb = NPAD // BLK
    return pl.pallas_call(
        _mm1_body,
        grid=(nb, 2),
        in_specs=[
            pl.BlockSpec((BLK, D_IN), lambda i, c: (i, 0)),
            pl.BlockSpec((D_IN, 128), lambda i, c: (0, c)),
            pl.BlockSpec((BLK, 1), lambda i, c: (i, 0)),
        ],
        out_specs=pl.BlockSpec((BLK, 128), lambda i, c: (c * nb + i, 0)),
        out_shape=jax.ShapeDtypeStruct((2 * NPAD, 128), jnp.float32),
    )(x_pad, w1, deg2d)


def _layer2(agg1, g1, deg2d, b1row, w2):
    nb = NPAD // BLK
    return pl.pallas_call(
        _l2_body,
        grid=(nb,),
        in_specs=[
            pl.BlockSpec((BLK, 128), lambda i: (i, 0)),
            pl.BlockSpec((BLK, 128), lambda i: (nb + i, 0)),
            pl.BlockSpec((BLK, 128), lambda i: (i, 0)),
            pl.BlockSpec((BLK, 128), lambda i: (nb + i, 0)),
            pl.BlockSpec((BLK, 1), lambda i: (i, 0)),
            pl.BlockSpec((1, D_H), lambda i: (0, 0)),
            pl.BlockSpec((D_H, D_OUT), lambda i: (0, 0)),
        ],
        out_specs=pl.BlockSpec((BLK, D_OUT), lambda i: (i, 0)),
        out_shape=jax.ShapeDtypeStruct((NPAD, D_OUT), jnp.float32),
    )(agg1, agg1, g1, g1, deg2d, b1row, w2)


def _final(agg2, g2, deg2d, b2row):
    nb = NPAD // BLK
    return pl.pallas_call(
        _fin_body,
        grid=(nb,),
        in_specs=[
            pl.BlockSpec((BLK, D_OUT), lambda i: (i, 0)),
            pl.BlockSpec((BLK, D_OUT), lambda i: (nb + i, 0)),
            pl.BlockSpec((BLK, D_OUT), lambda i: (i, 0)),
            pl.BlockSpec((BLK, 1), lambda i: (i, 0)),
            pl.BlockSpec((1, D_OUT), lambda i: (0, 0)),
        ],
        out_specs=pl.BlockSpec((BLK, D_OUT), lambda i: (i, 0)),
        out_shape=jax.ShapeDtypeStruct((NPAD, D_OUT), jnp.float32),
    )(agg2, agg2, g2, deg2d, b2row)


def kernel(x, edge_index, W1, b1, W2, b2):
    x_pad = jnp.zeros((NPAD, D_IN), jnp.float32).at[:N].set(x)
    pad = jnp.full((2, EPAD - E), N, jnp.int32)
    ei = jnp.concatenate([edge_index, pad], axis=1)
    dst_r = ei[0].reshape(NSUB, NCH1, CK)
    esd = jnp.stack(
        [ei[1].reshape(TOTCH, CK), ei[0].reshape(TOTCH, CK)], axis=1)

    deg = _deg_kernel(dst_r)
    deg2d = deg[:, None]

    g1 = _mm1(x_pad, W1, deg2d)
    agg1 = _agg_l1(g1, esd)
    g2 = _layer2(agg1, g1, deg2d, b1.reshape(1, D_H), W2)
    agg2 = _agg_l2(g2, esd)
    out = _final(agg2, g2, deg2d, b2.reshape(1, D_OUT))
    return out[:N]

# --- scband reference (transcript-rebuilt; emitter-appended) ---
"""Pipeline reference for scband-gnnencoder-11055245820523 (READ-ONLY COPY).

The authoritative reference and input builder live on the scoring server;
editing this copy changes nothing except your own understanding.
"""

import jax, jax.numpy as jnp
import numpy as np

N = 10000
E = 320000
D_IN = 128
D_H = 256
D_OUT = 128


def setup_inputs(seed: int = 0) -> dict:
    key = jax.random.key(seed)
    ks = jax.random.split(key, 6)
    x = jax.random.normal(ks[0], (N, D_IN), dtype=jnp.float32)
    edge_index = jax.random.randint(ks[1], (2, E), 0, N, dtype=jnp.int32)
    # glorot-style init for GCN weights, zero bias (PyG GCNConv defaults)
    s1 = float(np.sqrt(6.0 / (D_IN + D_H)))
    W1 = jax.random.uniform(ks[2], (D_IN, D_H), dtype=jnp.float32, minval=-s1, maxval=s1)
    b1 = jnp.zeros((D_H,), dtype=jnp.float32)
    s2 = float(np.sqrt(6.0 / (D_H + D_OUT)))
    W2 = jax.random.uniform(ks[3], (D_H, D_OUT), dtype=jnp.float32, minval=-s2, maxval=s2)
    b2 = jnp.zeros((D_OUT,), dtype=jnp.float32)
    return {"x": x, "edge_index": edge_index, "W1": W1, "b1": b1, "W2": W2, "b2": b2}


def reference(x, edge_index, W1, b1, W2, b2):
    # GNNEncoder(layer='gcn', num_layers=2, bn=False, activation='elu'),
    # inference mode (dropout = identity, BatchNorm replaced by Identity).
    # GCNConv with SparseTensor: symmetric normalization with self-loops:
    #   out = D^{-1/2} (A + I) D^{-1/2} X W + b
    n = x.shape[0]
    dst = edge_index[0]
    src = edge_index[1]
    deg = jnp.zeros((n,), dtype=x.dtype).at[dst].add(1.0) + 1.0  # +1 for self-loop
    dinv = jax.lax.rsqrt(deg)
    enorm = dinv[dst] * dinv[src]
    selfnorm = dinv * dinv

    def gcn_conv(h, W, b):
        hw = h @ W
        msgs = hw[src] * enorm[:, None]
        agg = jnp.zeros((n, W.shape[1]), dtype=h.dtype).at[dst].add(msgs)
        agg = agg + hw * selfnorm[:, None]
        return agg + b

    h = jax.nn.elu(gcn_conv(x, W1, b1))
    out = jax.nn.elu(gcn_conv(h, W2, b2))
    return out

if __name__ == "__main__":
    import jax
    _d = setup_inputs()
    print(jax.jit(kernel)(*tuple(_d.values())))

</pallas_src>

<mosaic_0001>
#map = affine_map<(d0, d1) -> (0, 0)>
#map1 = affine_map<(d0, d1) -> (0, 0, 0)>
module attributes {stable_mosaic.version = 14 : i64} {
  func.func @_agg(%arg0: i32, %arg1: i32, %arg2: memref<10240x128xf32, #tpu.memory_space<hbm>>, %arg3: memref<2528x2x128xi32, #tpu.memory_space<hbm>>, %arg4: memref<20480x128xf32, #tpu.memory_space<hbm>>, %arg5: memref<10240x128xf32, #tpu.memory_space<vmem_shared>>, %arg6: memref<4x2x128xi32, #tpu.memory_space<vmem>>, %arg7: memref<128x128xf32, #tpu.memory_space<vmem>>, %arg8: memref<128x128xf32, #tpu.memory_space<vmem>>, %arg9: memref<!tpu.dma_semaphore, #tpu.memory_space<semaphore_mem>>, %arg10: memref<!tpu.dma_semaphore, #tpu.memory_space<semaphore_mem>>, %arg11: memref<!tpu.dma_semaphore, #tpu.memory_space<semaphore_mem>>, %arg12: memref<!tpu.dma_semaphore, #tpu.memory_space<semaphore_mem>>, %arg13: memref<!tpu.dma_semaphore, #tpu.memory_space<semaphore_mem>>, %arg14: memref<!tpu.dma_semaphore, #tpu.memory_space<semaphore_mem>>) attributes {dimension_semantics = [#tpu.dimension_semantics<core_parallel>, #tpu.dimension_semantics<subcore_parallel>], iteration_bounds = array<i64: 2, 16>, scalar_prefetch = 0 : i64, scratch_operands = 10 : i64, tpu.core_type = #tpu.core_type<sc_vector_subcore>, window_params = [{transform_indices = #map}, {transform_indices = #map1}, {transform_indices = #map}]} {
    %mul3A = arith.constant 640 : i32
    %mul3A_0 = arith.muli %arg1, %mul3A : i32
    %mul3A_1 = arith.constant 2 : i32
    %mul3A_2 = arith.muli %arg1, %mul3A_1 : i32
    %add3A = arith.addi %mul3A_2, %arg0 : i32
    %mul3A_3 = arith.constant 79 : i32
    %mul3A_4 = arith.muli %add3A, %mul3A_3 : i32
    %scan3A = arith.constant 0 : i32
    %scan3A_5 = arith.constant 0 : i32
    %scan3A_6 = arith.constant 128 : i32
    %scan3A_7 = arith.addi %scan3A_5, %scan3A_6 : i32
    %scan3A_8 = arith.constant 1 : i32
    %scan3A_9 = scf.for %scan3A_219 = %scan3A_5 to %scan3A_7 step %scan3A_8 iter_args(%scan3A_220 = %scan3A) -> (i32)  : i32 {
      %scan3A_221 = arith.constant 0 : i32
      %scan3A_222 = arith.constant 0 : i32
      %scan3A_223 = arith.constant 8 : i32
      %scan3A_224 = arith.addi %scan3A_222, %scan3A_223 : i32
      %scan3A_225 = arith.constant 1 : i32
      %scan3A_226 = scf.for %scan3A_229 = %scan3A_222 to %scan3A_224 step %scan3A_225 iter_args(%scan3A_230 = %scan3A_221) -> (i32)  : i32 {
        %broadcast_in_dim3A = arith.constant 0.000000e+00 : f32
        %broadcast_in_dim3A_231 = vector.broadcast %broadcast_in_dim3A : f32 to vector<16xf32>
        %mul3A_232 = arith.constant 16 : i32
        %mul3A_233 = arith.muli %scan3A_229, %mul3A_232 : i32
        %swap3A = arith.index_cast %scan3A_219 : i32 to index
        %swap3A_234 = arith.index_cast %mul3A_233 : i32 to index
        %swap3A_235 = tpu.vector_load %arg7[%swap3A, %swap3A_234] {strides = array<i32>} : memref<128x128xf32, #tpu.memory_space<vmem>>, vector<1x16xf32>,
        %swap3A_236 = vector.shape_cast %swap3A_235 : vector<1x16xf32> to vector<16xf32>
        %swap3A_237 = vector.shape_cast %broadcast_in_dim3A_231 : vector<16xf32> to vector<1x16xf32>
        tpu.vector_store %arg7[%swap3A, %swap3A_234], %swap3A_237 {strides = array<i32>} : memref<128x128xf32, #tpu.memory_space<vmem>>, vector<1x16xf32>,
        %scan3A_238 = arith.constant 0 : i32
        scf.yield %scan3A_238 : i32
      }
      %scan3A_227 = arith.constant 8 : i32
      %scan3A_228 = arith.constant 0 : i32
      scf.yield %scan3A_228 : i32
    }
    %scan3A_10 = arith.constant 128 : i32
    %scan3A_11 = arith.constant 0 : i32
    %scan3A_12 = arith.constant 0 : i32
    %scan3A_13 = arith.constant 5 : i32
    %scan3A_14 = arith.addi %scan3A_12, %scan3A_13 : i32
    %scan3A_15 = arith.constant 1 : i32
    %scan3A_16 = scf.for %scan3A_219 = %scan3A_12 to %scan3A_14 step %scan3A_15 iter_args(%scan3A_220 = %scan3A_11) -> (i32)  : i32 {
      %mul3A_221 = arith.constant 128 : i32
      %mul3A_222 = arith.muli %scan3A_219, %mul3A_221 : i32
      %add3A_223 = arith.addi %mul3A_0, %mul3A_222 : i32
      "tpu.region"() ({
        %run_scoped3A_225 = tpu.sem_alloc : memref<!tpu.dma_semaphore, #tpu.memory_space<semaphore_mem>>
        %dma_start3A_226 = arith.constant 0 : i32
        %dma_start3A_227 = tpu.memref_slice %arg5[%add3A_223, %dma_start3A_226] : memref<10240x128xf32, #tpu.memory_space<vmem_shared>> -> memref<128x128xf32, #tpu.memory_space<vmem_shared>>
        %dma_start3A_228 = arith.constant 0 : i32
        %dma_start3A_229 = tpu.memref_slice %arg5[%add3A_223, %dma_start3A_228] : memref<10240x128xf32, #tpu.memory_space<vmem_shared>> -> memref<128x128xf32, #tpu.memory_space<vmem_shared>>
        tpu.enqueue_dma source(%arg7 : memref<128x128xf32, #tpu.memory_space<vmem>>) target(%dma_start3A_229 : memref<128x128xf32, #tpu.memory_space<vmem_shared>>) target_semaphore(%run_scoped3A_225 : memref<!tpu.dma_semaphore, #tpu.memory_space<semaphore_mem>>)
        %dma_wait3A_230 = arith.constant 0 : i32
        %dma_wait3A_231 = tpu.memref_slice %arg5[%add3A_223, %dma_wait3A_230] : memref<10240x128xf32, #tpu.memory_space<vmem_shared>> -> memref<128x128xf32, #tpu.memory_space<vmem_shared>>
        %dma_wait3A_232 = arith.constant 0 : i32
        %dma_wait3A_233 = tpu.memref_slice %arg5[%add3A_223, %dma_wait3A_232] : memref<10240x128xf32, #tpu.memory_space<vmem_shared>> -> memref<128x128xf32, #tpu.memory_space<vmem_shared>>
        tpu.wait_dma2 semaphore(%run_scoped3A_225 : memref<!tpu.dma_semaphore, #tpu.memory_space<semaphore_mem>>) src(%arg7 : memref<128x128xf32, #tpu.memory_space<vmem>>) dst(%dma_wait3A_233 : memref<128x128xf32, #tpu.memory_space<vmem_shared>>)
        tpu.yield
      }) : () -> ()
      %scan3A_224 = arith.constant 0 : i32
      scf.yield %scan3A_224 : i32
    }
    %scan3A_17 = arith.constant 5 : i32
    %barrier3A = arith.constant 0 : index
    tpu.barrier barrier_id(%barrier3A)
    %add3A_18 = arith.constant 0 : i32
    %add3A_19 = arith.addi %mul3A_4, %add3A_18 : i32
    %dma_start3A = arith.constant 0 : i32
    %dma_start3A_20 = arith.constant 0 : i32
    %dma_start3A_21 = arith.constant 0 : i32
    %dma_start3A_22 = tpu.memref_slice %arg6[%dma_start3A, %dma_start3A_20, %dma_start3A_21] : memref<4x2x128xi32, #tpu.memory_space<vmem>> -> memref<1x2x128xi32, #tpu.memory_space<vmem>>
    %dma_start3A_23 = tpu.memref_squeeze %dma_start3A_22 : memref<1x2x128xi32, #tpu.memory_space<vmem>> -> memref<2x128xi32, #tpu.memory_space<vmem>>
    %dma_start3A_24 = arith.constant 0 : i32
    %dma_start3A_25 = arith.constant 0 : i32
    %dma_start3A_26 = tpu.memref_slice %arg3[%add3A_19, %dma_start3A_24, %dma_start3A_25] : memref<2528x2x128xi32, #tpu.memory_space<hbm>> -> memref<1x2x128xi32, #tpu.memory_space<hbm>>
    %dma_start3A_27 = tpu.memref_squeeze %dma_start3A_26 : memref<1x2x128xi32, #tpu.memory_space<hbm>> -> memref<2x128xi32, #tpu.memory_space<hbm>>
    %dma_start3A_28 = arith.constant 0 : i32
    %dma_start3A_29 = arith.constant 0 : i32
    %dma_start3A_30 = tpu.memref_slice %arg6[%dma_start3A, %dma_start3A_28, %dma_start3A_29] : memref<4x2x128xi32, #tpu.memory_space<vmem>> -> memref<1x2x128xi32, #tpu.memory_space<vmem>>
    %dma_start3A_31 = tpu.memref_squeeze %dma_start3A_30 : memref<1x2x128xi32, #tpu.memory_space<vmem>> -> memref<2x128xi32, #tpu.memory_space<vmem>>
    %dma_start3A_32 = arith.constant 0 : i32
    %dma_start3A_33 = arith.constant 0 : i32
    %dma_start3A_34 = tpu.memref_slice %arg3[%add3A_19, %dma_start3A_32, %dma_start3A_33] : memref<2528x2x128xi32, #tpu.memory_space<hbm>> -> memref<1x2x128xi32, #tpu.memory_space<hbm>>
    %dma_start3A_35 = tpu.memref_squeeze %dma_start3A_34 : memref<1x2x128xi32, #tpu.memory_space<hbm>> -> memref<2x128xi32, #tpu.memory_space<hbm>>
    tpu.enqueue_dma source(%dma_start3A_35 : memref<2x128xi32, #tpu.memory_space<hbm>>) target(%dma_start3A_31 : memref<2x128xi32, #tpu.memory_space<vmem>>) target_semaphore(%arg9 : memref<!tpu.dma_semaphore, #tpu.memory_space<semaphore_mem>>)
    %add3A_36 = arith.constant 1 : i32
    %add3A_37 = arith.addi %mul3A_4, %add3A_36 : i32
    %dma_start3A_38 = arith.constant 1 : i32
    %dma_start3A_39 = arith.constant 0 : i32
    %dma_start3A_40 = arith.constant 0 : i32
    %dma_start3A_41 = tpu.memref_slice %arg6[%dma_start3A_38, %dma_start3A_39, %dma_start3A_40] : memref<4x2x128xi32, #tpu.memory_space<vmem>> -> memref<1x2x128xi32, #tpu.memory_space<vmem>>
    %dma_start3A_42 = tpu.memref_squeeze %dma_start3A_41 : memref<1x2x128xi32, #tpu.memory_space<vmem>> -> memref<2x128xi32, #tpu.memory_space<vmem>>
    %dma_start3A_43 = arith.constant 0 : i32
    %dma_start3A_44 = arith.constant 0 : i32
    %dma_start3A_45 = tpu.memref_slice %arg3[%add3A_37, %dma_start3A_43, %dma_start3A_44] : memref<2528x2x128xi32, #tpu.memory_space<hbm>> -> memref<1x2x128xi32, #tpu.memory_space<hbm>>
    %dma_start3A_46 = tpu.memref_squeeze %dma_start3A_45 : memref<1x2x128xi32, #tpu.memory_space<hbm>> -> memref<2x128xi32, #tpu.memory_space<hbm>>
    %dma_start3A_47 = arith.constant 0 : i32
    %dma_start3A_48 = arith.constant 0 : i32
    %dma_start3A_49 = tpu.memref_slice %arg6[%dma_start3A_38, %dma_start3A_47, %dma_start3A_48] : memref<4x2x128xi32, #tpu.memory_space<vmem>> -> memref<1x2x128xi32, #tpu.memory_space<vmem>>
    %dma_start3A_50 = tpu.memref_squeeze %dma_start3A_49 : memref<1x2x128xi32, #tpu.memory_space<vmem>> -> memref<2x128xi32, #tpu.memory_space<vmem>>
    %dma_start3A_51 = arith.constant 0 : i32
    %dma_start3A_52 = arith.constant 0 : i32
    %dma_start3A_53 = tpu.memref_slice %arg3[%add3A_37, %dma_start3A_51, %dma_start3A_52] : memref<2528x2x128xi32, #tpu.memory_space<hbm>> -> memref<1x2x128xi32, #tpu.memory_space<hbm>>
    %dma_start3A_54 = tpu.memref_squeeze %dma_start3A_53 : memref<1x2x128xi32, #tpu.memory_space<hbm>> -> memref<2x128xi32, #tpu.memory_space<hbm>>
    tpu.enqueue_dma source(%dma_start3A_54 : memref<2x128xi32, #tpu.memory_space<hbm>>) target(%dma_start3A_50 : memref<2x128xi32, #tpu.memory_space<vmem>>) target_semaphore(%arg10 : memref<!tpu.dma_semaphore, #tpu.memory_space<semaphore_mem>>)
    %add3A_55 = arith.constant 2 : i32
    %add3A_56 = arith.addi %mul3A_4, %add3A_55 : i32
    %dma_start3A_57 = arith.constant 2 : i32
    %dma_start3A_58 = arith.constant 0 : i32
    %dma_start3A_59 = arith.constant 0 : i32
    %dma_start3A_60 = tpu.memref_slice %arg6[%dma_start3A_57, %dma_start3A_58, %dma_start3A_59] : memref<4x2x128xi32, #tpu.memory_space<vmem>> -> memref<1x2x128xi32, #tpu.memory_space<vmem>>
    %dma_start3A_61 = tpu.memref_squeeze %dma_start3A_60 : memref<1x2x128xi32, #tpu.memory_space<vmem>> -> memref<2x128xi32, #tpu.memory_space<vmem>>
    %dma_start3A_62 = arith.constant 0 : i32
    %dma_start3A_63 = arith.constant 0 : i32
    %dma_start3A_64 = tpu.memref_slice %arg3[%add3A_56, %dma_start3A_62, %dma_start3A_63] : memref<2528x2x128xi32, #tpu.memory_space<hbm>> -> memref<1x2x128xi32, #tpu.memory_space<hbm>>
    %dma_start3A_65 = tpu.memref_squeeze %dma_start3A_64 : memref<1x2x128xi32, #tpu.memory_space<hbm>> -> memref<2x128xi32, #tpu.memory_space<hbm>>
    %dma_start3A_66 = arith.constant 0 : i32
    %dma_start3A_67 = arith.constant 0 : i32
    %dma_start3A_68 = tpu.memref_slice %arg6[%dma_start3A_57, %dma_start3A_66, %dma_start3A_67] : memref<4x2x128xi32, #tpu.memory_space<vmem>> -> memref<1x2x128xi32, #tpu.memory_space<vmem>>
    %dma_start3A_69 = tpu.memref_squeeze %dma_start3A_68 : memref<1x2x128xi32, #tpu.memory_space<vmem>> -> memref<2x128xi32, #tpu.memory_space<vmem>>
    %dma_start3A_70 = arith.constant 0 : i32
    %dma_start3A_71 = arith.constant 0 : i32
    %dma_start3A_72 = tpu.memref_slice %arg3[%add3A_56, %dma_start3A_70, %dma_start3A_71] : memref<2528x2x128xi32, #tpu.memory_space<hbm>> -> memref<1x2x128xi32, #tpu.memory_space<hbm>>
    %dma_start3A_73 = tpu.memref_squeeze %dma_start3A_72 : memref<1x2x128xi32, #tpu.memory_space<hbm>> -> memref<2x128xi32, #tpu.memory_space<hbm>>
    tpu.enqueue_dma source(%dma_start3A_73 : memref<2x128xi32, #tpu.memory_space<hbm>>) target(%dma_start3A_69 : memref<2x128xi32, #tpu.memory_space<vmem>>) target_semaphore(%arg11 : memref<!tpu.dma_semaphore, #tpu.memory_space<semaphore_mem>>)
    %add3A_74 = arith.constant 3 : i32
    %add3A_75 = arith.addi %mul3A_4, %add3A_74 : i32
    %dma_start3A_76 = arith.constant 3 : i32
    %dma_start3A_77 = arith.constant 0 : i32
    %dma_start3A_78 = arith.constant 0 : i32
    %dma_start3A_79 = tpu.memref_slice %arg6[%dma_start3A_76, %dma_start3A_77, %dma_start3A_78] : memref<4x2x128xi32, #tpu.memory_space<vmem>> -> memref<1x2x128xi32, #tpu.memory_space<vmem>>
    %dma_start3A_80 = tpu.memref_squeeze %dma_start3A_79 : memref<1x2x128xi32, #tpu.memory_space<vmem>> -> memref<2x128xi32, #tpu.memory_space<vmem>>
    %dma_start3A_81 = arith.constant 0 : i32
    %dma_start3A_82 = arith.constant 0 : i32
    %dma_start3A_83 = tpu.memref_slice %arg3[%add3A_75, %dma_start3A_81, %dma_start3A_82] : memref<2528x2x128xi32, #tpu.memory_space<hbm>> -> memref<1x2x128xi32, #tpu.memory_space<hbm>>
    %dma_start3A_84 = tpu.memref_squeeze %dma_start3A_83 : memref<1x2x128xi32, #tpu.memory_space<hbm>> -> memref<2x128xi32, #tpu.memory_space<hbm>>
    %dma_start3A_85 = arith.constant 0 : i32
    %dma_start3A_86 = arith.constant 0 : i32
    %dma_start3A_87 = tpu.memref_slice %arg6[%dma_start3A_76, %dma_start3A_85, %dma_start3A_86] : memref<4x2x128xi32, #tpu.memory_space<vmem>> -> memref<1x2x128xi32, #tpu.memory_space<vmem>>
    %dma_start3A_88 = tpu.memref_squeeze %dma_start3A_87 : memref<1x2x128xi32, #tpu.memory_space<vmem>> -> memref<2x128xi32, #tpu.memory_space<vmem>>
    %dma_start3A_89 = arith.constant 0 : i32
    %dma_start3A_90 = arith.constant 0 : i32
    %dma_start3A_91 = tpu.memref_slice %arg3[%add3A_75, %dma_start3A_89, %dma_start3A_90] : memref<2528x2x128xi32, #tpu.memory_space<hbm>> -> memref<1x2x128xi32, #tpu.memory_space<hbm>>
    %dma_start3A_92 = tpu.memref_squeeze %dma_start3A_91 : memref<1x2x128xi32, #tpu.memory_space<hbm>> -> memref<2x128xi32, #tpu.memory_space<hbm>>
    tpu.enqueue_dma source(%dma_start3A_92 : memref<2x128xi32, #tpu.memory_space<hbm>>) target(%dma_start3A_88 : memref<2x128xi32, #tpu.memory_space<vmem>>) target_semaphore(%arg12 : memref<!tpu.dma_semaphore, #tpu.memory_space<semaphore_mem>>)
    %add3A_93 = arith.constant 0 : i32
    %add3A_94 = arith.addi %mul3A_4, %add3A_93 : i32
    %dma_wait3A = arith.constant 0 : i32
    %dma_wait3A_95 = arith.constant 0 : i32
    %dma_wait3A_96 = arith.constant 0 : i32
    %dma_wait3A_97 = tpu.memref_slice %arg6[%dma_wait3A, %dma_wait3A_95, %dma_wait3A_96] : memref<4x2x128xi32, #tpu.memory_space<vmem>> -> memref<1x2x128xi32, #tpu.memory_space<vmem>>
    %dma_wait3A_98 = tpu.memref_squeeze %dma_wait3A_97 : memref<1x2x128xi32, #tpu.memory_space<vmem>> -> memref<2x128xi32, #tpu.memory_space<vmem>>
    %dma_wait3A_99 = arith.constant 0 : i32
    %dma_wait3A_100 = arith.constant 0 : i32
    %dma_wait3A_101 = tpu.memref_slice %arg3[%add3A_94, %dma_wait3A_99, %dma_wait3A_100] : memref<2528x2x128xi32, #tpu.memory_space<hbm>> -> memref<1x2x128xi32, #tpu.memory_space<hbm>>
    %dma_wait3A_102 = tpu.memref_squeeze %dma_wait3A_101 : memref<1x2x128xi32, #tpu.memory_space<hbm>> -> memref<2x128xi32, #tpu.memory_space<hbm>>
    %dma_wait3A_103 = arith.constant 0 : i32
    %dma_wait3A_104 = arith.constant 0 : i32
    %dma_wait3A_105 = tpu.memref_slice %arg6[%dma_wait3A, %dma_wait3A_103, %dma_wait3A_104] : memref<4x2x128xi32, #tpu.memory_space<vmem>> -> memref<1x2x128xi32, #tpu.memory_space<vmem>>
    %dma_wait3A_106 = tpu.memref_squeeze %dma_wait3A_105 : memref<1x2x128xi32, #tpu.memory_space<vmem>> -> memref<2x128xi32, #tpu.memory_space<vmem>>
    %dma_wait3A_107 = arith.constant 0 : i32
    %dma_wait3A_108 = arith.constant 0 : i32
    %dma_wait3A_109 = tpu.memref_slice %arg3[%add3A_94, %dma_wait3A_107, %dma_wait3A_108] : memref<2528x2x128xi32, #tpu.memory_space<hbm>> -> memref<1x2x128xi32, #tpu.memory_space<hbm>>
    %dma_wait3A_110 = tpu.memref_squeeze %dma_wait3A_109 : memref<1x2x128xi32, #tpu.memory_space<hbm>> -> memref<2x128xi32, #tpu.memory_space<hbm>>
    tpu.wait_dma2 semaphore(%arg9 : memref<!tpu.dma_semaphore, #tpu.memory_space<semaphore_mem>>) src(%dma_wait3A_110 : memref<2x128xi32, #tpu.memory_space<hbm>>) dst(%dma_wait3A_106 : memref<2x128xi32, #tpu.memory_space<vmem>>)
    %dma_start3A_111 = arith.constant 0 : i32
    %dma_start3A_112 = arith.constant 0 : i32
    %dma_start3A_113 = arith.constant 0 : i32
    %dma_start3A_114 = tpu.memref_slice %arg6[%dma_start3A_111, %dma_start3A_112, %dma_start3A_113] : memref<4x2x128xi32, #tpu.memory_space<vmem>> -> memref<1x1x128xi32, #tpu.memory_space<vmem>>
    %dma_start3A_115 = tpu.memref_squeeze %dma_start3A_114 : memref<1x1x128xi32, #tpu.memory_space<vmem>> -> memref<128xi32, #tpu.memory_space<vmem>>
    %dma_start3A_116 = arith.constant 0 : i32
    %dma_start3A_117 = arith.constant 0 : i32
    %dma_start3A_118 = tpu.memref_slice %arg2[%dma_start3A_116, %dma_start3A_117] : memref<10240x128xf32, #tpu.memory_space<hbm>> -> memref<10240x128xf32, #tpu.memory_space<hbm>>
    tpu.enqueue_indirect_dma source(%dma_start3A_118 : memref<10240x128xf32, #tpu.memory_space<hbm>>) target(%arg7 : memref<128x128xf32, #tpu.memory_space<vmem>>) offsets(%dma_start3A_115 : memref<128xi32, #tpu.memory_space<vmem>>) semaphore(%arg13 : memref<!tpu.dma_semaphore, #tpu.memory_space<semaphore_mem>>)
    %add3A_119 = arith.constant 1 : i32
    %add3A_120 = arith.addi %mul3A_4, %add3A_119 : i32
    %dma_wait3A_121 = arith.constant 1 : i32
    %dma_wait3A_122 = arith.constant 0 : i32
    %dma_wait3A_123 = arith.constant 0 : i32
    %dma_wait3A_124 = tpu.memref_slice %arg6[%dma_wait3A_121, %dma_wait3A_122, %dma_wait3A_123] : memref<4x2x128xi32, #tpu.memory_space<vmem>> -> memref<1x2x128xi32, #tpu.memory_space<vmem>>
    %dma_wait3A_125 = tpu.memref_squeeze %dma_wait3A_124 : memref<1x2x128xi32, #tpu.memory_space<vmem>> -> memref<2x128xi32, #tpu.memory_space<vmem>>
    %dma_wait3A_126 = arith.constant 0 : i32
    %dma_wait3A_127 = arith.constant 0 : i32
    %dma_wait3A_128 = tpu.memref_slice %arg3[%add3A_120, %dma_wait3A_126, %dma_wait3A_127] : memref<2528x2x128xi32, #tpu.memory_space<hbm>> -> memref<1x2x128xi32, #tpu.memory_space<hbm>>
    %dma_wait3A_129 = tpu.memref_squeeze %dma_wait3A_128 : memref<1x2x128xi32, #tpu.memory_space<hbm>> -> memref<2x128xi32, #tpu.memory_space<hbm>>
    %dma_wait3A_130 = arith.constant 0 : i32
    %dma_wait3A_131 = arith.constant 0 : i32
    %dma_wait3A_132 = tpu.memref_slice %arg6[%dma_wait3A_121, %dma_wait3A_130, %dma_wait3A_131] : memref<4x2x128xi32, #tpu.memory_space<vmem>> -> memref<1x2x128xi32, #tpu.memory_space<vmem>>
    %dma_wait3A_133 = tpu.memref_squeeze %dma_wait3A_132 : memref<1x2x128xi32, #tpu.memory_space<vmem>> -> memref<2x128xi32, #tpu.memory_space<vmem>>
    %dma_wait3A_134 = arith.constant 0 : i32
    %dma_wait3A_135 = arith.constant 0 : i32
    %dma_wait3A_136 = tpu.memref_slice %arg3[%add3A_120, %dma_wait3A_134, %dma_wait3A_135] : memref<2528x2x128xi32, #tpu.memory_space<hbm>> -> memref<1x2x128xi32, #tpu.memory_space<hbm>>
    %dma_wait3A_137 = tpu.memref_squeeze %dma_wait3A_136 : memref<1x2x128xi32, #tpu.memory_space<hbm>> -> memref<2x128xi32, #tpu.memory_space<hbm>>
    tpu.wait_dma2 semaphore(%arg10 : memref<!tpu.dma_semaphore, #tpu.memory_space<semaphore_mem>>) src(%dma_wait3A_137 : memref<2x128xi32, #tpu.memory_space<hbm>>) dst(%dma_wait3A_133 : memref<2x128xi32, #tpu.memory_space<vmem>>)
    %dma_start3A_138 = arith.constant 1 : i32
    %dma_start3A_139 = arith.constant 0 : i32
    %dma_start3A_140 = arith.constant 0 : i32
    %dma_start3A_141 = tpu.memref_slice %arg6[%dma_start3A_138, %dma_start3A_139, %dma_start3A_140] : memref<4x2x128xi32, #tpu.memory_space<vmem>> -> memref<1x1x128xi32, #tpu.memory_space<vmem>>
    %dma_start3A_142 = tpu.memref_squeeze %dma_start3A_141 : memref<1x1x128xi32, #tpu.memory_space<vmem>> -> memref<128xi32, #tpu.memory_space<vmem>>
    %dma_start3A_143 = arith.constant 0 : i32
    %dma_start3A_144 = arith.constant 0 : i32
    %dma_start3A_145 = tpu.memref_slice %arg2[%dma_start3A_143, %dma_start3A_144] : memref<10240x128xf32, #tpu.memory_space<hbm>> -> memref<10240x128xf32, #tpu.memory_space<hbm>>
    tpu.enqueue_indirect_dma source(%dma_start3A_145 : memref<10240x128xf32, #tpu.memory_space<hbm>>) target(%arg8 : memref<128x128xf32, #tpu.memory_space<vmem>>) offsets(%dma_start3A_142 : memref<128xi32, #tpu.memory_space<vmem>>) semaphore(%arg14 : memref<!tpu.dma_semaphore, #tpu.memory_space<semaphore_mem>>)
    %scan3A_146 = arith.constant 0 : i32
    %scan3A_147 = arith.constant 0 : i32
    %scan3A_148 = arith.constant 19 : i32
    %scan3A_149 = arith.addi %scan3A_147, %scan3A_148 : i32
    %scan3A_150 = arith.constant 1 : i32
    %scan3A_151 = scf.for %scan3A_219 = %scan3A_147 to %scan3A_149 step %scan3A_150 iter_args(%scan3A_220 = %scan3A_146) -> (i32)  : i32 {
      %mul3A_221 = arith.constant 4 : i32
      %mul3A_222 = arith.muli %mul3A_221, %scan3A_219 : i32
      %add3A_223 = arith.constant 0 : i32
      %add3A_224 = arith.addi %mul3A_222, %add3A_223 : i32
      %dma_wait3A_225 = arith.constant 0 : i32
      %dma_wait3A_226 = arith.constant 0 : i32
      %dma_wait3A_227 = arith.constant 0 : i32
      %dma_wait3A_228 = tpu.memref_slice %arg6[%dma_wait3A_225, %dma_wait3A_226, %dma_wait3A_227] : memref<4x2x128xi32, #tpu.memory_space<vmem>> -> memref<1x1x128xi32, #tpu.memory_space<vmem>>
      %dma_wait3A_229 = tpu.memref_squeeze %dma_wait3A_228 : memref<1x1x128xi32, #tpu.memory_space<vmem>> -> memref<128xi32, #tpu.memory_space<vmem>>
      %dma_wait3A_230 = arith.constant 0 : i32
      %dma_wait3A_231 = arith.constant 0 : i32
      %dma_wait3A_232 = tpu.memref_slice %arg2[%dma_wait3A_230, %dma_wait3A_231] : memref<10240x128xf32, #tpu.memory_space<hbm>> -> memref<10240x128xf32, #tpu.memory_space<hbm>>
      tpu.wait_indirect_dma semaphore(%arg13 : memref<!tpu.dma_semaphore, #tpu.memory_space<semaphore_mem>>) src(%dma_wait3A_232 : memref<10240x128xf32, #tpu.memory_space<hbm>>) dst(%arg7 : memref<128x128xf32, #tpu.memory_space<vmem>>)
      %run_scoped3A_233 = arith.constant 0 : i32
      %run_scoped3A_234 = arith.constant 1 : i32
      "tpu.region"() ({
        %run_scoped3A_331 = tpu.sem_alloc : memref<!tpu.dma_semaphore, #tpu.memory_space<semaphore_mem>>
        %dma_start3A_332 = arith.constant 0 : i32
        %dma_start3A_333 = tpu.memref_slice %arg6[%run_scoped3A_233, %run_scoped3A_234, %dma_start3A_332] : memref<4x2x128xi32, #tpu.memory_space<vmem>> -> memref<1x1x128xi32, #tpu.memory_space<vmem>>
        %dma_start3A_334 = tpu.memref_squeeze %dma_start3A_333 : memref<1x1x128xi32, #tpu.memory_space<vmem>> -> memref<128xi32, #tpu.memory_space<vmem>>
        %dma_start3A_335 = arith.constant 0 : i32
        %dma_start3A_336 = arith.constant 0 : i32
        %dma_start3A_337 = tpu.memref_slice %arg5[%dma_start3A_335, %dma_start3A_336] : memref<10240x128xf32, #tpu.memory_space<vmem_shared>> -> memref<10240x128xf32, #tpu.memory_space<vmem_shared>>
        tpu.enqueue_indirect_dma source(%arg7 : memref<128x128xf32, #tpu.memory_space<vmem>>) target(%dma_start3A_337 : memref<10240x128xf32, #tpu.memory_space<vmem_shared>>) offsets(%dma_start3A_334 : memref<128xi32, #tpu.memory_space<vmem>>) semaphore(%run_scoped3A_331 : memref<!tpu.dma_semaphore, #tpu.memory_space<semaphore_mem>>) {add = true}
        %dma_wait3A_338 = arith.constant 0 : i32
        %dma_wait3A_339 = tpu.memref_slice %arg6[%run_scoped3A_233, %run_scoped3A_234, %dma_wait3A_338] : memref<4x2x128xi32, #tpu.memory_space<vmem>> -> memref<1x1x128xi32, #tpu.memory_space<vmem>>
        %dma_wait3A_340 = tpu.memref_squeeze %dma_wait3A_339 : memref<1x1x128xi32, #tpu.memory_space<vmem>> -> memref<128xi32, #tpu.memory_space<vmem>>
        %dma_wait3A_341 = arith.constant 0 : i32
        %dma_wait3A_342 = arith.constant 0 : i32
        %dma_wait3A_343 = tpu.memref_slice %arg5[%dma_wait3A_341, %dma_wait3A_342] : memref<10240x128xf32, #tpu.memory_space<vmem_shared>> -> memref<10240x128xf32, #tpu.memory_space<vmem_shared>>
        tpu.wait_indirect_dma semaphore(%run_scoped3A_331 : memref<!tpu.dma_semaphore, #tpu.memory_space<semaphore_mem>>) src(%arg7 : memref<128x128xf32, #tpu.memory_space<vmem>>) dst(%dma_wait3A_343 : memref<10240x128xf32, #tpu.memory_space<vmem_shared>>)
        tpu.yield
      }) : () -> ()
      %add3A_235 = arith.constant 4 : i32
      %add3A_236 = arith.addi %add3A_224, %add3A_235 : i32
      %lt3A = arith.constant 79 : i32
      %lt3A_237 = arith.cmpi slt, %add3A_236, %lt3A : i32
      %convert_element_type3A = arith.extui %lt3A_237 : i1 to i32
      %cond3A = arith.constant 0 : i32
      %cond3A_238 = arith.cmpi ne, %convert_element_type3A, %cond3A : i32
      scf.if %cond3A_238 {
        %add3A_331 = arith.addi %mul3A_4, %add3A_224 : i32
        %add3A_332 = arith.constant 4 : i32
        %add3A_333 = arith.addi %add3A_331, %add3A_332 : i32
        %dma_start3A_334 = arith.constant 0 : i32
        %dma_start3A_335 = arith.constant 0 : i32
        %dma_start3A_336 = arith.constant 0 : i32
        %dma_start3A_337 = tpu.memref_slice %arg6[%dma_start3A_334, %dma_start3A_335, %dma_start3A_336] : memref<4x2x128xi32, #tpu.memory_space<vmem>> -> memref<1x2x128xi32, #tpu.memory_space<vmem>>
        %dma_start3A_338 = tpu.memref_squeeze %dma_start3A_337 : memref<1x2x128xi32, #tpu.memory_space<vmem>> -> memref<2x128xi32, #tpu.memory_space<vmem>>
        %dma_start3A_339 = arith.constant 0 : i32
        %dma_start3A_340 = arith.constant 0 : i32
        %dma_start3A_341 = tpu.memref_slice %arg3[%add3A_333, %dma_start3A_339, %dma_start3A_340] : memref<2528x2x128xi32, #tpu.memory_space<hbm>> -> memref<1x2x128xi32, #tpu.memory_space<hbm>>
        %dma_start3A_342 = tpu.memref_squeeze %dma_start3A_341 : memref<1x2x128xi32, #tpu.memory_space<hbm>> -> memref<2x128xi32, #tpu.memory_space<hbm>>
        %dma_start3A_343 = arith.constant 0 : i32
        %dma_start3A_344 = arith.constant 0 : i32
        %dma_start3A_345 = tpu.memref_slice %arg6[%dma_start3A_334, %dma_start3A_343, %dma_start3A_344] : memref<4x2x128xi32, #tpu.memory_space<vmem>> -> memref<1x2x128xi32, #tpu.memory_space<vmem>>
        %dma_start3A_346 = tpu.memref_squeeze %dma_start3A_345 : memref<1x2x128xi32, #tpu.memory_space<vmem>> -> memref<2x128xi32, #tpu.memory_space<vmem>>
        %dma_start3A_347 = arith.constant 0 : i32
        %dma_start3A_348 = arith.constant 0 : i32
        %dma_start3A_349 = tpu.memref_slice %arg3[%add3A_333, %dma_start3A_347, %dma_start3A_348] : memref<2528x2x128xi32, #tpu.memory_space<hbm>> -> memref<1x2x128xi32, #tpu.memory_space<hbm>>
        %dma_start3A_350 = tpu.memref_squeeze %dma_start3A_349 : memref<1x2x128xi32, #tpu.memory_space<hbm>> -> memref<2x128xi32, #tpu.memory_space<hbm>>
        tpu.enqueue_dma source(%dma_start3A_350 : memref<2x128xi32, #tpu.memory_space<hbm>>) target(%dma_start3A_346 : memref<2x128xi32, #tpu.memory_space<vmem>>) target_semaphore(%arg9 : memref<!tpu.dma_semaphore, #tpu.memory_space<semaphore_mem>>)
      } else {
      }
      %add3A_239 = arith.constant 2 : i32
      %add3A_240 = arith.addi %add3A_224, %add3A_239 : i32
      %lt3A_241 = arith.constant 79 : i32
      %lt3A_242 = arith.cmpi slt, %add3A_240, %lt3A_241 : i32
      %convert_element_type3A_243 = arith.extui %lt3A_242 : i1 to i32
      %cond3A_244 = arith.constant 0 : i32
      %cond3A_245 = arith.cmpi ne, %convert_element_type3A_243, %cond3A_244 : i32
      scf.if %cond3A_245 {
        %add3A_331 = arith.addi %mul3A_4, %add3A_224 : i32
        %add3A_332 = arith.constant 2 : i32
        %add3A_333 = arith.addi %add3A_331, %add3A_332 : i32
        %dma_wait3A_334 = arith.constant 2 : i32
        %dma_wait3A_335 = arith.constant 0 : i32
        %dma_wait3A_336 = arith.constant 0 : i32
        %dma_wait3A_337 = tpu.memref_slice %arg6[%dma_wait3A_334, %dma_wait3A_335, %dma_wait3A_336] : memref<4x2x128xi32, #tpu.memory_space<vmem>> -> memref<1x2x128xi32, #tpu.memory_space<vmem>>
        %dma_wait3A_338 = tpu.memref_squeeze %dma_wait3A_337 : memref<1x2x128xi32, #tpu.memory_space<vmem>> -> memref<2x128xi32, #tpu.memory_space<vmem>>
        %dma_wait3A_339 = arith.constant 0 : i32
        %dma_wait3A_340 = arith.constant 0 : i32
        %dma_wait3A_341 = tpu.memref_slice %arg3[%add3A_333, %dma_wait3A_339, %dma_wait3A_340] : memref<2528x2x128xi32, #tpu.memory_space<hbm>> -> memref<1x2x128xi32, #tpu.memory_space<hbm>>
        %dma_wait3A_342 = tpu.memref_squeeze %dma_wait3A_341 : memref<1x2x128xi32, #tpu.memory_space<hbm>> -> memref<2x128xi32, #tpu.memory_space<hbm>>
        %dma_wait3A_343 = arith.constant 0 : i32
        %dma_wait3A_344 = arith.constant 0 : i32
        %dma_wait3A_345 = tpu.memref_slice %arg6[%dma_wait3A_334, %dma_wait3A_343, %dma_wait3A_344] : memref<4x2x128xi32, #tpu.memory_space<vmem>> -> memref<1x2x128xi32, #tpu.memory_space<vmem>>
        %dma_wait3A_346 = tpu.memref_squeeze %dma_wait3A_345 : memref<1x2x128xi32, #tpu.memory_space<vmem>> -> memref<2x128xi32, #tpu.memory_space<vmem>>
        %dma_wait3A_347 = arith.constant 0 : i32
        %dma_wait3A_348 = arith.constant 0 : i32
        %dma_wait3A_349 = tpu.memref_slice %arg3[%add3A_333, %dma_wait3A_347, %dma_wait3A_348] : memref<2528x2x128xi32, #tpu.memory_space<hbm>> -> memref<1x2x128xi32, #tpu.memory_space<hbm>>
        %dma_wait3A_350 = tpu.memref_squeeze %dma_wait3A_349 : memref<1x2x128xi32, #tpu.memory_space<hbm>> -> memref<2x128xi32, #tpu.memory_space<hbm>>
        tpu.wait_dma2 semaphore(%arg11 : memref<!tpu.dma_semaphore, #tpu.memory_space<semaphore_mem>>) src(%dma_wait3A_350 : memref<2x128xi32, #tpu.memory_space<hbm>>) dst(%dma_wait3A_346 : memref<2x128xi32, #tpu.memory_space<vmem>>)
        %dma_start3A_351 = arith.constant 2 : i32
        %dma_start3A_352 = arith.constant 0 : i32
        %dma_start3A_353 = arith.constant 0 : i32
        %dma_start3A_354 = tpu.memref_slice %arg6[%dma_start3A_351, %dma_start3A_352, %dma_start3A_353] : memref<4x2x128xi32, #tpu.memory_space<vmem>> -> memref<1x1x128xi32, #tpu.memory_space<vmem>>
        %dma_start3A_355 = tpu.memref_squeeze %dma_start3A_354 : memref<1x1x128xi32, #tpu.memory_space<vmem>> -> memref<128xi32, #tpu.memory_space<vmem>>
        %dma_start3A_356 = arith.constant 0 : i32
        %dma_start3A_357 = arith.constant 0 : i32
        %dma_start3A_358 = tpu.memref_slice %arg2[%dma_start3A_356, %dma_start3A_357] : memref<10240x128xf32, #tpu.memory_space<hbm>> -> memref<10240x128xf32, #tpu.memory_space<hbm>>
        tpu.enqueue_indirect_dma source(%dma_start3A_358 : memref<10240x128xf32, #tpu.memory_space<hbm>>) target(%arg7 : memref<128x128xf32, #tpu.memory_space<vmem>>) offsets(%dma_start3A_355 : memref<128xi32, #tpu.memory_space<vmem>>) semaphore(%arg13 : memref<!tpu.dma_semaphore, #tpu.memory_space<semaphore_mem>>)
      } else {
      }
      %mul3A_246 = arith.constant 4 : i32
      %mul3A_247 = arith.muli %mul3A_246, %scan3A_219 : i32
      %add3A_248 = arith.constant 1 : i32
      %add3A_249 = arith.addi %mul3A_247, %add3A_248 : i32
      %dma_wait3A_250 = arith.constant 1 : i32
      %dma_wait3A_251 = arith.constant 0 : i32
      %dma_wait3A_252 = arith.constant 0 : i32
      %dma_wait3A_253 = tpu.memref_slice %arg6[%dma_wait3A_250, %dma_wait3A_251, %dma_wait3A_252] : memref<4x2x128xi32, #tpu.memory_space<vmem>> -> memref<1x1x128xi32, #tpu.memory_space<vmem>>
      %dma_wait3A_254 = tpu.memref_squeeze %dma_wait3A_253 : memref<1x1x128xi32, #tpu.memory_space<vmem>> -> memref<128xi32, #tpu.memory_space<vmem>>
      %dma_wait3A_255 = arith.constant 0 : i32
      %dma_wait3A_256 = arith.constant 0 : i32
      %dma_wait3A_257 = tpu.memref_slice %arg2[%dma_wait3A_255, %dma_wait3A_256] : memref<10240x128xf32, #tpu.memory_space<hbm>> -> memref<10240x128xf32, #tpu.memory_space<hbm>>
      tpu.wait_indirect_dma semaphore(%arg14 : memref<!tpu.dma_semaphore, #tpu.memory_space<semaphore_mem>>) src(%dma_wait3A_257 : memref<10240x128xf32, #tpu.memory_space<hbm>>) dst(%arg8 : memref<128x128xf32, #tpu.memory_space<vmem>>)
      %run_scoped3A_258 = arith.constant 1 : i32
      %run_scoped3A_259 = arith.constant 1 : i32
      "tpu.region"() ({
        %run_scoped3A_331 = tpu.sem_alloc : memref<!tpu.dma_semaphore, #tpu.memory_space<semaphore_mem>>
        %dma_start3A_332 = arith.constant 0 : i32
        %dma_start3A_333 = tpu.memref_slice %arg6[%run_scoped3A_258, %run_scoped3A_259, %dma_start3A_332] : memref<4x2x128xi32, #tpu.memory_space<vmem>> -> memref<1x1x128xi32, #tpu.memory_space<vmem>>
        %dma_start3A_334 = tpu.memref_squeeze %dma_start3A_333 : memref<1x1x128xi32, #tpu.memory_space<vmem>> -> memref<128xi32, #tpu.memory_space<vmem>>
        %dma_start3A_335 = arith.constant 0 : i32
        %dma_start3A_336 = arith.constant 0 : i32
        %dma_start3A_337 = tpu.memref_slice %arg5[%dma_start3A_335, %dma_start3A_336] : memref<10240x128xf32, #tpu.memory_space<vmem_shared>> -> memref<10240x128xf32, #tpu.memory_space<vmem_shared>>
        tpu.enqueue_indirect_dma source(%arg8 : memref<128x128xf32, #tpu.memory_space<vmem>>) target(%dma_start3A_337 : memref<10240x128xf32, #tpu.memory_space<vmem_shared>>) offsets(%dma_start3A_334 : memref<128xi32, #tpu.memory_space<vmem>>) semaphore(%run_scoped3A_331 : memref<!tpu.dma_semaphore, #tpu.memory_space<semaphore_mem>>) {add = true}
        %dma_wait3A_338 = arith.constant 0 : i32
        %dma_wait3A_339 = tpu.memref_slice %arg6[%run_scoped3A_258, %run_scoped3A_259, %dma_wait3A_338] : memref<4x2x128xi32, #tpu.memory_space<vmem>> -> memref<1x1x128xi32, #tpu.memory_space<vmem>>
        %dma_wait3A_340 = tpu.memref_squeeze %dma_wait3A_339 : memref<1x1x128xi32, #tpu.memory_space<vmem>> -> memref<128xi32, #tpu.memory_space<vmem>>
        %dma_wait3A_341 = arith.constant 0 : i32
        %dma_wait3A_342 = arith.constant 0 : i32
        %dma_wait3A_343 = tpu.memref_slice %arg5[%dma_wait3A_341, %dma_wait3A_342] : memref<10240x128xf32, #tpu.memory_space<vmem_shared>> -> memref<10240x128xf32, #tpu.memory_space<vmem_shared>>
        tpu.wait_indirect_dma semaphore(%run_scoped3A_331 : memref<!tpu.dma_semaphore, #tpu.memory_space<semaphore_mem>>) src(%arg8 : memref<128x128xf32, #tpu.memory_space<vmem>>) dst(%dma_wait3A_343 : memref<10240x128xf32, #tpu.memory_space<vmem_shared>>)
        tpu.yield
      }) : () -> ()
      %add3A_260 = arith.constant 4 : i32
      %add3A_261 = arith.addi %add3A_249, %add3A_260 : i32
      %lt3A_262 = arith.constant 79 : i32
      %lt3A_263 = arith.cmpi slt, %add3A_261, %lt3A_262 : i32
      %convert_element_type3A_264 = arith.extui %lt3A_263 : i1 to i32
      %cond3A_265 = arith.constant 0 : i32
      %cond3A_266 = arith.cmpi ne, %convert_element_type3A_264, %cond3A_265 : i32
      scf.if %cond3A_266 {
        %add3A_331 = arith.addi %mul3A_4, %add3A_249 : i32
        %add3A_332 = arith.constant 4 : i32
        %add3A_333 = arith.addi %add3A_331, %add3A_332 : i32
        %dma_start3A_334 = arith.constant 1 : i32
        %dma_start3A_335 = arith.constant 0 : i32
        %dma_start3A_336 = arith.constant 0 : i32
        %dma_start3A_337 = tpu.memref_slice %arg6[%dma_start3A_334, %dma_start3A_335, %dma_start3A_336] : memref<4x2x128xi32, #tpu.memory_space<vmem>> -> memref<1x2x128xi32, #tpu.memory_space<vmem>>
        %dma_start3A_338 = tpu.memref_squeeze %dma_start3A_337 : memref<1x2x128xi32, #tpu.memory_space<vmem>> -> memref<2x128xi32, #tpu.memory_space<vmem>>
        %dma_start3A_339 = arith.constant 0 : i32
        %dma_start3A_340 = arith.constant 0 : i32
        %dma_start3A_341 = tpu.memref_slice %arg3[%add3A_333, %dma_start3A_339, %dma_start3A_340] : memref<2528x2x128xi32, #tpu.memory_space<hbm>> -> memref<1x2x128xi32, #tpu.memory_space<hbm>>
        %dma_start3A_342 = tpu.memref_squeeze %dma_start3A_341 : memref<1x2x128xi32, #tpu.memory_space<hbm>> -> memref<2x128xi32, #tpu.memory_space<hbm>>
        %dma_start3A_343 = arith.constant 0 : i32
        %dma_start3A_344 = arith.constant 0 : i32
        %dma_start3A_345 = tpu.memref_slice %arg6[%dma_start3A_334, %dma_start3A_343, %dma_start3A_344] : memref<4x2x128xi32, #tpu.memory_space<vmem>> -> memref<1x2x128xi32, #tpu.memory_space<vmem>>
        %dma_start3A_346 = tpu.memref_squeeze %dma_start3A_345 : memref<1x2x128xi32, #tpu.memory_space<vmem>> -> memref<2x128xi32, #tpu.memory_space<vmem>>
        %dma_start3A_347 = arith.constant 0 : i32
        %dma_start3A_348 = arith.constant 0 : i32
        %dma_start3A_349 = tpu.memref_slice %arg3[%add3A_333, %dma_start3A_347, %dma_start3A_348] : memref<2528x2x128xi32, #tpu.memory_space<hbm>> -> memref<1x2x128xi32, #tpu.memory_space<hbm>>
        %dma_start3A_350 = tpu.memref_squeeze %dma_start3A_349 : memref<1x2x128xi32, #tpu.memory_space<hbm>> -> memref<2x128xi32, #tpu.memory_space<hbm>>
        tpu.enqueue_dma source(%dma_start3A_350 : memref<2x128xi32, #tpu.memory_space<hbm>>) target(%dma_start3A_346 : memref<2x128xi32, #tpu.memory_space<vmem>>) target_semaphore(%arg10 : memref<!tpu.dma_semaphore, #tpu.memory_space<semaphore_mem>>)
      } else {
      }
      %add3A_267 = arith.constant 2 : i32
      %add3A_268 = arith.addi %add3A_249, %add3A_267 : i32
      %lt3A_269 = arith.constant 79 : i32
      %lt3A_270 = arith.cmpi slt, %add3A_268, %lt3A_269 : i32
      %convert_element_type3A_271 = arith.extui %lt3A_270 : i1 to i32
      %cond3A_272 = arith.constant 0 : i32
      %cond3A_273 = arith.cmpi ne, %convert_element_type3A_271, %cond3A_272 : i32
      scf.if %cond3A_273 {
        %add3A_331 = arith.addi %mul3A_4, %add3A_249 : i32
        %add3A_332 = arith.constant 2 : i32
        %add3A_333 = arith.addi %add3A_331, %add3A_332 : i32
        %dma_wait3A_334 = arith.constant 3 : i32
        %dma_wait3A_335 = arith.constant 0 : i32
        %dma_wait3A_336 = arith.constant 0 : i32
        %dma_wait3A_337 = tpu.memref_slice %arg6[%dma_wait3A_334, %dma_wait3A_335, %dma_wait3A_336] : memref<4x2x128xi32, #tpu.memory_space<vmem>> -> memref<1x2x128xi32, #tpu.memory_space<vmem>>
        %dma_wait3A_338 = tpu.memref_squeeze %dma_wait3A_337 : memref<1x2x128xi32, #tpu.memory_space<vmem>> -> memref<2x128xi32, #tpu.memory_space<vmem>>
        %dma_wait3A_339 = arith.constant 0 : i32
        %dma_wait3A_340 = arith.constant 0 : i32
        %dma_wait3A_341 = tpu.memref_slice %arg3[%add3A_333, %dma_wait3A_339, %dma_wait3A_340] : memref<2528x2x128xi32, #tpu.memory_space<hbm>> -> memref<1x2x128xi32, #tpu.memory_space<hbm>>
        %dma_wait3A_342 = tpu.memref_squeeze %dma_wait3A_341 : memref<1x2x128xi32, #tpu.memory_space<hbm>> -> memref<2x128xi32, #tpu.memory_space<hbm>>
        %dma_wait3A_343 = arith.constant 0 : i32
        %dma_wait3A_344 = arith.constant 0 : i32
        %dma_wait3A_345 = tpu.memref_slice %arg6[%dma_wait3A_334, %dma_wait3A_343, %dma_wait3A_344] : memref<4x2x128xi32, #tpu.memory_space<vmem>> -> memref<1x2x128xi32, #tpu.memory_space<vmem>>
        %dma_wait3A_346 = tpu.memref_squeeze %dma_wait3A_345 : memref<1x2x128xi32, #tpu.memory_space<vmem>> -> memref<2x128xi32, #tpu.memory_space<vmem>>
        %dma_wait3A_347 = arith.constant 0 : i32
        %dma_wait3A_348 = arith.constant 0 : i32
        %dma_wait3A_349 = tpu.memref_slice %arg3[%add3A_333, %dma_wait3A_347, %dma_wait3A_348] : memref<2528x2x128xi32, #tpu.memory_space<hbm>> -> memref<1x2x128xi32, #tpu.memory_space<hbm>>
        %dma_wait3A_350 = tpu.memref_squeeze %dma_wait3A_349 : memref<1x2x128xi32, #tpu.memory_space<hbm>> -> memref<2x128xi32, #tpu.memory_space<hbm>>
        tpu.wait_dma2 semaphore(%arg12 : memref<!tpu.dma_semaphore, #tpu.memory_space<semaphore_mem>>) src(%dma_wait3A_350 : memref<2x128xi32, #tpu.memory_space<hbm>>) dst(%dma_wait3A_346 : memref<2x128xi32, #tpu.memory_space<vmem>>)
        %dma_start3A_351 = arith.constant 3 : i32
        %dma_start3A_352 = arith.constant 0 : i32
        %dma_start3A_353 = arith.constant 0 : i32
        %dma_start3A_354 = tpu.memref_slice %arg6[%dma_start3A_351, %dma_start3A_352, %dma_start3A_353] : memref<4x2x128xi32, #tpu.memory_space<vmem>> -> memref<1x1x128xi32, #tpu.memory_space<vmem>>
        %dma_start3A_355 = tpu.memref_squeeze %dma_start3A_354 : memref<1x1x128xi32, #tpu.memory_space<vmem>> -> memref<128xi32, #tpu.memory_space<vmem>>
        %dma_start3A_356 = arith.constant 0 : i32
        %dma_start3A_357 = arith.constant 0 : i32
        %dma_start3A_358 = tpu.memref_slice %arg2[%dma_start3A_356, %dma_start3A_357] : memref<10240x128xf32, #tpu.memory_space<hbm>> -> memref<10240x128xf32, #tpu.memory_space<hbm>>
        tpu.enqueue_indirect_dma source(%dma_start3A_358 : memref<10240x128xf32, #tpu.memory_space<hbm>>) target(%arg8 : memref<128x128xf32, #tpu.memory_space<vmem>>) offsets(%dma_start3A_355 : memref<128xi32, #tpu.memory_space<vmem>>) semaphore(%arg14 : memref<!tpu.dma_semaphore, #tpu.memory_space<semaphore_mem>>)
      } else {
      }
      %mul3A_274 = arith.constant 4 : i32
      %mul3A_275 = arith.muli %mul3A_274, %scan3A_219 : i32
      %add3A_276 = arith.constant 2 : i32
      %add3A_277 = arith.addi %mul3A_275, %add3A_276 : i32
      %dma_wait3A_278 = arith.constant 2 : i32
      %dma_wait3A_279 = arith.constant 0 : i32
      %dma_wait3A_280 = arith.constant 0 : i32
      %dma_wait3A_281 = tpu.memref_slice %arg6[%dma_wait3A_278, %dma_wait3A_279, %dma_wait3A_280] : memref<4x2x128xi32, #tpu.memory_space<vmem>> -> memref<1x1x128xi32, #tpu.memory_space<vmem>>
      %dma_wait3A_282 = tpu.memref_squeeze %dma_wait3A_281 : memref<1x1x128xi32, #tpu.memory_space<vmem>> -> memref<128xi32, #tpu.memory_space<vmem>>
      %dma_wait3A_283 = arith.constant 0 : i32
      %dma_wait3A_284 = arith.constant 0 : i32
      %dma_wait3A_285 = tpu.memref_slice %arg2[%dma_wait3A_283, %dma_wait3A_284] : memref<10240x128xf32, #tpu.memory_space<hbm>> -> memref<10240x128xf32, #tpu.memory_space<hbm>>
      tpu.wait_indirect_dma semaphore(%arg13 : memref<!tpu.dma_semaphore, #tpu.memory_space<semaphore_mem>>) src(%dma_wait3A_285 : memref<10240x128xf32, #tpu.memory_space<hbm>>) dst(%arg7 : memref<128x128xf32, #tpu.memory_space<vmem>>)
      %run_scoped3A_286 = arith.constant 2 : i32
      %run_scoped3A_287 = arith.constant 1 : i32
      "tpu.region"() ({
        %run_scoped3A_331 = tpu.sem_alloc : memref<!tpu.dma_semaphore, #tpu.memory_space<semaphore_mem>>
        %dma_start3A_332 = arith.constant 0 : i32
        %dma_start3A_333 = tpu.memref_slice %arg6[%run_scoped3A_286, %run_scoped3A_287, %dma_start3A_332] : memref<4x2x128xi32, #tpu.memory_space<vmem>> -> memref<1x1x128xi32, #tpu.memory_space<vmem>>
        %dma_start3A_334 = tpu.memref_squeeze %dma_start3A_333 : memref<1x1x128xi32, #tpu.memory_space<vmem>> -> memref<128xi32, #tpu.memory_space<vmem>>
        %dma_start3A_335 = arith.constant 0 : i32
        %dma_start3A_336 = arith.constant 0 : i32
        %dma_start3A_337 = tpu.memref_slice %arg5[%dma_start3A_335, %dma_start3A_336] : memref<10240x128xf32, #tpu.memory_space<vmem_shared>> -> memref<10240x128xf32, #tpu.memory_space<vmem_shared>>
        tpu.enqueue_indirect_dma source(%arg7 : memref<128x128xf32, #tpu.memory_space<vmem>>) target(%dma_start3A_337 : memref<10240x128xf32, #tpu.memory_space<vmem_shared>>) offsets(%dma_start3A_334 : memref<128xi32, #tpu.memory_space<vmem>>) semaphore(%run_scoped3A_331 : memref<!tpu.dma_semaphore, #tpu.memory_space<semaphore_mem>>) {add = true}
        %dma_wait3A_338 = arith.constant 0 : i32
        %dma_wait3A_339 = tpu.memref_slice %arg6[%run_scoped3A_286, %run_scoped3A_287, %dma_wait3A_338] : memref<4x2x128xi32, #tpu.memory_space<vmem>> -> memref<1x1x128xi32, #tpu.memory_space<vmem>>
        %dma_wait3A_340 = tpu.memref_squeeze %dma_wait3A_339 : memref<1x1x128xi32, #tpu.memory_space<vmem>> -> memref<128xi32, #tpu.memory_space<vmem>>
        %dma_wait3A_341 = arith.constant 0 : i32
        %dma_wait3A_342 = arith.constant 0 : i32
        %dma_wait3A_343 = tpu.memref_slice %arg5[%dma_wait3A_341, %dma_wait3A_342] : memref<10240x128xf32, #tpu.memory_space<vmem_shared>> -> memref<10240x128xf32, #tpu.memory_space<vmem_shared>>
        tpu.wait_indirect_dma semaphore(%run_scoped3A_331 : memref<!tpu.dma_semaphore, #tpu.memory_space<semaphore_mem>>) src(%arg7 : memref<128x128xf32, #tpu.memory_space<vmem>>) dst(%dma_wait3A_343 : memref<10240x128xf32, #tpu.memory_space<vmem_shared>>)
        tpu.yield
      }) : () -> ()
      %add3A_288 = arith.constant 4 : i32
      %add3A_289 = arith.addi %add3A_277, %add3A_288 : i32
      %lt3A_290 = arith.constant 79 : i32
      %lt3A_291 = arith.cmpi slt, %add3A_289, %lt3A_290 : i32
      %convert_element_type3A_292 = arith.extui %lt3A_291 : i1 to i32
      %cond3A_293 = arith.constant 0 : i32
      %cond3A_294 = arith.cmpi ne, %convert_element_type3A_292, %cond3A_293 : i32
      scf.if %cond3A_294 {
        %add3A_331 = arith.addi %mul3A_4, %add3A_277 : i32
        %add3A_332 = arith.constant 4 : i32
        %add3A_333 = arith.addi %add3A_331, %add3A_332 : i32
        %dma_start3A_334 = arith.constant 2 : i32
        %dma_start3A_335 = arith.constant 0 : i32
        %dma_start3A_336 = arith.constant 0 : i32
        %dma_start3A_337 = tpu.memref_slice %arg6[%dma_start3A_334, %dma_start3A_335, %dma_start3A_336] : memref<4x2x128xi32, #tpu.memory_space<vmem>> -> memref<1x2x128xi32, #tpu.memory_space<vmem>>
        %dma_start3A_338 = tpu.memref_squeeze %dma_start3A_337 : memref<1x2x128xi32, #tpu.memory_space<vmem>> -> memref<2x128xi32, #tpu.memory_space<vmem>>
        %dma_start3A_339 = arith.constant 0 : i32
        %dma_start3A_340 = arith.constant 0 : i32
        %dma_start3A_341 = tpu.memref_slice %arg3[%add3A_333, %dma_start3A_339, %dma_start3A_340] : memref<2528x2x128xi32, #tpu.memory_space<hbm>> -> memref<1x2x128xi32, #tpu.memory_space<hbm>>
        %dma_start3A_342 = tpu.memref_squeeze %dma_start3A_341 : memref<1x2x128xi32, #tpu.memory_space<hbm>> -> memref<2x128xi32, #tpu.memory_space<hbm>>
        %dma_start3A_343 = arith.constant 0 : i32
        %dma_start3A_344 = arith.constant 0 : i32
        %dma_start3A_345 = tpu.memref_slice %arg6[%dma_start3A_334, %dma_start3A_343, %dma_start3A_344] : memref<4x2x128xi32, #tpu.memory_space<vmem>> -> memref<1x2x128xi32, #tpu.memory_space<vmem>>
        %dma_start3A_346 = tpu.memref_squeeze %dma_start3A_345 : memref<1x2x128xi32, #tpu.memory_space<vmem>> -> memref<2x128xi32, #tpu.memory_space<vmem>>
        %dma_start3A_347 = arith.constant 0 : i32
        %dma_start3A_348 = arith.constant 0 : i32
        %dma_start3A_349 = tpu.memref_slice %arg3[%add3A_333, %dma_start3A_347, %dma_start3A_348] : memref<2528x2x128xi32, #tpu.memory_space<hbm>> -> memref<1x2x128xi32, #tpu.memory_space<hbm>>
        %dma_start3A_350 = tpu.memref_squeeze %dma_start3A_349 : memref<1x2x128xi32, #tpu.memory_space<hbm>> -> memref<2x128xi32, #tpu.memory_space<hbm>>
        tpu.enqueue_dma source(%dma_start3A_350 : memref<2x128xi32, #tpu.memory_space<hbm>>) target(%dma_start3A_346 : memref<2x128xi32, #tpu.memory_space<vmem>>) target_semaphore(%arg11 : memref<!tpu.dma_semaphore, #tpu.memory_space<semaphore_mem>>)
      } else {
      }
      %add3A_295 = arith.constant 2 : i32
      %add3A_296 = arith.addi %add3A_277, %add3A_295 : i32
      %lt3A_297 = arith.constant 79 : i32
      %lt3A_298 = arith.cmpi slt, %add3A_296, %lt3A_297 : i32
      %convert_element_type3A_299 = arith.extui %lt3A_298 : i1 to i32
      %cond3A_300 = arith.constant 0 : i32
      %cond3A_301 = arith.cmpi ne, %convert_element_type3A_299, %cond3A_300 : i32
      scf.if %cond3A_301 {
        %add3A_331 = arith.addi %mul3A_4, %add3A_277 : i32
        %add3A_332 = arith.constant 2 : i32
        %add3A_333 = arith.addi %add3A_331, %add3A_332 : i32
        %dma_wait3A_334 = arith.constant 0 : i32
        %dma_wait3A_335 = arith.constant 0 : i32
        %dma_wait3A_336 = arith.constant 0 : i32
        %dma_wait3A_337 = tpu.memref_slice %arg6[%dma_wait3A_334, %dma_wait3A_335, %dma_wait3A_336] : memref<4x2x128xi32, #tpu.memory_space<vmem>> -> memref<1x2x128xi32, #tpu.memory_space<vmem>>
        %dma_wait3A_338 = tpu.memref_squeeze %dma_wait3A_337 : memref<1x2x128xi32, #tpu.memory_space<vmem>> -> memref<2x128xi32, #tpu.memory_space<vmem>>
        %dma_wait3A_339 = arith.constant 0 : i32
        %dma_wait3A_340 = arith.constant 0 : i32
        %dma_wait3A_341 = tpu.memref_slice %arg3[%add3A_333, %dma_wait3A_339, %dma_wait3A_340] : memref<2528x2x128xi32, #tpu.memory_space<hbm>> -> memref<1x2x128xi32, #tpu.memory_space<hbm>>
        %dma_wait3A_342 = tpu.memref_squeeze %dma_wait3A_341 : memref<1x2x128xi32, #tpu.memory_space<hbm>> -> memref<2x128xi32, #tpu.memory_space<hbm>>
        %dma_wait3A_343 = arith.constant 0 : i32
        %dma_wait3A_344 = arith.constant 0 : i32
        %dma_wait3A_345 = tpu.memref_slice %arg6[%dma_wait3A_334, %dma_wait3A_343, %dma_wait3A_344] : memref<4x2x128xi32, #tpu.memory_space<vmem>> -> memref<1x2x128xi32, #tpu.memory_space<vmem>>
        %dma_wait3A_346 = tpu.memref_squeeze %dma_wait3A_345 : memref<1x2x128xi32, #tpu.memory_space<vmem>> -> memref<2x128xi32, #tpu.memory_space<vmem>>
        %dma_wait3A_347 = arith.constant 0 : i32
        %dma_wait3A_348 = arith.constant 0 : i32
        %dma_wait3A_349 = tpu.memref_slice %arg3[%add3A_333, %dma_wait3A_347, %dma_wait3A_348] : memref<2528x2x128xi32, #tpu.memory_space<hbm>> -> memref<1x2x128xi32, #tpu.memory_space<hbm>>
        %dma_wait3A_350 = tpu.memref_squeeze %dma_wait3A_349 : memref<1x2x128xi32, #tpu.memory_space<hbm>> -> memref<2x128xi32, #tpu.memory_space<hbm>>
        tpu.wait_dma2 semaphore(%arg9 : memref<!tpu.dma_semaphore, #tpu.memory_space<semaphore_mem>>) src(%dma_wait3A_350 : memref<2x128xi32, #tpu.memory_space<hbm>>) dst(%dma_wait3A_346 : memref<2x128xi32, #tpu.memory_space<vmem>>)
        %dma_start3A_351 = arith.constant 0 : i32
        %dma_start3A_352 = arith.constant 0 : i32
        %dma_start3A_353 = arith.constant 0 : i32
        %dma_start3A_354 = tpu.memref_slice %arg6[%dma_start3A_351, %dma_start3A_352, %dma_start3A_353] : memref<4x2x128xi32, #tpu.memory_space<vmem>> -> memref<1x1x128xi32, #tpu.memory_space<vmem>>
        %dma_start3A_355 = tpu.memref_squeeze %dma_start3A_354 : memref<1x1x128xi32, #tpu.memory_space<vmem>> -> memref<128xi32, #tpu.memory_space<vmem>>
        %dma_start3A_356 = arith.constant 0 : i32
        %dma_start3A_357 = arith.constant 0 : i32
        %dma_start3A_358 = tpu.memref_slice %arg2[%dma_start3A_356, %dma_start3A_357] : memref<10240x128xf32, #tpu.memory_space<hbm>> -> memref<10240x128xf32, #tpu.memory_space<hbm>>
        tpu.enqueue_indirect_dma source(%dma_start3A_358 : memref<10240x128xf32, #tpu.memory_space<hbm>>) target(%arg7 : memref<128x128xf32, #tpu.memory_space<vmem>>) offsets(%dma_start3A_355 : memref<128xi32, #tpu.memory_space<vmem>>) semaphore(%arg13 : memref<!tpu.dma_semaphore, #tpu.memory_space<semaphore_mem>>)
      } else {
      }
      %mul3A_302 = arith.constant 4 : i32
      %mul3A_303 = arith.muli %mul3A_302, %scan3A_219 : i32
      %add3A_304 = arith.constant 3 : i32
      %add3A_305 = arith.addi %mul3A_303, %add3A_304 : i32
      %dma_wait3A_306 = arith.constant 3 : i32
      %dma_wait3A_307 = arith.constant 0 : i32
      %dma_wait3A_308 = arith.constant 0 : i32
      %dma_wait3A_309 = tpu.memref_slice %arg6[%dma_wait3A_306, %dma_wait3A_307, %dma_wait3A_308] : memref<4x2x128xi32, #tpu.memory_space<vmem>> -> memref<1x1x128xi32, #tpu.memory_space<vmem>>
      %dma_wait3A_310 = tpu.memref_squeeze %dma_wait3A_309 : memref<1x1x128xi32, #tpu.memory_space<vmem>> -> memref<128xi32, #tpu.memory_space<vmem>>
      %dma_wait3A_311 = arith.constant 0 : i32
      %dma_wait3A_312 = arith.constant 0 : i32
      %dma_wait3A_313 = tpu.memref_slice %arg2[%dma_wait3A_311, %dma_wait3A_312] : memref<10240x128xf32, #tpu.memory_space<hbm>> -> memref<10240x128xf32, #tpu.memory_space<hbm>>
      tpu.wait_indirect_dma semaphore(%arg14 : memref<!tpu.dma_semaphore, #tpu.memory_space<semaphore_mem>>) src(%dma_wait3A_313 : memref<10240x128xf32, #tpu.memory_space<hbm>>) dst(%arg8 : memref<128x128xf32, #tpu.memory_space<vmem>>)
      %run_scoped3A_314 = arith.constant 3 : i32
      %run_scoped3A_315 = arith.constant 1 : i32
      "tpu.region"() ({
        %run_scoped3A_331 = tpu.sem_alloc : memref<!tpu.dma_semaphore, #tpu.memory_space<semaphore_mem>>
        %dma_start3A_332 = arith.constant 0 : i32
        %dma_start3A_333 = tpu.memref_slice %arg6[%run_scoped3A_314, %run_scoped3A_315, %dma_start3A_332] : memref<4x2x128xi32, #tpu.memory_space<vmem>> -> memref<1x1x128xi32, #tpu.memory_space<vmem>>
        %dma_start3A_334 = tpu.memref_squeeze %dma_start3A_333 : memref<1x1x128xi32, #tpu.memory_space<vmem>> -> memref<128xi32, #tpu.memory_space<vmem>>
        %dma_start3A_335 = arith.constant 0 : i32
        %dma_start3A_336 = arith.constant 0 : i32
        %dma_start3A_337 = tpu.memref_slice %arg5[%dma_start3A_335, %dma_start3A_336] : memref<10240x128xf32, #tpu.memory_space<vmem_shared>> -> memref<10240x128xf32, #tpu.memory_space<vmem_shared>>
        tpu.enqueue_indirect_dma source(%arg8 : memref<128x128xf32, #tpu.memory_space<vmem>>) target(%dma_start3A_337 : memref<10240x128xf32, #tpu.memory_space<vmem_shared>>) offsets(%dma_start3A_334 : memref<128xi32, #tpu.memory_space<vmem>>) semaphore(%run_scoped3A_331 : memref<!tpu.dma_semaphore, #tpu.memory_space<semaphore_mem>>) {add = true}
        %dma_wait3A_338 = arith.constant 0 : i32
        %dma_wait3A_339 = tpu.memref_slice %arg6[%run_scoped3A_314, %run_scoped3A_315, %dma_wait3A_338] : memref<4x2x128xi32, #tpu.memory_space<vmem>> -> memref<1x1x128xi32, #tpu.memory_space<vmem>>
        %dma_wait3A_340 = tpu.memref_squeeze %dma_wait3A_339 : memref<1x1x128xi32, #tpu.memory_space<vmem>> -> memref<128xi32, #tpu.memory_space<vmem>>
        %dma_wait3A_341 = arith.constant 0 : i32
        %dma_wait3A_342 = arith.constant 0 : i32
        %dma_wait3A_343 = tpu.memref_slice %arg5[%dma_wait3A_341, %dma_wait3A_342] : memref<10240x128xf32, #tpu.memory_space<vmem_shared>> -> memref<10240x128xf32, #tpu.memory_space<vmem_shared>>
        tpu.wait_indirect_dma semaphore(%run_scoped3A_331 : memref<!tpu.dma_semaphore, #tpu.memory_space<semaphore_mem>>) src(%arg8 : memref<128x128xf32, #tpu.memory_space<vmem>>) dst(%dma_wait3A_343 : memref<10240x128xf32, #tpu.memory_space<vmem_shared>>)
        tpu.yield
      }) : () -> ()
      %add3A_316 = arith.constant 4 : i32
      %add3A_317 = arith.addi %add3A_305, %add3A_316 : i32
      %lt3A_318 = arith.constant 79 : i32
      %lt3A_319 = arith.cmpi slt, %add3A_317, %lt3A_318 : i32
      %convert_element_type3A_320 = arith.extui %lt3A_319 : i1 to i32
      %cond3A_321 = arith.constant 0 : i32
      %cond3A_322 = arith.cmpi ne, %convert_element_type3A_320, %cond3A_321 : i32
      scf.if %cond3A_322 {
        %add3A_331 = arith.addi %mul3A_4, %add3A_305 : i32
        %add3A_332 = arith.constant 4 : i32
        %add3A_333 = arith.addi %add3A_331, %add3A_332 : i32
        %dma_start3A_334 = arith.constant 3 : i32
        %dma_start3A_335 = arith.constant 0 : i32
        %dma_start3A_336 = arith.constant 0 : i32
        %dma_start3A_337 = tpu.memref_slice %arg6[%dma_start3A_334, %dma_start3A_335, %dma_start3A_336] : memref<4x2x128xi32, #tpu.memory_space<vmem>> -> memref<1x2x128xi32, #tpu.memory_space<vmem>>
        %dma_start3A_338 = tpu.memref_squeeze %dma_start3A_337 : memref<1x2x128xi32, #tpu.memory_space<vmem>> -> memref<2x128xi32, #tpu.memory_space<vmem>>
        %dma_start3A_339 = arith.constant 0 : i32
        %dma_start3A_340 = arith.constant 0 : i32
        %dma_start3A_341 = tpu.memref_slice %arg3[%add3A_333, %dma_start3A_339, %dma_start3A_340] : memref<2528x2x128xi32, #tpu.memory_space<hbm>> -> memref<1x2x128xi32, #tpu.memory_space<hbm>>
        %dma_start3A_342 = tpu.memref_squeeze %dma_start3A_341 : memref<1x2x128xi32, #tpu.memory_space<hbm>> -> memref<2x128xi32, #tpu.memory_space<hbm>>
        %dma_start3A_343 = arith.constant 0 : i32
        %dma_start3A_344 = arith.constant 0 : i32
        %dma_start3A_345 = tpu.memref_slice %arg6[%dma_start3A_334, %dma_start3A_343, %dma_start3A_344] : memref<4x2x128xi32, #tpu.memory_space<vmem>> -> memref<1x2x128xi32, #tpu.memory_space<vmem>>
        %dma_start3A_346 = tpu.memref_squeeze %dma_start3A_345 : memref<1x2x128xi32, #tpu.memory_space<vmem>> -> memref<2x128xi32, #tpu.memory_space<vmem>>
        %dma_start3A_347 = arith.constant 0 : i32
        %dma_start3A_348 = arith.constant 0 : i32
        %dma_start3A_349 = tpu.memref_slice %arg3[%add3A_333, %dma_start3A_347, %dma_start3A_348] : memref<2528x2x128xi32, #tpu.memory_space<hbm>> -> memref<1x2x128xi32, #tpu.memory_space<hbm>>
        %dma_start3A_350 = tpu.memref_squeeze %dma_start3A_349 : memref<1x2x128xi32, #tpu.memory_space<hbm>> -> memref<2x128xi32, #tpu.memory_space<hbm>>
        tpu.enqueue_dma source(%dma_start3A_350 : memref<2x128xi32, #tpu.memory_space<hbm>>) target(%dma_start3A_346 : memref<2x128xi32, #tpu.memory_space<vmem>>) target_semaphore(%arg12 : memref<!tpu.dma_semaphore, #tpu.memory_space<semaphore_mem>>)
      } else {
      }
      %add3A_323 = arith.constant 2 : i32
      %add3A_324 = arith.addi %add3A_305, %add3A_323 : i32
      %lt3A_325 = arith.constant 79 : i32
      %lt3A_326 = arith.cmpi slt, %add3A_324, %lt3A_325 : i32
      %convert_element_type3A_327 = arith.extui %lt3A_326 : i1 to i32
      %cond3A_328 = arith.constant 0 : i32
      %cond3A_329 = arith.cmpi ne, %convert_element_type3A_327, %cond3A_328 : i32
      scf.if %cond3A_329 {
        %add3A_331 = arith.addi %mul3A_4, %add3A_305 : i32
        %add3A_332 = arith.constant 2 : i32
        %add3A_333 = arith.addi %add3A_331, %add3A_332 : i32
        %dma_wait3A_334 = arith.constant 1 : i32
        %dma_wait3A_335 = arith.constant 0 : i32
        %dma_wait3A_336 = arith.constant 0 : i32
        %dma_wait3A_337 = tpu.memref_slice %arg6[%dma_wait3A_334, %dma_wait3A_335, %dma_wait3A_336] : memref<4x2x128xi32, #tpu.memory_space<vmem>> -> memref<1x2x128xi32, #tpu.memory_space<vmem>>
        %dma_wait3A_338 = tpu.memref_squeeze %dma_wait3A_337 : memref<1x2x128xi32, #tpu.memory_space<vmem>> -> memref<2x128xi32, #tpu.memory_space<vmem>>
        %dma_wait3A_339 = arith.constant 0 : i32
        %dma_wait3A_340 = arith.constant 0 : i32
        %dma_wait3A_341 = tpu.memref_slice %arg3[%add3A_333, %dma_wait3A_339, %dma_wait3A_340] : memref<2528x2x128xi32, #tpu.memory_space<hbm>> -> memref<1x2x128xi32, #tpu.memory_space<hbm>>
        %dma_wait3A_342 = tpu.memref_squeeze %dma_wait3A_341 : memref<1x2x128xi32, #tpu.memory_space<hbm>> -> memref<2x128xi32, #tpu.memory_space<hbm>>
        %dma_wait3A_343 = arith.constant 0 : i32
        %dma_wait3A_344 = arith.constant 0 : i32
        %dma_wait3A_345 = tpu.memref_slice %arg6[%dma_wait3A_334, %dma_wait3A_343, %dma_wait3A_344] : memref<4x2x128xi32, #tpu.memory_space<vmem>> -> memref<1x2x128xi32, #tpu.memory_space<vmem>>
        %dma_wait3A_346 = tpu.memref_squeeze %dma_wait3A_345 : memref<1x2x128xi32, #tpu.memory_space<vmem>> -> memref<2x128xi32, #tpu.memory_space<vmem>>
        %dma_wait3A_347 = arith.constant 0 : i32
        %dma_wait3A_348 = arith.constant 0 : i32
        %dma_wait3A_349 = tpu.memref_slice %arg3[%add3A_333, %dma_wait3A_347, %dma_wait3A_348] : memref<2528x2x128xi32, #tpu.memory_space<hbm>> -> memref<1x2x128xi32, #tpu.memory_space<hbm>>
        %dma_wait3A_350 = tpu.memref_squeeze %dma_wait3A_349 : memref<1x2x128xi32, #tpu.memory_space<hbm>> -> memref<2x128xi32, #tpu.memory_space<hbm>>
        tpu.wait_dma2 semaphore(%arg10 : memref<!tpu.dma_semaphore, #tpu.memory_space<semaphore_mem>>) src(%dma_wait3A_350 : memref<2x128xi32, #tpu.memory_space<hbm>>) dst(%dma_wait3A_346 : memref<2x128xi32, #tpu.memory_space<vmem>>)
        %dma_start3A_351 = arith.constant 1 : i32
        %dma_start3A_352 = arith.constant 0 : i32
        %dma_start3A_353 = arith.constant 0 : i32
        %dma_start3A_354 = tpu.memref_slice %arg6[%dma_start3A_351, %dma_start3A_352, %dma_start3A_353] : memref<4x2x128xi32, #tpu.memory_space<vmem>> -> memref<1x1x128xi32, #tpu.memory_space<vmem>>
        %dma_start3A_355 = tpu.memref_squeeze %dma_start3A_354 : memref<1x1x128xi32, #tpu.memory_space<vmem>> -> memref<128xi32, #tpu.memory_space<vmem>>
        %dma_start3A_356 = arith.constant 0 : i32
        %dma_start3A_357 = arith.constant 0 : i32
        %dma_start3A_358 = tpu.memref_slice %arg2[%dma_start3A_356, %dma_start3A_357] : memref<10240x128xf32, #tpu.memory_space<hbm>> -> memref<10240x128xf32, #tpu.memory_space<hbm>>
        tpu.enqueue_indirect_dma source(%dma_start3A_358 : memref<10240x128xf32, #tpu.memory_space<hbm>>) target(%arg8 : memref<128x128xf32, #tpu.memory_space<vmem>>) offsets(%dma_start3A_355 : memref<128xi32, #tpu.memory_space<vmem>>) semaphore(%arg14 : memref<!tpu.dma_semaphore, #tpu.memory_space<semaphore_mem>>)
      } else {
      }
      %scan3A_330 = arith.constant 0 : i32
      scf.yield %scan3A_330 : i32
    }
    %scan3A_152 = arith.constant 19 : i32
    %dma_wait3A_153 = arith.constant 0 : i32
    %dma_wait3A_154 = arith.constant 0 : i32
    %dma_wait3A_155 = arith.constant 0 : i32
    %dma_wait3A_156 = tpu.memref_slice %arg6[%dma_wait3A_153, %dma_wait3A_154, %dma_wait3A_155] : memref<4x2x128xi32, #tpu.memory_space<vmem>> -> memref<1x1x128xi32, #tpu.memory_space<vmem>>
    %dma_wait3A_157 = tpu.memref_squeeze %dma_wait3A_156 : memref<1x1x128xi32, #tpu.memory_space<vmem>> -> memref<128xi32, #tpu.memory_space<vmem>>
    %dma_wait3A_158 = arith.constant 0 : i32
    %dma_wait3A_159 = arith.constant 0 : i32
    %dma_wait3A_160 = tpu.memref_slice %arg2[%dma_wait3A_158, %dma_wait3A_159] : memref<10240x128xf32, #tpu.memory_space<hbm>> -> memref<10240x128xf32, #tpu.memory_space<hbm>>
    tpu.wait_indirect_dma semaphore(%arg13 : memref<!tpu.dma_semaphore, #tpu.memory_space<semaphore_mem>>) src(%dma_wait3A_160 : memref<10240x128xf32, #tpu.memory_space<hbm>>) dst(%arg7 : memref<128x128xf32, #tpu.memory_space<vmem>>)
    %run_scoped3A = arith.constant 0 : i32
    %run_scoped3A_161 = arith.constant 1 : i32
    "tpu.region"() ({
      %run_scoped3A_219 = tpu.sem_alloc : memref<!tpu.dma_semaphore, #tpu.memory_space<semaphore_mem>>
      %dma_start3A_220 = arith.constant 0 : i32
      %dma_start3A_221 = tpu.memref_slice %arg6[%run_scoped3A, %run_scoped3A_161, %dma_start3A_220] : memref<4x2x128xi32, #tpu.memory_space<vmem>> -> memref<1x1x128xi32, #tpu.memory_space<vmem>>
      %dma_start3A_222 = tpu.memref_squeeze %dma_start3A_221 : memref<1x1x128xi32, #tpu.memory_space<vmem>> -> memref<128xi32, #tpu.memory_space<vmem>>
      %dma_start3A_223 = arith.constant 0 : i32
      %dma_start3A_224 = arith.constant 0 : i32
      %dma_start3A_225 = tpu.memref_slice %arg5[%dma_start3A_223, %dma_start3A_224] : memref<10240x128xf32, #tpu.memory_space<vmem_shared>> -> memref<10240x128xf32, #tpu.memory_space<vmem_shared>>
      tpu.enqueue_indirect_dma source(%arg7 : memref<128x128xf32, #tpu.memory_space<vmem>>) target(%dma_start3A_225 : memref<10240x128xf32, #tpu.memory_space<vmem_shared>>) offsets(%dma_start3A_222 : memref<128xi32, #tpu.memory_space<vmem>>) semaphore(%run_scoped3A_219 : memref<!tpu.dma_semaphore, #tpu.memory_space<semaphore_mem>>) {add = true}
      %dma_wait3A_226 = arith.constant 0 : i32
      %dma_wait3A_227 = tpu.memref_slice %arg6[%run_scoped3A, %run_scoped3A_161, %dma_wait3A_226] : memref<4x2x128xi32, #tpu.memory_space<vmem>> -> memref<1x1x128xi32, #tpu.memory_space<vmem>>
      %dma_wait3A_228 = tpu.memref_squeeze %dma_wait3A_227 : memref<1x1x128xi32, #tpu.memory_space<vmem>> -> memref<128xi32, #tpu.memory_space<vmem>>
      %dma_wait3A_229 = arith.constant 0 : i32
      %dma_wait3A_230 = arith.constant 0 : i32
      %dma_wait3A_231 = tpu.memref_slice %arg5[%dma_wait3A_229, %dma_wait3A_230] : memref<10240x128xf32, #tpu.memory_space<vmem_shared>> -> memref<10240x128xf32, #tpu.memory_space<vmem_shared>>
      tpu.wait_indirect_dma semaphore(%run_scoped3A_219 : memref<!tpu.dma_semaphore, #tpu.memory_space<semaphore_mem>>) src(%arg7 : memref<128x128xf32, #tpu.memory_space<vmem>>) dst(%dma_wait3A_231 : memref<10240x128xf32, #tpu.memory_space<vmem_shared>>)
      tpu.yield
    }) : () -> ()
    %add3A_162 = arith.constant 76 : i32
    %add3A_163 = arith.addi %mul3A_4, %add3A_162 : i32
    %add3A_164 = arith.constant 2 : i32
    %add3A_165 = arith.addi %add3A_163, %add3A_164 : i32
    %dma_wait3A_166 = arith.constant 2 : i32
    %dma_wait3A_167 = arith.constant 0 : i32
    %dma_wait3A_168 = arith.constant 0 : i32
    %dma_wait3A_169 = tpu.memref_slice %arg6[%dma_wait3A_166, %dma_wait3A_167, %dma_wait3A_168] : memref<4x2x128xi32, #tpu.memory_space<vmem>> -> memref<1x2x128xi32, #tpu.memory_space<vmem>>
    %dma_wait3A_170 = tpu.memref_squeeze %dma_wait3A_169 : memref<1x2x128xi32, #tpu.memory_space<vmem>> -> memref<2x128xi32, #tpu.memory_space<vmem>>
    %dma_wait3A_171 = arith.constant 0 : i32
    %dma_wait3A_172 = arith.constant 0 : i32
    %dma_wait3A_173 = tpu.memref_slice %arg3[%add3A_165, %dma_wait3A_171, %dma_wait3A_172] : memref<2528x2x128xi32, #tpu.memory_space<hbm>> -> memref<1x2x128xi32, #tpu.memory_space<hbm>>
    %dma_wait3A_174 = tpu.memref_squeeze %dma_wait3A_173 : memref<1x2x128xi32, #tpu.memory_space<hbm>> -> memref<2x128xi32, #tpu.memory_space<hbm>>
    %dma_wait3A_175 = arith.constant 0 : i32
    %dma_wait3A_176 = arith.constant 0 : i32
    %dma_wait3A_177 = tpu.memref_slice %arg6[%dma_wait3A_166, %dma_wait3A_175, %dma_wait3A_176] : memref<4x2x128xi32, #tpu.memory_space<vmem>> -> memref<1x2x128xi32, #tpu.memory_space<vmem>>
    %dma_wait3A_178 = tpu.memref_squeeze %dma_wait3A_177 : memref<1x2x128xi32, #tpu.memory_space<vmem>> -> memref<2x128xi32, #tpu.memory_space<vmem>>
    %dma_wait3A_179 = arith.constant 0 : i32
    %dma_wait3A_180 = arith.constant 0 : i32
    %dma_wait3A_181 = tpu.memref_slice %arg3[%add3A_165, %dma_wait3A_179, %dma_wait3A_180] : memref<2528x2x128xi32, #tpu.memory_space<hbm>> -> memref<1x2x128xi32, #tpu.memory_space<hbm>>
    %dma_wait3A_182 = tpu.memref_squeeze %dma_wait3A_181 : memref<1x2x128xi32, #tpu.memory_space<hbm>> -> memref<2x128xi32, #tpu.memory_space<hbm>>
    tpu.wait_dma2 semaphore(%arg11 : memref<!tpu.dma_semaphore, #tpu.memory_space<semaphore_mem>>) src(%dma_wait3A_182 : memref<2x128xi32, #tpu.memory_space<hbm>>) dst(%dma_wait3A_178 : memref<2x128xi32, #tpu.memory_space<vmem>>)
    %dma_start3A_183 = arith.constant 2 : i32
    %dma_start3A_184 = arith.constant 0 : i32
    %dma_start3A_185 = arith.constant 0 : i32
    %dma_start3A_186 = tpu.memref_slice %arg6[%dma_start3A_183, %dma_start3A_184, %dma_start3A_185] : memref<4x2x128xi32, #tpu.memory_space<vmem>> -> memref<1x1x128xi32, #tpu.memory_space<vmem>>
    %dma_start3A_187 = tpu.memref_squeeze %dma_start3A_186 : memref<1x1x128xi32, #tpu.memory_space<vmem>> -> memref<128xi32, #tpu.memory_space<vmem>>
    %dma_start3A_188 = arith.constant 0 : i32
    %dma_start3A_189 = arith.constant 0 : i32
    %dma_start3A_190 = tpu.memref_slice %arg2[%dma_start3A_188, %dma_start3A_189] : memref<10240x128xf32, #tpu.memory_space<hbm>> -> memref<10240x128xf32, #tpu.memory_space<hbm>>
    tpu.enqueue_indirect_dma source(%dma_start3A_190 : memref<10240x128xf32, #tpu.memory_space<hbm>>) target(%arg7 : memref<128x128xf32, #tpu.memory_space<vmem>>) offsets(%dma_start3A_187 : memref<128xi32, #tpu.memory_space<vmem>>) semaphore(%arg13 : memref<!tpu.dma_semaphore, #tpu.memory_space<semaphore_mem>>)
    %dma_wait3A_191 = arith.constant 1 : i32
    %dma_wait3A_192 = arith.constant 0 : i32
    %dma_wait3A_193 = arith.constant 0 : i32
    %dma_wait3A_194 = tpu.memref_slice %arg6[%dma_wait3A_191, %dma_wait3A_192, %dma_wait3A_193] : memref<4x2x128xi32, #tpu.memory_space<vmem>> -> memref<1x1x128xi32, #tpu.memory_space<vmem>>
    %dma_wait3A_195 = tpu.memref_squeeze %dma_wait3A_194 : memref<1x1x128xi32, #tpu.memory_space<vmem>> -> memref<128xi32, #tpu.memory_space<vmem>>
    %dma_wait3A_196 = arith.constant 0 : i32
    %dma_wait3A_197 = arith.constant 0 : i32
    %dma_wait3A_198 = tpu.memref_slice %arg2[%dma_wait3A_196, %dma_wait3A_197] : memref<10240x128xf32, #tpu.memory_space<hbm>> -> memref<10240x128xf32, #tpu.memory_space<hbm>>
    tpu.wait_indirect_dma semaphore(%arg14 : memref<!tpu.dma_semaphore, #tpu.memory_space<semaphore_mem>>) src(%dma_wait3A_198 : memref<10240x128xf32, #tpu.memory_space<hbm>>) dst(%arg8 : memref<128x128xf32, #tpu.memory_space<vmem>>)
    %run_scoped3A_199 = arith.constant 1 : i32
    %run_scoped3A_200 = arith.constant 1 : i32
    "tpu.region"() ({
      %run_scoped3A_219 = tpu.sem_alloc : memref<!tpu.dma_semaphore, #tpu.memory_space<semaphore_mem>>
      %dma_start3A_220 = arith.constant 0 : i32
      %dma_start3A_221 = tpu.memref_slice %arg6[%run_scoped3A_199, %run_scoped3A_200, %dma_start3A_220] : memref<4x2x128xi32, #tpu.memory_space<vmem>> -> memref<1x1x128xi32, #tpu.memory_space<vmem>>
      %dma_start3A_222 = tpu.memref_squeeze %dma_start3A_221 : memref<1x1x128xi32, #tpu.memory_space<vmem>> -> memref<128xi32, #tpu.memory_space<vmem>>
      %dma_start3A_223 = arith.constant 0 : i32
      %dma_start3A_224 = arith.constant 0 : i32
      %dma_start3A_225 = tpu.memref_slice %arg5[%dma_start3A_223, %dma_start3A_224] : memref<10240x128xf32, #tpu.memory_space<vmem_shared>> -> memref<10240x128xf32, #tpu.memory_space<vmem_shared>>
      tpu.enqueue_indirect_dma source(%arg8 : memref<128x128xf32, #tpu.memory_space<vmem>>) target(%dma_start3A_225 : memref<10240x128xf32, #tpu.memory_space<vmem_shared>>) offsets(%dma_start3A_222 : memref<128xi32, #tpu.memory_space<vmem>>) semaphore(%run_scoped3A_219 : memref<!tpu.dma_semaphore, #tpu.memory_space<semaphore_mem>>) {add = true}
      %dma_wait3A_226 = arith.constant 0 : i32
      %dma_wait3A_227 = tpu.memref_slice %arg6[%run_scoped3A_199, %run_scoped3A_200, %dma_wait3A_226] : memref<4x2x128xi32, #tpu.memory_space<vmem>> -> memref<1x1x128xi32, #tpu.memory_space<vmem>>
      %dma_wait3A_228 = tpu.memref_squeeze %dma_wait3A_227 : memref<1x1x128xi32, #tpu.memory_space<vmem>> -> memref<128xi32, #tpu.memory_space<vmem>>
      %dma_wait3A_229 = arith.constant 0 : i32
      %dma_wait3A_230 = arith.constant 0 : i32
      %dma_wait3A_231 = tpu.memref_slice %arg5[%dma_wait3A_229, %dma_wait3A_230] : memref<10240x128xf32, #tpu.memory_space<vmem_shared>> -> memref<10240x128xf32, #tpu.memory_space<vmem_shared>>
      tpu.wait_indirect_dma semaphore(%run_scoped3A_219 : memref<!tpu.dma_semaphore, #tpu.memory_space<semaphore_mem>>) src(%arg8 : memref<128x128xf32, #tpu.memory_space<vmem>>) dst(%dma_wait3A_231 : memref<10240x128xf32, #tpu.memory_space<vmem_shared>>)
      tpu.yield
    }) : () -> ()
    %dma_wait3A_201 = arith.constant 2 : i32
    %dma_wait3A_202 = arith.constant 0 : i32
    %dma_wait3A_203 = arith.constant 0 : i32
    %dma_wait3A_204 = tpu.memref_slice %arg6[%dma_wait3A_201, %dma_wait3A_202, %dma_wait3A_203] : memref<4x2x128xi32, #tpu.memory_space<vmem>> -> memref<1x1x128xi32, #tpu.memory_space<vmem>>
    %dma_wait3A_205 = tpu.memref_squeeze %dma_wait3A_204 : memref<1x1x128xi32, #tpu.memory_space<vmem>> -> memref<128xi32, #tpu.memory_space<vmem>>
    %dma_wait3A_206 = arith.constant 0 : i32
    %dma_wait3A_207 = arith.constant 0 : i32
    %dma_wait3A_208 = tpu.memref_slice %arg2[%dma_wait3A_206, %dma_wait3A_207] : memref<10240x128xf32, #tpu.memory_space<hbm>> -> memref<10240x128xf32, #tpu.memory_space<hbm>>
    tpu.wait_indirect_dma semaphore(%arg13 : memref<!tpu.dma_semaphore, #tpu.memory_space<semaphore_mem>>) src(%dma_wait3A_208 : memref<10240x128xf32, #tpu.memory_space<hbm>>) dst(%arg7 : memref<128x128xf32, #tpu.memory_space<vmem>>)
    %run_scoped3A_209 = arith.constant 2 : i32
    %run_scoped3A_210 = arith.constant 1 : i32
    "tpu.region"() ({
      %run_scoped3A_219 = tpu.sem_alloc : memref<!tpu.dma_semaphore, #tpu.memory_space<semaphore_mem>>
      %dma_start3A_220 = arith.constant 0 : i32
      %dma_start3A_221 = tpu.memref_slice %arg6[%run_scoped3A_209, %run_scoped3A_210, %dma_start3A_220] : memref<4x2x128xi32, #tpu.memory_space<vmem>> -> memref<1x1x128xi32, #tpu.memory_space<vmem>>
      %dma_start3A_222 = tpu.memref_squeeze %dma_start3A_221 : memref<1x1x128xi32, #tpu.memory_space<vmem>> -> memref<128xi32, #tpu.memory_space<vmem>>
      %dma_start3A_223 = arith.constant 0 : i32
      %dma_start3A_224 = arith.constant 0 : i32
      %dma_start3A_225 = tpu.memref_slice %arg5[%dma_start3A_223, %dma_start3A_224] : memref<10240x128xf32, #tpu.memory_space<vmem_shared>> -> memref<10240x128xf32, #tpu.memory_space<vmem_shared>>
      tpu.enqueue_indirect_dma source(%arg7 : memref<128x128xf32, #tpu.memory_space<vmem>>) target(%dma_start3A_225 : memref<10240x128xf32, #tpu.memory_space<vmem_shared>>) offsets(%dma_start3A_222 : memref<128xi32, #tpu.memory_space<vmem>>) semaphore(%run_scoped3A_219 : memref<!tpu.dma_semaphore, #tpu.memory_space<semaphore_mem>>) {add = true}
      %dma_wait3A_226 = arith.constant 0 : i32
      %dma_wait3A_227 = tpu.memref_slice %arg6[%run_scoped3A_209, %run_scoped3A_210, %dma_wait3A_226] : memref<4x2x128xi32, #tpu.memory_space<vmem>> -> memref<1x1x128xi32, #tpu.memory_space<vmem>>
      %dma_wait3A_228 = tpu.memref_squeeze %dma_wait3A_227 : memref<1x1x128xi32, #tpu.memory_space<vmem>> -> memref<128xi32, #tpu.memory_space<vmem>>
      %dma_wait3A_229 = arith.constant 0 : i32
      %dma_wait3A_230 = arith.constant 0 : i32
      %dma_wait3A_231 = tpu.memref_slice %arg5[%dma_wait3A_229, %dma_wait3A_230] : memref<10240x128xf32, #tpu.memory_space<vmem_shared>> -> memref<10240x128xf32, #tpu.memory_space<vmem_shared>>
      tpu.wait_indirect_dma semaphore(%run_scoped3A_219 : memref<!tpu.dma_semaphore, #tpu.memory_space<semaphore_mem>>) src(%arg7 : memref<128x128xf32, #tpu.memory_space<vmem>>) dst(%dma_wait3A_231 : memref<10240x128xf32, #tpu.memory_space<vmem_shared>>)
      tpu.yield
    }) : () -> ()
    %barrier3A_211 = arith.constant 0 : index
    tpu.barrier barrier_id(%barrier3A_211)
    %scan3A_212 = arith.constant 0 : i32
    %scan3A_213 = arith.constant 0 : i32
    %scan3A_214 = arith.constant 5 : i32
    %scan3A_215 = arith.addi %scan3A_213, %scan3A_214 : i32
    %scan3A_216 = arith.constant 1 : i32
    %scan3A_217 = scf.for %scan3A_219 = %scan3A_213 to %scan3A_215 step %scan3A_216 iter_args(%scan3A_220 = %scan3A_212) -> (i32)  : i32 {
      %mul3A_221 = arith.constant 128 : i32
      %mul3A_222 = arith.muli %scan3A_219, %mul3A_221 : i32
      %add3A_223 = arith.addi %mul3A_0, %mul3A_222 : i32
      "tpu.region"() ({
        %run_scoped3A_231 = tpu.sem_alloc : memref<!tpu.dma_semaphore, #tpu.memory_space<semaphore_mem>>
        %dma_start3A_232 = arith.constant 0 : i32
        %dma_start3A_233 = tpu.memref_slice %arg5[%add3A_223, %dma_start3A_232] : memref<10240x128xf32, #tpu.memory_space<vmem_shared>> -> memref<128x128xf32, #tpu.memory_space<vmem_shared>>
        %dma_start3A_234 = arith.constant 0 : i32
        %dma_start3A_235 = tpu.memref_slice %arg5[%add3A_223, %dma_start3A_234] : memref<10240x128xf32, #tpu.memory_space<vmem_shared>> -> memref<128x128xf32, #tpu.memory_space<vmem_shared>>
        tpu.enqueue_dma source(%dma_start3A_235 : memref<128x128xf32, #tpu.memory_space<vmem_shared>>) target(%arg7 : memref<128x128xf32, #tpu.memory_space<vmem>>) target_semaphore(%run_scoped3A_231 : memref<!tpu.dma_semaphore, #tpu.memory_space<semaphore_mem>>)
        %dma_wait3A_236 = arith.constant 0 : i32
        %dma_wait3A_237 = tpu.memref_slice %arg5[%add3A_223, %dma_wait3A_236] : memref<10240x128xf32, #tpu.memory_space<vmem_shared>> -> memref<128x128xf32, #tpu.memory_space<vmem_shared>>
        %dma_wait3A_238 = arith.constant 0 : i32
        %dma_wait3A_239 = tpu.memref_slice %arg5[%add3A_223, %dma_wait3A_238] : memref<10240x128xf32, #tpu.memory_space<vmem_shared>> -> memref<128x128xf32, #tpu.memory_space<vmem_shared>>
        tpu.wait_dma2 semaphore(%run_scoped3A_231 : memref<!tpu.dma_semaphore, #tpu.memory_space<semaphore_mem>>) src(%dma_wait3A_239 : memref<128x128xf32, #tpu.memory_space<vmem_shared>>) dst(%arg7 : memref<128x128xf32, #tpu.memory_space<vmem>>)
        tpu.yield
      }) : () -> ()
      %mul3A_224 = arith.constant 10240 : i32
      %mul3A_225 = arith.muli %arg0, %mul3A_224 : i32
      %add3A_226 = arith.addi %mul3A_225, %mul3A_0 : i32
      %mul3A_227 = arith.constant 128 : i32
      %mul3A_228 = arith.muli %scan3A_219, %mul3A_227 : i32
      %add3A_229 = arith.addi %add3A_226, %mul3A_228 : i32
      "tpu.region"() ({
        %run_scoped3A_231 = tpu.sem_alloc : memref<!tpu.dma_semaphore, #tpu.memory_space<semaphore_mem>>
        %dma_start3A_232 = arith.constant 0 : i32
        %dma_start3A_233 = tpu.memref_slice %arg4[%add3A_229, %dma_start3A_232] : memref<20480x128xf32, #tpu.memory_space<hbm>> -> memref<128x128xf32, #tpu.memory_space<hbm>>
        %dma_start3A_234 = arith.constant 0 : i32
        %dma_start3A_235 = tpu.memref_slice %arg4[%add3A_229, %dma_start3A_234] : memref<20480x128xf32, #tpu.memory_space<hbm>> -> memref<128x128xf32, #tpu.memory_space<hbm>>
        tpu.enqueue_dma source(%arg7 : memref<128x128xf32, #tpu.memory_space<vmem>>) target(%dma_start3A_235 : memref<128x128xf32, #tpu.memory_space<hbm>>) target_semaphore(%run_scoped3A_231 : memref<!tpu.dma_semaphore, #tpu.memory_space<semaphore_mem>>)
        %dma_wait3A_236 = arith.constant 0 : i32
        %dma_wait3A_237 = tpu.memref_slice %arg4[%add3A_229, %dma_wait3A_236] : memref<20480x128xf32, #tpu.memory_space<hbm>> -> memref<128x128xf32, #tpu.memory_space<hbm>>
        %dma_wait3A_238 = arith.constant 0 : i32
        %dma_wait3A_239 = tpu.memref_slice %arg4[%add3A_229, %dma_wait3A_238] : memref<20480x128xf32, #tpu.memory_space<hbm>> -> memref<128x128xf32, #tpu.memory_space<hbm>>
        tpu.wait_dma2 semaphore(%run_scoped3A_231 : memref<!tpu.dma_semaphore, #tpu.memory_space<semaphore_mem>>) src(%arg7 : memref<128x128xf32, #tpu.memory_space<vmem>>) dst(%dma_wait3A_239 : memref<128x128xf32, #tpu.memory_space<hbm>>)
        tpu.yield
      }) : () -> ()
      %scan3A_230 = arith.constant 0 : i32
      scf.yield %scan3A_230 : i32
    }
    %scan3A_218 = arith.constant 5 : i32
    return
  }
}

#map = affine_map<(d0, d1) -> (0, 0, 0)>
#map1 = affine_map<(d0, d1) -> (0)>
module attributes {stable_mosaic.version = 14 : i64} {
  func.func @_deg_kernel(%arg0: i32, %arg1: i32, %arg2: memref<16x158x128xi32, #tpu.memory_space<hbm>>, %arg3: memref<10240xf32, #tpu.memory_space<hbm>>, %arg4: memref<10240xf32, #tpu.memory_space<vmem_shared>>, %arg5: memref<158x128xi32, #tpu.memory_space<vmem>>, %arg6: memref<128xf32, #tpu.memory_space<vmem>>, %arg7: memref<640xf32, #tpu.memory_space<vmem>>) attributes {dimension_semantics = [#tpu.dimension_semantics<core_parallel>, #tpu.dimension_semantics<subcore_parallel>], iteration_bounds = array<i64: 2, 16>, scalar_prefetch = 0 : i64, scratch_operands = 4 : i64, tpu.core_type = #tpu.core_type<sc_vector_subcore>, window_params = [{transform_indices = #map}, {transform_indices = #map1}]} {
    %mul3A = arith.constant 640 : i32
    %mul3A_0 = arith.muli %arg1, %mul3A : i32
    %scan3A = arith.constant 0 : i32
    %scan3A_1 = arith.constant 0 : i32
    %scan3A_2 = arith.constant 40 : i32
    %scan3A_3 = arith.addi %scan3A_1, %scan3A_2 : i32
    %scan3A_4 = arith.constant 1 : i32
    %scan3A_5 = scf.for %scan3A_24 = %scan3A_1 to %scan3A_3 step %scan3A_4 iter_args(%scan3A_25 = %scan3A) -> (i32)  : i32 {
      %broadcast_in_dim3A = arith.constant 0.000000e+00 : f32
      %broadcast_in_dim3A_26 = vector.broadcast %broadcast_in_dim3A : f32 to vector<16xf32>
      %mul3A_27 = arith.constant 16 : i32
      %mul3A_28 = arith.muli %scan3A_24, %mul3A_27 : i32
      %swap3A = arith.index_cast %mul3A_28 : i32 to index
      %swap3A_29 = tpu.vector_load %arg7[%swap3A] {strides = array<i32>} : memref<640xf32, #tpu.memory_space<vmem>>, vector<16xf32>,
      %swap3A_30 = vector.shape_cast %swap3A_29 : vector<16xf32> to vector<16xf32>
      %swap3A_31 = vector.shape_cast %broadcast_in_dim3A_26 : vector<16xf32> to vector<16xf32>
      tpu.vector_store %arg7[%swap3A], %swap3A_31 {strides = array<i32>} : memref<640xf32, #tpu.memory_space<vmem>>, vector<16xf32>,
      %scan3A_32 = arith.constant 0 : i32
      scf.yield %scan3A_32 : i32
    }
    %scan3A_6 = arith.constant 40 : i32
    %scan3A_7 = arith.constant 0 : i32
    %scan3A_8 = arith.constant 0 : i32
    %scan3A_9 = arith.constant 8 : i32
    %scan3A_10 = arith.addi %scan3A_8, %scan3A_9 : i32
    %scan3A_11 = arith.constant 1 : i32
    %scan3A_12 = scf.for %scan3A_24 = %scan3A_8 to %scan3A_10 step %scan3A_11 iter_args(%scan3A_25 = %scan3A_7) -> (i32)  : i32 {
      %broadcast_in_dim3A = arith.constant 1.000000e+00 : f32
      %broadcast_in_dim3A_26 = vector.broadcast %broadcast_in_dim3A : f32 to vector<16xf32>
      %mul3A_27 = arith.constant 16 : i32
      %mul3A_28 = arith.muli %scan3A_24, %mul3A_27 : i32
      %swap3A = arith.index_cast %mul3A_28 : i32 to index
      %swap3A_29 = tpu.vector_load %arg6[%swap3A] {strides = array<i32>} : memref<128xf32, #tpu.memory_space<vmem>>, vector<16xf32>,
      %swap3A_30 = vector.shape_cast %swap3A_29 : vector<16xf32> to vector<16xf32>
      %swap3A_31 = vector.shape_cast %broadcast_in_dim3A_26 : vector<16xf32> to vector<16xf32>
      tpu.vector_store %arg6[%swap3A], %swap3A_31 {strides = array<i32>} : memref<128xf32, #tpu.memory_space<vmem>>, vector<16xf32>,
      %scan3A_32 = arith.constant 0 : i32
      scf.yield %scan3A_32 : i32
    }
    %scan3A_13 = arith.constant 8 : i32
    "tpu.region"() ({
      %run_scoped3A = tpu.sem_alloc : memref<!tpu.dma_semaphore, #tpu.memory_space<semaphore_mem>>
      %dma_start3A = tpu.memref_slice %arg4[%mul3A_0] : memref<10240xf32, #tpu.memory_space<vmem_shared>> -> memref<640xf32, #tpu.memory_space<vmem_shared>>
      %dma_start3A_24 = tpu.memref_slice %arg4[%mul3A_0] : memref<10240xf32, #tpu.memory_space<vmem_shared>> -> memref<640xf32, #tpu.memory_space<vmem_shared>>
      tpu.enqueue_dma source(%arg7 : memref<640xf32, #tpu.memory_space<vmem>>) target(%dma_start3A_24 : memref<640xf32, #tpu.memory_space<vmem_shared>>) target_semaphore(%run_scoped3A : memref<!tpu.dma_semaphore, #tpu.memory_space<semaphore_mem>>)
      %dma_wait3A = tpu.memref_slice %arg4[%mul3A_0] : memref<10240xf32, #tpu.memory_space<vmem_shared>> -> memref<640xf32, #tpu.memory_space<vmem_shared>>
      %dma_wait3A_25 = tpu.memref_slice %arg4[%mul3A_0] : memref<10240xf32, #tpu.memory_space<vmem_shared>> -> memref<640xf32, #tpu.memory_space<vmem_shared>>
      tpu.wait_dma2 semaphore(%run_scoped3A : memref<!tpu.dma_semaphore, #tpu.memory_space<semaphore_mem>>) src(%arg7 : memref<640xf32, #tpu.memory_space<vmem>>) dst(%dma_wait3A_25 : memref<640xf32, #tpu.memory_space<vmem_shared>>)
      tpu.yield
    }) : () -> ()
    "tpu.region"() ({
      %run_scoped3A = tpu.sem_alloc : memref<!tpu.dma_semaphore, #tpu.memory_space<semaphore_mem>>
      %dma_start3A = arith.constant 0 : i32
      %dma_start3A_24 = arith.constant 0 : i32
      %dma_start3A_25 = tpu.memref_slice %arg2[%arg1, %dma_start3A, %dma_start3A_24] : memref<16x158x128xi32, #tpu.memory_space<hbm>> -> memref<1x158x128xi32, #tpu.memory_space<hbm>>
      %dma_start3A_26 = tpu.memref_squeeze %dma_start3A_25 : memref<1x158x128xi32, #tpu.memory_space<hbm>> -> memref<158x128xi32, #tpu.memory_space<hbm>>
      %dma_start3A_27 = arith.constant 0 : i32
      %dma_start3A_28 = arith.constant 0 : i32
      %dma_start3A_29 = tpu.memref_slice %arg2[%arg1, %dma_start3A_27, %dma_start3A_28] : memref<16x158x128xi32, #tpu.memory_space<hbm>> -> memref<1x158x128xi32, #tpu.memory_space<hbm>>
      %dma_start3A_30 = tpu.memref_squeeze %dma_start3A_29 : memref<1x158x128xi32, #tpu.memory_space<hbm>> -> memref<158x128xi32, #tpu.memory_space<hbm>>
      tpu.enqueue_dma source(%dma_start3A_30 : memref<158x128xi32, #tpu.memory_space<hbm>>) target(%arg5 : memref<158x128xi32, #tpu.memory_space<vmem>>) target_semaphore(%run_scoped3A : memref<!tpu.dma_semaphore, #tpu.memory_space<semaphore_mem>>)
      %dma_wait3A = arith.constant 0 : i32
      %dma_wait3A_31 = arith.constant 0 : i32
      %dma_wait3A_32 = tpu.memref_slice %arg2[%arg1, %dma_wait3A, %dma_wait3A_31] : memref<16x158x128xi32, #tpu.memory_space<hbm>> -> memref<1x158x128xi32, #tpu.memory_space<hbm>>
      %dma_wait3A_33 = tpu.memref_squeeze %dma_wait3A_32 : memref<1x158x128xi32, #tpu.memory_space<hbm>> -> memref<158x128xi32, #tpu.memory_space<hbm>>
      %dma_wait3A_34 = arith.constant 0 : i32
      %dma_wait3A_35 = arith.constant 0 : i32
      %dma_wait3A_36 = tpu.memref_slice %arg2[%arg1, %dma_wait3A_34, %dma_wait3A_35] : memref<16x158x128xi32, #tpu.memory_space<hbm>> -> memref<1x158x128xi32, #tpu.memory_space<hbm>>
      %dma_wait3A_37 = tpu.memref_squeeze %dma_wait3A_36 : memref<1x158x128xi32, #tpu.memory_space<hbm>> -> memref<158x128xi32, #tpu.memory_space<hbm>>
      tpu.wait_dma2 semaphore(%run_scoped3A : memref<!tpu.dma_semaphore, #tpu.memory_space<semaphore_mem>>) src(%dma_wait3A_37 : memref<158x128xi32, #tpu.memory_space<hbm>>) dst(%arg5 : memref<158x128xi32, #tpu.memory_space<vmem>>)
      tpu.yield
    }) : () -> ()
    %barrier3A = arith.constant 0 : index
    tpu.barrier barrier_id(%barrier3A)
    %scan3A_14 = arith.constant 0 : i32
    %scan3A_15 = arith.constant 0 : i32
    %scan3A_16 = arith.constant 158 : i32
    %scan3A_17 = arith.addi %scan3A_15, %scan3A_16 : i32
    %scan3A_18 = arith.constant 1 : i32
    %scan3A_19 = scf.for %scan3A_24 = %scan3A_15 to %scan3A_17 step %scan3A_18 iter_args(%scan3A_25 = %scan3A_14) -> (i32)  : i32 {
      "tpu.region"() ({
        %run_scoped3A = tpu.sem_alloc : memref<!tpu.dma_semaphore, #tpu.memory_space<semaphore_mem>>
        %dma_start3A = arith.constant 0 : i32
        %dma_start3A_27 = tpu.memref_slice %arg5[%scan3A_24, %dma_start3A] : memref<158x128xi32, #tpu.memory_space<vmem>> -> memref<1x128xi32, #tpu.memory_space<vmem>>
        %dma_start3A_28 = tpu.memref_squeeze %dma_start3A_27 : memref<1x128xi32, #tpu.memory_space<vmem>> -> memref<128xi32, #tpu.memory_space<vmem>>
        %dma_start3A_29 = arith.constant 0 : i32
        %dma_start3A_30 = tpu.memref_slice %arg4[%dma_start3A_29] : memref<10240xf32, #tpu.memory_space<vmem_shared>> -> memref<10240xf32, #tpu.memory_space<vmem_shared>>
        tpu.enqueue_indirect_dma source(%arg6 : memref<128xf32, #tpu.memory_space<vmem>>) target(%dma_start3A_30 : memref<10240xf32, #tpu.memory_space<vmem_shared>>) offsets(%dma_start3A_28 : memref<128xi32, #tpu.memory_space<vmem>>) semaphore(%run_scoped3A : memref<!tpu.dma_semaphore, #tpu.memory_space<semaphore_mem>>) {add = true}
        %dma_wait3A = arith.constant 0 : i32
        %dma_wait3A_31 = tpu.memref_slice %arg5[%scan3A_24, %dma_wait3A] : memref<158x128xi32, #tpu.memory_space<vmem>> -> memref<1x128xi32, #tpu.memory_space<vmem>>
        %dma_wait3A_32 = tpu.memref_squeeze %dma_wait3A_31 : memref<1x128xi32, #tpu.memory_space<vmem>> -> memref<128xi32, #tpu.memory_space<vmem>>
        %dma_wait3A_33 = arith.constant 0 : i32
        %dma_wait3A_34 = tpu.memref_slice %arg4[%dma_wait3A_33] : memref<10240xf32, #tpu.memory_space<vmem_shared>> -> memref<10240xf32, #tpu.memory_space<vmem_shared>>
        tpu.wait_indirect_dma semaphore(%run_scoped3A : memref<!tpu.dma_semaphore, #tpu.memory_space<semaphore_mem>>) src(%arg6 : memref<128xf32, #tpu.memory_space<vmem>>) dst(%dma_wait3A_34 : memref<10240xf32, #tpu.memory_space<vmem_shared>>)
        tpu.yield
      }) : () -> ()
      %scan3A_26 = arith.constant 0 : i32
      scf.yield %scan3A_26 : i32
    }
    %scan3A_20 = arith.constant 158 : i32
    %barrier3A_21 = arith.constant 0 : index
    tpu.barrier barrier_id(%barrier3A_21)
    %eq3A = arith.constant 0 : i32
    %eq3A_22 = arith.cmpi eq, %arg0, %eq3A : i32
    %convert_element_type3A = arith.extui %eq3A_22 : i1 to i32
    %cond3A = arith.constant 0 : i32
    %cond3A_23 = arith.cmpi ne, %convert_element_type3A, %cond3A : i32
    scf.if %cond3A_23 {
      "tpu.region"() ({
        %run_scoped3A = tpu.sem_alloc : memref<!tpu.dma_semaphore, #tpu.memory_space<semaphore_mem>>
        %dma_start3A = tpu.memref_slice %arg3[%mul3A_0] : memref<10240xf32, #tpu.memory_space<hbm>> -> memref<640xf32, #tpu.memory_space<hbm>>
        %dma_start3A_24 = tpu.memref_slice %arg4[%mul3A_0] : memref<10240xf32, #tpu.memory_space<vmem_shared>> -> memref<640xf32, #tpu.memory_space<vmem_shared>>
        tpu.enqueue_dma source(%dma_start3A_24 : memref<640xf32, #tpu.memory_space<vmem_shared>>) target(%dma_start3A : memref<640xf32, #tpu.memory_space<hbm>>) target_semaphore(%run_scoped3A : memref<!tpu.dma_semaphore, #tpu.memory_space<semaphore_mem>>)
        %dma_wait3A = tpu.memref_slice %arg3[%mul3A_0] : memref<10240xf32, #tpu.memory_space<hbm>> -> memref<640xf32, #tpu.memory_space<hbm>>
        %dma_wait3A_25 = tpu.memref_slice %arg4[%mul3A_0] : memref<10240xf32, #tpu.memory_space<vmem_shared>> -> memref<640xf32, #tpu.memory_space<vmem_shared>>
        tpu.wait_dma2 semaphore(%run_scoped3A : memref<!tpu.dma_semaphore, #tpu.memory_space<semaphore_mem>>) src(%dma_wait3A_25 : memref<640xf32, #tpu.memory_space<vmem_shared>>) dst(%dma_wait3A : memref<640xf32, #tpu.memory_space<hbm>>)
        tpu.yield
      }) : () -> ()
    } else {
    }
    return
  }
}

#map = affine_map<(d0, d1) -> (0, 0)>
#map1 = affine_map<(d0, d1) -> (0, 0, 0)>
module attributes {stable_mosaic.version = 14 : i64} {
  func.func @_agg(%arg0: i32, %arg1: i32, %arg2: memref<20480x128xf32, #tpu.memory_space<hbm>>, %arg3: memref<2528x2x128xi32, #tpu.memory_space<hbm>>, %arg4: memref<20480x128xf32, #tpu.memory_space<hbm>>, %arg5: memref<10240x128xf32, #tpu.memory_space<vmem_shared>>, %arg6: memref<4x2x128xi32, #tpu.memory_space<vmem>>, %arg7: memref<128x128xf32, #tpu.memory_space<vmem>>, %arg8: memref<128x128xf32, #tpu.memory_space<vmem>>, %arg9: memref<!tpu.dma_semaphore, #tpu.memory_space<semaphore_mem>>, %arg10: memref<!tpu.dma_semaphore, #tpu.memory_space<semaphore_mem>>, %arg11: memref<!tpu.dma_semaphore, #tpu.memory_space<semaphore_mem>>, %arg12: memref<!tpu.dma_semaphore, #tpu.memory_space<semaphore_mem>>, %arg13: memref<!tpu.dma_semaphore, #tpu.memory_space<semaphore_mem>>, %arg14: memref<!tpu.dma_semaphore, #tpu.memory_space<semaphore_mem>>) attributes {dimension_semantics = [#tpu.dimension_semantics<core_parallel>, #tpu.dimension_semantics<subcore_parallel>], iteration_bounds = array<i64: 2, 16>, scalar_prefetch = 0 : i64, scratch_operands = 10 : i64, tpu.core_type = #tpu.core_type<sc_vector_subcore>, window_params = [{transform_indices = #map}, {transform_indices = #map1}, {transform_indices = #map}]} {
    %mul3A = arith.constant 640 : i32
    %mul3A_0 = arith.muli %arg1, %mul3A : i32
    %mul3A_1 = arith.constant 10240 : i32
    %mul3A_2 = arith.muli %arg0, %mul3A_1 : i32
    %mul3A_3 = arith.constant 158 : i32
    %mul3A_4 = arith.muli %arg1, %mul3A_3 : i32
    %scan3A = arith.constant 0 : i32
    %scan3A_5 = arith.constant 0 : i32
    %scan3A_6 = arith.constant 128 : i32
    %scan3A_7 = arith.addi %scan3A_5, %scan3A_6 : i32
    %scan3A_8 = arith.constant 1 : i32
    %scan3A_9 = scf.for %scan3A_449 = %scan3A_5 to %scan3A_7 step %scan3A_8 iter_args(%scan3A_450 = %scan3A) -> (i32)  : i32 {
      %scan3A_451 = arith.constant 0 : i32
      %scan3A_452 = arith.constant 0 : i32
      %scan3A_453 = arith.constant 8 : i32
      %scan3A_454 = arith.addi %scan3A_452, %scan3A_453 : i32
      %scan3A_455 = arith.constant 1 : i32
      %scan3A_456 = scf.for %scan3A_459 = %scan3A_452 to %scan3A_454 step %scan3A_455 iter_args(%scan3A_460 = %scan3A_451) -> (i32)  : i32 {
        %broadcast_in_dim3A = arith.constant 0.000000e+00 : f32
        %broadcast_in_dim3A_461 = vector.broadcast %broadcast_in_dim3A : f32 to vector<16xf32>
        %mul3A_462 = arith.constant 16 : i32
        %mul3A_463 = arith.muli %scan3A_459, %mul3A_462 : i32
        %swap3A_464 = arith.index_cast %scan3A_449 : i32 to index
        %swap3A_465 = arith.index_cast %mul3A_463 : i32 to index
        %swap3A_466 = tpu.vector_load %arg7[%swap3A_464, %swap3A_465] {strides = array<i32>} : memref<128x128xf32, #tpu.memory_space<vmem>>, vector<1x16xf32>,
        %swap3A_467 = vector.shape_cast %swap3A_466 : vector<1x16xf32> to vector<16xf32>
        %swap3A_468 = vector.shape_cast %broadcast_in_dim3A_461 : vector<16xf32> to vector<1x16xf32>
        tpu.vector_store %arg7[%swap3A_464, %swap3A_465], %swap3A_468 {strides = array<i32>} : memref<128x128xf32, #tpu.memory_space<vmem>>, vector<1x16xf32>,
        %scan3A_469 = arith.constant 0 : i32
        scf.yield %scan3A_469 : i32
      }
      %scan3A_457 = arith.constant 8 : i32
      %scan3A_458 = arith.constant 0 : i32
      scf.yield %scan3A_458 : i32
    }
    %scan3A_10 = arith.constant 128 : i32
    %scan3A_11 = arith.constant 0 : i32
    %scan3A_12 = arith.constant 0 : i32
    %scan3A_13 = arith.constant 5 : i32
    %scan3A_14 = arith.addi %scan3A_12, %scan3A_13 : i32
    %scan3A_15 = arith.constant 1 : i32
    %scan3A_16 = scf.for %scan3A_449 = %scan3A_12 to %scan3A_14 step %scan3A_15 iter_args(%scan3A_450 = %scan3A_11) -> (i32)  : i32 {
      %mul3A_451 = arith.constant 128 : i32
      %mul3A_452 = arith.muli %scan3A_449, %mul3A_451 : i32
      %add3A_453 = arith.addi %mul3A_0, %mul3A_452 : i32
      "tpu.region"() ({
        %run_scoped3A_455 = tpu.sem_alloc : memref<!tpu.dma_semaphore, #tpu.memory_space<semaphore_mem>>
        %dma_start3A_456 = arith.constant 0 : i32
        %dma_start3A_457 = tpu.memref_slice %arg5[%add3A_453, %dma_start3A_456] : memref<10240x128xf32, #tpu.memory_space<vmem_shared>> -> memref<128x128xf32, #tpu.memory_space<vmem_shared>>
        %dma_start3A_458 = arith.constant 0 : i32
        %dma_start3A_459 = tpu.memref_slice %arg5[%add3A_453, %dma_start3A_458] : memref<10240x128xf32, #tpu.memory_space<vmem_shared>> -> memref<128x128xf32, #tpu.memory_space<vmem_shared>>
        tpu.enqueue_dma source(%arg7 : memref<128x128xf32, #tpu.memory_space<vmem>>) target(%dma_start3A_459 : memref<128x128xf32, #tpu.memory_space<vmem_shared>>) target_semaphore(%run_scoped3A_455 : memref<!tpu.dma_semaphore, #tpu.memory_space<semaphore_mem>>)
        %dma_wait3A_460 = arith.constant 0 : i32
        %dma_wait3A_461 = tpu.memref_slice %arg5[%add3A_453, %dma_wait3A_460] : memref<10240x128xf32, #tpu.memory_space<vmem_shared>> -> memref<128x128xf32, #tpu.memory_space<vmem_shared>>
        %dma_wait3A_462 = arith.constant 0 : i32
        %dma_wait3A_463 = tpu.memref_slice %arg5[%add3A_453, %dma_wait3A_462] : memref<10240x128xf32, #tpu.memory_space<vmem_shared>> -> memref<128x128xf32, #tpu.memory_space<vmem_shared>>
        tpu.wait_dma2 semaphore(%run_scoped3A_455 : memref<!tpu.dma_semaphore, #tpu.memory_space<semaphore_mem>>) src(%arg7 : memref<128x128xf32, #tpu.memory_space<vmem>>) dst(%dma_wait3A_463 : memref<128x128xf32, #tpu.memory_space<vmem_shared>>)
        tpu.yield
      }) : () -> ()
      %scan3A_454 = arith.constant 0 : i32
      scf.yield %scan3A_454 : i32
    }
    %scan3A_17 = arith.constant 5 : i32
    %barrier3A = arith.constant 0 : index
    tpu.barrier barrier_id(%barrier3A)
    %add3A = arith.constant 0 : i32
    %add3A_18 = arith.addi %mul3A_4, %add3A : i32
    %dma_start3A = arith.constant 0 : i32
    %dma_start3A_19 = arith.constant 0 : i32
    %dma_start3A_20 = arith.constant 0 : i32
    %dma_start3A_21 = tpu.memref_slice %arg6[%dma_start3A, %dma_start3A_19, %dma_start3A_20] : memref<4x2x128xi32, #tpu.memory_space<vmem>> -> memref<1x2x128xi32, #tpu.memory_space<vmem>>
    %dma_start3A_22 = tpu.memref_squeeze %dma_start3A_21 : memref<1x2x128xi32, #tpu.memory_space<vmem>> -> memref<2x128xi32, #tpu.memory_space<vmem>>
    %dma_start3A_23 = arith.constant 0 : i32
    %dma_start3A_24 = arith.constant 0 : i32
    %dma_start3A_25 = tpu.memref_slice %arg3[%add3A_18, %dma_start3A_23, %dma_start3A_24] : memref<2528x2x128xi32, #tpu.memory_space<hbm>> -> memref<1x2x128xi32, #tpu.memory_space<hbm>>
    %dma_start3A_26 = tpu.memref_squeeze %dma_start3A_25 : memref<1x2x128xi32, #tpu.memory_space<hbm>> -> memref<2x128xi32, #tpu.memory_space<hbm>>
    %dma_start3A_27 = arith.constant 0 : i32
    %dma_start3A_28 = arith.constant 0 : i32
    %dma_start3A_29 = tpu.memref_slice %arg6[%dma_start3A, %dma_start3A_27, %dma_start3A_28] : memref<4x2x128xi32, #tpu.memory_space<vmem>> -> memref<1x2x128xi32, #tpu.memory_space<vmem>>
    %dma_start3A_30 = tpu.memref_squeeze %dma_start3A_29 : memref<1x2x128xi32, #tpu.memory_space<vmem>> -> memref<2x128xi32, #tpu.memory_space<vmem>>
    %dma_start3A_31 = arith.constant 0 : i32
    %dma_start3A_32 = arith.constant 0 : i32
    %dma_start3A_33 = tpu.memref_slice %arg3[%add3A_18, %dma_start3A_31, %dma_start3A_32] : memref<2528x2x128xi32, #tpu.memory_space<hbm>> -> memref<1x2x128xi32, #tpu.memory_space<hbm>>
    %dma_start3A_34 = tpu.memref_squeeze %dma_start3A_33 : memref<1x2x128xi32, #tpu.memory_space<hbm>> -> memref<2x128xi32, #tpu.memory_space<hbm>>
    tpu.enqueue_dma source(%dma_start3A_34 : memref<2x128xi32, #tpu.memory_space<hbm>>) target(%dma_start3A_30 : memref<2x128xi32, #tpu.memory_space<vmem>>) target_semaphore(%arg9 : memref<!tpu.dma_semaphore, #tpu.memory_space<semaphore_mem>>)
    %add3A_35 = arith.constant 1 : i32
    %add3A_36 = arith.addi %mul3A_4, %add3A_35 : i32
    %dma_start3A_37 = arith.constant 1 : i32
    %dma_start3A_38 = arith.constant 0 : i32
    %dma_start3A_39 = arith.constant 0 : i32
    %dma_start3A_40 = tpu.memref_slice %arg6[%dma_start3A_37, %dma_start3A_38, %dma_start3A_39] : memref<4x2x128xi32, #tpu.memory_space<vmem>> -> memref<1x2x128xi32, #tpu.memory_space<vmem>>
    %dma_start3A_41 = tpu.memref_squeeze %dma_start3A_40 : memref<1x2x128xi32, #tpu.memory_space<vmem>> -> memref<2x128xi32, #tpu.memory_space<vmem>>
    %dma_start3A_42 = arith.constant 0 : i32
    %dma_start3A_43 = arith.constant 0 : i32
    %dma_start3A_44 = tpu.memref_slice %arg3[%add3A_36, %dma_start3A_42, %dma_start3A_43] : memref<2528x2x128xi32, #tpu.memory_space<hbm>> -> memref<1x2x128xi32, #tpu.memory_space<hbm>>
    %dma_start3A_45 = tpu.memref_squeeze %dma_start3A_44 : memref<1x2x128xi32, #tpu.memory_space<hbm>> -> memref<2x128xi32, #tpu.memory_space<hbm>>
    %dma_start3A_46 = arith.constant 0 : i32
    %dma_start3A_47 = arith.constant 0 : i32
    %dma_start3A_48 = tpu.memref_slice %arg6[%dma_start3A_37, %dma_start3A_46, %dma_start3A_47] : memref<4x2x128xi32, #tpu.memory_space<vmem>> -> memref<1x2x128xi32, #tpu.memory_space<vmem>>
    %dma_start3A_49 = tpu.memref_squeeze %dma_start3A_48 : memref<1x2x128xi32, #tpu.memory_space<vmem>> -> memref<2x128xi32, #tpu.memory_space<vmem>>
    %dma_start3A_50 = arith.constant 0 : i32
    %dma_start3A_51 = arith.constant 0 : i32
    %dma_start3A_52 = tpu.memref_slice %arg3[%add3A_36, %dma_start3A_50, %dma_start3A_51] : memref<2528x2x128xi32, #tpu.memory_space<hbm>> -> memref<1x2x128xi32, #tpu.memory_space<hbm>>
    %dma_start3A_53 = tpu.memref_squeeze %dma_start3A_52 : memref<1x2x128xi32, #tpu.memory_space<hbm>> -> memref<2x128xi32, #tpu.memory_space<hbm>>
    tpu.enqueue_dma source(%dma_start3A_53 : memref<2x128xi32, #tpu.memory_space<hbm>>) target(%dma_start3A_49 : memref<2x128xi32, #tpu.memory_space<vmem>>) target_semaphore(%arg10 : memref<!tpu.dma_semaphore, #tpu.memory_space<semaphore_mem>>)
    %add3A_54 = arith.constant 2 : i32
    %add3A_55 = arith.addi %mul3A_4, %add3A_54 : i32
    %dma_start3A_56 = arith.constant 2 : i32
    %dma_start3A_57 = arith.constant 0 : i32
    %dma_start3A_58 = arith.constant 0 : i32
    %dma_start3A_59 = tpu.memref_slice %arg6[%dma_start3A_56, %dma_start3A_57, %dma_start3A_58] : memref<4x2x128xi32, #tpu.memory_space<vmem>> -> memref<1x2x128xi32, #tpu.memory_space<vmem>>
    %dma_start3A_60 = tpu.memref_squeeze %dma_start3A_59 : memref<1x2x128xi32, #tpu.memory_space<vmem>> -> memref<2x128xi32, #tpu.memory_space<vmem>>
    %dma_start3A_61 = arith.constant 0 : i32
    %dma_start3A_62 = arith.constant 0 : i32
    %dma_start3A_63 = tpu.memref_slice %arg3[%add3A_55, %dma_start3A_61, %dma_start3A_62] : memref<2528x2x128xi32, #tpu.memory_space<hbm>> -> memref<1x2x128xi32, #tpu.memory_space<hbm>>
    %dma_start3A_64 = tpu.memref_squeeze %dma_start3A_63 : memref<1x2x128xi32, #tpu.memory_space<hbm>> -> memref<2x128xi32, #tpu.memory_space<hbm>>
    %dma_start3A_65 = arith.constant 0 : i32
    %dma_start3A_66 = arith.constant 0 : i32
    %dma_start3A_67 = tpu.memref_slice %arg6[%dma_start3A_56, %dma_start3A_65, %dma_start3A_66] : memref<4x2x128xi32, #tpu.memory_space<vmem>> -> memref<1x2x128xi32, #tpu.memory_space<vmem>>
    %dma_start3A_68 = tpu.memref_squeeze %dma_start3A_67 : memref<1x2x128xi32, #tpu.memory_space<vmem>> -> memref<2x128xi32, #tpu.memory_space<vmem>>
    %dma_start3A_69 = arith.constant 0 : i32
    %dma_start3A_70 = arith.constant 0 : i32
    %dma_start3A_71 = tpu.memref_slice %arg3[%add3A_55, %dma_start3A_69, %dma_start3A_70] : memref<2528x2x128xi32, #tpu.memory_space<hbm>> -> memref<1x2x128xi32, #tpu.memory_space<hbm>>
    %dma_start3A_72 = tpu.memref_squeeze %dma_start3A_71 : memref<1x2x128xi32, #tpu.memory_space<hbm>> -> memref<2x128xi32, #tpu.memory_space<hbm>>
    tpu.enqueue_dma source(%dma_start3A_72 : memref<2x128xi32, #tpu.memory_space<hbm>>) target(%dma_start3A_68 : memref<2x128xi32, #tpu.memory_space<vmem>>) target_semaphore(%arg11 : memref<!tpu.dma_semaphore, #tpu.memory_space<semaphore_mem>>)
    %add3A_73 = arith.constant 3 : i32
    %add3A_74 = arith.addi %mul3A_4, %add3A_73 : i32
    %dma_start3A_75 = arith.constant 3 : i32
    %dma_start3A_76 = arith.constant 0 : i32
    %dma_start3A_77 = arith.constant 0 : i32
    %dma_start3A_78 = tpu.memref_slice %arg6[%dma_start3A_75, %dma_start3A_76, %dma_start3A_77] : memref<4x2x128xi32, #tpu.memory_space<vmem>> -> memref<1x2x128xi32, #tpu.memory_space<vmem>>
    %dma_start3A_79 = tpu.memref_squeeze %dma_start3A_78 : memref<1x2x128xi32, #tpu.memory_space<vmem>> -> memref<2x128xi32, #tpu.memory_space<vmem>>
    %dma_start3A_80 = arith.constant 0 : i32
    %dma_start3A_81 = arith.constant 0 : i32
    %dma_start3A_82 = tpu.memref_slice %arg3[%add3A_74, %dma_start3A_80, %dma_start3A_81] : memref<2528x2x128xi32, #tpu.memory_space<hbm>> -> memref<1x2x128xi32, #tpu.memory_space<hbm>>
    %dma_start3A_83 = tpu.memref_squeeze %dma_start3A_82 : memref<1x2x128xi32, #tpu.memory_space<hbm>> -> memref<2x128xi32, #tpu.memory_space<hbm>>
    %dma_start3A_84 = arith.constant 0 : i32
    %dma_start3A_85 = arith.constant 0 : i32
    %dma_start3A_86 = tpu.memref_slice %arg6[%dma_start3A_75, %dma_start3A_84, %dma_start3A_85] : memref<4x2x128xi32, #tpu.memory_space<vmem>> -> memref<1x2x128xi32, #tpu.memory_space<vmem>>
    %dma_start3A_87 = tpu.memref_squeeze %dma_start3A_86 : memref<1x2x128xi32, #tpu.memory_space<vmem>> -> memref<2x128xi32, #tpu.memory_space<vmem>>
    %dma_start3A_88 = arith.constant 0 : i32
    %dma_start3A_89 = arith.constant 0 : i32
    %dma_start3A_90 = tpu.memref_slice %arg3[%add3A_74, %dma_start3A_88, %dma_start3A_89] : memref<2528x2x128xi32, #tpu.memory_space<hbm>> -> memref<1x2x128xi32, #tpu.memory_space<hbm>>
    %dma_start3A_91 = tpu.memref_squeeze %dma_start3A_90 : memref<1x2x128xi32, #tpu.memory_space<hbm>> -> memref<2x128xi32, #tpu.memory_space<hbm>>
    tpu.enqueue_dma source(%dma_start3A_91 : memref<2x128xi32, #tpu.memory_space<hbm>>) target(%dma_start3A_87 : memref<2x128xi32, #tpu.memory_space<vmem>>) target_semaphore(%arg12 : memref<!tpu.dma_semaphore, #tpu.memory_space<semaphore_mem>>)
    %add3A_92 = arith.constant 0 : i32
    %add3A_93 = arith.addi %mul3A_4, %add3A_92 : i32
    %dma_wait3A = arith.constant 0 : i32
    %dma_wait3A_94 = arith.constant 0 : i32
    %dma_wait3A_95 = arith.constant 0 : i32
    %dma_wait3A_96 = tpu.memref_slice %arg6[%dma_wait3A, %dma_wait3A_94, %dma_wait3A_95] : memref<4x2x128xi32, #tpu.memory_space<vmem>> -> memref<1x2x128xi32, #tpu.memory_space<vmem>>
    %dma_wait3A_97 = tpu.memref_squeeze %dma_wait3A_96 : memref<1x2x128xi32, #tpu.memory_space<vmem>> -> memref<2x128xi32, #tpu.memory_space<vmem>>
    %dma_wait3A_98 = arith.constant 0 : i32
    %dma_wait3A_99 = arith.constant 0 : i32
    %dma_wait3A_100 = tpu.memref_slice %arg3[%add3A_93, %dma_wait3A_98, %dma_wait3A_99] : memref<2528x2x128xi32, #tpu.memory_space<hbm>> -> memref<1x2x128xi32, #tpu.memory_space<hbm>>
    %dma_wait3A_101 = tpu.memref_squeeze %dma_wait3A_100 : memref<1x2x128xi32, #tpu.memory_space<hbm>> -> memref<2x128xi32, #tpu.memory_space<hbm>>
    %dma_wait3A_102 = arith.constant 0 : i32
    %dma_wait3A_103 = arith.constant 0 : i32
    %dma_wait3A_104 = tpu.memref_slice %arg6[%dma_wait3A, %dma_wait3A_102, %dma_wait3A_103] : memref<4x2x128xi32, #tpu.memory_space<vmem>> -> memref<1x2x128xi32, #tpu.memory_space<vmem>>
    %dma_wait3A_105 = tpu.memref_squeeze %dma_wait3A_104 : memref<1x2x128xi32, #tpu.memory_space<vmem>> -> memref<2x128xi32, #tpu.memory_space<vmem>>
    %dma_wait3A_106 = arith.constant 0 : i32
    %dma_wait3A_107 = arith.constant 0 : i32
    %dma_wait3A_108 = tpu.memref_slice %arg3[%add3A_93, %dma_wait3A_106, %dma_wait3A_107] : memref<2528x2x128xi32, #tpu.memory_space<hbm>> -> memref<1x2x128xi32, #tpu.memory_space<hbm>>
    %dma_wait3A_109 = tpu.memref_squeeze %dma_wait3A_108 : memref<1x2x128xi32, #tpu.memory_space<hbm>> -> memref<2x128xi32, #tpu.memory_space<hbm>>
    tpu.wait_dma2 semaphore(%arg9 : memref<!tpu.dma_semaphore, #tpu.memory_space<semaphore_mem>>) src(%dma_wait3A_109 : memref<2x128xi32, #tpu.memory_space<hbm>>) dst(%dma_wait3A_105 : memref<2x128xi32, #tpu.memory_space<vmem>>)
    %get3A = arith.constant 0 : i32
    %get3A_110 = arith.constant 0 : i32
    %get3A_111 = arith.index_cast %get3A : i32 to index
    %get3A_112 = arith.index_cast %get3A_110 : i32 to index
    %get3A_113 = arith.constant 0 : index
    %get3A_114 = tpu.vector_load %arg6[%get3A_111, %get3A_112, %get3A_113] {strides = array<i32>} : memref<4x2x128xi32, #tpu.memory_space<vmem>>, vector<1x1x16xi32>,
    %get3A_115 = vector.shape_cast %get3A_114 : vector<1x1x16xi32> to vector<16xi32>
    %add3A_116 = vector.broadcast %mul3A_2 : i32 to vector<16xi32>
    %add3A_117 = arith.addi %get3A_115, %add3A_116 : vector<16xi32>
    %swap3A = arith.constant 0 : i32
    %swap3A_118 = arith.constant 0 : i32
    %swap3A_119 = arith.index_cast %swap3A : i32 to index
    %swap3A_120 = arith.index_cast %swap3A_118 : i32 to index
    %swap3A_121 = arith.constant 0 : index
    %swap3A_122 = tpu.vector_load %arg6[%swap3A_119, %swap3A_120, %swap3A_121] {strides = array<i32>} : memref<4x2x128xi32, #tpu.memory_space<vmem>>, vector<1x1x16xi32>,
    %swap3A_123 = vector.shape_cast %swap3A_122 : vector<1x1x16xi32> to vector<16xi32>
    %swap3A_124 = vector.shape_cast %add3A_117 : vector<16xi32> to vector<1x1x16xi32>
    tpu.vector_store %arg6[%swap3A_119, %swap3A_120, %swap3A_121], %swap3A_124 {strides = array<i32>} : memref<4x2x128xi32, #tpu.memory_space<vmem>>, vector<1x1x16xi32>,
    %get3A_125 = arith.constant 0 : i32
    %get3A_126 = arith.constant 0 : i32
    %get3A_127 = arith.index_cast %get3A_125 : i32 to index
    %get3A_128 = arith.index_cast %get3A_126 : i32 to index
    %get3A_129 = arith.constant 16 : index
    %get3A_130 = tpu.vector_load %arg6[%get3A_127, %get3A_128, %get3A_129] {strides = array<i32>} : memref<4x2x128xi32, #tpu.memory_space<vmem>>, vector<1x1x16xi32>,
    %get3A_131 = vector.shape_cast %get3A_130 : vector<1x1x16xi32> to vector<16xi32>
    %add3A_132 = vector.broadcast %mul3A_2 : i32 to vector<16xi32>
    %add3A_133 = arith.addi %get3A_131, %add3A_132 : vector<16xi32>
    %swap3A_134 = arith.constant 0 : i32
    %swap3A_135 = arith.constant 0 : i32
    %swap3A_136 = arith.index_cast %swap3A_134 : i32 to index
    %swap3A_137 = arith.index_cast %swap3A_135 : i32 to index
    %swap3A_138 = arith.constant 16 : index
    %swap3A_139 = tpu.vector_load %arg6[%swap3A_136, %swap3A_137, %swap3A_138] {strides = array<i32>} : memref<4x2x128xi32, #tpu.memory_space<vmem>>, vector<1x1x16xi32>,
    %swap3A_140 = vector.shape_cast %swap3A_139 : vector<1x1x16xi32> to vector<16xi32>
    %swap3A_141 = vector.shape_cast %add3A_133 : vector<16xi32> to vector<1x1x16xi32>
    tpu.vector_store %arg6[%swap3A_136, %swap3A_137, %swap3A_138], %swap3A_141 {strides = array<i32>} : memref<4x2x128xi32, #tpu.memory_space<vmem>>, vector<1x1x16xi32>,
    %get3A_142 = arith.constant 0 : i32
    %get3A_143 = arith.constant 0 : i32
    %get3A_144 = arith.index_cast %get3A_142 : i32 to index
    %get3A_145 = arith.index_cast %get3A_143 : i32 to index
    %get3A_146 = arith.constant 32 : index
    %get3A_147 = tpu.vector_load %arg6[%get3A_144, %get3A_145, %get3A_146] {strides = array<i32>} : memref<4x2x128xi32, #tpu.memory_space<vmem>>, vector<1x1x16xi32>,
    %get3A_148 = vector.shape_cast %get3A_147 : vector<1x1x16xi32> to vector<16xi32>
    %add3A_149 = vector.broadcast %mul3A_2 : i32 to vector<16xi32>
    %add3A_150 = arith.addi %get3A_148, %add3A_149 : vector<16xi32>
    %swap3A_151 = arith.constant 0 : i32
    %swap3A_152 = arith.constant 0 : i32
    %swap3A_153 = arith.index_cast %swap3A_151 : i32 to index
    %swap3A_154 = arith.index_cast %swap3A_152 : i32 to index
    %swap3A_155 = arith.constant 32 : index
    %swap3A_156 = tpu.vector_load %arg6[%swap3A_153, %swap3A_154, %swap3A_155] {strides = array<i32>} : memref<4x2x128xi32, #tpu.memory_space<vmem>>, vector<1x1x16xi32>,
    %swap3A_157 = vector.shape_cast %swap3A_156 : vector<1x1x16xi32> to vector<16xi32>
    %swap3A_158 = vector.shape_cast %add3A_150 : vector<16xi32> to vector<1x1x16xi32>
    tpu.vector_store %arg6[%swap3A_153, %swap3A_154, %swap3A_155], %swap3A_158 {strides = array<i32>} : memref<4x2x128xi32, #tpu.memory_space<vmem>>, vector<1x1x16xi32>,
    %get3A_159 = arith.constant 0 : i32
    %get3A_160 = arith.constant 0 : i32
    %get3A_161 = arith.index_cast %get3A_159 : i32 to index
    %get3A_162 = arith.index_cast %get3A_160 : i32 to index
    %get3A_163 = arith.constant 48 : index
    %get3A_164 = tpu.vector_load %arg6[%get3A_161, %get3A_162, %get3A_163] {strides = array<i32>} : memref<4x2x128xi32, #tpu.memory_space<vmem>>, vector<1x1x16xi32>,
    %get3A_165 = vector.shape_cast %get3A_164 : vector<1x1x16xi32> to vector<16xi32>
    %add3A_166 = vector.broadcast %mul3A_2 : i32 to vector<16xi32>
    %add3A_167 = arith.addi %get3A_165, %add3A_166 : vector<16xi32>
    %swap3A_168 = arith.constant 0 : i32
    %swap3A_169 = arith.constant 0 : i32
    %swap3A_170 = arith.index_cast %swap3A_168 : i32 to index
    %swap3A_171 = arith.index_cast %swap3A_169 : i32 to index
    %swap3A_172 = arith.constant 48 : index
    %swap3A_173 = tpu.vector_load %arg6[%swap3A_170, %swap3A_171, %swap3A_172] {strides = array<i32>} : memref<4x2x128xi32, #tpu.memory_space<vmem>>, vector<1x1x16xi32>,
    %swap3A_174 = vector.shape_cast %swap3A_173 : vector<1x1x16xi32> to vector<16xi32>
    %swap3A_175 = vector.shape_cast %add3A_167 : vector<16xi32> to vector<1x1x16xi32>
    tpu.vector_store %arg6[%swap3A_170, %swap3A_171, %swap3A_172], %swap3A_175 {strides = array<i32>} : memref<4x2x128xi32, #tpu.memory_space<vmem>>, vector<1x1x16xi32>,
    %get3A_176 = arith.constant 0 : i32
    %get3A_177 = arith.constant 0 : i32
    %get3A_178 = arith.index_cast %get3A_176 : i32 to index
    %get3A_179 = arith.index_cast %get3A_177 : i32 to index
    %get3A_180 = arith.constant 64 : index
    %get3A_181 = tpu.vector_load %arg6[%get3A_178, %get3A_179, %get3A_180] {strides = array<i32>} : memref<4x2x128xi32, #tpu.memory_space<vmem>>, vector<1x1x16xi32>,
    %get3A_182 = vector.shape_cast %get3A_181 : vector<1x1x16xi32> to vector<16xi32>
    %add3A_183 = vector.broadcast %mul3A_2 : i32 to vector<16xi32>
    %add3A_184 = arith.addi %get3A_182, %add3A_183 : vector<16xi32>
    %swap3A_185 = arith.constant 0 : i32
    %swap3A_186 = arith.constant 0 : i32
    %swap3A_187 = arith.index_cast %swap3A_185 : i32 to index
    %swap3A_188 = arith.index_cast %swap3A_186 : i32 to index
    %swap3A_189 = arith.constant 64 : index
    %swap3A_190 = tpu.vector_load %arg6[%swap3A_187, %swap3A_188, %swap3A_189] {strides = array<i32>} : memref<4x2x128xi32, #tpu.memory_space<vmem>>, vector<1x1x16xi32>,
    %swap3A_191 = vector.shape_cast %swap3A_190 : vector<1x1x16xi32> to vector<16xi32>
    %swap3A_192 = vector.shape_cast %add3A_184 : vector<16xi32> to vector<1x1x16xi32>
    tpu.vector_store %arg6[%swap3A_187, %swap3A_188, %swap3A_189], %swap3A_192 {strides = array<i32>} : memref<4x2x128xi32, #tpu.memory_space<vmem>>, vector<1x1x16xi32>,
    %get3A_193 = arith.constant 0 : i32
    %get3A_194 = arith.constant 0 : i32
    %get3A_195 = arith.index_cast %get3A_193 : i32 to index
    %get3A_196 = arith.index_cast %get3A_194 : i32 to index
    %get3A_197 = arith.constant 80 : index
    %get3A_198 = tpu.vector_load %arg6[%get3A_195, %get3A_196, %get3A_197] {strides = array<i32>} : memref<4x2x128xi32, #tpu.memory_space<vmem>>, vector<1x1x16xi32>,
    %get3A_199 = vector.shape_cast %get3A_198 : vector<1x1x16xi32> to vector<16xi32>
    %add3A_200 = vector.broadcast %mul3A_2 : i32 to vector<16xi32>
    %add3A_201 = arith.addi %get3A_199, %add3A_200 : vector<16xi32>
    %swap3A_202 = arith.constant 0 : i32
    %swap3A_203 = arith.constant 0 : i32
    %swap3A_204 = arith.index_cast %swap3A_202 : i32 to index
    %swap3A_205 = arith.index_cast %swap3A_203 : i32 to index
    %swap3A_206 = arith.constant 80 : index
    %swap3A_207 = tpu.vector_load %arg6[%swap3A_204, %swap3A_205, %swap3A_206] {strides = array<i32>} : memref<4x2x128xi32, #tpu.memory_space<vmem>>, vector<1x1x16xi32>,
    %swap3A_208 = vector.shape_cast %swap3A_207 : vector<1x1x16xi32> to vector<16xi32>
    %swap3A_209 = vector.shape_cast %add3A_201 : vector<16xi32> to vector<1x1x16xi32>
    tpu.vector_store %arg6[%swap3A_204, %swap3A_205, %swap3A_206], %swap3A_209 {strides = array<i32>} : memref<4x2x128xi32, #tpu.memory_space<vmem>>, vector<1x1x16xi32>,
    %get3A_210 = arith.constant 0 : i32
    %get3A_211 = arith.constant 0 : i32
    %get3A_212 = arith.index_cast %get3A_210 : i32 to index
    %get3A_213 = arith.index_cast %get3A_211 : i32 to index
    %get3A_214 = arith.constant 96 : index
    %get3A_215 = tpu.vector_load %arg6[%get3A_212, %get3A_213, %get3A_214] {strides = array<i32>} : memref<4x2x128xi32, #tpu.memory_space<vmem>>, vector<1x1x16xi32>,
    %get3A_216 = vector.shape_cast %get3A_215 : vector<1x1x16xi32> to vector<16xi32>
    %add3A_217 = vector.broadcast %mul3A_2 : i32 to vector<16xi32>
    %add3A_218 = arith.addi %get3A_216, %add3A_217 : vector<16xi32>
    %swap3A_219 = arith.constant 0 : i32
    %swap3A_220 = arith.constant 0 : i32
    %swap3A_221 = arith.index_cast %swap3A_219 : i32 to index
    %swap3A_222 = arith.index_cast %swap3A_220 : i32 to index
    %swap3A_223 = arith.constant 96 : index
    %swap3A_224 = tpu.vector_load %arg6[%swap3A_221, %swap3A_222, %swap3A_223] {strides = array<i32>} : memref<4x2x128xi32, #tpu.memory_space<vmem>>, vector<1x1x16xi32>,
    %swap3A_225 = vector.shape_cast %swap3A_224 : vector<1x1x16xi32> to vector<16xi32>
    %swap3A_226 = vector.shape_cast %add3A_218 : vector<16xi32> to vector<1x1x16xi32>
    tpu.vector_store %arg6[%swap3A_221, %swap3A_222, %swap3A_223], %swap3A_226 {strides = array<i32>} : memref<4x2x128xi32, #tpu.memory_space<vmem>>, vector<1x1x16xi32>,
    %get3A_227 = arith.constant 0 : i32
    %get3A_228 = arith.constant 0 : i32
    %get3A_229 = arith.index_cast %get3A_227 : i32 to index
    %get3A_230 = arith.index_cast %get3A_228 : i32 to index
    %get3A_231 = arith.constant 112 : index
    %get3A_232 = tpu.vector_load %arg6[%get3A_229, %get3A_230, %get3A_231] {strides = array<i32>} : memref<4x2x128xi32, #tpu.memory_space<vmem>>, vector<1x1x16xi32>,
    %get3A_233 = vector.shape_cast %get3A_232 : vector<1x1x16xi32> to vector<16xi32>
    %add3A_234 = vector.broadcast %mul3A_2 : i32 to vector<16xi32>
    %add3A_235 = arith.addi %get3A_233, %add3A_234 : vector<16xi32>
    %swap3A_236 = arith.constant 0 : i32
    %swap3A_237 = arith.constant 0 : i32
    %swap3A_238 = arith.index_cast %swap3A_236 : i32 to index
    %swap3A_239 = arith.index_cast %swap3A_237 : i32 to index
    %swap3A_240 = arith.constant 112 : index
    %swap3A_241 = tpu.vector_load %arg6[%swap3A_238, %swap3A_239, %swap3A_240] {strides = array<i32>} : memref<4x2x128xi32, #tpu.memory_space<vmem>>, vector<1x1x16xi32>,
    %swap3A_242 = vector.shape_cast %swap3A_241 : vector<1x1x16xi32> to vector<16xi32>
    %swap3A_243 = vector.shape_cast %add3A_235 : vector<16xi32> to vector<1x1x16xi32>
    tpu.vector_store %arg6[%swap3A_238, %swap3A_239, %swap3A_240], %swap3A_243 {strides = array<i32>} : memref<4x2x128xi32, #tpu.memory_space<vmem>>, vector<1x1x16xi32>,
    %dma_start3A_244 = arith.constant 0 : i32
    %dma_start3A_245 = arith.constant 0 : i32
    %dma_start3A_246 = arith.constant 0 : i32
    %dma_start3A_247 = tpu.memref_slice %arg6[%dma_start3A_244, %dma_start3A_245, %dma_start3A_246] : memref<4x2x128xi32, #tpu.memory_space<vmem>> -> memref<1x1x128xi32, #tpu.memory_space<vmem>>
    %dma_start3A_248 = tpu.memref_squeeze %dma_start3A_247 : memref<1x1x128xi32, #tpu.memory_space<vmem>> -> memref<128xi32, #tpu.memory_space<vmem>>
    %dma_start3A_249 = arith.constant 0 : i32
    %dma_start3A_250 = arith.constant 0 : i32
    %dma_start3A_251 = tpu.memref_slice %arg2[%dma_start3A_249, %dma_start3A_250] : memref<20480x128xf32, #tpu.memory_space<hbm>> -> memref<20480x128xf32, #tpu.memory_space<hbm>>
    tpu.enqueue_indirect_dma source(%dma_start3A_251 : memref<20480x128xf32, #tpu.memory_space<hbm>>) target(%arg7 : memref<128x128xf32, #tpu.memory_space<vmem>>) offsets(%dma_start3A_248 : memref<128xi32, #tpu.memory_space<vmem>>) semaphore(%arg13 : memref<!tpu.dma_semaphore, #tpu.memory_space<semaphore_mem>>)
    %add3A_252 = arith.constant 1 : i32
    %add3A_253 = arith.addi %mul3A_4, %add3A_252 : i32
    %dma_wait3A_254 = arith.constant 1 : i32
    %dma_wait3A_255 = arith.constant 0 : i32
    %dma_wait3A_256 = arith.constant 0 : i32
    %dma_wait3A_257 = tpu.memref_slice %arg6[%dma_wait3A_254, %dma_wait3A_255, %dma_wait3A_256] : memref<4x2x128xi32, #tpu.memory_space<vmem>> -> memref<1x2x128xi32, #tpu.memory_space<vmem>>
    %dma_wait3A_258 = tpu.memref_squeeze %dma_wait3A_257 : memref<1x2x128xi32, #tpu.memory_space<vmem>> -> memref<2x128xi32, #tpu.memory_space<vmem>>
    %dma_wait3A_259 = arith.constant 0 : i32
    %dma_wait3A_260 = arith.constant 0 : i32
    %dma_wait3A_261 = tpu.memref_slice %arg3[%add3A_253, %dma_wait3A_259, %dma_wait3A_260] : memref<2528x2x128xi32, #tpu.memory_space<hbm>> -> memref<1x2x128xi32, #tpu.memory_space<hbm>>
    %dma_wait3A_262 = tpu.memref_squeeze %dma_wait3A_261 : memref<1x2x128xi32, #tpu.memory_space<hbm>> -> memref<2x128xi32, #tpu.memory_space<hbm>>
    %dma_wait3A_263 = arith.constant 0 : i32
    %dma_wait3A_264 = arith.constant 0 : i32
    %dma_wait3A_265 = tpu.memref_slice %arg6[%dma_wait3A_254, %dma_wait3A_263, %dma_wait3A_264] : memref<4x2x128xi32, #tpu.memory_space<vmem>> -> memref<1x2x128xi32, #tpu.memory_space<vmem>>
    %dma_wait3A_266 = tpu.memref_squeeze %dma_wait3A_265 : memref<1x2x128xi32, #tpu.memory_space<vmem>> -> memref<2x128xi32, #tpu.memory_space<vmem>>
    %dma_wait3A_267 = arith.constant 0 : i32
    %dma_wait3A_268 = arith.constant 0 : i32
    %dma_wait3A_269 = tpu.memref_slice %arg3[%add3A_253, %dma_wait3A_267, %dma_wait3A_268] : memref<2528x2x128xi32, #tpu.memory_space<hbm>> -> memref<1x2x128xi32, #tpu.memory_space<hbm>>
    %dma_wait3A_270 = tpu.memref_squeeze %dma_wait3A_269 : memref<1x2x128xi32, #tpu.memory_space<hbm>> -> memref<2x128xi32, #tpu.memory_space<hbm>>
    tpu.wait_dma2 semaphore(%arg10 : memref<!tpu.dma_semaphore, #tpu.memory_space<semaphore_mem>>) src(%dma_wait3A_270 : memref<2x128xi32, #tpu.memory_space<hbm>>) dst(%dma_wait3A_266 : memref<2x128xi32, #tpu.memory_space<vmem>>)
    %get3A_271 = arith.constant 1 : i32
    %get3A_272 = arith.constant 0 : i32
    %get3A_273 = arith.index_cast %get3A_271 : i32 to index
    %get3A_274 = arith.index_cast %get3A_272 : i32 to index
    %get3A_275 = arith.constant 0 : index
    %get3A_276 = tpu.vector_load %arg6[%get3A_273, %get3A_274, %get3A_275] {strides = array<i32>} : memref<4x2x128xi32, #tpu.memory_space<vmem>>, vector<1x1x16xi32>,
    %get3A_277 = vector.shape_cast %get3A_276 : vector<1x1x16xi32> to vector<16xi32>
    %add3A_278 = vector.broadcast %mul3A_2 : i32 to vector<16xi32>
    %add3A_279 = arith.addi %get3A_277, %add3A_278 : vector<16xi32>
    %swap3A_280 = arith.constant 1 : i32
    %swap3A_281 = arith.constant 0 : i32
    %swap3A_282 = arith.index_cast %swap3A_280 : i32 to index
    %swap3A_283 = arith.index_cast %swap3A_281 : i32 to index
    %swap3A_284 = arith.constant 0 : index
    %swap3A_285 = tpu.vector_load %arg6[%swap3A_282, %swap3A_283, %swap3A_284] {strides = array<i32>} : memref<4x2x128xi32, #tpu.memory_space<vmem>>, vector<1x1x16xi32>,
    %swap3A_286 = vector.shape_cast %swap3A_285 : vector<1x1x16xi32> to vector<16xi32>
    %swap3A_287 = vector.shape_cast %add3A_279 : vector<16xi32> to vector<1x1x16xi32>
    tpu.vector_store %arg6[%swap3A_282, %swap3A_283, %swap3A_284], %swap3A_287 {strides = array<i32>} : memref<4x2x128xi32, #tpu.memory_space<vmem>>, vector<1x1x16xi32>,
    %get3A_288 = arith.constant 1 : i32
    %get3A_289 = arith.constant 0 : i32
    %get3A_290 = arith.index_cast %get3A_288 : i32 to index
    %get3A_291 = arith.index_cast %get3A_289 : i32 to index
    %get3A_292 = arith.constant 16 : index
    %get3A_293 = tpu.vector_load %arg6[%get3A_290, %get3A_291, %get3A_292] {strides = array<i32>} : memref<4x2x128xi32, #tpu.memory_space<vmem>>, vector<1x1x16xi32>,
    %get3A_294 = vector.shape_cast %get3A_293 : vector<1x1x16xi32> to vector<16xi32>
    %add3A_295 = vector.broadcast %mul3A_2 : i32 to vector<16xi32>
    %add3A_296 = arith.addi %get3A_294, %add3A_295 : vector<16xi32>
    %swap3A_297 = arith.constant 1 : i32
    %swap3A_298 = arith.constant 0 : i32
    %swap3A_299 = arith.index_cast %swap3A_297 : i32 to index
    %swap3A_300 = arith.index_cast %swap3A_298 : i32 to index
    %swap3A_301 = arith.constant 16 : index
    %swap3A_302 = tpu.vector_load %arg6[%swap3A_299, %swap3A_300, %swap3A_301] {strides = array<i32>} : memref<4x2x128xi32, #tpu.memory_space<vmem>>, vector<1x1x16xi32>,
    %swap3A_303 = vector.shape_cast %swap3A_302 : vector<1x1x16xi32> to vector<16xi32>
    %swap3A_304 = vector.shape_cast %add3A_296 : vector<16xi32> to vector<1x1x16xi32>
    tpu.vector_store %arg6[%swap3A_299, %swap3A_300, %swap3A_301], %swap3A_304 {strides = array<i32>} : memref<4x2x128xi32, #tpu.memory_space<vmem>>, vector<1x1x16xi32>,
    %get3A_305 = arith.constant 1 : i32
    %get3A_306 = arith.constant 0 : i32
    %get3A_307 = arith.index_cast %get3A_305 : i32 to index
    %get3A_308 = arith.index_cast %get3A_306 : i32 to index
    %get3A_309 = arith.constant 32 : index
    %get3A_310 = tpu.vector_load %arg6[%get3A_307, %get3A_308, %get3A_309] {strides = array<i32>} : memref<4x2x128xi32, #tpu.memory_space<vmem>>, vector<1x1x16xi32>,
    %get3A_311 = vector.shape_cast %get3A_310 : vector<1x1x16xi32> to vector<16xi32>
    %add3A_312 = vector.broadcast %mul3A_2 : i32 to vector<16xi32>
    %add3A_313 = arith.addi %get3A_311, %add3A_312 : vector<16xi32>
    %swap3A_314 = arith.constant 1 : i32
    %swap3A_315 = arith.constant 0 : i32
    %swap3A_316 = arith.index_cast %swap3A_314 : i32 to index
    %swap3A_317 = arith.index_cast %swap3A_315 : i32 to index
    %swap3A_318 = arith.constant 32 : index
    %swap3A_319 = tpu.vector_load %arg6[%swap3A_316, %swap3A_317, %swap3A_318] {strides = array<i32>} : memref<4x2x128xi32, #tpu.memory_space<vmem>>, vector<1x1x16xi32>,
    %swap3A_320 = vector.shape_cast %swap3A_319 : vector<1x1x16xi32> to vector<16xi32>
    %swap3A_321 = vector.shape_cast %add3A_313 : vector<16xi32> to vector<1x1x16xi32>
    tpu.vector_store %arg6[%swap3A_316, %swap3A_317, %swap3A_318], %swap3A_321 {strides = array<i32>} : memref<4x2x128xi32, #tpu.memory_space<vmem>>, vector<1x1x16xi32>,
    %get3A_322 = arith.constant 1 : i32
    %get3A_323 = arith.constant 0 : i32
    %get3A_324 = arith.index_cast %get3A_322 : i32 to index
    %get3A_325 = arith.index_cast %get3A_323 : i32 to index
    %get3A_326 = arith.constant 48 : index
    %get3A_327 = tpu.vector_load %arg6[%get3A_324, %get3A_325, %get3A_326] {strides = array<i32>} : memref<4x2x128xi32, #tpu.memory_space<vmem>>, vector<1x1x16xi32>,
    %get3A_328 = vector.shape_cast %get3A_327 : vector<1x1x16xi32> to vector<16xi32>
    %add3A_329 = vector.broadcast %mul3A_2 : i32 to vector<16xi32>
    %add3A_330 = arith.addi %get3A_328, %add3A_329 : vector<16xi32>
    %swap3A_331 = arith.constant 1 : i32
    %swap3A_332 = arith.constant 0 : i32
    %swap3A_333 = arith.index_cast %swap3A_331 : i32 to index
    %swap3A_334 = arith.index_cast %swap3A_332 : i32 to index
    %swap3A_335 = arith.constant 48 : index
    %swap3A_336 = tpu.vector_load %arg6[%swap3A_333, %swap3A_334, %swap3A_335] {strides = array<i32>} : memref<4x2x128xi32, #tpu.memory_space<vmem>>, vector<1x1x16xi32>,
    %swap3A_337 = vector.shape_cast %swap3A_336 : vector<1x1x16xi32> to vector<16xi32>
    %swap3A_338 = vector.shape_cast %add3A_330 : vector<16xi32> to vector<1x1x16xi32>
    tpu.vector_store %arg6[%swap3A_333, %swap3A_334, %swap3A_335], %swap3A_338 {strides = array<i32>} : memref<4x2x128xi32, #tpu.memory_space<vmem>>, vector<1x1x16xi32>,
    %get3A_339 = arith.constant 1 : i32
    %get3A_340 = arith.constant 0 : i32
    %get3A_341 = arith.index_cast %get3A_339 : i32 to index
    %get3A_342 = arith.index_cast %get3A_340 : i32 to index
    %get3A_343 = arith.constant 64 : index
    %get3A_344 = tpu.vector_load %arg6[%get3A_341, %get3A_342, %get3A_343] {strides = array<i32>} : memref<4x2x128xi32, #tpu.memory_space<vmem>>, vector<1x1x16xi32>,
    %get3A_345 = vector.shape_cast %get3A_344 : vector<1x1x16xi32> to vector<16xi32>
    %add3A_346 = vector.broadcast %mul3A_2 : i32 to vector<16xi32>
    %add3A_347 = arith.addi %get3A_345, %add3A_346 : vector<16xi32>
    %swap3A_348 = arith.constant 1 : i32
    %swap3A_349 = arith.constant 0 : i32
    %swap3A_350 = arith.index_cast %swap3A_348 : i32 to index
    %swap3A_351 = arith.index_cast %swap3A_349 : i32 to index
    %swap3A_352 = arith.constant 64 : index
    %swap3A_353 = tpu.vector_load %arg6[%swap3A_350, %swap3A_351, %swap3A_352] {strides = array<i32>} : memref<4x2x128xi32, #tpu.memory_space<vmem>>, vector<1x1x16xi32>,
    %swap3A_354 = vector.shape_cast %swap3A_353 : vector<1x1x16xi32> to vector<16xi32>
    %swap3A_355 = vector.shape_cast %add3A_347 : vector<16xi32> to vector<1x1x16xi32>
    tpu.vector_store %arg6[%swap3A_350, %swap3A_351, %swap3A_352], %swap3A_355 {strides = array<i32>} : memref<4x2x128xi32, #tpu.memory_space<vmem>>, vector<1x1x16xi32>,
    %get3A_356 = arith.constant 1 : i32
    %get3A_357 = arith.constant 0 : i32
    %get3A_358 = arith.index_cast %get3A_356 : i32 to index
    %get3A_359 = arith.index_cast %get3A_357 : i32 to index
    %get3A_360 = arith.constant 80 : index
    %get3A_361 = tpu.vector_load %arg6[%get3A_358, %get3A_359, %get3A_360] {strides = array<i32>} : memref<4x2x128xi32, #tpu.memory_space<vmem>>, vector<1x1x16xi32>,
    %get3A_362 = vector.shape_cast %get3A_361 : vector<1x1x16xi32> to vector<16xi32>
    %add3A_363 = vector.broadcast %mul3A_2 : i32 to vector<16xi32>
    %add3A_364 = arith.addi %get3A_362, %add3A_363 : vector<16xi32>
    %swap3A_365 = arith.constant 1 : i32
    %swap3A_366 = arith.constant 0 : i32
    %swap3A_367 = arith.index_cast %swap3A_365 : i32 to index
    %swap3A_368 = arith.index_cast %swap3A_366 : i32 to index
    %swap3A_369 = arith.constant 80 : index
    %swap3A_370 = tpu.vector_load %arg6[%swap3A_367, %swap3A_368, %swap3A_369] {strides = array<i32>} : memref<4x2x128xi32, #tpu.memory_space<vmem>>, vector<1x1x16xi32>,
    %swap3A_371 = vector.shape_cast %swap3A_370 : vector<1x1x16xi32> to vector<16xi32>
    %swap3A_372 = vector.shape_cast %add3A_364 : vector<16xi32> to vector<1x1x16xi32>
    tpu.vector_store %arg6[%swap3A_367, %swap3A_368, %swap3A_369], %swap3A_372 {strides = array<i32>} : memref<4x2x128xi32, #tpu.memory_space<vmem>>, vector<1x1x16xi32>,
    %get3A_373 = arith.constant 1 : i32
    %get3A_374 = arith.constant 0 : i32
    %get3A_375 = arith.index_cast %get3A_373 : i32 to index
    %get3A_376 = arith.index_cast %get3A_374 : i32 to index
    %get3A_377 = arith.constant 96 : index
    %get3A_378 = tpu.vector_load %arg6[%get3A_375, %get3A_376, %get3A_377] {strides = array<i32>} : memref<4x2x128xi32, #tpu.memory_space<vmem>>, vector<1x1x16xi32>,
    %get3A_379 = vector.shape_cast %get3A_378 : vector<1x1x16xi32> to vector<16xi32>
    %add3A_380 = vector.broadcast %mul3A_2 : i32 to vector<16xi32>
    %add3A_381 = arith.addi %get3A_379, %add3A_380 : vector<16xi32>
    %swap3A_382 = arith.constant 1 : i32
    %swap3A_383 = arith.constant 0 : i32
    %swap3A_384 = arith.index_cast %swap3A_382 : i32 to index
    %swap3A_385 = arith.index_cast %swap3A_383 : i32 to index
    %swap3A_386 = arith.constant 96 : index
    %swap3A_387 = tpu.vector_load %arg6[%swap3A_384, %swap3A_385, %swap3A_386] {strides = array<i32>} : memref<4x2x128xi32, #tpu.memory_space<vmem>>, vector<1x1x16xi32>,
    %swap3A_388 = vector.shape_cast %swap3A_387 : vector<1x1x16xi32> to vector<16xi32>
    %swap3A_389 = vector.shape_cast %add3A_381 : vector<16xi32> to vector<1x1x16xi32>
    tpu.vector_store %arg6[%swap3A_384, %swap3A_385, %swap3A_386], %swap3A_389 {strides = array<i32>} : memref<4x2x128xi32, #tpu.memory_space<vmem>>, vector<1x1x16xi32>,
    %get3A_390 = arith.constant 1 : i32
    %get3A_391 = arith.constant 0 : i32
    %get3A_392 = arith.index_cast %get3A_390 : i32 to index
    %get3A_393 = arith.index_cast %get3A_391 : i32 to index
    %get3A_394 = arith.constant 112 : index
    %get3A_395 = tpu.vector_load %arg6[%get3A_392, %get3A_393, %get3A_394] {strides = array<i32>} : memref<4x2x128xi32, #tpu.memory_space<vmem>>, vector<1x1x16xi32>,
    %get3A_396 = vector.shape_cast %get3A_395 : vector<1x1x16xi32> to vector<16xi32>
    %add3A_397 = vector.broadcast %mul3A_2 : i32 to vector<16xi32>
    %add3A_398 = arith.addi %get3A_396, %add3A_397 : vector<16xi32>
    %swap3A_399 = arith.constant 1 : i32
    %swap3A_400 = arith.constant 0 : i32
    %swap3A_401 = arith.index_cast %swap3A_399 : i32 to index
    %swap3A_402 = arith.index_cast %swap3A_400 : i32 to index
    %swap3A_403 = arith.constant 112 : index
    %swap3A_404 = tpu.vector_load %arg6[%swap3A_401, %swap3A_402, %swap3A_403] {strides = array<i32>} : memref<4x2x128xi32, #tpu.memory_space<vmem>>, vector<1x1x16xi32>,
    %swap3A_405 = vector.shape_cast %swap3A_404 : vector<1x1x16xi32> to vector<16xi32>
    %swap3A_406 = vector.shape_cast %add3A_398 : vector<16xi32> to vector<1x1x16xi32>
    tpu.vector_store %arg6[%swap3A_401, %swap3A_402, %swap3A_403], %swap3A_406 {strides = array<i32>} : memref<4x2x128xi32, #tpu.memory_space<vmem>>, vector<1x1x16xi32>,
    %dma_start3A_407 = arith.constant 1 : i32
    %dma_start3A_408 = arith.constant 0 : i32
    %dma_start3A_409 = arith.constant 0 : i32
    %dma_start3A_410 = tpu.memref_slice %arg6[%dma_start3A_407, %dma_start3A_408, %dma_start3A_409] : memref<4x2x128xi32, #tpu.memory_space<vmem>> -> memref<1x1x128xi32, #tpu.memory_space<vmem>>
    %dma_start3A_411 = tpu.memref_squeeze %dma_start3A_410 : memref<1x1x128xi32, #tpu.memory_space<vmem>> -> memref<128xi32, #tpu.memory_space<vmem>>
    %dma_start3A_412 = arith.constant 0 : i32
    %dma_start3A_413 = arith.constant 0 : i32
    %dma_start3A_414 = tpu.memref_slice %arg2[%dma_start3A_412, %dma_start3A_413] : memref<20480x128xf32, #tpu.memory_space<hbm>> -> memref<20480x128xf32, #tpu.memory_space<hbm>>
    tpu.enqueue_indirect_dma source(%dma_start3A_414 : memref<20480x128xf32, #tpu.memory_space<hbm>>) target(%arg8 : memref<128x128xf32, #tpu.memory_space<vmem>>) offsets(%dma_start3A_411 : memref<128xi32, #tpu.memory_space<vmem>>) semaphore(%arg14 : memref<!tpu.dma_semaphore, #tpu.memory_space<semaphore_mem>>)
    %scan3A_415 = arith.constant 0 : i32
    %scan3A_416 = arith.constant 0 : i32
    %scan3A_417 = arith.constant 39 : i32
    %scan3A_418 = arith.addi %scan3A_416, %scan3A_417 : i32
    %scan3A_419 = arith.constant 1 : i32
    %scan3A_420 = scf.for %scan3A_449 = %scan3A_416 to %scan3A_418 step %scan3A_419 iter_args(%scan3A_450 = %scan3A_415) -> (i32)  : i32 {
      %mul3A_451 = arith.constant 4 : i32
      %mul3A_452 = arith.muli %mul3A_451, %scan3A_449 : i32
      %add3A_453 = arith.constant 0 : i32
      %add3A_454 = arith.addi %mul3A_452, %add3A_453 : i32
      %dma_wait3A_455 = arith.constant 0 : i32
      %dma_wait3A_456 = arith.constant 0 : i32
      %dma_wait3A_457 = arith.constant 0 : i32
      %dma_wait3A_458 = tpu.memref_slice %arg6[%dma_wait3A_455, %dma_wait3A_456, %dma_wait3A_457] : memref<4x2x128xi32, #tpu.memory_space<vmem>> -> memref<1x1x128xi32, #tpu.memory_space<vmem>>
      %dma_wait3A_459 = tpu.memref_squeeze %dma_wait3A_458 : memref<1x1x128xi32, #tpu.memory_space<vmem>> -> memref<128xi32, #tpu.memory_space<vmem>>
      %dma_wait3A_460 = arith.constant 0 : i32
      %dma_wait3A_461 = arith.constant 0 : i32
      %dma_wait3A_462 = tpu.memref_slice %arg2[%dma_wait3A_460, %dma_wait3A_461] : memref<20480x128xf32, #tpu.memory_space<hbm>> -> memref<20480x128xf32, #tpu.memory_space<hbm>>
      tpu.wait_indirect_dma semaphore(%arg13 : memref<!tpu.dma_semaphore, #tpu.memory_space<semaphore_mem>>) src(%dma_wait3A_462 : memref<20480x128xf32, #tpu.memory_space<hbm>>) dst(%arg7 : memref<128x128xf32, #tpu.memory_space<vmem>>)
      %run_scoped3A_463 = arith.constant 0 : i32
      %run_scoped3A_464 = arith.constant 1 : i32
      "tpu.region"() ({
        %run_scoped3A_561 = tpu.sem_alloc : memref<!tpu.dma_semaphore, #tpu.memory_space<semaphore_mem>>
        %dma_start3A_562 = arith.constant 0 : i32
        %dma_start3A_563 = tpu.memref_slice %arg6[%run_scoped3A_463, %run_scoped3A_464, %dma_start3A_562] : memref<4x2x128xi32, #tpu.memory_space<vmem>> -> memref<1x1x128xi32, #tpu.memory_space<vmem>>
        %dma_start3A_564 = tpu.memref_squeeze %dma_start3A_563 : memref<1x1x128xi32, #tpu.memory_space<vmem>> -> memref<128xi32, #tpu.memory_space<vmem>>
        %dma_start3A_565 = arith.constant 0 : i32
        %dma_start3A_566 = arith.constant 0 : i32
        %dma_start3A_567 = tpu.memref_slice %arg5[%dma_start3A_565, %dma_start3A_566] : memref<10240x128xf32, #tpu.memory_space<vmem_shared>> -> memref<10240x128xf32, #tpu.memory_space<vmem_shared>>
        tpu.enqueue_indirect_dma source(%arg7 : memref<128x128xf32, #tpu.memory_space<vmem>>) target(%dma_start3A_567 : memref<10240x128xf32, #tpu.memory_space<vmem_shared>>) offsets(%dma_start3A_564 : memref<128xi32, #tpu.memory_space<vmem>>) semaphore(%run_scoped3A_561 : memref<!tpu.dma_semaphore, #tpu.memory_space<semaphore_mem>>) {add = true}
        %dma_wait3A_568 = arith.constant 0 : i32
        %dma_wait3A_569 = tpu.memref_slice %arg6[%run_scoped3A_463, %run_scoped3A_464, %dma_wait3A_568] : memref<4x2x128xi32, #tpu.memory_space<vmem>> -> memref<1x1x128xi32, #tpu.memory_space<vmem>>
        %dma_wait3A_570 = tpu.memref_squeeze %dma_wait3A_569 : memref<1x1x128xi32, #tpu.memory_space<vmem>> -> memref<128xi32, #tpu.memory_space<vmem>>
        %dma_wait3A_571 = arith.constant 0 : i32
        %dma_wait3A_572 = arith.constant 0 : i32
        %dma_wait3A_573 = tpu.memref_slice %arg5[%dma_wait3A_571, %dma_wait3A_572] : memref<10240x128xf32, #tpu.memory_space<vmem_shared>> -> memref<10240x128xf32, #tpu.memory_space<vmem_shared>>
        tpu.wait_indirect_dma semaphore(%run_scoped3A_561 : memref<!tpu.dma_semaphore, #tpu.memory_space<semaphore_mem>>) src(%arg7 : memref<128x128xf32, #tpu.memory_space<vmem>>) dst(%dma_wait3A_573 : memref<10240x128xf32, #tpu.memory_space<vmem_shared>>)
        tpu.yield
      }) : () -> ()
      %add3A_465 = arith.constant 4 : i32
      %add3A_466 = arith.addi %add3A_454, %add3A_465 : i32
      %lt3A = arith.constant 158 : i32
      %lt3A_467 = arith.cmpi slt, %add3A_466, %lt3A : i32
      %convert_element_type3A = arith.extui %lt3A_467 : i1 to i32
      %cond3A = arith.constant 0 : i32
      %cond3A_468 = arith.cmpi ne, %convert_element_type3A, %cond3A : i32
      scf.if %cond3A_468 {
        %add3A_561 = arith.addi %mul3A_4, %add3A_454 : i32
        %add3A_562 = arith.constant 4 : i32
        %add3A_563 = arith.addi %add3A_561, %add3A_562 : i32
        %dma_start3A_564 = arith.constant 0 : i32
        %dma_start3A_565 = arith.constant 0 : i32
        %dma_start3A_566 = arith.constant 0 : i32
        %dma_start3A_567 = tpu.memref_slice %arg6[%dma_start3A_564, %dma_start3A_565, %dma_start3A_566] : memref<4x2x128xi32, #tpu.memory_space<vmem>> -> memref<1x2x128xi32, #tpu.memory_space<vmem>>
        %dma_start3A_568 = tpu.memref_squeeze %dma_start3A_567 : memref<1x2x128xi32, #tpu.memory_space<vmem>> -> memref<2x128xi32, #tpu.memory_space<vmem>>
        %dma_start3A_569 = arith.constant 0 : i32
        %dma_start3A_570 = arith.constant 0 : i32
        %dma_start3A_571 = tpu.memref_slice %arg3[%add3A_563, %dma_start3A_569, %dma_start3A_570] : memref<2528x2x128xi32, #tpu.memory_space<hbm>> -> memref<1x2x128xi32, #tpu.memory_space<hbm>>
        %dma_start3A_572 = tpu.memref_squeeze %dma_start3A_571 : memref<1x2x128xi32, #tpu.memory_space<hbm>> -> memref<2x128xi32, #tpu.memory_space<hbm>>
        %dma_start3A_573 = arith.constant 0 : i32
        %dma_start3A_574 = arith.constant 0 : i32
        %dma_start3A_575 = tpu.memref_slice %arg6[%dma_start3A_564, %dma_start3A_573, %dma_start3A_574] : memref<4x2x128xi32, #tpu.memory_space<vmem>> -> memref<1x2x128xi32, #tpu.memory_space<vmem>>
        %dma_start3A_576 = tpu.memref_squeeze %dma_start3A_575 : memref<1x2x128xi32, #tpu.memory_space<vmem>> -> memref<2x128xi32, #tpu.memory_space<vmem>>
        %dma_start3A_577 = arith.constant 0 : i32
        %dma_start3A_578 = arith.constant 0 : i32
        %dma_start3A_579 = tpu.memref_slice %arg3[%add3A_563, %dma_start3A_577, %dma_start3A_578] : memref<2528x2x128xi32, #tpu.memory_space<hbm>> -> memref<1x2x128xi32, #tpu.memory_space<hbm>>
        %dma_start3A_580 = tpu.memref_squeeze %dma_start3A_579 : memref<1x2x128xi32, #tpu.memory_space<hbm>> -> memref<2x128xi32, #tpu.memory_space<hbm>>
        tpu.enqueue_dma source(%dma_start3A_580 : memref<2x128xi32, #tpu.memory_space<hbm>>) target(%dma_start3A_576 : memref<2x128xi32, #tpu.memory_space<vmem>>) target_semaphore(%arg9 : memref<!tpu.dma_semaphore, #tpu.memory_space<semaphore_mem>>)
      } else {
      }
      %add3A_469 = arith.constant 2 : i32
      %add3A_470 = arith.addi %add3A_454, %add3A_469 : i32
      %lt3A_471 = arith.constant 158 : i32
      %lt3A_472 = arith.cmpi slt, %add3A_470, %lt3A_471 : i32
      %convert_element_type3A_473 = arith.extui %lt3A_472 : i1 to i32
      %cond3A_474 = arith.constant 0 : i32
      %cond3A_475 = arith.cmpi ne, %convert_element_type3A_473, %cond3A_474 : i32
      scf.if %cond3A_475 {
        %add3A_561 = arith.addi %mul3A_4, %add3A_454 : i32
        %add3A_562 = arith.constant 2 : i32
        %add3A_563 = arith.addi %add3A_561, %add3A_562 : i32
        %dma_wait3A_564 = arith.constant 2 : i32
        %dma_wait3A_565 = arith.constant 0 : i32
        %dma_wait3A_566 = arith.constant 0 : i32
        %dma_wait3A_567 = tpu.memref_slice %arg6[%dma_wait3A_564, %dma_wait3A_565, %dma_wait3A_566] : memref<4x2x128xi32, #tpu.memory_space<vmem>> -> memref<1x2x128xi32, #tpu.memory_space<vmem>>
        %dma_wait3A_568 = tpu.memref_squeeze %dma_wait3A_567 : memref<1x2x128xi32, #tpu.memory_space<vmem>> -> memref<2x128xi32, #tpu.memory_space<vmem>>
        %dma_wait3A_569 = arith.constant 0 : i32
        %dma_wait3A_570 = arith.constant 0 : i32
        %dma_wait3A_571 = tpu.memref_slice %arg3[%add3A_563, %dma_wait3A_569, %dma_wait3A_570] : memref<2528x2x128xi32, #tpu.memory_space<hbm>> -> memref<1x2x128xi32, #tpu.memory_space<hbm>>
        %dma_wait3A_572 = tpu.memref_squeeze %dma_wait3A_571 : memref<1x2x128xi32, #tpu.memory_space<hbm>> -> memref<2x128xi32, #tpu.memory_space<hbm>>
        %dma_wait3A_573 = arith.constant 0 : i32
        %dma_wait3A_574 = arith.constant 0 : i32
        %dma_wait3A_575 = tpu.memref_slice %arg6[%dma_wait3A_564, %dma_wait3A_573, %dma_wait3A_574] : memref<4x2x128xi32, #tpu.memory_space<vmem>> -> memref<1x2x128xi32, #tpu.memory_space<vmem>>
        %dma_wait3A_576 = tpu.memref_squeeze %dma_wait3A_575 : memref<1x2x128xi32, #tpu.memory_space<vmem>> -> memref<2x128xi32, #tpu.memory_space<vmem>>
        %dma_wait3A_577 = arith.constant 0 : i32
        %dma_wait3A_578 = arith.constant 0 : i32
        %dma_wait3A_579 = tpu.memref_slice %arg3[%add3A_563, %dma_wait3A_577, %dma_wait3A_578] : memref<2528x2x128xi32, #tpu.memory_space<hbm>> -> memref<1x2x128xi32, #tpu.memory_space<hbm>>
        %dma_wait3A_580 = tpu.memref_squeeze %dma_wait3A_579 : memref<1x2x128xi32, #tpu.memory_space<hbm>> -> memref<2x128xi32, #tpu.memory_space<hbm>>
        tpu.wait_dma2 semaphore(%arg11 : memref<!tpu.dma_semaphore, #tpu.memory_space<semaphore_mem>>) src(%dma_wait3A_580 : memref<2x128xi32, #tpu.memory_space<hbm>>) dst(%dma_wait3A_576 : memref<2x128xi32, #tpu.memory_space<vmem>>)
        %get3A_581 = arith.constant 2 : i32
        %get3A_582 = arith.constant 0 : i32
        %get3A_583 = arith.index_cast %get3A_581 : i32 to index
        %get3A_584 = arith.index_cast %get3A_582 : i32 to index
        %get3A_585 = arith.constant 0 : index
        %get3A_586 = tpu.vector_load %arg6[%get3A_583, %get3A_584, %get3A_585] {strides = array<i32>} : memref<4x2x128xi32, #tpu.memory_space<vmem>>, vector<1x1x16xi32>,
        %get3A_587 = vector.shape_cast %get3A_586 : vector<1x1x16xi32> to vector<16xi32>
        %add3A_588 = vector.broadcast %mul3A_2 : i32 to vector<16xi32>
        %add3A_589 = arith.addi %get3A_587, %add3A_588 : vector<16xi32>
        %swap3A_590 = arith.constant 2 : i32
        %swap3A_591 = arith.constant 0 : i32
        %swap3A_592 = arith.index_cast %swap3A_590 : i32 to index
        %swap3A_593 = arith.index_cast %swap3A_591 : i32 to index
        %swap3A_594 = arith.constant 0 : index
        %swap3A_595 = tpu.vector_load %arg6[%swap3A_592, %swap3A_593, %swap3A_594] {strides = array<i32>} : memref<4x2x128xi32, #tpu.memory_space<vmem>>, vector<1x1x16xi32>,
        %swap3A_596 = vector.shape_cast %swap3A_595 : vector<1x1x16xi32> to vector<16xi32>
        %swap3A_597 = vector.shape_cast %add3A_589 : vector<16xi32> to vector<1x1x16xi32>
        tpu.vector_store %arg6[%swap3A_592, %swap3A_593, %swap3A_594], %swap3A_597 {strides = array<i32>} : memref<4x2x128xi32, #tpu.memory_space<vmem>>, vector<1x1x16xi32>,
        %get3A_598 = arith.constant 2 : i32
        %get3A_599 = arith.constant 0 : i32
        %get3A_600 = arith.index_cast %get3A_598 : i32 to index
        %get3A_601 = arith.index_cast %get3A_599 : i32 to index
        %get3A_602 = arith.constant 16 : index
        %get3A_603 = tpu.vector_load %arg6[%get3A_600, %get3A_601, %get3A_602] {strides = array<i32>} : memref<4x2x128xi32, #tpu.memory_space<vmem>>, vector<1x1x16xi32>,
        %get3A_604 = vector.shape_cast %get3A_603 : vector<1x1x16xi32> to vector<16xi32>
        %add3A_605 = vector.broadcast %mul3A_2 : i32 to vector<16xi32>
        %add3A_606 = arith.addi %get3A_604, %add3A_605 : vector<16xi32>
        %swap3A_607 = arith.constant 2 : i32
        %swap3A_608 = arith.constant 0 : i32
        %swap3A_609 = arith.index_cast %swap3A_607 : i32 to index
        %swap3A_610 = arith.index_cast %swap3A_608 : i32 to index
        %swap3A_611 = arith.constant 16 : index
        %swap3A_612 = tpu.vector_load %arg6[%swap3A_609, %swap3A_610, %swap3A_611] {strides = array<i32>} : memref<4x2x128xi32, #tpu.memory_space<vmem>>, vector<1x1x16xi32>,
        %swap3A_613 = vector.shape_cast %swap3A_612 : vector<1x1x16xi32> to vector<16xi32>
        %swap3A_614 = vector.shape_cast %add3A_606 : vector<16xi32> to vector<1x1x16xi32>
        tpu.vector_store %arg6[%swap3A_609, %swap3A_610, %swap3A_611], %swap3A_614 {strides = array<i32>} : memref<4x2x128xi32, #tpu.memory_space<vmem>>, vector<1x1x16xi32>,
        %get3A_615 = arith.constant 2 : i32
        %get3A_616 = arith.constant 0 : i32
        %get3A_617 = arith.index_cast %get3A_615 : i32 to index
        %get3A_618 = arith.index_cast %get3A_616 : i32 to index
        %get3A_619 = arith.constant 32 : index
        %get3A_620 = tpu.vector_load %arg6[%get3A_617, %get3A_618, %get3A_619] {strides = array<i32>} : memref<4x2x128xi32, #tpu.memory_space<vmem>>, vector<1x1x16xi32>,
        %get3A_621 = vector.shape_cast %get3A_620 : vector<1x1x16xi32> to vector<16xi32>
        %add3A_622 = vector.broadcast %mul3A_2 : i32 to vector<16xi32>
        %add3A_623 = arith.addi %get3A_621, %add3A_622 : vector<16xi32>
        %swap3A_624 = arith.constant 2 : i32
        %swap3A_625 = arith.constant 0 : i32
        %swap3A_626 = arith.index_cast %swap3A_624 : i32 to index
        %swap3A_627 = arith.index_cast %swap3A_625 : i32 to index
        %swap3A_628 = arith.constant 32 : index
        %swap3A_629 = tpu.vector_load %arg6[%swap3A_626, %swap3A_627, %swap3A_628] {strides = array<i32>} : memref<4x2x128xi32, #tpu.memory_space<vmem>>, vector<1x1x16xi32>,
        %swap3A_630 = vector.shape_cast %swap3A_629 : vector<1x1x16xi32> to vector<16xi32>
        %swap3A_631 = vector.shape_cast %add3A_623 : vector<16xi32> to vector<1x1x16xi32>
        tpu.vector_store %arg6[%swap3A_626, %swap3A_627, %swap3A_628], %swap3A_631 {strides = array<i32>} : memref<4x2x128xi32, #tpu.memory_space<vmem>>, vector<1x1x16xi32>,
        %get3A_632 = arith.constant 2 : i32
        %get3A_633 = arith.constant 0 : i32
        %get3A_634 = arith.index_cast %get3A_632 : i32 to index
        %get3A_635 = arith.index_cast %get3A_633 : i32 to index
        %get3A_636 = arith.constant 48 : index
        %get3A_637 = tpu.vector_load %arg6[%get3A_634, %get3A_635, %get3A_636] {strides = array<i32>} : memref<4x2x128xi32, #tpu.memory_space<vmem>>, vector<1x1x16xi32>,
        %get3A_638 = vector.shape_cast %get3A_637 : vector<1x1x16xi32> to vector<16xi32>
        %add3A_639 = vector.broadcast %mul3A_2 : i32 to vector<16xi32>
        %add3A_640 = arith.addi %get3A_638, %add3A_639 : vector<16xi32>
        %swap3A_641 = arith.constant 2 : i32
        %swap3A_642 = arith.constant 0 : i32
        %swap3A_643 = arith.index_cast %swap3A_641 : i32 to index
        %swap3A_644 = arith.index_cast %swap3A_642 : i32 to index
        %swap3A_645 = arith.constant 48 : index
        %swap3A_646 = tpu.vector_load %arg6[%swap3A_643, %swap3A_644, %swap3A_645] {strides = array<i32>} : memref<4x2x128xi32, #tpu.memory_space<vmem>>, vector<1x1x16xi32>,
        %swap3A_647 = vector.shape_cast %swap3A_646 : vector<1x1x16xi32> to vector<16xi32>
        %swap3A_648 = vector.shape_cast %add3A_640 : vector<16xi32> to vector<1x1x16xi32>
        tpu.vector_store %arg6[%swap3A_643, %swap3A_644, %swap3A_645], %swap3A_648 {strides = array<i32>} : memref<4x2x128xi32, #tpu.memory_space<vmem>>, vector<1x1x16xi32>,
        %get3A_649 = arith.constant 2 : i32
        %get3A_650 = arith.constant 0 : i32
        %get3A_651 = arith.index_cast %get3A_649 : i32 to index
        %get3A_652 = arith.index_cast %get3A_650 : i32 to index
        %get3A_653 = arith.constant 64 : index
        %get3A_654 = tpu.vector_load %arg6[%get3A_651, %get3A_652, %get3A_653] {strides = array<i32>} : memref<4x2x128xi32, #tpu.memory_space<vmem>>, vector<1x1x16xi32>,
        %get3A_655 = vector.shape_cast %get3A_654 : vector<1x1x16xi32> to vector<16xi32>
        %add3A_656 = vector.broadcast %mul3A_2 : i32 to vector<16xi32>
        %add3A_657 = arith.addi %get3A_655, %add3A_656 : vector<16xi32>
        %swap3A_658 = arith.constant 2 : i32
        %swap3A_659 = arith.constant 0 : i32
        %swap3A_660 = arith.index_cast %swap3A_658 : i32 to index
        %swap3A_661 = arith.index_cast %swap3A_659 : i32 to index
        %swap3A_662 = arith.constant 64 : index
        %swap3A_663 = tpu.vector_load %arg6[%swap3A_660, %swap3A_661, %swap3A_662] {strides = array<i32>} : memref<4x2x128xi32, #tpu.memory_space<vmem>>, vector<1x1x16xi32>,
        %swap3A_664 = vector.shape_cast %swap3A_663 : vector<1x1x16xi32> to vector<16xi32>
        %swap3A_665 = vector.shape_cast %add3A_657 : vector<16xi32> to vector<1x1x16xi32>
        tpu.vector_store %arg6[%swap3A_660, %swap3A_661, %swap3A_662], %swap3A_665 {strides = array<i32>} : memref<4x2x128xi32, #tpu.memory_space<vmem>>, vector<1x1x16xi32>,
        %get3A_666 = arith.constant 2 : i32
        %get3A_667 = arith.constant 0 : i32
        %get3A_668 = arith.index_cast %get3A_666 : i32 to index
        %get3A_669 = arith.index_cast %get3A_667 : i32 to index
        %get3A_670 = arith.constant 80 : index
        %get3A_671 = tpu.vector_load %arg6[%get3A_668, %get3A_669, %get3A_670] {strides = array<i32>} : memref<4x2x128xi32, #tpu.memory_space<vmem>>, vector<1x1x16xi32>,
        %get3A_672 = vector.shape_cast %get3A_671 : vector<1x1x16xi32> to vector<16xi32>
        %add3A_673 = vector.broadcast %mul3A_2 : i32 to vector<16xi32>
        %add3A_674 = arith.addi %get3A_672, %add3A_673 : vector<16xi32>
        %swap3A_675 = arith.constant 2 : i32
        %swap3A_676 = arith.constant 0 : i32
        %swap3A_677 = arith.index_cast %swap3A_675 : i32 to index
        %swap3A_678 = arith.index_cast %swap3A_676 : i32 to index
        %swap3A_679 = arith.constant 80 : index
        %swap3A_680 = tpu.vector_load %arg6[%swap3A_677, %swap3A_678, %swap3A_679] {strides = array<i32>} : memref<4x2x128xi32, #tpu.memory_space<vmem>>, vector<1x1x16xi32>,
        %swap3A_681 = vector.shape_cast %swap3A_680 : vector<1x1x16xi32> to vector<16xi32>
        %swap3A_682 = vector.shape_cast %add3A_674 : vector<16xi32> to vector<1x1x16xi32>
        tpu.vector_store %arg6[%swap3A_677, %swap3A_678, %swap3A_679], %swap3A_682 {strides = array<i32>} : memref<4x2x128xi32, #tpu.memory_space<vmem>>, vector<1x1x16xi32>,
        %get3A_683 = arith.constant 2 : i32
        %get3A_684 = arith.constant 0 : i32
        %get3A_685 = arith.index_cast %get3A_683 : i32 to index
        %get3A_686 = arith.index_cast %get3A_684 : i32 to index
        %get3A_687 = arith.constant 96 : index
        %get3A_688 = tpu.vector_load %arg6[%get3A_685, %get3A_686, %get3A_687] {strides = array<i32>} : memref<4x2x128xi32, #tpu.memory_space<vmem>>, vector<1x1x16xi32>,
        %get3A_689 = vector.shape_cast %get3A_688 : vector<1x1x16xi32> to vector<16xi32>
        %add3A_690 = vector.broadcast %mul3A_2 : i32 to vector<16xi32>
        %add3A_691 = arith.addi %get3A_689, %add3A_690 : vector<16xi32>
        %swap3A_692 = arith.constant 2 : i32
        %swap3A_693 = arith.constant 0 : i32
        %swap3A_694 = arith.index_cast %swap3A_692 : i32 to index
        %swap3A_695 = arith.index_cast %swap3A_693 : i32 to index
        %swap3A_696 = arith.constant 96 : index
        %swap3A_697 = tpu.vector_load %arg6[%swap3A_694, %swap3A_695, %swap3A_696] {strides = array<i32>} : memref<4x2x128xi32, #tpu.memory_space<vmem>>, vector<1x1x16xi32>,
        %swap3A_698 = vector.shape_cast %swap3A_697 : vector<1x1x16xi32> to vector<16xi32>
        %swap3A_699 = vector.shape_cast %add3A_691 : vector<16xi32> to vector<1x1x16xi32>
        tpu.vector_store %arg6[%swap3A_694, %swap3A_695, %swap3A_696], %swap3A_699 {strides = array<i32>} : memref<4x2x128xi32, #tpu.memory_space<vmem>>, vector<1x1x16xi32>,
        %get3A_700 = arith.constant 2 : i32
        %get3A_701 = arith.constant 0 : i32
        %get3A_702 = arith.index_cast %get3A_700 : i32 to index
        %get3A_703 = arith.index_cast %get3A_701 : i32 to index
        %get3A_704 = arith.constant 112 : index
        %get3A_705 = tpu.vector_load %arg6[%get3A_702, %get3A_703, %get3A_704] {strides = array<i32>} : memref<4x2x128xi32, #tpu.memory_space<vmem>>, vector<1x1x16xi32>,
        %get3A_706 = vector.shape_cast %get3A_705 : vector<1x1x16xi32> to vector<16xi32>
        %add3A_707 = vector.broadcast %mul3A_2 : i32 to vector<16xi32>
        %add3A_708 = arith.addi %get3A_706, %add3A_707 : vector<16xi32>
        %swap3A_709 = arith.constant 2 : i32
        %swap3A_710 = arith.constant 0 : i32
        %swap3A_711 = arith.index_cast %swap3A_709 : i32 to index
        %swap3A_712 = arith.index_cast %swap3A_710 : i32 to index
        %swap3A_713 = arith.constant 112 : index
        %swap3A_714 = tpu.vector_load %arg6[%swap3A_711, %swap3A_712, %swap3A_713] {strides = array<i32>} : memref<4x2x128xi32, #tpu.memory_space<vmem>>, vector<1x1x16xi32>,
        %swap3A_715 = vector.shape_cast %swap3A_714 : vector<1x1x16xi32> to vector<16xi32>
        %swap3A_716 = vector.shape_cast %add3A_708 : vector<16xi32> to vector<1x1x16xi32>
        tpu.vector_store %arg6[%swap3A_711, %swap3A_712, %swap3A_713], %swap3A_716 {strides = array<i32>} : memref<4x2x128xi32, #tpu.memory_space<vmem>>, vector<1x1x16xi32>,
        %dma_start3A_717 = arith.constant 2 : i32
        %dma_start3A_718 = arith.constant 0 : i32
        %dma_start3A_719 = arith.constant 0 : i32
        %dma_start3A_720 = tpu.memref_slice %arg6[%dma_start3A_717, %dma_start3A_718, %dma_start3A_719] : memref<4x2x128xi32, #tpu.memory_space<vmem>> -> memref<1x1x128xi32, #tpu.memory_space<vmem>>
        %dma_start3A_721 = tpu.memref_squeeze %dma_start3A_720 : memref<1x1x128xi32, #tpu.memory_space<vmem>> -> memref<128xi32, #tpu.memory_space<vmem>>
        %dma_start3A_722 = arith.constant 0 : i32
        %dma_start3A_723 = arith.constant 0 : i32
        %dma_start3A_724 = tpu.memref_slice %arg2[%dma_start3A_722, %dma_start3A_723] : memref<20480x128xf32, #tpu.memory_space<hbm>> -> memref<20480x128xf32, #tpu.memory_space<hbm>>
        tpu.enqueue_indirect_dma source(%dma_start3A_724 : memref<20480x128xf32, #tpu.memory_space<hbm>>) target(%arg7 : memref<128x128xf32, #tpu.memory_space<vmem>>) offsets(%dma_start3A_721 : memref<128xi32, #tpu.memory_space<vmem>>) semaphore(%arg13 : memref<!tpu.dma_semaphore, #tpu.memory_space<semaphore_mem>>)
      } else {
      }
      %mul3A_476 = arith.constant 4 : i32
      %mul3A_477 = arith.muli %mul3A_476, %scan3A_449 : i32
      %add3A_478 = arith.constant 1 : i32
      %add3A_479 = arith.addi %mul3A_477, %add3A_478 : i32
      %dma_wait3A_480 = arith.constant 1 : i32
      %dma_wait3A_481 = arith.constant 0 : i32
      %dma_wait3A_482 = arith.constant 0 : i32
      %dma_wait3A_483 = tpu.memref_slice %arg6[%dma_wait3A_480, %dma_wait3A_481, %dma_wait3A_482] : memref<4x2x128xi32, #tpu.memory_space<vmem>> -> memref<1x1x128xi32, #tpu.memory_space<vmem>>
      %dma_wait3A_484 = tpu.memref_squeeze %dma_wait3A_483 : memref<1x1x128xi32, #tpu.memory_space<vmem>> -> memref<128xi32, #tpu.memory_space<vmem>>
      %dma_wait3A_485 = arith.constant 0 : i32
      %dma_wait3A_486 = arith.constant 0 : i32
      %dma_wait3A_487 = tpu.memref_slice %arg2[%dma_wait3A_485, %dma_wait3A_486] : memref<20480x128xf32, #tpu.memory_space<hbm>> -> memref<20480x128xf32, #tpu.memory_space<hbm>>
      tpu.wait_indirect_dma semaphore(%arg14 : memref<!tpu.dma_semaphore, #tpu.memory_space<semaphore_mem>>) src(%dma_wait3A_487 : memref<20480x128xf32, #tpu.memory_space<hbm>>) dst(%arg8 : memref<128x128xf32, #tpu.memory_space<vmem>>)
      %run_scoped3A_488 = arith.constant 1 : i32
      %run_scoped3A_489 = arith.constant 1 : i32
      "tpu.region"() ({
        %run_scoped3A_561 = tpu.sem_alloc : memref<!tpu.dma_semaphore, #tpu.memory_space<semaphore_mem>>
        %dma_start3A_562 = arith.constant 0 : i32
        %dma_start3A_563 = tpu.memref_slice %arg6[%run_scoped3A_488, %run_scoped3A_489, %dma_start3A_562] : memref<4x2x128xi32, #tpu.memory_space<vmem>> -> memref<1x1x128xi32, #tpu.memory_space<vmem>>
        %dma_start3A_564 = tpu.memref_squeeze %dma_start3A_563 : memref<1x1x128xi32, #tpu.memory_space<vmem>> -> memref<128xi32, #tpu.memory_space<vmem>>
        %dma_start3A_565 = arith.constant 0 : i32
        %dma_start3A_566 = arith.constant 0 : i32
        %dma_start3A_567 = tpu.memref_slice %arg5[%dma_start3A_565, %dma_start3A_566] : memref<10240x128xf32, #tpu.memory_space<vmem_shared>> -> memref<10240x128xf32, #tpu.memory_space<vmem_shared>>
        tpu.enqueue_indirect_dma source(%arg8 : memref<128x128xf32, #tpu.memory_space<vmem>>) target(%dma_start3A_567 : memref<10240x128xf32, #tpu.memory_space<vmem_shared>>) offsets(%dma_start3A_564 : memref<128xi32, #tpu.memory_space<vmem>>) semaphore(%run_scoped3A_561 : memref<!tpu.dma_semaphore, #tpu.memory_space<semaphore_mem>>) {add = true}
        %dma_wait3A_568 = arith.constant 0 : i32
        %dma_wait3A_569 = tpu.memref_slice %arg6[%run_scoped3A_488, %run_scoped3A_489, %dma_wait3A_568] : memref<4x2x128xi32, #tpu.memory_space<vmem>> -> memref<1x1x128xi32, #tpu.memory_space<vmem>>
        %dma_wait3A_570 = tpu.memref_squeeze %dma_wait3A_569 : memref<1x1x128xi32, #tpu.memory_space<vmem>> -> memref<128xi32, #tpu.memory_space<vmem>>
        %dma_wait3A_571 = arith.constant 0 : i32
        %dma_wait3A_572 = arith.constant 0 : i32
        %dma_wait3A_573 = tpu.memref_slice %arg5[%dma_wait3A_571, %dma_wait3A_572] : memref<10240x128xf32, #tpu.memory_space<vmem_shared>> -> memref<10240x128xf32, #tpu.memory_space<vmem_shared>>
        tpu.wait_indirect_dma semaphore(%run_scoped3A_561 : memref<!tpu.dma_semaphore, #tpu.memory_space<semaphore_mem>>) src(%arg8 : memref<128x128xf32, #tpu.memory_space<vmem>>) dst(%dma_wait3A_573 : memref<10240x128xf32, #tpu.memory_space<vmem_shared>>)
        tpu.yield
      }) : () -> ()
      %add3A_490 = arith.constant 4 : i32
      %add3A_491 = arith.addi %add3A_479, %add3A_490 : i32
      %lt3A_492 = arith.constant 158 : i32
      %lt3A_493 = arith.cmpi slt, %add3A_491, %lt3A_492 : i32
      %convert_element_type3A_494 = arith.extui %lt3A_493 : i1 to i32
      %cond3A_495 = arith.constant 0 : i32
      %cond3A_496 = arith.cmpi ne, %convert_element_type3A_494, %cond3A_495 : i32
      scf.if %cond3A_496 {
        %add3A_561 = arith.addi %mul3A_4, %add3A_479 : i32
        %add3A_562 = arith.constant 4 : i32
        %add3A_563 = arith.addi %add3A_561, %add3A_562 : i32
        %dma_start3A_564 = arith.constant 1 : i32
        %dma_start3A_565 = arith.constant 0 : i32
        %dma_start3A_566 = arith.constant 0 : i32
        %dma_start3A_567 = tpu.memref_slice %arg6[%dma_start3A_564, %dma_start3A_565, %dma_start3A_566] : memref<4x2x128xi32, #tpu.memory_space<vmem>> -> memref<1x2x128xi32, #tpu.memory_space<vmem>>
        %dma_start3A_568 = tpu.memref_squeeze %dma_start3A_567 : memref<1x2x128xi32, #tpu.memory_space<vmem>> -> memref<2x128xi32, #tpu.memory_space<vmem>>
        %dma_start3A_569 = arith.constant 0 : i32
        %dma_start3A_570 = arith.constant 0 : i32
        %dma_start3A_571 = tpu.memref_slice %arg3[%add3A_563, %dma_start3A_569, %dma_start3A_570] : memref<2528x2x128xi32, #tpu.memory_space<hbm>> -> memref<1x2x128xi32, #tpu.memory_space<hbm>>
        %dma_start3A_572 = tpu.memref_squeeze %dma_start3A_571 : memref<1x2x128xi32, #tpu.memory_space<hbm>> -> memref<2x128xi32, #tpu.memory_space<hbm>>
        %dma_start3A_573 = arith.constant 0 : i32
        %dma_start3A_574 = arith.constant 0 : i32
        %dma_start3A_575 = tpu.memref_slice %arg6[%dma_start3A_564, %dma_start3A_573, %dma_start3A_574] : memref<4x2x128xi32, #tpu.memory_space<vmem>> -> memref<1x2x128xi32, #tpu.memory_space<vmem>>
        %dma_start3A_576 = tpu.memref_squeeze %dma_start3A_575 : memref<1x2x128xi32, #tpu.memory_space<vmem>> -> memref<2x128xi32, #tpu.memory_space<vmem>>
        %dma_start3A_577 = arith.constant 0 : i32
        %dma_start3A_578 = arith.constant 0 : i32
        %dma_start3A_579 = tpu.memref_slice %arg3[%add3A_563, %dma_start3A_577, %dma_start3A_578] : memref<2528x2x128xi32, #tpu.memory_space<hbm>> -> memref<1x2x128xi32, #tpu.memory_space<hbm>>
        %dma_start3A_580 = tpu.memref_squeeze %dma_start3A_579 : memref<1x2x128xi32, #tpu.memory_space<hbm>> -> memref<2x128xi32, #tpu.memory_space<hbm>>
        tpu.enqueue_dma source(%dma_start3A_580 : memref<2x128xi32, #tpu.memory_space<hbm>>) target(%dma_start3A_576 : memref<2x128xi32, #tpu.memory_space<vmem>>) target_semaphore(%arg10 : memref<!tpu.dma_semaphore, #tpu.memory_space<semaphore_mem>>)
      } else {
      }
      %add3A_497 = arith.constant 2 : i32
      %add3A_498 = arith.addi %add3A_479, %add3A_497 : i32
      %lt3A_499 = arith.constant 158 : i32
      %lt3A_500 = arith.cmpi slt, %add3A_498, %lt3A_499 : i32
      %convert_element_type3A_501 = arith.extui %lt3A_500 : i1 to i32
      %cond3A_502 = arith.constant 0 : i32
      %cond3A_503 = arith.cmpi ne, %convert_element_type3A_501, %cond3A_502 : i32
      scf.if %cond3A_503 {
        %add3A_561 = arith.addi %mul3A_4, %add3A_479 : i32
        %add3A_562 = arith.constant 2 : i32
        %add3A_563 = arith.addi %add3A_561, %add3A_562 : i32
        %dma_wait3A_564 = arith.constant 3 : i32
        %dma_wait3A_565 = arith.constant 0 : i32
        %dma_wait3A_566 = arith.constant 0 : i32
        %dma_wait3A_567 = tpu.memref_slice %arg6[%dma_wait3A_564, %dma_wait3A_565, %dma_wait3A_566] : memref<4x2x128xi32, #tpu.memory_space<vmem>> -> memref<1x2x128xi32, #tpu.memory_space<vmem>>
        %dma_wait3A_568 = tpu.memref_squeeze %dma_wait3A_567 : memref<1x2x128xi32, #tpu.memory_space<vmem>> -> memref<2x128xi32, #tpu.memory_space<vmem>>
        %dma_wait3A_569 = arith.constant 0 : i32
        %dma_wait3A_570 = arith.constant 0 : i32
        %dma_wait3A_571 = tpu.memref_slice %arg3[%add3A_563, %dma_wait3A_569, %dma_wait3A_570] : memref<2528x2x128xi32, #tpu.memory_space<hbm>> -> memref<1x2x128xi32, #tpu.memory_space<hbm>>
        %dma_wait3A_572 = tpu.memref_squeeze %dma_wait3A_571 : memref<1x2x128xi32, #tpu.memory_space<hbm>> -> memref<2x128xi32, #tpu.memory_space<hbm>>
        %dma_wait3A_573 = arith.constant 0 : i32
        %dma_wait3A_574 = arith.constant 0 : i32
        %dma_wait3A_575 = tpu.memref_slice %arg6[%dma_wait3A_564, %dma_wait3A_573, %dma_wait3A_574] : memref<4x2x128xi32, #tpu.memory_space<vmem>> -> memref<1x2x128xi32, #tpu.memory_space<vmem>>
        %dma_wait3A_576 = tpu.memref_squeeze %dma_wait3A_575 : memref<1x2x128xi32, #tpu.memory_space<vmem>> -> memref<2x128xi32, #tpu.memory_space<vmem>>
        %dma_wait3A_577 = arith.constant 0 : i32
        %dma_wait3A_578 = arith.constant 0 : i32
        %dma_wait3A_579 = tpu.memref_slice %arg3[%add3A_563, %dma_wait3A_577, %dma_wait3A_578] : memref<2528x2x128xi32, #tpu.memory_space<hbm>> -> memref<1x2x128xi32, #tpu.memory_space<hbm>>
        %dma_wait3A_580 = tpu.memref_squeeze %dma_wait3A_579 : memref<1x2x128xi32, #tpu.memory_space<hbm>> -> memref<2x128xi32, #tpu.memory_space<hbm>>
        tpu.wait_dma2 semaphore(%arg12 : memref<!tpu.dma_semaphore, #tpu.memory_space<semaphore_mem>>) src(%dma_wait3A_580 : memref<2x128xi32, #tpu.memory_space<hbm>>) dst(%dma_wait3A_576 : memref<2x128xi32, #tpu.memory_space<vmem>>)
        %get3A_581 = arith.constant 3 : i32
        %get3A_582 = arith.constant 0 : i32
        %get3A_583 = arith.index_cast %get3A_581 : i32 to index
        %get3A_584 = arith.index_cast %get3A_582 : i32 to index
        %get3A_585 = arith.constant 0 : index
        %get3A_586 = tpu.vector_load %arg6[%get3A_583, %get3A_584, %get3A_585] {strides = array<i32>} : memref<4x2x128xi32, #tpu.memory_space<vmem>>, vector<1x1x16xi32>,
        %get3A_587 = vector.shape_cast %get3A_586 : vector<1x1x16xi32> to vector<16xi32>
        %add3A_588 = vector.broadcast %mul3A_2 : i32 to vector<16xi32>
        %add3A_589 = arith.addi %get3A_587, %add3A_588 : vector<16xi32>
        %swap3A_590 = arith.constant 3 : i32
        %swap3A_591 = arith.constant 0 : i32
        %swap3A_592 = arith.index_cast %swap3A_590 : i32 to index
        %swap3A_593 = arith.index_cast %swap3A_591 : i32 to index
        %swap3A_594 = arith.constant 0 : index
        %swap3A_595 = tpu.vector_load %arg6[%swap3A_592, %swap3A_593, %swap3A_594] {strides = array<i32>} : memref<4x2x128xi32, #tpu.memory_space<vmem>>, vector<1x1x16xi32>,
        %swap3A_596 = vector.shape_cast %swap3A_595 : vector<1x1x16xi32> to vector<16xi32>
        %swap3A_597 = vector.shape_cast %add3A_589 : vector<16xi32> to vector<1x1x16xi32>
        tpu.vector_store %arg6[%swap3A_592, %swap3A_593, %swap3A_594], %swap3A_597 {strides = array<i32>} : memref<4x2x128xi32, #tpu.memory_space<vmem>>, vector<1x1x16xi32>,
        %get3A_598 = arith.constant 3 : i32
        %get3A_599 = arith.constant 0 : i32
        %get3A_600 = arith.index_cast %get3A_598 : i32 to index
        %get3A_601 = arith.index_cast %get3A_599 : i32 to index
        %get3A_602 = arith.constant 16 : index
        %get3A_603 = tpu.vector_load %arg6[%get3A_600, %get3A_601, %get3A_602] {strides = array<i32>} : memref<4x2x128xi32, #tpu.memory_space<vmem>>, vector<1x1x16xi32>,
        %get3A_604 = vector.shape_cast %get3A_603 : vector<1x1x16xi32> to vector<16xi32>
        %add3A_605 = vector.broadcast %mul3A_2 : i32 to vector<16xi32>
        %add3A_606 = arith.addi %get3A_604, %add3A_605 : vector<16xi32>
        %swap3A_607 = arith.constant 3 : i32
        %swap3A_608 = arith.constant 0 : i32
        %swap3A_609 = arith.index_cast %swap3A_607 : i32 to index
        %swap3A_610 = arith.index_cast %swap3A_608 : i32 to index
        %swap3A_611 = arith.constant 16 : index
        %swap3A_612 = tpu.vector_load %arg6[%swap3A_609, %swap3A_610, %swap3A_611] {strides = array<i32>} : memref<4x2x128xi32, #tpu.memory_space<vmem>>, vector<1x1x16xi32>,
        %swap3A_613 = vector.shape_cast %swap3A_612 : vector<1x1x16xi32> to vector<16xi32>
        %swap3A_614 = vector.shape_cast %add3A_606 : vector<16xi32> to vector<1x1x16xi32>
        tpu.vector_store %arg6[%swap3A_609, %swap3A_610, %swap3A_611], %swap3A_614 {strides = array<i32>} : memref<4x2x128xi32, #tpu.memory_space<vmem>>, vector<1x1x16xi32>,
        %get3A_615 = arith.constant 3 : i32
        %get3A_616 = arith.constant 0 : i32
        %get3A_617 = arith.index_cast %get3A_615 : i32 to index
        %get3A_618 = arith.index_cast %get3A_616 : i32 to index
        %get3A_619 = arith.constant 32 : index
        %get3A_620 = tpu.vector_load %arg6[%get3A_617, %get3A_618, %get3A_619] {strides = array<i32>} : memref<4x2x128xi32, #tpu.memory_space<vmem>>, vector<1x1x16xi32>,
        %get3A_621 = vector.shape_cast %get3A_620 : vector<1x1x16xi32> to vector<16xi32>
        %add3A_622 = vector.broadcast %mul3A_2 : i32 to vector<16xi32>
        %add3A_623 = arith.addi %get3A_621, %add3A_622 : vector<16xi32>
        %swap3A_624 = arith.constant 3 : i32
        %swap3A_625 = arith.constant 0 : i32
        %swap3A_626 = arith.index_cast %swap3A_624 : i32 to index
        %swap3A_627 = arith.index_cast %swap3A_625 : i32 to index
        %swap3A_628 = arith.constant 32 : index
        %swap3A_629 = tpu.vector_load %arg6[%swap3A_626, %swap3A_627, %swap3A_628] {strides = array<i32>} : memref<4x2x128xi32, #tpu.memory_space<vmem>>, vector<1x1x16xi32>,
        %swap3A_630 = vector.shape_cast %swap3A_629 : vector<1x1x16xi32> to vector<16xi32>
        %swap3A_631 = vector.shape_cast %add3A_623 : vector<16xi32> to vector<1x1x16xi32>
        tpu.vector_store %arg6[%swap3A_626, %swap3A_627, %swap3A_628], %swap3A_631 {strides = array<i32>} : memref<4x2x128xi32, #tpu.memory_space<vmem>>, vector<1x1x16xi32>,
        %get3A_632 = arith.constant 3 : i32
        %get3A_633 = arith.constant 0 : i32
        %get3A_634 = arith.index_cast %get3A_632 : i32 to index
        %get3A_635 = arith.index_cast %get3A_633 : i32 to index
        %get3A_636 = arith.constant 48 : index
        %get3A_637 = tpu.vector_load %arg6[%get3A_634, %get3A_635, %get3A_636] {strides = array<i32>} : memref<4x2x128xi32, #tpu.memory_space<vmem>>, vector<1x1x16xi32>,
        %get3A_638 = vector.shape_cast %get3A_637 : vector<1x1x16xi32> to vector<16xi32>
        %add3A_639 = vector.broadcast %mul3A_2 : i32 to vector<16xi32>
        %add3A_640 = arith.addi %get3A_638, %add3A_639 : vector<16xi32>
        %swap3A_641 = arith.constant 3 : i32
        %swap3A_642 = arith.constant 0 : i32
        %swap3A_643 = arith.index_cast %swap3A_641 : i32 to index
        %swap3A_644 = arith.index_cast %swap3A_642 : i32 to index
        %swap3A_645 = arith.constant 48 : index
        %swap3A_646 = tpu.vector_load %arg6[%swap3A_643, %swap3A_644, %swap3A_645] {strides = array<i32>} : memref<4x2x128xi32, #tpu.memory_space<vmem>>, vector<1x1x16xi32>,
        %swap3A_647 = vector.shape_cast %swap3A_646 : vector<1x1x16xi32> to vector<16xi32>
        %swap3A_648 = vector.shape_cast %add3A_640 : vector<16xi32> to vector<1x1x16xi32>
        tpu.vector_store %arg6[%swap3A_643, %swap3A_644, %swap3A_645], %swap3A_648 {strides = array<i32>} : memref<4x2x128xi32, #tpu.memory_space<vmem>>, vector<1x1x16xi32>,
        %get3A_649 = arith.constant 3 : i32
        %get3A_650 = arith.constant 0 : i32
        %get3A_651 = arith.index_cast %get3A_649 : i32 to index
        %get3A_652 = arith.index_cast %get3A_650 : i32 to index
        %get3A_653 = arith.constant 64 : index
        %get3A_654 = tpu.vector_load %arg6[%get3A_651, %get3A_652, %get3A_653] {strides = array<i32>} : memref<4x2x128xi32, #tpu.memory_space<vmem>>, vector<1x1x16xi32>,
        %get3A_655 = vector.shape_cast %get3A_654 : vector<1x1x16xi32> to vector<16xi32>
        %add3A_656 = vector.broadcast %mul3A_2 : i32 to vector<16xi32>
        %add3A_657 = arith.addi %get3A_655, %add3A_656 : vector<16xi32>
        %swap3A_658 = arith.constant 3 : i32
        %swap3A_659 = arith.constant 0 : i32
        %swap3A_660 = arith.index_cast %swap3A_658 : i32 to index
        %swap3A_661 = arith.index_cast %swap3A_659 : i32 to index
        %swap3A_662 = arith.constant 64 : index
        %swap3A_663 = tpu.vector_load %arg6[%swap3A_660, %swap3A_661, %swap3A_662] {strides = array<i32>} : memref<4x2x128xi32, #tpu.memory_space<vmem>>, vector<1x1x16xi32>,
        %swap3A_664 = vector.shape_cast %swap3A_663 : vector<1x1x16xi32> to vector<16xi32>
        %swap3A_665 = vector.shape_cast %add3A_657 : vector<16xi32> to vector<1x1x16xi32>
        tpu.vector_store %arg6[%swap3A_660, %swap3A_661, %swap3A_662], %swap3A_665 {strides = array<i32>} : memref<4x2x128xi32, #tpu.memory_space<vmem>>, vector<1x1x16xi32>,
        %get3A_666 = arith.constant 3 : i32
        %get3A_667 = arith.constant 0 : i32
        %get3A_668 = arith.index_cast %get3A_666 : i32 to index
        %get3A_669 = arith.index_cast %get3A_667 : i32 to index
        %get3A_670 = arith.constant 80 : index
        %get3A_671 = tpu.vector_load %arg6[%get3A_668, %get3A_669, %get3A_670] {strides = array<i32>} : memref<4x2x128xi32, #tpu.memory_space<vmem>>, vector<1x1x16xi32>,
        %get3A_672 = vector.shape_cast %get3A_671 : vector<1x1x16xi32> to vector<16xi32>
        %add3A_673 = vector.broadcast %mul3A_2 : i32 to vector<16xi32>
        %add3A_674 = arith.addi %get3A_672, %add3A_673 : vector<16xi32>
        %swap3A_675 = arith.constant 3 : i32
        %swap3A_676 = arith.constant 0 : i32
        %swap3A_677 = arith.index_cast %swap3A_675 : i32 to index
        %swap3A_678 = arith.index_cast %swap3A_676 : i32 to index
        %swap3A_679 = arith.constant 80 : index
        %swap3A_680 = tpu.vector_load %arg6[%swap3A_677, %swap3A_678, %swap3A_679] {strides = array<i32>} : memref<4x2x128xi32, #tpu.memory_space<vmem>>, vector<1x1x16xi32>,
        %swap3A_681 = vector.shape_cast %swap3A_680 : vector<1x1x16xi32> to vector<16xi32>
        %swap3A_682 = vector.shape_cast %add3A_674 : vector<16xi32> to vector<1x1x16xi32>
        tpu.vector_store %arg6[%swap3A_677, %swap3A_678, %swap3A_679], %swap3A_682 {strides = array<i32>} : memref<4x2x128xi32, #tpu.memory_space<vmem>>, vector<1x1x16xi32>,
        %get3A_683 = arith.constant 3 : i32
        %get3A_684 = arith.constant 0 : i32
        %get3A_685 = arith.index_cast %get3A_683 : i32 to index
        %get3A_686 = arith.index_cast %get3A_684 : i32 to index
        %get3A_687 = arith.constant 96 : index
        %get3A_688 = tpu.vector_load %arg6[%get3A_685, %get3A_686, %get3A_687] {strides = array<i32>} : memref<4x2x128xi32, #tpu.memory_space<vmem>>, vector<1x1x16xi32>,
        %get3A_689 = vector.shape_cast %get3A_688 : vector<1x1x16xi32> to vector<16xi32>
        %add3A_690 = vector.broadcast %mul3A_2 : i32 to vector<16xi32>
        %add3A_691 = arith.addi %get3A_689, %add3A_690 : vector<16xi32>
        %swap3A_692 = arith.constant 3 : i32
        %swap3A_693 = arith.constant 0 : i32
        %swap3A_694 = arith.index_cast %swap3A_692 : i32 to index
        %swap3A_695 = arith.index_cast %swap3A_693 : i32 to index
        %swap3A_696 = arith.constant 96 : index
        %swap3A_697 = tpu.vector_load %arg6[%swap3A_694, %swap3A_695, %swap3A_696] {strides = array<i32>} : memref<4x2x128xi32, #tpu.memory_space<vmem>>, vector<1x1x16xi32>,
        %swap3A_698 = vector.shape_cast %swap3A_697 : vector<1x1x16xi32> to vector<16xi32>
        %swap3A_699 = vector.shape_cast %add3A_691 : vector<16xi32> to vector<1x1x16xi32>
        tpu.vector_store %arg6[%swap3A_694, %swap3A_695, %swap3A_696], %swap3A_699 {strides = array<i32>} : memref<4x2x128xi32, #tpu.memory_space<vmem>>, vector<1x1x16xi32>,
        %get3A_700 = arith.constant 3 : i32
        %get3A_701 = arith.constant 0 : i32
        %get3A_702 = arith.index_cast %get3A_700 : i32 to index
        %get3A_703 = arith.index_cast %get3A_701 : i32 to index
        %get3A_704 = arith.constant 112 : index
        %get3A_705 = tpu.vector_load %arg6[%get3A_702, %get3A_703, %get3A_704] {strides = array<i32>} : memref<4x2x128xi32, #tpu.memory_space<vmem>>, vector<1x1x16xi32>,
        %get3A_706 = vector.shape_cast %get3A_705 : vector<1x1x16xi32> to vector<16xi32>
        %add3A_707 = vector.broadcast %mul3A_2 : i32 to vector<16xi32>
        %add3A_708 = arith.addi %get3A_706, %add3A_707 : vector<16xi32>
        %swap3A_709 = arith.constant 3 : i32
        %swap3A_710 = arith.constant 0 : i32
        %swap3A_711 = arith.index_cast %swap3A_709 : i32 to index
        %swap3A_712 = arith.index_cast %swap3A_710 : i32 to index
        %swap3A_713 = arith.constant 112 : index
        %swap3A_714 = tpu.vector_load %arg6[%swap3A_711, %swap3A_712, %swap3A_713] {strides = array<i32>} : memref<4x2x128xi32, #tpu.memory_space<vmem>>, vector<1x1x16xi32>,
        %swap3A_715 = vector.shape_cast %swap3A_714 : vector<1x1x16xi32> to vector<16xi32>
        %swap3A_716 = vector.shape_cast %add3A_708 : vector<16xi32> to vector<1x1x16xi32>
        tpu.vector_store %arg6[%swap3A_711, %swap3A_712, %swap3A_713], %swap3A_716 {strides = array<i32>} : memref<4x2x128xi32, #tpu.memory_space<vmem>>, vector<1x1x16xi32>,
        %dma_start3A_717 = arith.constant 3 : i32
        %dma_start3A_718 = arith.constant 0 : i32
        %dma_start3A_719 = arith.constant 0 : i32
        %dma_start3A_720 = tpu.memref_slice %arg6[%dma_start3A_717, %dma_start3A_718, %dma_start3A_719] : memref<4x2x128xi32, #tpu.memory_space<vmem>> -> memref<1x1x128xi32, #tpu.memory_space<vmem>>
        %dma_start3A_721 = tpu.memref_squeeze %dma_start3A_720 : memref<1x1x128xi32, #tpu.memory_space<vmem>> -> memref<128xi32, #tpu.memory_space<vmem>>
        %dma_start3A_722 = arith.constant 0 : i32
        %dma_start3A_723 = arith.constant 0 : i32
        %dma_start3A_724 = tpu.memref_slice %arg2[%dma_start3A_722, %dma_start3A_723] : memref<20480x128xf32, #tpu.memory_space<hbm>> -> memref<20480x128xf32, #tpu.memory_space<hbm>>
        tpu.enqueue_indirect_dma source(%dma_start3A_724 : memref<20480x128xf32, #tpu.memory_space<hbm>>) target(%arg8 : memref<128x128xf32, #tpu.memory_space<vmem>>) offsets(%dma_start3A_721 : memref<128xi32, #tpu.memory_space<vmem>>) semaphore(%arg14 : memref<!tpu.dma_semaphore, #tpu.memory_space<semaphore_mem>>)
      } else {
      }
      %mul3A_504 = arith.constant 4 : i32
      %mul3A_505 = arith.muli %mul3A_504, %scan3A_449 : i32
      %add3A_506 = arith.constant 2 : i32
      %add3A_507 = arith.addi %mul3A_505, %add3A_506 : i32
      %dma_wait3A_508 = arith.constant 2 : i32
      %dma_wait3A_509 = arith.constant 0 : i32
      %dma_wait3A_510 = arith.constant 0 : i32
      %dma_wait3A_511 = tpu.memref_slice %arg6[%dma_wait3A_508, %dma_wait3A_509, %dma_wait3A_510] : memref<4x2x128xi32, #tpu.memory_space<vmem>> -> memref<1x1x128xi32, #tpu.memory_space<vmem>>
      %dma_wait3A_512 = tpu.memref_squeeze %dma_wait3A_511 : memref<1x1x128xi32, #tpu.memory_space<vmem>> -> memref<128xi32, #tpu.memory_space<vmem>>
      %dma_wait3A_513 = arith.constant 0 : i32
      %dma_wait3A_514 = arith.constant 0 : i32
      %dma_wait3A_515 = tpu.memref_slice %arg2[%dma_wait3A_513, %dma_wait3A_514] : memref<20480x128xf32, #tpu.memory_space<hbm>> -> memref<20480x128xf32, #tpu.memory_space<hbm>>
      tpu.wait_indirect_dma semaphore(%arg13 : memref<!tpu.dma_semaphore, #tpu.memory_space<semaphore_mem>>) src(%dma_wait3A_515 : memref<20480x128xf32, #tpu.memory_space<hbm>>) dst(%arg7 : memref<128x128xf32, #tpu.memory_space<vmem>>)
      %run_scoped3A_516 = arith.constant 2 : i32
      %run_scoped3A_517 = arith.constant 1 : i32
      "tpu.region"() ({
        %run_scoped3A_561 = tpu.sem_alloc : memref<!tpu.dma_semaphore, #tpu.memory_space<semaphore_mem>>
        %dma_start3A_562 = arith.constant 0 : i32
        %dma_start3A_563 = tpu.memref_slice %arg6[%run_scoped3A_516, %run_scoped3A_517, %dma_start3A_562] : memref<4x2x128xi32, #tpu.memory_space<vmem>> -> memref<1x1x128xi32, #tpu.memory_space<vmem>>
        %dma_start3A_564 = tpu.memref_squeeze %dma_start3A_563 : memref<1x1x128xi32, #tpu.memory_space<vmem>> -> memref<128xi32, #tpu.memory_space<vmem>>
        %dma_start3A_565 = arith.constant 0 : i32
        %dma_start3A_566 = arith.constant 0 : i32
        %dma_start3A_567 = tpu.memref_slice %arg5[%dma_start3A_565, %dma_start3A_566] : memref<10240x128xf32, #tpu.memory_space<vmem_shared>> -> memref<10240x128xf32, #tpu.memory_space<vmem_shared>>
        tpu.enqueue_indirect_dma source(%arg7 : memref<128x128xf32, #tpu.memory_space<vmem>>) target(%dma_start3A_567 : memref<10240x128xf32, #tpu.memory_space<vmem_shared>>) offsets(%dma_start3A_564 : memref<128xi32, #tpu.memory_space<vmem>>) semaphore(%run_scoped3A_561 : memref<!tpu.dma_semaphore, #tpu.memory_space<semaphore_mem>>) {add = true}
        %dma_wait3A_568 = arith.constant 0 : i32
        %dma_wait3A_569 = tpu.memref_slice %arg6[%run_scoped3A_516, %run_scoped3A_517, %dma_wait3A_568] : memref<4x2x128xi32, #tpu.memory_space<vmem>> -> memref<1x1x128xi32, #tpu.memory_space<vmem>>
        %dma_wait3A_570 = tpu.memref_squeeze %dma_wait3A_569 : memref<1x1x128xi32, #tpu.memory_space<vmem>> -> memref<128xi32, #tpu.memory_space<vmem>>
        %dma_wait3A_571 = arith.constant 0 : i32
        %dma_wait3A_572 = arith.constant 0 : i32
        %dma_wait3A_573 = tpu.memref_slice %arg5[%dma_wait3A_571, %dma_wait3A_572] : memref<10240x128xf32, #tpu.memory_space<vmem_shared>> -> memref<10240x128xf32, #tpu.memory_space<vmem_shared>>
        tpu.wait_indirect_dma semaphore(%run_scoped3A_561 : memref<!tpu.dma_semaphore, #tpu.memory_space<semaphore_mem>>) src(%arg7 : memref<128x128xf32, #tpu.memory_space<vmem>>) dst(%dma_wait3A_573 : memref<10240x128xf32, #tpu.memory_space<vmem_shared>>)
        tpu.yield
      }) : () -> ()
      %add3A_518 = arith.constant 4 : i32
      %add3A_519 = arith.addi %add3A_507, %add3A_518 : i32
      %lt3A_520 = arith.constant 158 : i32
      %lt3A_521 = arith.cmpi slt, %add3A_519, %lt3A_520 : i32
      %convert_element_type3A_522 = arith.extui %lt3A_521 : i1 to i32
      %cond3A_523 = arith.constant 0 : i32
      %cond3A_524 = arith.cmpi ne, %convert_element_type3A_522, %cond3A_523 : i32
      scf.if %cond3A_524 {
        %add3A_561 = arith.addi %mul3A_4, %add3A_507 : i32
        %add3A_562 = arith.constant 4 : i32
        %add3A_563 = arith.addi %add3A_561, %add3A_562 : i32
        %dma_start3A_564 = arith.constant 2 : i32
        %dma_start3A_565 = arith.constant 0 : i32
        %dma_start3A_566 = arith.constant 0 : i32
        %dma_start3A_567 = tpu.memref_slice %arg6[%dma_start3A_564, %dma_start3A_565, %dma_start3A_566] : memref<4x2x128xi32, #tpu.memory_space<vmem>> -> memref<1x2x128xi32, #tpu.memory_space<vmem>>
        %dma_start3A_568 = tpu.memref_squeeze %dma_start3A_567 : memref<1x2x128xi32, #tpu.memory_space<vmem>> -> memref<2x128xi32, #tpu.memory_space<vmem>>
        %dma_start3A_569 = arith.constant 0 : i32
        %dma_start3A_570 = arith.constant 0 : i32
        %dma_start3A_571 = tpu.memref_slice %arg3[%add3A_563, %dma_start3A_569, %dma_start3A_570] : memref<2528x2x128xi32, #tpu.memory_space<hbm>> -> memref<1x2x128xi32, #tpu.memory_space<hbm>>
        %dma_start3A_572 = tpu.memref_squeeze %dma_start3A_571 : memref<1x2x128xi32, #tpu.memory_space<hbm>> -> memref<2x128xi32, #tpu.memory_space<hbm>>
        %dma_start3A_573 = arith.constant 0 : i32
        %dma_start3A_574 = arith.constant 0 : i32
        %dma_start3A_575 = tpu.memref_slice %arg6[%dma_start3A_564, %dma_start3A_573, %dma_start3A_574] : memref<4x2x128xi32, #tpu.memory_space<vmem>> -> memref<1x2x128xi32, #tpu.memory_space<vmem>>
        %dma_start3A_576 = tpu.memref_squeeze %dma_start3A_575 : memref<1x2x128xi32, #tpu.memory_space<vmem>> -> memref<2x128xi32, #tpu.memory_space<vmem>>
        %dma_start3A_577 = arith.constant 0 : i32
        %dma_start3A_578 = arith.constant 0 : i32
        %dma_start3A_579 = tpu.memref_slice %arg3[%add3A_563, %dma_start3A_577, %dma_start3A_578] : memref<2528x2x128xi32, #tpu.memory_space<hbm>> -> memref<1x2x128xi32, #tpu.memory_space<hbm>>
        %dma_start3A_580 = tpu.memref_squeeze %dma_start3A_579 : memref<1x2x128xi32, #tpu.memory_space<hbm>> -> memref<2x128xi32, #tpu.memory_space<hbm>>
        tpu.enqueue_dma source(%dma_start3A_580 : memref<2x128xi32, #tpu.memory_space<hbm>>) target(%dma_start3A_576 : memref<2x128xi32, #tpu.memory_space<vmem>>) target_semaphore(%arg11 : memref<!tpu.dma_semaphore, #tpu.memory_space<semaphore_mem>>)
      } else {
      }
      %add3A_525 = arith.constant 2 : i32
      %add3A_526 = arith.addi %add3A_507, %add3A_525 : i32
      %lt3A_527 = arith.constant 158 : i32
      %lt3A_528 = arith.cmpi slt, %add3A_526, %lt3A_527 : i32
      %convert_element_type3A_529 = arith.extui %lt3A_528 : i1 to i32
      %cond3A_530 = arith.constant 0 : i32
      %cond3A_531 = arith.cmpi ne, %convert_element_type3A_529, %cond3A_530 : i32
      scf.if %cond3A_531 {
        %add3A_561 = arith.addi %mul3A_4, %add3A_507 : i32
        %add3A_562 = arith.constant 2 : i32
        %add3A_563 = arith.addi %add3A_561, %add3A_562 : i32
        %dma_wait3A_564 = arith.constant 0 : i32
        %dma_wait3A_565 = arith.constant 0 : i32
        %dma_wait3A_566 = arith.constant 0 : i32
        %dma_wait3A_567 = tpu.memref_slice %arg6[%dma_wait3A_564, %dma_wait3A_565, %dma_wait3A_566] : memref<4x2x128xi32, #tpu.memory_space<vmem>> -> memref<1x2x128xi32, #tpu.memory_space<vmem>>
        %dma_wait3A_568 = tpu.memref_squeeze %dma_wait3A_567 : memref<1x2x128xi32, #tpu.memory_space<vmem>> -> memref<2x128xi32, #tpu.memory_space<vmem>>
        %dma_wait3A_569 = arith.constant 0 : i32
        %dma_wait3A_570 = arith.constant 0 : i32
        %dma_wait3A_571 = tpu.memref_slice %arg3[%add3A_563, %dma_wait3A_569, %dma_wait3A_570] : memref<2528x2x128xi32, #tpu.memory_space<hbm>> -> memref<1x2x128xi32, #tpu.memory_space<hbm>>
        %dma_wait3A_572 = tpu.memref_squeeze %dma_wait3A_571 : memref<1x2x128xi32, #tpu.memory_space<hbm>> -> memref<2x128xi32, #tpu.memory_space<hbm>>
        %dma_wait3A_573 = arith.constant 0 : i32
        %dma_wait3A_574 = arith.constant 0 : i32
        %dma_wait3A_575 = tpu.memref_slice %arg6[%dma_wait3A_564, %dma_wait3A_573, %dma_wait3A_574] : memref<4x2x128xi32, #tpu.memory_space<vmem>> -> memref<1x2x128xi32, #tpu.memory_space<vmem>>
        %dma_wait3A_576 = tpu.memref_squeeze %dma_wait3A_575 : memref<1x2x128xi32, #tpu.memory_space<vmem>> -> memref<2x128xi32, #tpu.memory_space<vmem>>
        %dma_wait3A_577 = arith.constant 0 : i32
        %dma_wait3A_578 = arith.constant 0 : i32
        %dma_wait3A_579 = tpu.memref_slice %arg3[%add3A_563, %dma_wait3A_577, %dma_wait3A_578] : memref<2528x2x128xi32, #tpu.memory_space<hbm>> -> memref<1x2x128xi32, #tpu.memory_space<hbm>>
        %dma_wait3A_580 = tpu.memref_squeeze %dma_wait3A_579 : memref<1x2x128xi32, #tpu.memory_space<hbm>> -> memref<2x128xi32, #tpu.memory_space<hbm>>
        tpu.wait_dma2 semaphore(%arg9 : memref<!tpu.dma_semaphore, #tpu.memory_space<semaphore_mem>>) src(%dma_wait3A_580 : memref<2x128xi32, #tpu.memory_space<hbm>>) dst(%dma_wait3A_576 : memref<2x128xi32, #tpu.memory_space<vmem>>)
        %get3A_581 = arith.constant 0 : i32
        %get3A_582 = arith.constant 0 : i32
        %get3A_583 = arith.index_cast %get3A_581 : i32 to index
        %get3A_584 = arith.index_cast %get3A_582 : i32 to index
        %get3A_585 = arith.constant 0 : index
        %get3A_586 = tpu.vector_load %arg6[%get3A_583, %get3A_584, %get3A_585] {strides = array<i32>} : memref<4x2x128xi32, #tpu.memory_space<vmem>>, vector<1x1x16xi32>,
        %get3A_587 = vector.shape_cast %get3A_586 : vector<1x1x16xi32> to vector<16xi32>
        %add3A_588 = vector.broadcast %mul3A_2 : i32 to vector<16xi32>
        %add3A_589 = arith.addi %get3A_587, %add3A_588 : vector<16xi32>
        %swap3A_590 = arith.constant 0 : i32
        %swap3A_591 = arith.constant 0 : i32
        %swap3A_592 = arith.index_cast %swap3A_590 : i32 to index
        %swap3A_593 = arith.index_cast %swap3A_591 : i32 to index
        %swap3A_594 = arith.constant 0 : index
        %swap3A_595 = tpu.vector_load %arg6[%swap3A_592, %swap3A_593, %swap3A_594] {strides = array<i32>} : memref<4x2x128xi32, #tpu.memory_space<vmem>>, vector<1x1x16xi32>,
        %swap3A_596 = vector.shape_cast %swap3A_595 : vector<1x1x16xi32> to vector<16xi32>
        %swap3A_597 = vector.shape_cast %add3A_589 : vector<16xi32> to vector<1x1x16xi32>
        tpu.vector_store %arg6[%swap3A_592, %swap3A_593, %swap3A_594], %swap3A_597 {strides = array<i32>} : memref<4x2x128xi32, #tpu.memory_space<vmem>>, vector<1x1x16xi32>,
        %get3A_598 = arith.constant 0 : i32
        %get3A_599 = arith.constant 0 : i32
        %get3A_600 = arith.index_cast %get3A_598 : i32 to index
        %get3A_601 = arith.index_cast %get3A_599 : i32 to index
        %get3A_602 = arith.constant 16 : index
        %get3A_603 = tpu.vector_load %arg6[%get3A_600, %get3A_601, %get3A_602] {strides = array<i32>} : memref<4x2x128xi32, #tpu.memory_space<vmem>>, vector<1x1x16xi32>,
        %get3A_604 = vector.shape_cast %get3A_603 : vector<1x1x16xi32> to vector<16xi32>
        %add3A_605 = vector.broadcast %mul3A_2 : i32 to vector<16xi32>
        %add3A_606 = arith.addi %get3A_604, %add3A_605 : vector<16xi32>
        %swap3A_607 = arith.constant 0 : i32
        %swap3A_608 = arith.constant 0 : i32
        %swap3A_609 = arith.index_cast %swap3A_607 : i32 to index
        %swap3A_610 = arith.index_cast %swap3A_608 : i32 to index
        %swap3A_611 = arith.constant 16 : index
        %swap3A_612 = tpu.vector_load %arg6[%swap3A_609, %swap3A_610, %swap3A_611] {strides = array<i32>} : memref<4x2x128xi32, #tpu.memory_space<vmem>>, vector<1x1x16xi32>,
        %swap3A_613 = vector.shape_cast %swap3A_612 : vector<1x1x16xi32> to vector<16xi32>
        %swap3A_614 = vector.shape_cast %add3A_606 : vector<16xi32> to vector<1x1x16xi32>
        tpu.vector_store %arg6[%swap3A_609, %swap3A_610, %swap3A_611], %swap3A_614 {strides = array<i32>} : memref<4x2x128xi32, #tpu.memory_space<vmem>>, vector<1x1x16xi32>,
        %get3A_615 = arith.constant 0 : i32
        %get3A_616 = arith.constant 0 : i32
        %get3A_617 = arith.index_cast %get3A_615 : i32 to index
        %get3A_618 = arith.index_cast %get3A_616 : i32 to index
        %get3A_619 = arith.constant 32 : index
        %get3A_620 = tpu.vector_load %arg6[%get3A_617, %get3A_618, %get3A_619] {strides = array<i32>} : memref<4x2x128xi32, #tpu.memory_space<vmem>>, vector<1x1x16xi32>,
        %get3A_621 = vector.shape_cast %get3A_620 : vector<1x1x16xi32> to vector<16xi32>
        %add3A_622 = vector.broadcast %mul3A_2 : i32 to vector<16xi32>
        %add3A_623 = arith.addi %get3A_621, %add3A_622 : vector<16xi32>
        %swap3A_624 = arith.constant 0 : i32
        %swap3A_625 = arith.constant 0 : i32
        %swap3A_626 = arith.index_cast %swap3A_624 : i32 to index
        %swap3A_627 = arith.index_cast %swap3A_625 : i32 to index
        %swap3A_628 = arith.constant 32 : index
        %swap3A_629 = tpu.vector_load %arg6[%swap3A_626, %swap3A_627, %swap3A_628] {strides = array<i32>} : memref<4x2x128xi32, #tpu.memory_space<vmem>>, vector<1x1x16xi32>,
        %swap3A_630 = vector.shape_cast %swap3A_629 : vector<1x1x16xi32> to vector<16xi32>
        %swap3A_631 = vector.shape_cast %add3A_623 : vector<16xi32> to vector<1x1x16xi32>
        tpu.vector_store %arg6[%swap3A_626, %swap3A_627, %swap3A_628], %swap3A_631 {strides = array<i32>} : memref<4x2x128xi32, #tpu.memory_space<vmem>>, vector<1x1x16xi32>,
        %get3A_632 = arith.constant 0 : i32
        %get3A_633 = arith.constant 0 : i32
        %get3A_634 = arith.index_cast %get3A_632 : i32 to index
        %get3A_635 = arith.index_cast %get3A_633 : i32 to index
        %get3A_636 = arith.constant 48 : index
        %get3A_637 = tpu.vector_load %arg6[%get3A_634, %get3A_635, %get3A_636] {strides = array<i32>} : memref<4x2x128xi32, #tpu.memory_space<vmem>>, vector<1x1x16xi32>,
        %get3A_638 = vector.shape_cast %get3A_637 : vector<1x1x16xi32> to vector<16xi32>
        %add3A_639 = vector.broadcast %mul3A_2 : i32 to vector<16xi32>
        %add3A_640 = arith.addi %get3A_638, %add3A_639 : vector<16xi32>
        %swap3A_641 = arith.constant 0 : i32
        %swap3A_642 = arith.constant 0 : i32
        %swap3A_643 = arith.index_cast %swap3A_641 : i32 to index
        %swap3A_644 = arith.index_cast %swap3A_642 : i32 to index
        %swap3A_645 = arith.constant 48 : index
        %swap3A_646 = tpu.vector_load %arg6[%swap3A_643, %swap3A_644, %swap3A_645] {strides = array<i32>} : memref<4x2x128xi32, #tpu.memory_space<vmem>>, vector<1x1x16xi32>,
        %swap3A_647 = vector.shape_cast %swap3A_646 : vector<1x1x16xi32> to vector<16xi32>
        %swap3A_648 = vector.shape_cast %add3A_640 : vector<16xi32> to vector<1x1x16xi32>
        tpu.vector_store %arg6[%swap3A_643, %swap3A_644, %swap3A_645], %swap3A_648 {strides = array<i32>} : memref<4x2x128xi32, #tpu.memory_space<vmem>>, vector<1x1x16xi32>,
        %get3A_649 = arith.constant 0 : i32
        %get3A_650 = arith.constant 0 : i32
        %get3A_651 = arith.index_cast %get3A_649 : i32 to index
        %get3A_652 = arith.index_cast %get3A_650 : i32 to index
        %get3A_653 = arith.constant 64 : index
        %get3A_654 = tpu.vector_load %arg6[%get3A_651, %get3A_652, %get3A_653] {strides = array<i32>} : memref<4x2x128xi32, #tpu.memory_space<vmem>>, vector<1x1x16xi32>,
        %get3A_655 = vector.shape_cast %get3A_654 : vector<1x1x16xi32> to vector<16xi32>
        %add3A_656 = vector.broadcast %mul3A_2 : i32 to vector<16xi32>
        %add3A_657 = arith.addi %get3A_655, %add3A_656 : vector<16xi32>
        %swap3A_658 = arith.constant 0 : i32
        %swap3A_659 = arith.constant 0 : i32
        %swap3A_660 = arith.index_cast %swap3A_658 : i32 to index
        %swap3A_661 = arith.index_cast %swap3A_659 : i32 to index
        %swap3A_662 = arith.constant 64 : index
        %swap3A_663 = tpu.vector_load %arg6[%swap3A_660, %swap3A_661, %swap3A_662] {strides = array<i32>} : memref<4x2x128xi32, #tpu.memory_space<vmem>>, vector<1x1x16xi32>,
        %swap3A_664 = vector.shape_cast %swap3A_663 : vector<1x1x16xi32> to vector<16xi32>
        %swap3A_665 = vector.shape_cast %add3A_657 : vector<16xi32> to vector<1x1x16xi32>
        tpu.vector_store %arg6[%swap3A_660, %swap3A_661, %swap3A_662], %swap3A_665 {strides = array<i32>} : memref<4x2x128xi32, #tpu.memory_space<vmem>>, vector<1x1x16xi32>,
        %get3A_666 = arith.constant 0 : i32
        %get3A_667 = arith.constant 0 : i32
        %get3A_668 = arith.index_cast %get3A_666 : i32 to index
        %get3A_669 = arith.index_cast %get3A_667 : i32 to index
        %get3A_670 = arith.constant 80 : index
        %get3A_671 = tpu.vector_load %arg6[%get3A_668, %get3A_669, %get3A_670] {strides = array<i32>} : memref<4x2x128xi32, #tpu.memory_space<vmem>>, vector<1x1x16xi32>,
        %get3A_672 = vector.shape_cast %get3A_671 : vector<1x1x16xi32> to vector<16xi32>
        %add3A_673 = vector.broadcast %mul3A_2 : i32 to vector<16xi32>
        %add3A_674 = arith.addi %get3A_672, %add3A_673 : vector<16xi32>
        %swap3A_675 = arith.constant 0 : i32
        %swap3A_676 = arith.constant 0 : i32
        %swap3A_677 = arith.index_cast %swap3A_675 : i32 to index
        %swap3A_678 = arith.index_cast %swap3A_676 : i32 to index
        %swap3A_679 = arith.constant 80 : index
        %swap3A_680 = tpu.vector_load %arg6[%swap3A_677, %swap3A_678, %swap3A_679] {strides = array<i32>} : memref<4x2x128xi32, #tpu.memory_space<vmem>>, vector<1x1x16xi32>,
        %swap3A_681 = vector.shape_cast %swap3A_680 : vector<1x1x16xi32> to vector<16xi32>
        %swap3A_682 = vector.shape_cast %add3A_674 : vector<16xi32> to vector<1x1x16xi32>
        tpu.vector_store %arg6[%swap3A_677, %swap3A_678, %swap3A_679], %swap3A_682 {strides = array<i32>} : memref<4x2x128xi32, #tpu.memory_space<vmem>>, vector<1x1x16xi32>,
        %get3A_683 = arith.constant 0 : i32
        %get3A_684 = arith.constant 0 : i32
        %get3A_685 = arith.index_cast %get3A_683 : i32 to index
        %get3A_686 = arith.index_cast %get3A_684 : i32 to index
        %get3A_687 = arith.constant 96 : index
        %get3A_688 = tpu.vector_load %arg6[%get3A_685, %get3A_686, %get3A_687] {strides = array<i32>} : memref<4x2x128xi32, #tpu.memory_space<vmem>>, vector<1x1x16xi32>,
        %get3A_689 = vector.shape_cast %get3A_688 : vector<1x1x16xi32> to vector<16xi32>
        %add3A_690 = vector.broadcast %mul3A_2 : i32 to vector<16xi32>
        %add3A_691 = arith.addi %get3A_689, %add3A_690 : vector<16xi32>
        %swap3A_692 = arith.constant 0 : i32
        %swap3A_693 = arith.constant 0 : i32
        %swap3A_694 = arith.index_cast %swap3A_692 : i32 to index
        %swap3A_695 = arith.index_cast %swap3A_693 : i32 to index
        %swap3A_696 = arith.constant 96 : index
        %swap3A_697 = tpu.vector_load %arg6[%swap3A_694, %swap3A_695, %swap3A_696] {strides = array<i32>} : memref<4x2x128xi32, #tpu.memory_space<vmem>>, vector<1x1x16xi32>,
        %swap3A_698 = vector.shape_cast %swap3A_697 : vector<1x1x16xi32> to vector<16xi32>
        %swap3A_699 = vector.shape_cast %add3A_691 : vector<16xi32> to vector<1x1x16xi32>
        tpu.vector_store %arg6[%swap3A_694, %swap3A_695, %swap3A_696], %swap3A_699 {strides = array<i32>} : memref<4x2x128xi32, #tpu.memory_space<vmem>>, vector<1x1x16xi32>,
        %get3A_700 = arith.constant 0 : i32
        %get3A_701 = arith.constant 0 : i32
        %get3A_702 = arith.index_cast %get3A_700 : i32 to index
        %get3A_703 = arith.index_cast %get3A_701 : i32 to index
        %get3A_704 = arith.constant 112 : index
        %get3A_705 = tpu.vector_load %arg6[%get3A_702, %get3A_703, %get3A_704] {strides = array<i32>} : memref<4x2x128xi32, #tpu.memory_space<vmem>>, vector<1x1x16xi32>,
        %get3A_706 = vector.shape_cast %get3A_705 : vector<1x1x16xi32> to vector<16xi32>
        %add3A_707 = vector.broadcast %mul3A_2 : i32 to vector<16xi32>
        %add3A_708 = arith.addi %get3A_706, %add3A_707 : vector<16xi32>
        %swap3A_709 = arith.constant 0 : i32
        %swap3A_710 = arith.constant 0 : i32
        %swap3A_711 = arith.index_cast %swap3A_709 : i32 to index
        %swap3A_712 = arith.index_cast %swap3A_710 : i32 to index
        %swap3A_713 = arith.constant 112 : index
        %swap3A_714 = tpu.vector_load %arg6[%swap3A_711, %swap3A_712, %swap3A_713] {strides = array<i32>} : memref<4x2x128xi32, #tpu.memory_space<vmem>>, vector<1x1x16xi32>,
        %swap3A_715 = vector.shape_cast %swap3A_714 : vector<1x1x16xi32> to vector<16xi32>
        %swap3A_716 = vector.shape_cast %add3A_708 : vector<16xi32> to vector<1x1x16xi32>
        tpu.vector_store %arg6[%swap3A_711, %swap3A_712, %swap3A_713], %swap3A_716 {strides = array<i32>} : memref<4x2x128xi32, #tpu.memory_space<vmem>>, vector<1x1x16xi32>,
        %dma_start3A_717 = arith.constant 0 : i32
        %dma_start3A_718 = arith.constant 0 : i32
        %dma_start3A_719 = arith.constant 0 : i32
        %dma_start3A_720 = tpu.memref_slice %arg6[%dma_start3A_717, %dma_start3A_718, %dma_start3A_719] : memref<4x2x128xi32, #tpu.memory_space<vmem>> -> memref<1x1x128xi32, #tpu.memory_space<vmem>>
        %dma_start3A_721 = tpu.memref_squeeze %dma_start3A_720 : memref<1x1x128xi32, #tpu.memory_space<vmem>> -> memref<128xi32, #tpu.memory_space<vmem>>
        %dma_start3A_722 = arith.constant 0 : i32
        %dma_start3A_723 = arith.constant 0 : i32
        %dma_start3A_724 = tpu.memref_slice %arg2[%dma_start3A_722, %dma_start3A_723] : memref<20480x128xf32, #tpu.memory_space<hbm>> -> memref<20480x128xf32, #tpu.memory_space<hbm>>
        tpu.enqueue_indirect_dma source(%dma_start3A_724 : memref<20480x128xf32, #tpu.memory_space<hbm>>) target(%arg7 : memref<128x128xf32, #tpu.memory_space<vmem>>) offsets(%dma_start3A_721 : memref<128xi32, #tpu.memory_space<vmem>>) semaphore(%arg13 : memref<!tpu.dma_semaphore, #tpu.memory_space<semaphore_mem>>)
      } else {
      }
      %mul3A_532 = arith.constant 4 : i32
      %mul3A_533 = arith.muli %mul3A_532, %scan3A_449 : i32
      %add3A_534 = arith.constant 3 : i32
      %add3A_535 = arith.addi %mul3A_533, %add3A_534 : i32
      %dma_wait3A_536 = arith.constant 3 : i32
      %dma_wait3A_537 = arith.constant 0 : i32
      %dma_wait3A_538 = arith.constant 0 : i32
      %dma_wait3A_539 = tpu.memref_slice %arg6[%dma_wait3A_536, %dma_wait3A_537, %dma_wait3A_538] : memref<4x2x128xi32, #tpu.memory_space<vmem>> -> memref<1x1x128xi32, #tpu.memory_space<vmem>>
      %dma_wait3A_540 = tpu.memref_squeeze %dma_wait3A_539 : memref<1x1x128xi32, #tpu.memory_space<vmem>> -> memref<128xi32, #tpu.memory_space<vmem>>
      %dma_wait3A_541 = arith.constant 0 : i32
      %dma_wait3A_542 = arith.constant 0 : i32
      %dma_wait3A_543 = tpu.memref_slice %arg2[%dma_wait3A_541, %dma_wait3A_542] : memref<20480x128xf32, #tpu.memory_space<hbm>> -> memref<20480x128xf32, #tpu.memory_space<hbm>>
      tpu.wait_indirect_dma semaphore(%arg14 : memref<!tpu.dma_semaphore, #tpu.memory_space<semaphore_mem>>) src(%dma_wait3A_543 : memref<20480x128xf32, #tpu.memory_space<hbm>>) dst(%arg8 : memref<128x128xf32, #tpu.memory_space<vmem>>)
      %run_scoped3A_544 = arith.constant 3 : i32
      %run_scoped3A_545 = arith.constant 1 : i32
      "tpu.region"() ({
        %run_scoped3A_561 = tpu.sem_alloc : memref<!tpu.dma_semaphore, #tpu.memory_space<semaphore_mem>>
        %dma_start3A_562 = arith.constant 0 : i32
        %dma_start3A_563 = tpu.memref_slice %arg6[%run_scoped3A_544, %run_scoped3A_545, %dma_start3A_562] : memref<4x2x128xi32, #tpu.memory_space<vmem>> -> memref<1x1x128xi32, #tpu.memory_space<vmem>>
        %dma_start3A_564 = tpu.memref_squeeze %dma_start3A_563 : memref<1x1x128xi32, #tpu.memory_space<vmem>> -> memref<128xi32, #tpu.memory_space<vmem>>
        %dma_start3A_565 = arith.constant 0 : i32
        %dma_start3A_566 = arith.constant 0 : i32
        %dma_start3A_567 = tpu.memref_slice %arg5[%dma_start3A_565, %dma_start3A_566] : memref<10240x128xf32, #tpu.memory_space<vmem_shared>> -> memref<10240x128xf32, #tpu.memory_space<vmem_shared>>
        tpu.enqueue_indirect_dma source(%arg8 : memref<128x128xf32, #tpu.memory_space<vmem>>) target(%dma_start3A_567 : memref<10240x128xf32, #tpu.memory_space<vmem_shared>>) offsets(%dma_start3A_564 : memref<128xi32, #tpu.memory_space<vmem>>) semaphore(%run_scoped3A_561 : memref<!tpu.dma_semaphore, #tpu.memory_space<semaphore_mem>>) {add = true}
        %dma_wait3A_568 = arith.constant 0 : i32
        %dma_wait3A_569 = tpu.memref_slice %arg6[%run_scoped3A_544, %run_scoped3A_545, %dma_wait3A_568] : memref<4x2x128xi32, #tpu.memory_space<vmem>> -> memref<1x1x128xi32, #tpu.memory_space<vmem>>
        %dma_wait3A_570 = tpu.memref_squeeze %dma_wait3A_569 : memref<1x1x128xi32, #tpu.memory_space<vmem>> -> memref<128xi32, #tpu.memory_space<vmem>>
        %dma_wait3A_571 = arith.constant 0 : i32
        %dma_wait3A_572 = arith.constant 0 : i32
        %dma_wait3A_573 = tpu.memref_slice %arg5[%dma_wait3A_571, %dma_wait3A_572] : memref<10240x128xf32, #tpu.memory_space<vmem_shared>> -> memref<10240x128xf32, #tpu.memory_space<vmem_shared>>
        tpu.wait_indirect_dma semaphore(%run_scoped3A_561 : memref<!tpu.dma_semaphore, #tpu.memory_space<semaphore_mem>>) src(%arg8 : memref<128x128xf32, #tpu.memory_space<vmem>>) dst(%dma_wait3A_573 : memref<10240x128xf32, #tpu.memory_space<vmem_shared>>)
        tpu.yield
      }) : () -> ()
      %add3A_546 = arith.constant 4 : i32
      %add3A_547 = arith.addi %add3A_535, %add3A_546 : i32
      %lt3A_548 = arith.constant 158 : i32
      %lt3A_549 = arith.cmpi slt, %add3A_547, %lt3A_548 : i32
      %convert_element_type3A_550 = arith.extui %lt3A_549 : i1 to i32
      %cond3A_551 = arith.constant 0 : i32
      %cond3A_552 = arith.cmpi ne, %convert_element_type3A_550, %cond3A_551 : i32
      scf.if %cond3A_552 {
        %add3A_561 = arith.addi %mul3A_4, %add3A_535 : i32
        %add3A_562 = arith.constant 4 : i32
        %add3A_563 = arith.addi %add3A_561, %add3A_562 : i32
        %dma_start3A_564 = arith.constant 3 : i32
        %dma_start3A_565 = arith.constant 0 : i32
        %dma_start3A_566 = arith.constant 0 : i32
        %dma_start3A_567 = tpu.memref_slice %arg6[%dma_start3A_564, %dma_start3A_565, %dma_start3A_566] : memref<4x2x128xi32, #tpu.memory_space<vmem>> -> memref<1x2x128xi32, #tpu.memory_space<vmem>>
        %dma_start3A_568 = tpu.memref_squeeze %dma_start3A_567 : memref<1x2x128xi32, #tpu.memory_space<vmem>> -> memref<2x128xi32, #tpu.memory_space<vmem>>
        %dma_start3A_569 = arith.constant 0 : i32
        %dma_start3A_570 = arith.constant 0 : i32
        %dma_start3A_571 = tpu.memref_slice %arg3[%add3A_563, %dma_start3A_569, %dma_start3A_570] : memref<2528x2x128xi32, #tpu.memory_space<hbm>> -> memref<1x2x128xi32, #tpu.memory_space<hbm>>
        %dma_start3A_572 = tpu.memref_squeeze %dma_start3A_571 : memref<1x2x128xi32, #tpu.memory_space<hbm>> -> memref<2x128xi32, #tpu.memory_space<hbm>>
        %dma_start3A_573 = arith.constant 0 : i32
        %dma_start3A_574 = arith.constant 0 : i32
        %dma_start3A_575 = tpu.memref_slice %arg6[%dma_start3A_564, %dma_start3A_573, %dma_start3A_574] : memref<4x2x128xi32, #tpu.memory_space<vmem>> -> memref<1x2x128xi32, #tpu.memory_space<vmem>>
        %dma_start3A_576 = tpu.memref_squeeze %dma_start3A_575 : memref<1x2x128xi32, #tpu.memory_space<vmem>> -> memref<2x128xi32, #tpu.memory_space<vmem>>
        %dma_start3A_577 = arith.constant 0 : i32
        %dma_start3A_578 = arith.constant 0 : i32
        %dma_start3A_579 = tpu.memref_slice %arg3[%add3A_563, %dma_start3A_577, %dma_start3A_578] : memref<2528x2x128xi32, #tpu.memory_space<hbm>> -> memref<1x2x128xi32, #tpu.memory_space<hbm>>
        %dma_start3A_580 = tpu.memref_squeeze %dma_start3A_579 : memref<1x2x128xi32, #tpu.memory_space<hbm>> -> memref<2x128xi32, #tpu.memory_space<hbm>>
        tpu.enqueue_dma source(%dma_start3A_580 : memref<2x128xi32, #tpu.memory_space<hbm>>) target(%dma_start3A_576 : memref<2x128xi32, #tpu.memory_space<vmem>>) target_semaphore(%arg12 : memref<!tpu.dma_semaphore, #tpu.memory_space<semaphore_mem>>)
      } else {
      }
      %add3A_553 = arith.constant 2 : i32
      %add3A_554 = arith.addi %add3A_535, %add3A_553 : i32
      %lt3A_555 = arith.constant 158 : i32
      %lt3A_556 = arith.cmpi slt, %add3A_554, %lt3A_555 : i32
      %convert_element_type3A_557 = arith.extui %lt3A_556 : i1 to i32
      %cond3A_558 = arith.constant 0 : i32
      %cond3A_559 = arith.cmpi ne, %convert_element_type3A_557, %cond3A_558 : i32
      scf.if %cond3A_559 {
        %add3A_561 = arith.addi %mul3A_4, %add3A_535 : i32
        %add3A_562 = arith.constant 2 : i32
        %add3A_563 = arith.addi %add3A_561, %add3A_562 : i32
        %dma_wait3A_564 = arith.constant 1 : i32
        %dma_wait3A_565 = arith.constant 0 : i32
        %dma_wait3A_566 = arith.constant 0 : i32
        %dma_wait3A_567 = tpu.memref_slice %arg6[%dma_wait3A_564, %dma_wait3A_565, %dma_wait3A_566] : memref<4x2x128xi32, #tpu.memory_space<vmem>> -> memref<1x2x128xi32, #tpu.memory_space<vmem>>
        %dma_wait3A_568 = tpu.memref_squeeze %dma_wait3A_567 : memref<1x2x128xi32, #tpu.memory_space<vmem>> -> memref<2x128xi32, #tpu.memory_space<vmem>>
        %dma_wait3A_569 = arith.constant 0 : i32
        %dma_wait3A_570 = arith.constant 0 : i32
        %dma_wait3A_571 = tpu.memref_slice %arg3[%add3A_563, %dma_wait3A_569, %dma_wait3A_570] : memref<2528x2x128xi32, #tpu.memory_space<hbm>> -> memref<1x2x128xi32, #tpu.memory_space<hbm>>
        %dma_wait3A_572 = tpu.memref_squeeze %dma_wait3A_571 : memref<1x2x128xi32, #tpu.memory_space<hbm>> -> memref<2x128xi32, #tpu.memory_space<hbm>>
        %dma_wait3A_573 = arith.constant 0 : i32
        %dma_wait3A_574 = arith.constant 0 : i32
        %dma_wait3A_575 = tpu.memref_slice %arg6[%dma_wait3A_564, %dma_wait3A_573, %dma_wait3A_574] : memref<4x2x128xi32, #tpu.memory_space<vmem>> -> memref<1x2x128xi32, #tpu.memory_space<vmem>>
        %dma_wait3A_576 = tpu.memref_squeeze %dma_wait3A_575 : memref<1x2x128xi32, #tpu.memory_space<vmem>> -> memref<2x128xi32, #tpu.memory_space<vmem>>
        %dma_wait3A_577 = arith.constant 0 : i32
        %dma_wait3A_578 = arith.constant 0 : i32
        %dma_wait3A_579 = tpu.memref_slice %arg3[%add3A_563, %dma_wait3A_577, %dma_wait3A_578] : memref<2528x2x128xi32, #tpu.memory_space<hbm>> -> memref<1x2x128xi32, #tpu.memory_space<hbm>>
        %dma_wait3A_580 = tpu.memref_squeeze %dma_wait3A_579 : memref<1x2x128xi32, #tpu.memory_space<hbm>> -> memref<2x128xi32, #tpu.memory_space<hbm>>
        tpu.wait_dma2 semaphore(%arg10 : memref<!tpu.dma_semaphore, #tpu.memory_space<semaphore_mem>>) src(%dma_wait3A_580 : memref<2x128xi32, #tpu.memory_space<hbm>>) dst(%dma_wait3A_576 : memref<2x128xi32, #tpu.memory_space<vmem>>)
        %get3A_581 = arith.constant 1 : i32
        %get3A_582 = arith.constant 0 : i32
        %get3A_583 = arith.index_cast %get3A_581 : i32 to index
        %get3A_584 = arith.index_cast %get3A_582 : i32 to index
        %get3A_585 = arith.constant 0 : index
        %get3A_586 = tpu.vector_load %arg6[%get3A_583, %get3A_584, %get3A_585] {strides = array<i32>} : memref<4x2x128xi32, #tpu.memory_space<vmem>>, vector<1x1x16xi32>,
        %get3A_587 = vector.shape_cast %get3A_586 : vector<1x1x16xi32> to vector<16xi32>
        %add3A_588 = vector.broadcast %mul3A_2 : i32 to vector<16xi32>
        %add3A_589 = arith.addi %get3A_587, %add3A_588 : vector<16xi32>
        %swap3A_590 = arith.constant 1 : i32
        %swap3A_591 = arith.constant 0 : i32
        %swap3A_592 = arith.index_cast %swap3A_590 : i32 to index
        %swap3A_593 = arith.index_cast %swap3A_591 : i32 to index
        %swap3A_594 = arith.constant 0 : index
        %swap3A_595 = tpu.vector_load %arg6[%swap3A_592, %swap3A_593, %swap3A_594] {strides = array<i32>} : memref<4x2x128xi32, #tpu.memory_space<vmem>>, vector<1x1x16xi32>,
        %swap3A_596 = vector.shape_cast %swap3A_595 : vector<1x1x16xi32> to vector<16xi32>
        %swap3A_597 = vector.shape_cast %add3A_589 : vector<16xi32> to vector<1x1x16xi32>
        tpu.vector_store %arg6[%swap3A_592, %swap3A_593, %swap3A_594], %swap3A_597 {strides = array<i32>} : memref<4x2x128xi32, #tpu.memory_space<vmem>>, vector<1x1x16xi32>,
        %get3A_598 = arith.constant 1 : i32
        %get3A_599 = arith.constant 0 : i32
        %get3A_600 = arith.index_cast %get3A_598 : i32 to index
        %get3A_601 = arith.index_cast %get3A_599 : i32 to index
        %get3A_602 = arith.constant 16 : index
        %get3A_603 = tpu.vector_load %arg6[%get3A_600, %get3A_601, %get3A_602] {strides = array<i32>} : memref<4x2x128xi32, #tpu.memory_space<vmem>>, vector<1x1x16xi32>,
        %get3A_604 = vector.shape_cast %get3A_603 : vector<1x1x16xi32> to vector<16xi32>
        %add3A_605 = vector.broadcast %mul3A_2 : i32 to vector<16xi32>
        %add3A_606 = arith.addi %get3A_604, %add3A_605 : vector<16xi32>
        %swap3A_607 = arith.constant 1 : i32
        %swap3A_608 = arith.constant 0 : i32
        %swap3A_609 = arith.index_cast %swap3A_607 : i32 to index
        %swap3A_610 = arith.index_cast %swap3A_608 : i32 to index
        %swap3A_611 = arith.constant 16 : index
        %swap3A_612 = tpu.vector_load %arg6[%swap3A_609, %swap3A_610, %swap3A_611] {strides = array<i32>} : memref<4x2x128xi32, #tpu.memory_space<vmem>>, vector<1x1x16xi32>,
        %swap3A_613 = vector.shape_cast %swap3A_612 : vector<1x1x16xi32> to vector<16xi32>
        %swap3A_614 = vector.shape_cast %add3A_606 : vector<16xi32> to vector<1x1x16xi32>
        tpu.vector_store %arg6[%swap3A_609, %swap3A_610, %swap3A_611], %swap3A_614 {strides = array<i32>} : memref<4x2x128xi32, #tpu.memory_space<vmem>>, vector<1x1x16xi32>,
        %get3A_615 = arith.constant 1 : i32
        %get3A_616 = arith.constant 0 : i32
        %get3A_617 = arith.index_cast %get3A_615 : i32 to index
        %get3A_618 = arith.index_cast %get3A_616 : i32 to index
        %get3A_619 = arith.constant 32 : index
        %get3A_620 = tpu.vector_load %arg6[%get3A_617, %get3A_618, %get3A_619] {strides = array<i32>} : memref<4x2x128xi32, #tpu.memory_space<vmem>>, vector<1x1x16xi32>,
        %get3A_621 = vector.shape_cast %get3A_620 : vector<1x1x16xi32> to vector<16xi32>
        %add3A_622 = vector.broadcast %mul3A_2 : i32 to vector<16xi32>
        %add3A_623 = arith.addi %get3A_621, %add3A_622 : vector<16xi32>
        %swap3A_624 = arith.constant 1 : i32
        %swap3A_625 = arith.constant 0 : i32
        %swap3A_626 = arith.index_cast %swap3A_624 : i32 to index
        %swap3A_627 = arith.index_cast %swap3A_625 : i32 to index
        %swap3A_628 = arith.constant 32 : index
        %swap3A_629 = tpu.vector_load %arg6[%swap3A_626, %swap3A_627, %swap3A_628] {strides = array<i32>} : memref<4x2x128xi32, #tpu.memory_space<vmem>>, vector<1x1x16xi32>,
        %swap3A_630 = vector.shape_cast %swap3A_629 : vector<1x1x16xi32> to vector<16xi32>
        %swap3A_631 = vector.shape_cast %add3A_623 : vector<16xi32> to vector<1x1x16xi32>
        tpu.vector_store %arg6[%swap3A_626, %swap3A_627, %swap3A_628], %swap3A_631 {strides = array<i32>} : memref<4x2x128xi32, #tpu.memory_space<vmem>>, vector<1x1x16xi32>,
        %get3A_632 = arith.constant 1 : i32
        %get3A_633 = arith.constant 0 : i32
        %get3A_634 = arith.index_cast %get3A_632 : i32 to index
        %get3A_635 = arith.index_cast %get3A_633 : i32 to index
        %get3A_636 = arith.constant 48 : index
        %get3A_637 = tpu.vector_load %arg6[%get3A_634, %get3A_635, %get3A_636] {strides = array<i32>} : memref<4x2x128xi32, #tpu.memory_space<vmem>>, vector<1x1x16xi32>,
        %get3A_638 = vector.shape_cast %get3A_637 : vector<1x1x16xi32> to vector<16xi32>
        %add3A_639 = vector.broadcast %mul3A_2 : i32 to vector<16xi32>
        %add3A_640 = arith.addi %get3A_638, %add3A_639 : vector<16xi32>
        %swap3A_641 = arith.constant 1 : i32
        %swap3A_642 = arith.constant 0 : i32
        %swap3A_643 = arith.index_cast %swap3A_641 : i32 to index
        %swap3A_644 = arith.index_cast %swap3A_642 : i32 to index
        %swap3A_645 = arith.constant 48 : index
        %swap3A_646 = tpu.vector_load %arg6[%swap3A_643, %swap3A_644, %swap3A_645] {strides = array<i32>} : memref<4x2x128xi32, #tpu.memory_space<vmem>>, vector<1x1x16xi32>,
        %swap3A_647 = vector.shape_cast %swap3A_646 : vector<1x1x16xi32> to vector<16xi32>
        %swap3A_648 = vector.shape_cast %add3A_640 : vector<16xi32> to vector<1x1x16xi32>
        tpu.vector_store %arg6[%swap3A_643, %swap3A_644, %swap3A_645], %swap3A_648 {strides = array<i32>} : memref<4x2x128xi32, #tpu.memory_space<vmem>>, vector<1x1x16xi32>,
        %get3A_649 = arith.constant 1 : i32
        %get3A_650 = arith.constant 0 : i32
        %get3A_651 = arith.index_cast %get3A_649 : i32 to index
        %get3A_652 = arith.index_cast %get3A_650 : i32 to index
        %get3A_653 = arith.constant 64 : index
        %get3A_654 = tpu.vector_load %arg6[%get3A_651, %get3A_652, %get3A_653] {strides = array<i32>} : memref<4x2x128xi32, #tpu.memory_space<vmem>>, vector<1x1x16xi32>,
        %get3A_655 = vector.shape_cast %get3A_654 : vector<1x1x16xi32> to vector<16xi32>
        %add3A_656 = vector.broadcast %mul3A_2 : i32 to vector<16xi32>
        %add3A_657 = arith.addi %get3A_655, %add3A_656 : vector<16xi32>
        %swap3A_658 = arith.constant 1 : i32
        %swap3A_659 = arith.constant 0 : i32
        %swap3A_660 = arith.index_cast %swap3A_658 : i32 to index
        %swap3A_661 = arith.index_cast %swap3A_659 : i32 to index
        %swap3A_662 = arith.constant 64 : index
        %swap3A_663 = tpu.vector_load %arg6[%swap3A_660, %swap3A_661, %swap3A_662] {strides = array<i32>} : memref<4x2x128xi32, #tpu.memory_space<vmem>>, vector<1x1x16xi32>,
        %swap3A_664 = vector.shape_cast %swap3A_663 : vector<1x1x16xi32> to vector<16xi32>
        %swap3A_665 = vector.shape_cast %add3A_657 : vector<16xi32> to vector<1x1x16xi32>
        tpu.vector_store %arg6[%swap3A_660, %swap3A_661, %swap3A_662], %swap3A_665 {strides = array<i32>} : memref<4x2x128xi32, #tpu.memory_space<vmem>>, vector<1x1x16xi32>,
        %get3A_666 = arith.constant 1 : i32
        %get3A_667 = arith.constant 0 : i32
        %get3A_668 = arith.index_cast %get3A_666 : i32 to index
        %get3A_669 = arith.index_cast %get3A_667 : i32 to index
        %get3A_670 = arith.constant 80 : index
        %get3A_671 = tpu.vector_load %arg6[%get3A_668, %get3A_669, %get3A_670] {strides = array<i32>} : memref<4x2x128xi32, #tpu.memory_space<vmem>>, vector<1x1x16xi32>,
        %get3A_672 = vector.shape_cast %get3A_671 : vector<1x1x16xi32> to vector<16xi32>
        %add3A_673 = vector.broadcast %mul3A_2 : i32 to vector<16xi32>
        %add3A_674 = arith.addi %get3A_672, %add3A_673 : vector<16xi32>
        %swap3A_675 = arith.constant 1 : i32
        %swap3A_676 = arith.constant 0 : i32
        %swap3A_677 = arith.index_cast %swap3A_675 : i32 to index
        %swap3A_678 = arith.index_cast %swap3A_676 : i32 to index
        %swap3A_679 = arith.constant 80 : index
        %swap3A_680 = tpu.vector_load %arg6[%swap3A_677, %swap3A_678, %swap3A_679] {strides = array<i32>} : memref<4x2x128xi32, #tpu.memory_space<vmem>>, vector<1x1x16xi32>,
        %swap3A_681 = vector.shape_cast %swap3A_680 : vector<1x1x16xi32> to vector<16xi32>
        %swap3A_682 = vector.shape_cast %add3A_674 : vector<16xi32> to vector<1x1x16xi32>
        tpu.vector_store %arg6[%swap3A_677, %swap3A_678, %swap3A_679], %swap3A_682 {strides = array<i32>} : memref<4x2x128xi32, #tpu.memory_space<vmem>>, vector<1x1x16xi32>,
        %get3A_683 = arith.constant 1 : i32
        %get3A_684 = arith.constant 0 : i32
        %get3A_685 = arith.index_cast %get3A_683 : i32 to index
        %get3A_686 = arith.index_cast %get3A_684 : i32 to index
        %get3A_687 = arith.constant 96 : index
        %get3A_688 = tpu.vector_load %arg6[%get3A_685, %get3A_686, %get3A_687] {strides = array<i32>} : memref<4x2x128xi32, #tpu.memory_space<vmem>>, vector<1x1x16xi32>,
        %get3A_689 = vector.shape_cast %get3A_688 : vector<1x1x16xi32> to vector<16xi32>
        %add3A_690 = vector.broadcast %mul3A_2 : i32 to vector<16xi32>
        %add3A_691 = arith.addi %get3A_689, %add3A_690 : vector<16xi32>
        %swap3A_692 = arith.constant 1 : i32
        %swap3A_693 = arith.constant 0 : i32
        %swap3A_694 = arith.index_cast %swap3A_692 : i32 to index
        %swap3A_695 = arith.index_cast %swap3A_693 : i32 to index
        %swap3A_696 = arith.constant 96 : index
        %swap3A_697 = tpu.vector_load %arg6[%swap3A_694, %swap3A_695, %swap3A_696] {strides = array<i32>} : memref<4x2x128xi32, #tpu.memory_space<vmem>>, vector<1x1x16xi32>,
        %swap3A_698 = vector.shape_cast %swap3A_697 : vector<1x1x16xi32> to vector<16xi32>
        %swap3A_699 = vector.shape_cast %add3A_691 : vector<16xi32> to vector<1x1x16xi32>
        tpu.vector_store %arg6[%swap3A_694, %swap3A_695, %swap3A_696], %swap3A_699 {strides = array<i32>} : memref<4x2x128xi32, #tpu.memory_space<vmem>>, vector<1x1x16xi32>,
        %get3A_700 = arith.constant 1 : i32
        %get3A_701 = arith.constant 0 : i32
        %get3A_702 = arith.index_cast %get3A_700 : i32 to index
        %get3A_703 = arith.index_cast %get3A_701 : i32 to index
        %get3A_704 = arith.constant 112 : index
        %get3A_705 = tpu.vector_load %arg6[%get3A_702, %get3A_703, %get3A_704] {strides = array<i32>} : memref<4x2x128xi32, #tpu.memory_space<vmem>>, vector<1x1x16xi32>,
        %get3A_706 = vector.shape_cast %get3A_705 : vector<1x1x16xi32> to vector<16xi32>
        %add3A_707 = vector.broadcast %mul3A_2 : i32 to vector<16xi32>
        %add3A_708 = arith.addi %get3A_706, %add3A_707 : vector<16xi32>
        %swap3A_709 = arith.constant 1 : i32
        %swap3A_710 = arith.constant 0 : i32
        %swap3A_711 = arith.index_cast %swap3A_709 : i32 to index
        %swap3A_712 = arith.index_cast %swap3A_710 : i32 to index
        %swap3A_713 = arith.constant 112 : index
        %swap3A_714 = tpu.vector_load %arg6[%swap3A_711, %swap3A_712, %swap3A_713] {strides = array<i32>} : memref<4x2x128xi32, #tpu.memory_space<vmem>>, vector<1x1x16xi32>,
        %swap3A_715 = vector.shape_cast %swap3A_714 : vector<1x1x16xi32> to vector<16xi32>
        %swap3A_716 = vector.shape_cast %add3A_708 : vector<16xi32> to vector<1x1x16xi32>
        tpu.vector_store %arg6[%swap3A_711, %swap3A_712, %swap3A_713], %swap3A_716 {strides = array<i32>} : memref<4x2x128xi32, #tpu.memory_space<vmem>>, vector<1x1x16xi32>,
        %dma_start3A_717 = arith.constant 1 : i32
        %dma_start3A_718 = arith.constant 0 : i32
        %dma_start3A_719 = arith.constant 0 : i32
        %dma_start3A_720 = tpu.memref_slice %arg6[%dma_start3A_717, %dma_start3A_718, %dma_start3A_719] : memref<4x2x128xi32, #tpu.memory_space<vmem>> -> memref<1x1x128xi32, #tpu.memory_space<vmem>>
        %dma_start3A_721 = tpu.memref_squeeze %dma_start3A_720 : memref<1x1x128xi32, #tpu.memory_space<vmem>> -> memref<128xi32, #tpu.memory_space<vmem>>
        %dma_start3A_722 = arith.constant 0 : i32
        %dma_start3A_723 = arith.constant 0 : i32
        %dma_start3A_724 = tpu.memref_slice %arg2[%dma_start3A_722, %dma_start3A_723] : memref<20480x128xf32, #tpu.memory_space<hbm>> -> memref<20480x128xf32, #tpu.memory_space<hbm>>
        tpu.enqueue_indirect_dma source(%dma_start3A_724 : memref<20480x128xf32, #tpu.memory_space<hbm>>) target(%arg8 : memref<128x128xf32, #tpu.memory_space<vmem>>) offsets(%dma_start3A_721 : memref<128xi32, #tpu.memory_space<vmem>>) semaphore(%arg14 : memref<!tpu.dma_semaphore, #tpu.memory_space<semaphore_mem>>)
      } else {
      }
      %scan3A_560 = arith.constant 0 : i32
      scf.yield %scan3A_560 : i32
    }
    %scan3A_421 = arith.constant 39 : i32
    %dma_wait3A_422 = arith.constant 0 : i32
    %dma_wait3A_423 = arith.constant 0 : i32
    %dma_wait3A_424 = arith.constant 0 : i32
    %dma_wait3A_425 = tpu.memref_slice %arg6[%dma_wait3A_422, %dma_wait3A_423, %dma_wait3A_424] : memref<4x2x128xi32, #tpu.memory_space<vmem>> -> memref<1x1x128xi32, #tpu.memory_space<vmem>>
    %dma_wait3A_426 = tpu.memref_squeeze %dma_wait3A_425 : memref<1x1x128xi32, #tpu.memory_space<vmem>> -> memref<128xi32, #tpu.memory_space<vmem>>
    %dma_wait3A_427 = arith.constant 0 : i32
    %dma_wait3A_428 = arith.constant 0 : i32
    %dma_wait3A_429 = tpu.memref_slice %arg2[%dma_wait3A_427, %dma_wait3A_428] : memref<20480x128xf32, #tpu.memory_space<hbm>> -> memref<20480x128xf32, #tpu.memory_space<hbm>>
    tpu.wait_indirect_dma semaphore(%arg13 : memref<!tpu.dma_semaphore, #tpu.memory_space<semaphore_mem>>) src(%dma_wait3A_429 : memref<20480x128xf32, #tpu.memory_space<hbm>>) dst(%arg7 : memref<128x128xf32, #tpu.memory_space<vmem>>)
    %run_scoped3A = arith.constant 0 : i32
    %run_scoped3A_430 = arith.constant 1 : i32
    "tpu.region"() ({
      %run_scoped3A_449 = tpu.sem_alloc : memref<!tpu.dma_semaphore, #tpu.memory_space<semaphore_mem>>
      %dma_start3A_450 = arith.constant 0 : i32
      %dma_start3A_451 = tpu.memref_slice %arg6[%run_scoped3A, %run_scoped3A_430, %dma_start3A_450] : memref<4x2x128xi32, #tpu.memory_space<vmem>> -> memref<1x1x128xi32, #tpu.memory_space<vmem>>
      %dma_start3A_452 = tpu.memref_squeeze %dma_start3A_451 : memref<1x1x128xi32, #tpu.memory_space<vmem>> -> memref<128xi32, #tpu.memory_space<vmem>>
      %dma_start3A_453 = arith.constant 0 : i32
      %dma_start3A_454 = arith.constant 0 : i32
      %dma_start3A_455 = tpu.memref_slice %arg5[%dma_start3A_453, %dma_start3A_454] : memref<10240x128xf32, #tpu.memory_space<vmem_shared>> -> memref<10240x128xf32, #tpu.memory_space<vmem_shared>>
      tpu.enqueue_indirect_dma source(%arg7 : memref<128x128xf32, #tpu.memory_space<vmem>>) target(%dma_start3A_455 : memref<10240x128xf32, #tpu.memory_space<vmem_shared>>) offsets(%dma_start3A_452 : memref<128xi32, #tpu.memory_space<vmem>>) semaphore(%run_scoped3A_449 : memref<!tpu.dma_semaphore, #tpu.memory_space<semaphore_mem>>) {add = true}
      %dma_wait3A_456 = arith.constant 0 : i32
      %dma_wait3A_457 = tpu.memref_slice %arg6[%run_scoped3A, %run_scoped3A_430, %dma_wait3A_456] : memref<4x2x128xi32, #tpu.memory_space<vmem>> -> memref<1x1x128xi32, #tpu.memory_space<vmem>>
      %dma_wait3A_458 = tpu.memref_squeeze %dma_wait3A_457 : memref<1x1x128xi32, #tpu.memory_space<vmem>> -> memref<128xi32, #tpu.memory_space<vmem>>
      %dma_wait3A_459 = arith.constant 0 : i32
      %dma_wait3A_460 = arith.constant 0 : i32
      %dma_wait3A_461 = tpu.memref_slice %arg5[%dma_wait3A_459, %dma_wait3A_460] : memref<10240x128xf32, #tpu.memory_space<vmem_shared>> -> memref<10240x128xf32, #tpu.memory_space<vmem_shared>>
      tpu.wait_indirect_dma semaphore(%run_scoped3A_449 : memref<!tpu.dma_semaphore, #tpu.memory_space<semaphore_mem>>) src(%arg7 : memref<128x128xf32, #tpu.memory_space<vmem>>) dst(%dma_wait3A_461 : memref<10240x128xf32, #tpu.memory_space<vmem_shared>>)
      tpu.yield
    }) : () -> ()
    %dma_wait3A_431 = arith.constant 1 : i32
    %dma_wait3A_432 = arith.constant 0 : i32
    %dma_wait3A_433 = arith.constant 0 : i32
    %dma_wait3A_434 = tpu.memref_slice %arg6[%dma_wait3A_431, %dma_wait3A_432, %dma_wait3A_433] : memref<4x2x128xi32, #tpu.memory_space<vmem>> -> memref<1x1x128xi32, #tpu.memory_space<vmem>>
    %dma_wait3A_435 = tpu.memref_squeeze %dma_wait3A_434 : memref<1x1x128xi32, #tpu.memory_space<vmem>> -> memref<128xi32, #tpu.memory_space<vmem>>
    %dma_wait3A_436 = arith.constant 0 : i32
    %dma_wait3A_437 = arith.constant 0 : i32
    %dma_wait3A_438 = tpu.memref_slice %arg2[%dma_wait3A_436, %dma_wait3A_437] : memref<20480x128xf32, #tpu.memory_space<hbm>> -> memref<20480x128xf32, #tpu.memory_space<hbm>>
    tpu.wait_indirect_dma semaphore(%arg14 : memref<!tpu.dma_semaphore, #tpu.memory_space<semaphore_mem>>) src(%dma_wait3A_438 : memref<20480x128xf32, #tpu.memory_space<hbm>>) dst(%arg8 : memref<128x128xf32, #tpu.memory_space<vmem>>)
    %run_scoped3A_439 = arith.constant 1 : i32
    %run_scoped3A_440 = arith.constant 1 : i32
    "tpu.region"() ({
      %run_scoped3A_449 = tpu.sem_alloc : memref<!tpu.dma_semaphore, #tpu.memory_space<semaphore_mem>>
      %dma_start3A_450 = arith.constant 0 : i32
      %dma_start3A_451 = tpu.memref_slice %arg6[%run_scoped3A_439, %run_scoped3A_440, %dma_start3A_450] : memref<4x2x128xi32, #tpu.memory_space<vmem>> -> memref<1x1x128xi32, #tpu.memory_space<vmem>>
      %dma_start3A_452 = tpu.memref_squeeze %dma_start3A_451 : memref<1x1x128xi32, #tpu.memory_space<vmem>> -> memref<128xi32, #tpu.memory_space<vmem>>
      %dma_start3A_453 = arith.constant 0 : i32
      %dma_start3A_454 = arith.constant 0 : i32
      %dma_start3A_455 = tpu.memref_slice %arg5[%dma_start3A_453, %dma_start3A_454] : memref<10240x128xf32, #tpu.memory_space<vmem_shared>> -> memref<10240x128xf32, #tpu.memory_space<vmem_shared>>
      tpu.enqueue_indirect_dma source(%arg8 : memref<128x128xf32, #tpu.memory_space<vmem>>) target(%dma_start3A_455 : memref<10240x128xf32, #tpu.memory_space<vmem_shared>>) offsets(%dma_start3A_452 : memref<128xi32, #tpu.memory_space<vmem>>) semaphore(%run_scoped3A_449 : memref<!tpu.dma_semaphore, #tpu.memory_space<semaphore_mem>>) {add = true}
      %dma_wait3A_456 = arith.constant 0 : i32
      %dma_wait3A_457 = tpu.memref_slice %arg6[%run_scoped3A_439, %run_scoped3A_440, %dma_wait3A_456] : memref<4x2x128xi32, #tpu.memory_space<vmem>> -> memref<1x1x128xi32, #tpu.memory_space<vmem>>
      %dma_wait3A_458 = tpu.memref_squeeze %dma_wait3A_457 : memref<1x1x128xi32, #tpu.memory_space<vmem>> -> memref<128xi32, #tpu.memory_space<vmem>>
      %dma_wait3A_459 = arith.constant 0 : i32
      %dma_wait3A_460 = arith.constant 0 : i32
      %dma_wait3A_461 = tpu.memref_slice %arg5[%dma_wait3A_459, %dma_wait3A_460] : memref<10240x128xf32, #tpu.memory_space<vmem_shared>> -> memref<10240x128xf32, #tpu.memory_space<vmem_shared>>
      tpu.wait_indirect_dma semaphore(%run_scoped3A_449 : memref<!tpu.dma_semaphore, #tpu.memory_space<semaphore_mem>>) src(%arg8 : memref<128x128xf32, #tpu.memory_space<vmem>>) dst(%dma_wait3A_461 : memref<10240x128xf32, #tpu.memory_space<vmem_shared>>)
      tpu.yield
    }) : () -> ()
    %barrier3A_441 = arith.constant 0 : index
    tpu.barrier barrier_id(%barrier3A_441)
    %scan3A_442 = arith.constant 0 : i32
    %scan3A_443 = arith.constant 0 : i32
    %scan3A_444 = arith.constant 5 : i32
    %scan3A_445 = arith.addi %scan3A_443, %scan3A_444 : i32
    %scan3A_446 = arith.constant 1 : i32
    %scan3A_447 = scf.for %scan3A_449 = %scan3A_443 to %scan3A_445 step %scan3A_446 iter_args(%scan3A_450 = %scan3A_442) -> (i32)  : i32 {
      %mul3A_451 = arith.constant 128 : i32
      %mul3A_452 = arith.muli %scan3A_449, %mul3A_451 : i32
      %add3A_453 = arith.addi %mul3A_0, %mul3A_452 : i32
      "tpu.region"() ({
        %run_scoped3A_461 = tpu.sem_alloc : memref<!tpu.dma_semaphore, #tpu.memory_space<semaphore_mem>>
        %dma_start3A_462 = arith.constant 0 : i32
        %dma_start3A_463 = tpu.memref_slice %arg5[%add3A_453, %dma_start3A_462] : memref<10240x128xf32, #tpu.memory_space<vmem_shared>> -> memref<128x128xf32, #tpu.memory_space<vmem_shared>>
        %dma_start3A_464 = arith.constant 0 : i32
        %dma_start3A_465 = tpu.memref_slice %arg5[%add3A_453, %dma_start3A_464] : memref<10240x128xf32, #tpu.memory_space<vmem_shared>> -> memref<128x128xf32, #tpu.memory_space<vmem_shared>>
        tpu.enqueue_dma source(%dma_start3A_465 : memref<128x128xf32, #tpu.memory_space<vmem_shared>>) target(%arg7 : memref<128x128xf32, #tpu.memory_space<vmem>>) target_semaphore(%run_scoped3A_461 : memref<!tpu.dma_semaphore, #tpu.memory_space<semaphore_mem>>)
        %dma_wait3A_466 = arith.constant 0 : i32
        %dma_wait3A_467 = tpu.memref_slice %arg5[%add3A_453, %dma_wait3A_466] : memref<10240x128xf32, #tpu.memory_space<vmem_shared>> -> memref<128x128xf32, #tpu.memory_space<vmem_shared>>
        %dma_wait3A_468 = arith.constant 0 : i32
        %dma_wait3A_469 = tpu.memref_slice %arg5[%add3A_453, %dma_wait3A_468] : memref<10240x128xf32, #tpu.memory_space<vmem_shared>> -> memref<128x128xf32, #tpu.memory_space<vmem_shared>>
        tpu.wait_dma2 semaphore(%run_scoped3A_461 : memref<!tpu.dma_semaphore, #tpu.memory_space<semaphore_mem>>) src(%dma_wait3A_469 : memref<128x128xf32, #tpu.memory_space<vmem_shared>>) dst(%arg7 : memref<128x128xf32, #tpu.memory_space<vmem>>)
        tpu.yield
      }) : () -> ()
      %mul3A_454 = arith.constant 10240 : i32
      %mul3A_455 = arith.muli %arg0, %mul3A_454 : i32
      %add3A_456 = arith.addi %mul3A_455, %mul3A_0 : i32
      %mul3A_457 = arith.constant 128 : i32
      %mul3A_458 = arith.muli %scan3A_449, %mul3A_457 : i32
      %add3A_459 = arith.addi %add3A_456, %mul3A_458 : i32
      "tpu.region"() ({
        %run_scoped3A_461 = tpu.sem_alloc : memref<!tpu.dma_semaphore, #tpu.memory_space<semaphore_mem>>
        %dma_start3A_462 = arith.constant 0 : i32
        %dma_start3A_463 = tpu.memref_slice %arg4[%add3A_459, %dma_start3A_462] : memref<20480x128xf32, #tpu.memory_space<hbm>> -> memref<128x128xf32, #tpu.memory_space<hbm>>
        %dma_start3A_464 = arith.constant 0 : i32
        %dma_start3A_465 = tpu.memref_slice %arg4[%add3A_459, %dma_start3A_464] : memref<20480x128xf32, #tpu.memory_space<hbm>> -> memref<128x128xf32, #tpu.memory_space<hbm>>
        tpu.enqueue_dma source(%arg7 : memref<128x128xf32, #tpu.memory_space<vmem>>) target(%dma_start3A_465 : memref<128x128xf32, #tpu.memory_space<hbm>>) target_semaphore(%run_scoped3A_461 : memref<!tpu.dma_semaphore, #tpu.memory_space<semaphore_mem>>)
        %dma_wait3A_466 = arith.constant 0 : i32
        %dma_wait3A_467 = tpu.memref_slice %arg4[%add3A_459, %dma_wait3A_466] : memref<20480x128xf32, #tpu.memory_space<hbm>> -> memref<128x128xf32, #tpu.memory_space<hbm>>
        %dma_wait3A_468 = arith.constant 0 : i32
        %dma_wait3A_469 = tpu.memref_slice %arg4[%add3A_459, %dma_wait3A_468] : memref<20480x128xf32, #tpu.memory_space<hbm>> -> memref<128x128xf32, #tpu.memory_space<hbm>>
        tpu.wait_dma2 semaphore(%run_scoped3A_461 : memref<!tpu.dma_semaphore, #tpu.memory_space<semaphore_mem>>) src(%arg7 : memref<128x128xf32, #tpu.memory_space<vmem>>) dst(%dma_wait3A_469 : memref<128x128xf32, #tpu.memory_space<hbm>>)
        tpu.yield
      }) : () -> ()
      %scan3A_460 = arith.constant 0 : i32
      scf.yield %scan3A_460 : i32
    }
    %scan3A_448 = arith.constant 5 : i32
    return
  }
}

module attributes {stable_mosaic.version = 14 : i64} {
  func.func @_mm1_body(%arg0: i32, %arg1: i32, %arg2: memref<1024x128xf32, #tpu.memory_space<vmem>>, %arg3: memref<128x128xf32, #tpu.memory_space<vmem>>, %arg4: memref<1024x1xf32, #tpu.memory_space<vmem>>, %arg5: memref<1024x128xf32, #tpu.memory_space<vmem>>) attributes {dimension_semantics = [#tpu.dimension_semantics<arbitrary>, #tpu.dimension_semantics<arbitrary>], iteration_bounds = array<i64: 10, 2>, scalar_prefetch = 0 : i64, scratch_operands = 0 : i64, tpu.core_type = #tpu.core_type<tc>, window_params = [{transform_indices = @transform_0, window_bounds = array<i64: 1024, 128>}, {transform_indices = @transform_1, window_bounds = array<i64: 128, 128>}, {transform_indices = @transform_2, window_bounds = array<i64: 1024, 1>}, {transform_indices = @transform_3, window_bounds = array<i64: 1024, 128>}]} {
    %get3A = arith.constant 0 : index
    %get3A_0 = arith.constant 0 : index
    %get3A_1 = vector.load %arg4[%get3A, %get3A_0] : memref<1024x1xf32, #tpu.memory_space<vmem>>, vector<1024x1xf32>
    %add3A = arith.constant 1.000000e+00 : f32
    %add3A_2 = vector.broadcast %add3A : f32 to vector<1024x1xf32>
    %add3A_3 = arith.addf %get3A_1, %add3A_2 : vector<1024x1xf32>
    %rsqrt3A = math.rsqrt %add3A_3 : vector<1024x1xf32>
    %get3A_4 = arith.constant 0 : index
    %get3A_5 = arith.constant 0 : index
    %get3A_6 = vector.load %arg2[%get3A_4, %get3A_5] : memref<1024x128xf32, #tpu.memory_space<vmem>>, vector<1024x128xf32>
    %get3A_7 = arith.constant 0 : index
    %get3A_8 = arith.constant 0 : index
    %get3A_9 = vector.load %arg3[%get3A_7, %get3A_8] : memref<128x128xf32, #tpu.memory_space<vmem>>, vector<128x128xf32>
    %dot_general3A = arith.constant dense<0.000000e+00> : vector<1024x128xf32>
    %dot_general3A_10 = tpu.matmul %get3A_6, %get3A_9, %dot_general3A {dimension_numbers = #tpu.dot_dimension_numbers<[1], [0], [0], [1], [0, 0, 1, 1], [], []>, transpose_lhs_hint = false} : vector<1024x128xf32>, vector<128x128xf32>, vector<1024x128xf32> -> vector<1024x128xf32>
    %mul3A = vector.broadcast %rsqrt3A : vector<1024x1xf32> to vector<1024x128xf32>
    %mul3A_11 = arith.mulf %dot_general3A_10, %mul3A : vector<1024x128xf32>
    %swap3A = arith.constant 0 : index
    %swap3A_12 = arith.constant 0 : index
    %swap3A_13 = vector.load %arg5[%swap3A, %swap3A_12] : memref<1024x128xf32, #tpu.memory_space<vmem>>, vector<1024x128xf32>
    tpu.vector_store %arg5[%swap3A, %swap3A_12], %mul3A_11 {strides = array<i32>} : memref<1024x128xf32, #tpu.memory_space<vmem>>, vector<1024x128xf32>,
    return
  }
  func.func @transform_0(%arg0: i32, %arg1: i32) -> (i32, i32) {
    %c0_i32 = arith.constant 0 : i32
    %c0_i32_0 = arith.constant 0 : i32
    return %arg0, %c0_i32 : i32, i32
  }
  func.func @transform_1(%arg0: i32, %arg1: i32) -> (i32, i32) {
    %c0_i32 = arith.constant 0 : i32
    %c0_i32_0 = arith.constant 0 : i32
    return %c0_i32, %arg1 : i32, i32
  }
  func.func @transform_2(%arg0: i32, %arg1: i32) -> (i32, i32) {
    %c0_i32 = arith.constant 0 : i32
    %c0_i32_0 = arith.constant 0 : i32
    return %arg0, %c0_i32 : i32, i32
  }
  func.func @transform_3(%arg0: i32, %arg1: i32) -> (i32, i32) {
    %mul3A = arith.constant 10 : i32
    %mul3A_0 = arith.muli %arg1, %mul3A : i32
    %add3A = arith.addi %mul3A_0, %arg0 : i32
    %c0_i32 = arith.constant 0 : i32
    %c0_i32_1 = arith.constant 0 : i32
    return %add3A, %c0_i32 : i32, i32
  }
}

module attributes {stable_mosaic.version = 14 : i64} {
  func.func @_l2_body(%arg0: i32, %arg1: memref<1024x128xf32, #tpu.memory_space<vmem>>, %arg2: memref<1024x128xf32, #tpu.memory_space<vmem>>, %arg3: memref<1024x128xf32, #tpu.memory_space<vmem>>, %arg4: memref<1024x128xf32, #tpu.memory_space<vmem>>, %arg5: memref<1024x1xf32, #tpu.memory_space<vmem>>, %arg6: memref<1x256xf32, #tpu.memory_space<vmem>>, %arg7: memref<256x128xf32, #tpu.memory_space<vmem>>, %arg8: memref<1024x128xf32, #tpu.memory_space<vmem>>) attributes {dimension_semantics = [#tpu.dimension_semantics<arbitrary>], iteration_bounds = array<i64: 10>, scalar_prefetch = 0 : i64, scratch_operands = 0 : i64, tpu.core_type = #tpu.core_type<tc>, window_params = [{transform_indices = @transform_0, window_bounds = array<i64: 1024, 128>}, {transform_indices = @transform_1, window_bounds = array<i64: 1024, 128>}, {transform_indices = @transform_2, window_bounds = array<i64: 1024, 128>}, {transform_indices = @transform_3, window_bounds = array<i64: 1024, 128>}, {transform_indices = @transform_4, window_bounds = array<i64: 1024, 1>}, {pipeline_mode = #tpu.pipeline_mode<synchronous>, transform_indices = @transform_5, window_bounds = array<i64: 1, 256>}, {pipeline_mode = #tpu.pipeline_mode<synchronous>, transform_indices = @transform_6, window_bounds = array<i64: 256, 128>}, {transform_indices = @transform_7, window_bounds = array<i64: 1024, 128>}]} {
    %get3A = arith.constant 0 : index
    %get3A_0 = arith.constant 0 : index
    %get3A_1 = vector.load %arg5[%get3A, %get3A_0] : memref<1024x1xf32, #tpu.memory_space<vmem>>, vector<1024x1xf32>
    %add3A = arith.constant 1.000000e+00 : f32
    %add3A_2 = vector.broadcast %add3A : f32 to vector<1024x1xf32>
    %add3A_3 = arith.addf %get3A_1, %add3A_2 : vector<1024x1xf32>
    %rsqrt3A = math.rsqrt %add3A_3 : vector<1024x1xf32>
    %get3A_4 = arith.constant 0 : index
    %get3A_5 = arith.constant 0 : index
    %get3A_6 = vector.load %arg1[%get3A_4, %get3A_5] : memref<1024x128xf32, #tpu.memory_space<vmem>>, vector<1024x128xf32>
    %get3A_7 = arith.constant 0 : index
    %get3A_8 = arith.constant 0 : index
    %get3A_9 = vector.load %arg3[%get3A_7, %get3A_8] : memref<1024x128xf32, #tpu.memory_space<vmem>>, vector<1024x128xf32>
    %add3A_10 = arith.addf %get3A_6, %get3A_9 : vector<1024x128xf32>
    %mul3A = vector.broadcast %rsqrt3A : vector<1024x1xf32> to vector<1024x128xf32>
    %mul3A_11 = arith.mulf %mul3A, %add3A_10 : vector<1024x128xf32>
    %get3A_12 = arith.constant 0 : index
    %get3A_13 = arith.constant 0 : index
    %get3A_14 = vector.load %arg6[%get3A_12, %get3A_13] : memref<1x256xf32, #tpu.memory_space<vmem>>, vector<1x128xf32>
    %add3A_15 = vector.broadcast %get3A_14 : vector<1x128xf32> to vector<1024x128xf32>
    %add3A_16 = arith.addf %mul3A_11, %add3A_15 : vector<1024x128xf32>
    %gt3A = arith.constant 0.000000e+00 : f32
    %gt3A_17 = vector.broadcast %gt3A : f32 to vector<1024x128xf32>
    %gt3A_18 = arith.cmpf ogt, %add3A_16, %gt3A_17 : vector<1024x128xf32>
    %exp3A = math.exp %add3A_16 : vector<1024x128xf32>
    %sub3A = arith.constant 1.000000e+00 : f32
    %sub3A_19 = vector.broadcast %sub3A : f32 to vector<1024x128xf32>
    %sub3A_20 = arith.subf %exp3A, %sub3A_19 : vector<1024x128xf32>
    %select_n3A = arith.select %gt3A_18, %add3A_16, %sub3A_20 : vector<1024x128xi1>, vector<1024x128xf32>
    %get3A_21 = arith.constant 0 : index
    %get3A_22 = arith.constant 0 : index
    %get3A_23 = vector.load %arg2[%get3A_21, %get3A_22] : memref<1024x128xf32, #tpu.memory_space<vmem>>, vector<1024x128xf32>
    %get3A_24 = arith.constant 0 : index
    %get3A_25 = arith.constant 0 : index
    %get3A_26 = vector.load %arg4[%get3A_24, %get3A_25] : memref<1024x128xf32, #tpu.memory_space<vmem>>, vector<1024x128xf32>
    %add3A_27 = arith.addf %get3A_23, %get3A_26 : vector<1024x128xf32>
    %mul3A_28 = vector.broadcast %rsqrt3A : vector<1024x1xf32> to vector<1024x128xf32>
    %mul3A_29 = arith.mulf %mul3A_28, %add3A_27 : vector<1024x128xf32>
    %get3A_30 = arith.constant 0 : index
    %get3A_31 = arith.constant 128 : index
    %get3A_32 = vector.load %arg6[%get3A_30, %get3A_31] : memref<1x256xf32, #tpu.memory_space<vmem>>, vector<1x128xf32>
    %add3A_33 = vector.broadcast %get3A_32 : vector<1x128xf32> to vector<1024x128xf32>
    %add3A_34 = arith.addf %mul3A_29, %add3A_33 : vector<1024x128xf32>
    %gt3A_35 = arith.constant 0.000000e+00 : f32
    %gt3A_36 = vector.broadcast %gt3A_35 : f32 to vector<1024x128xf32>
    %gt3A_37 = arith.cmpf ogt, %add3A_34, %gt3A_36 : vector<1024x128xf32>
    %exp3A_38 = math.exp %add3A_34 : vector<1024x128xf32>
    %sub3A_39 = arith.constant 1.000000e+00 : f32
    %sub3A_40 = vector.broadcast %sub3A_39 : f32 to vector<1024x128xf32>
    %sub3A_41 = arith.subf %exp3A_38, %sub3A_40 : vector<1024x128xf32>
    %select_n3A_42 = arith.select %gt3A_37, %add3A_34, %sub3A_41 : vector<1024x128xi1>, vector<1024x128xf32>
    %concatenate3A = tpu.concatenate %select_n3A, %select_n3A_42 in 1 : vector<1024x128xf32>, vector<1024x128xf32> -> vector<1024x256xf32>
    %get3A_43 = arith.constant 0 : index
    %get3A_44 = arith.constant 0 : index
    %get3A_45 = vector.load %arg7[%get3A_43, %get3A_44] : memref<256x128xf32, #tpu.memory_space<vmem>>, vector<256x128xf32>
    %dot_general3A = arith.constant dense<0.000000e+00> : vector<1024x128xf32>
    %dot_general3A_46 = tpu.matmul %concatenate3A, %get3A_45, %dot_general3A {dimension_numbers = #tpu.dot_dimension_numbers<[1], [0], [0], [1], [0, 0, 1, 1], [], []>, transpose_lhs_hint = false} : vector<1024x256xf32>, vector<256x128xf32>, vector<1024x128xf32> -> vector<1024x128xf32>
    %mul3A_47 = vector.broadcast %rsqrt3A : vector<1024x1xf32> to vector<1024x128xf32>
    %mul3A_48 = arith.mulf %dot_general3A_46, %mul3A_47 : vector<1024x128xf32>
    %swap3A = arith.constant 0 : index
    %swap3A_49 = arith.constant 0 : index
    %swap3A_50 = vector.load %arg8[%swap3A, %swap3A_49] : memref<1024x128xf32, #tpu.memory_space<vmem>>, vector<1024x128xf32>
    tpu.vector_store %arg8[%swap3A, %swap3A_49], %mul3A_48 {strides = array<i32>} : memref<1024x128xf32, #tpu.memory_space<vmem>>, vector<1024x128xf32>,
    return
  }
  func.func @transform_0(%arg0: i32) -> (i32, i32) {
    %c0_i32 = arith.constant 0 : i32
    %c0_i32_0 = arith.constant 0 : i32
    return %arg0, %c0_i32 : i32, i32
  }
  func.func @transform_1(%arg0: i32) -> (i32, i32) {
    %add3A = arith.constant 10 : i32
    %add3A_0 = arith.addi %add3A, %arg0 : i32
    %c0_i32 = arith.constant 0 : i32
    %c0_i32_1 = arith.constant 0 : i32
    return %add3A_0, %c0_i32 : i32, i32
  }
  func.func @transform_2(%arg0: i32) -> (i32, i32) {
    %c0_i32 = arith.constant 0 : i32
    %c0_i32_0 = arith.constant 0 : i32
    return %arg0, %c0_i32 : i32, i32
  }
  func.func @transform_3(%arg0: i32) -> (i32, i32) {
    %add3A = arith.constant 10 : i32
    %add3A_0 = arith.addi %add3A, %arg0 : i32
    %c0_i32 = arith.constant 0 : i32
    %c0_i32_1 = arith.constant 0 : i32
    return %add3A_0, %c0_i32 : i32, i32
  }
  func.func @transform_4(%arg0: i32) -> (i32, i32) {
    %c0_i32 = arith.constant 0 : i32
    %c0_i32_0 = arith.constant 0 : i32
    return %arg0, %c0_i32 : i32, i32
  }
  func.func @transform_5(%arg0: i32) -> (i32, i32) {
    %c0_i32 = arith.constant 0 : i32
    %c0_i32_0 = arith.constant 0 : i32
    %c0_i32_1 = arith.constant 0 : i32
    return %c0_i32, %c0_i32_0 : i32, i32
  }
  func.func @transform_6(%arg0: i32) -> (i32, i32) {
    %c0_i32 = arith.constant 0 : i32
    %c0_i32_0 = arith.constant 0 : i32
    %c0_i32_1 = arith.constant 0 : i32
    return %c0_i32, %c0_i32_0 : i32, i32
  }
  func.func @transform_7(%arg0: i32) -> (i32, i32) {
    %c0_i32 = arith.constant 0 : i32
    %c0_i32_0 = arith.constant 0 : i32
    return %arg0, %c0_i32 : i32, i32
  }
}

module attributes {stable_mosaic.version = 14 : i64} {
  func.func @_fin_body(%arg0: i32, %arg1: memref<1024x128xf32, #tpu.memory_space<vmem>>, %arg2: memref<1024x128xf32, #tpu.memory_space<vmem>>, %arg3: memref<1024x128xf32, #tpu.memory_space<vmem>>, %arg4: memref<1024x1xf32, #tpu.memory_space<vmem>>, %arg5: memref<1x128xf32, #tpu.memory_space<vmem>>, %arg6: memref<1024x128xf32, #tpu.memory_space<vmem>>) attributes {dimension_semantics = [#tpu.dimension_semantics<arbitrary>], iteration_bounds = array<i64: 10>, scalar_prefetch = 0 : i64, scratch_operands = 0 : i64, tpu.core_type = #tpu.core_type<tc>, window_params = [{transform_indices = @transform_0, window_bounds = array<i64: 1024, 128>}, {transform_indices = @transform_1, window_bounds = array<i64: 1024, 128>}, {transform_indices = @transform_2, window_bounds = array<i64: 1024, 128>}, {transform_indices = @transform_3, window_bounds = array<i64: 1024, 1>}, {pipeline_mode = #tpu.pipeline_mode<synchronous>, transform_indices = @transform_4, window_bounds = array<i64: 1, 128>}, {transform_indices = @transform_5, window_bounds = array<i64: 1024, 128>}]} {
    %get3A = arith.constant 0 : index
    %get3A_0 = arith.constant 0 : index
    %get3A_1 = vector.load %arg4[%get3A, %get3A_0] : memref<1024x1xf32, #tpu.memory_space<vmem>>, vector<1024x1xf32>
    %add3A = arith.constant 1.000000e+00 : f32
    %add3A_2 = vector.broadcast %add3A : f32 to vector<1024x1xf32>
    %add3A_3 = arith.addf %get3A_1, %add3A_2 : vector<1024x1xf32>
    %rsqrt3A = math.rsqrt %add3A_3 : vector<1024x1xf32>
    %get3A_4 = arith.constant 0 : index
    %get3A_5 = arith.constant 0 : index
    %get3A_6 = vector.load %arg1[%get3A_4, %get3A_5] : memref<1024x128xf32, #tpu.memory_space<vmem>>, vector<1024x128xf32>
    %get3A_7 = arith.constant 0 : index
    %get3A_8 = arith.constant 0 : index
    %get3A_9 = vector.load %arg2[%get3A_7, %get3A_8] : memref<1024x128xf32, #tpu.memory_space<vmem>>, vector<1024x128xf32>
    %add3A_10 = arith.addf %get3A_6, %get3A_9 : vector<1024x128xf32>
    %get3A_11 = arith.constant 0 : index
    %get3A_12 = arith.constant 0 : index
    %get3A_13 = vector.load %arg3[%get3A_11, %get3A_12] : memref<1024x128xf32, #tpu.memory_space<vmem>>, vector<1024x128xf32>
    %add3A_14 = arith.addf %add3A_10, %get3A_13 : vector<1024x128xf32>
    %mul3A = vector.broadcast %rsqrt3A : vector<1024x1xf32> to vector<1024x128xf32>
    %mul3A_15 = arith.mulf %mul3A, %add3A_14 : vector<1024x128xf32>
    %get3A_16 = arith.constant 0 : index
    %get3A_17 = arith.constant 0 : index
    %get3A_18 = vector.load %arg5[%get3A_16, %get3A_17] : memref<1x128xf32, #tpu.memory_space<vmem>>, vector<1x128xf32>
    %add3A_19 = vector.broadcast %get3A_18 : vector<1x128xf32> to vector<1024x128xf32>
    %add3A_20 = arith.addf %mul3A_15, %add3A_19 : vector<1024x128xf32>
    %gt3A = arith.constant 0.000000e+00 : f32
    %gt3A_21 = vector.broadcast %gt3A : f32 to vector<1024x128xf32>
    %gt3A_22 = arith.cmpf ogt, %add3A_20, %gt3A_21 : vector<1024x128xf32>
    %exp3A = math.exp %add3A_20 : vector<1024x128xf32>
    %sub3A = arith.constant 1.000000e+00 : f32
    %sub3A_23 = vector.broadcast %sub3A : f32 to vector<1024x128xf32>
    %sub3A_24 = arith.subf %exp3A, %sub3A_23 : vector<1024x128xf32>
    %select_n3A = arith.select %gt3A_22, %add3A_20, %sub3A_24 : vector<1024x128xi1>, vector<1024x128xf32>
    %swap3A = arith.constant 0 : index
    %swap3A_25 = arith.constant 0 : index
    %swap3A_26 = vector.load %arg6[%swap3A, %swap3A_25] : memref<1024x128xf32, #tpu.memory_space<vmem>>, vector<1024x128xf32>
    tpu.vector_store %arg6[%swap3A, %swap3A_25], %select_n3A {strides = array<i32>} : memref<1024x128xf32, #tpu.memory_space<vmem>>, vector<1024x128xf32>,
    return
  }
  func.func @transform_0(%arg0: i32) -> (i32, i32) {
    %c0_i32 = arith.constant 0 : i32
    %c0_i32_0 = arith.constant 0 : i32
    return %arg0, %c0_i32 : i32, i32
  }
  func.func @transform_1(%arg0: i32) -> (i32, i32) {
    %add3A = arith.constant 10 : i32
    %add3A_0 = arith.addi %add3A, %arg0 : i32
    %c0_i32 = arith.constant 0 : i32
    %c0_i32_1 = arith.constant 0 : i32
    return %add3A_0, %c0_i32 : i32, i32
  }
  func.func @transform_2(%arg0: i32) -> (i32, i32) {
    %c0_i32 = arith.constant 0 : i32
    %c0_i32_0 = arith.constant 0 : i32
    return %arg0, %c0_i32 : i32, i32
  }
  func.func @transform_3(%arg0: i32) -> (i32, i32) {
    %c0_i32 = arith.constant 0 : i32
    %c0_i32_0 = arith.constant 0 : i32
    return %arg0, %c0_i32 : i32, i32
  }
  func.func @transform_4(%arg0: i32) -> (i32, i32) {
    %c0_i32 = arith.constant 0 : i32
    %c0_i32_0 = arith.constant 0 : i32
    %c0_i32_1 = arith.constant 0 : i32
    return %c0_i32, %c0_i32_0 : i32, i32
  }
  func.func @transform_5(%arg0: i32) -> (i32, i32) {
    %c0_i32 = arith.constant 0 : i32
    %c0_i32_0 = arith.constant 0 : i32
    return %arg0, %c0_i32 : i32, i32
  }
}

</mosaic_0001>

<sc_bundles>
// kernel: kernel.11.cloned.1.call-start
scs
__scs_entry_jumppad:
0x0: {  	(pc) =	sbr.rel $0x88, $3  }
0x1: {  	(tag) =	ssettag $0x0;
	lr =	simm.s32 $0x1  }
0x2: {  	[smem:$0x3F9B] =	sst lr;
	_ =	strace $0xD0000000  }
0x3: {  	_ = 	snop  }
0x4: {  	_ = 	snop  }
0x5: {  	_ = 	snop  }
0x6: {  	_ = 	snop  }
0x7: {  	_ = 	snop  }
__scs_overlays_trampoline_lowered:
0x8: {  	[smem:$0x3FAA] =	sst s0  }
0x9: {  	[smem:$0x3FAB] =	sst s1  }
0xa: {  	[smem:$0x3FAC] =	sst s2  }
0xb: {  	[smem:$0x3FAD] =	sst s3  }
0xc: {  	[smem:$0x3FAE] =	sst s4  }
0xd: {  	[smem:$0x3FAF] =	sst s5  }
0xe: {  	[smem:$0x3FB0] =	sst s6  }
0xf: {  	[smem:$0x3FB1] =	sst s7  }
0x10: {  	[smem:$0x3FB2] =	sst s8  }
0x11: {  	[smem:$0x3FB3] =	sst s9;
	s0 =	simm.s32 @!p0 $0x0  }
0x12: {  	s1 =	sld [smem:$0x3F99];
	s0 =	simm.s32 @p0 $0x1  }
0x13: {  	[smem:$0x3FB4] =	sst s0;
	s0 =	simm.s32 @!p1 $0x0  }
0x14: {  	s2 =	sld [smem:$0x3F98];
	s0 =	simm.s32 @p1 $0x1  }
0x15: {  	[smem:$0x3FB5] =	sst s0;
	s0 =	simm.s32 @!p2 $0x0  }
0x16: {  	s3 =	sld [smem:$0x3FDB];
	s0 =	simm.s32 @p2 $0x1  }
0x17: {  	s4 =	simm.s32 $0x1BF5;
	[smem:$0x3FB7] =	sst s0  }
0x18: {  	s0 =	sld [smem:$0x3F9A];
	_ =	swait.ge [sflag:s4], $0x0  }
0x19: {  	s7 =	sld [smem:$0x3F9B]  }
0x1a: {  	s8 =	sadd.s32 $0xFFFFE003, lr  }
0x1b: {  	s9 =	sadd.s32 $0xFFFFFEF7, lr;
	s5 =	simm.s32 $0xFFFFFFFF;
	p2 =	slt.u32 s8, $0xFFFFF086  }
0x1c: {  	p1 =	slt.u32 s9, $0xF7A;
	s5 =	simm.s32 @!p2 $0x0  }
0x1d: {  	s5 =	simm.s32 @p1 $0x1;
	p0 =	seq.s32 s7, s2  }
0x1e: {  	s7 =	smul.u32 @!p0 $0xF7A, s2;
	p2 =	seq.s32 @!p0 s5, $0x0  }
0x1f: {  	s9 =	smul.u32 $0xF7A, s1;
	s8 =	simm.s32 @!p0 $0x1BF5;
	p2 =	por !p2, p0  }
0x20: {  	[sflag:s8] =	ssyncset.s32 @!p0 $0xFFFFF086;
	s6 =	sadd.s32 @!p0 s3, s7;
	s7 =	simm.s32 @!p0 $0x108  }
0x21: {  	s3 =	sadd.s32 s3, s9;
	s6 =	sadd.s32 @!p0 $0x88, s6;
	s7 =	simm.s32 @p2 $0x1082  }
0x22: {  	[simem:s7], [sflag:s8] =	dma.local @!p0 [hbm:s6], $0xF7A  }
0x23: {  	s9 =	sor.u32 $0xD0000000, s2;
	s6 =	simm.s32 $0x108;
	_ =	swait.ge @!p0 [sflag:s8], $0x0  }
0x24: {  	s3 =	sadd.s32 $0x88, s3;
	s6 =	simm.s32 @!p1 $0x1082;
	[sflag:s4] =	ssyncset.s32 $0xFFFFF086  }
0x25: {  	[simem:s6], [sflag:s4] =	dma.local [hbm:s3], $0xF7A  }
0x26: {  	[smem:$0x3F9B] =	sst s1;
	(tag) =	ssettag s2;
	_ =	strace s9  }
0x27: {  	s1 =	sld [smem:$0x3FAB]  }
0x28: {  	s2 =	sld [smem:$0x3FAC]  }
0x29: {  	s4 =	sld [smem:$0x3FAE]  }
0x2a: {  	p0 =	seq.s32 s5, $0x0;
	s5 =	sld [smem:$0x3FAF]  }
0x2b: {  	s6 =	sld [smem:$0x3FB0]  }
0x2c: {  	s7 =	sld [smem:$0x3FB1]  }
0x2d: {  	s3 =	simm.s32 $0x108;
	s8 =	sld [smem:$0x3FB2]  }
0x2e: {  	s3 =	simm.s32 @!p0 $0x1082;
	s9 =	sld [smem:$0x3FB3]  }
0x2f: {  	lr =	sadd.s32 s0, s3;
	s0 =	sld [smem:$0x3FAA]  }
0x30: {  	s3 =	sld [smem:$0x3FAD]  }
0x31: {  	[smem:$0x3FB6] =	sst s10  }
0x32: {  	s10 =	sld [smem:$0x3FB4];
	_ =	sdelay $0x3  }
0x33: {  	p0 =	seq.s32 s10, $0x1;
	s10 =	sld [smem:$0x3FB6];
	_ =	sdelay $0x3  }
0x34: {  	[smem:$0x3FB6] =	sst s10  }
0x35: {  	s10 =	sld [smem:$0x3FB5];
	_ =	sdelay $0x3  }
0x36: {  	p1 =	seq.s32 s10, $0x1;
	s10 =	sld [smem:$0x3FB6];
	_ =	sdelay $0x3  }
0x37: {  	[smem:$0x3FB6] =	sst s10  }
0x38: {  	s10 =	sld [smem:$0x3FB7]  }
0x39: {  	_ = 	snop;
	(pc) =	sbr.ind lr, $3  }
0x3a: {  	_ = 	snop  }
0x3b: {  	_ = 	snop  }
0x3c: {  	p2 =	seq.s32 s10, $0x1;
	s10 =	sld [smem:$0x3FB6]  }
0x3d: {  	_ =	shalt  }
0x3e: {  	_ =	shalt  }
0x3f: {  	_ =	shalt  }
0x40: {  	_ =	shalt  }
0x41: {  	_ =	shalt  }
0x42: {  	_ =	shalt  }
0x43: {  	_ =	shalt  }
0x44: {  	_ =	shalt  }
0x45: {  	_ =	shalt  }
0x46: {  	_ =	shalt  }
0x47: {  	_ =	shalt  }
0x48: {  	_ =	shalt  }
0x49: {  	_ =	shalt  }
0x4a: {  	_ =	shalt  }
0x4b: {  	_ =	shalt  }
0x4c: {  	_ =	shalt  }
0x4d: {  	_ =	shalt  }
0x4e: {  	_ =	shalt  }
0x4f: {  	_ =	shalt  }
0x50: {  	_ =	shalt  }
0x51: {  	_ =	shalt  }
0x52: {  	_ =	shalt  }
0x53: {  	_ =	shalt  }
0x54: {  	_ =	shalt  }
0x55: {  	_ =	shalt  }
0x56: {  	_ =	shalt  }
0x57: {  	_ =	shalt  }
0x58: {  	_ =	shalt  }
0x59: {  	_ =	shalt  }
0x5a: {  	_ =	shalt  }
0x5b: {  	_ =	shalt  }
0x5c: {  	_ =	shalt  }
0x5d: {  	_ =	shalt  }
0x5e: {  	_ =	shalt  }
0x5f: {  	_ =	shalt  }
0x60: {  	_ =	shalt  }
0x61: {  	_ =	shalt  }
0x62: {  	_ =	shalt  }
0x63: {  	_ =	shalt  }
0x64: {  	_ =	shalt  }
0x65: {  	_ =	shalt  }
0x66: {  	_ =	shalt  }
0x67: {  	_ =	shalt  }
0x68: {  	_ =	shalt  }
0x69: {  	_ =	shalt  }
0x6a: {  	_ =	shalt  }
0x6b: {  	_ =	shalt  }
0x6c: {  	_ =	shalt  }
0x6d: {  	_ =	shalt  }
0x6e: {  	_ =	shalt  }
0x6f: {  	_ =	shalt  }
0x70: {  	_ =	shalt  }
0x71: {  	_ =	shalt  }
0x72: {  	_ =	shalt  }
0x73: {  	_ =	shalt  }
0x74: {  	_ =	shalt  }
0x75: {  	_ =	shalt  }
0x76: {  	_ =	shalt  }
0x77: {  	_ =	shalt  }
0x78: {  	_ =	shalt  }
0x79: {  	_ =	shalt  }
0x7a: {  	_ =	shalt  }
0x7b: {  	_ =	shalt  }
0x7c: {  	_ =	shalt  }
0x7d: {  	_ =	shalt  }
0x7e: {  	_ =	shalt  }
0x7f: {  	_ =	shalt  }
0x80: {  	_ =	shalt  }
0x81: {  	_ =	shalt  }
0x82: {  	_ =	shalt  }
0x83: {  	_ =	shalt  }
0x84: {  	_ =	shalt  }
0x85: {  	_ =	shalt  }
0x86: {  	_ =	shalt  }
0x87: {  	_ =	shalt  }
.Lfunc_end0:
.L_simem_size_0:
called_computation.1_lowered:
.L_overlay_start_0:
0x88: {  	s2 =	sld [smem:$0x3FD9]  }
0x89: {  	s3 =	sld [smem:$0x3FFE];
	_ =	sdelay $0x1  }
0x8a: {  	s1 =	srdreg.scid  }
0x8b: {  	s0 =	sand.u32 $0x1, s1  }
0x8c: {  	s17 =	sshll.u32 s0, $0xA;
	s2 =	sadd.s32 s3, s2  }
0x8d: {  	s2 =	sadd.s32 s2, s17  }
0x8e: {  	[smem:$0x3FC2] =	sst s2  }
0x8f: {  	_ = 	snop  }
0x90: {  	s2 =	sld [smem:$0x3FD0];
	(tm) =	ssettm $0x1  }
0x91: {  	s18 =	sld [smem:$0x3FFB];
	_ =	sdelay $0x3  }
0x92: {  	_ =	strace s18  }
0x93: {  	s3 =	sld [smem:$0x3FFC];
	_ =	sdelay $0x3  }
0x94: {  	_ =	strace s3  }
0x95: {  	s3 =	sld [smem:$0x3FFD];
	_ =	sdelay $0x3  }
0x96: {  	_ =	strace s3  }
0x97: {  	_ =	strace $0x8FFFFFFF  }
0x98: {  	s19 =	sld [smem:$0x3FDB];
	_ =	sdelay $0x1  }
0x99: {  	s4 =	simm.s32 $_scs_section_size  }
0x9a: {  	s5 =	simm.s32 $_size__tile_overlayer_lowered;
	s6 =	simm.s32 $_tile_overlayer_lowered  }
0x9b: {  	s22 =	simm.s32 $0x1BFF;
	s21 =	sshll.u32 s6, $0x1;
	s3 =	sadd.s32 s4, s19  }
0x9c: {  	s7 =	simm.s32 $0x0;
	s20 =	sshll.u32 s5, $0x1;
	s5 =	sadd.s32 s21, s3  }
0x9d: {  	[timem:s7], [sflag:s22] =	dma.local [hbm:s5], s20  }
0x9e: {  	_ =	swait.ge [sflag:s22], s20  }
0x9f: {  	s4 =	ssub.s32 $0x0, s20;
	[sflag:s22] =	ssyncset.done $0x0  }
0xa0: {  	[sflag:s22] =	ssyncadd.s32 s4;
	_ =	sdelay $0x1  }
0xa1: {  	s23 =	simm.s32 $0x1B8B  }
0xa2: {  	_ =	swait.ge [sflag:s23], $0x1  }
0xa3: {  	[sflag:s23] =	ssyncset.done $0x0  }
0xa4: {  	s25 =	simm.s32 $0x1B8E;
	s24 =	sld [smem:$0x3FFE];
	[sflag:s23] =	ssyncadd.s32 $0xFFFFFFFF  }
0xa5: {  	s26 =	simm.s32 $execute0_lowered;
	[smem:$0x3FD2] =	sst s25  }
0xa6: {  	s5 =	sshll.u32 s26, $0x1;
	_ =	strace $0x80000049;
	[dreg:$0x1] =	wrdreg $0xFFFFFFFF  }
0xa7: {  	s28 =	simm.s32 $_size_execute0_lowered;
	s3 =	sadd.s32 s3, s5;
	[dreg:$0x0] =	wrdreg $0x0  }
0xa8: {  	s5 =	sshll.u32 s28, $0x1;
	[dreg:$0x2] =	wrdreg s3  }
0xa9: {  	[dreg:$0x3] =	wrdreg s5  }
0xaa: {  	[dreg:$0x4] =	wrdreg $0xC0  }
0xab: {  	_ =	task [dreg:s7], $0x5FFFF  }
0xac: {  	[dreg:$0x1] =	wrdreg $0xFFFFFFFF  }
0xad: {  	[dreg:$0x0] =	wrdreg $0x60  }
0xae: {  	[dreg:$0x2] =	wrdreg s24  }
0xaf: {  	[dreg:$0x3] =	wrdreg s2  }
0xb0: {  	[dreg:$0x4] =	wrdreg $0x0  }
0xb1: {  	[dreg:$0x5] =	wrdreg $0x9  }
0xb2: {  	_ =	task.clear_ibuf [dreg:s7], $0x6FFFF;
	_ =	strace $0x90000049  }
0xb3: {  	s29 =	simm.s32 $0x9;
	_ =	strace $0x8000004B  }
0xb4: {  	_ =	swait.ge [sflag:s29], $0x1  }
0xb5: {  	[sflag:s29] =	ssyncadd.s32 $0xFFFFFFFF  }
0xb6: {  	_ =	strace $0x9000004B  }
0xb7: {  	_ =	sfence  }
0xb8: {  	s30 =	sld [smem:$0x0];
	_ =	sdelay $0x2  }
0xb9: {  	s31 =	sshll.u32 s1, $0xD;
	s1 =	sshrl.u32 s1, $0x2  }
0xba: {  	s3 =	sand.u32 $0x4000, s31;
	s1 =	sadd.s32 s1, s30  }
0xbb: {  	s0 =	sor.u32 s3, s0;
	s1 =	sshll.u32 s1, $0x11  }
0xbc: {  	s0 =	sor.u32 s1, s0  }
0xbd: {  	s0 =	sadd.s32 $0x8F2B, s0  }
0xbe: {  	[sflag:s0] =	ssyncadd.remote.s32 $0x1  }
0xbf: {  	_ =	sfence.sel $0xFFFF  }
0xc0: {  	[dreg:$0x0] =	wrdreg $0xFFFFFFFF;
	(pc) =	sbr.abs _section_cstart, $3  }
0xc1: {  	[dreg:$0x1] =	wrdreg $0xFFFFFFFF  }
0xc2: {  	_ =	task.clear_ibuf [dreg:s7], $0x2FFFF;
	_ =	strace $0x9FFFFFFF  }
0xc3: {  	(tm) =	ssettm $0x7FFFFFFF  }
tec
execute0_lowered:
.L_overlay_start_1:
0x0: {  	(tag) =	ssettag $0x1  }
0x1: {  	s0 =	rddreg [dreg:$0x0]  }
0x2: {  	s1 =	rddreg [dreg:$0x1]  }
0x3: {  	s2 =	rddreg [dreg:$0x2]  }
0x4: {  	s4 =	srdreg.scid;
	s10 =	stileid.u32;
	s3 =	simm.s32 $0x0  }
0x5: {  	s26 =	simm.s32 $0x14280;
	s28 =	simm.s32 $0x80;
	s6 =	smul.u32 $0x280, s10  }
0x6: {  	s29 =	simm.s32 $0x2;
	s30 =	simm.s32 $0x18400;
	s7 =	smul.u32 $0x50000, s10  }
0x7: {  	s31 =	simm.s32 $0x5;
	s5 =	sand.u32 $0x1, s4;
	s8 =	smul.u32 $0x9E00, s10  }
0x8: {  	[smem:$0x7FF] =	sst s3;
	s4 =	sadd.s32 $0x1C00, s0;
	s10 =	smul.u32 $0x13C0, s10  }
0x9: {  	s9 =	smul.u32 $0x2800, s5;
	_ =	strace $0x8000004A;
	s5 =	ssub.s32 $0x2, s5  }
0xa: {  	[dreg:$0x4] =	wrdreg s26;
	s26 =	simm.s32 $0x1;
	s15 =	sshrl.u32 s5, $0x1  }
0xb: {  	s16 =	sshrl.u32 s7, $0x2;
	s17 =	sshrl.u32 s8, $0x3;
	s7 =	simm.s32 $0x6  }
0xc: {  	s6 =	sadd.s32 s6, s9;
	s11 =	ssub.s32 s5, s15;
	s5 =	sadd.s32 s16, s2  }
0xd: {  	s6 =	sshll.u32 s6, $0x4;
	s20 =	smax.u32 s11, $0x1;
	s21 =	sadd.s32 $0xC000, s5  }
0xe: {  	s0 =	sadd.s32 s6, s0;
	s6 =	sadd.s32 s1, s10;
	[dreg:$0x8] =	wrdreg s20  }
0xf: {  	s1 =	sadd.s32 s1, s17;
	[dreg:$0x9] =	wrdreg s21;
	s18 =	sadd.s32 $0x20, s6  }
0x10: {  	s8 =	simm.s32 $0x14180;
	s19 =	sadd.s32 $0x40, s1;
	[dreg:$0x5] =	wrdreg s18  }
0x11: {  	v0 =	vmov s9;
	s9 =	simm.s32 $0x4;
	s1 =	sadd.s32 $0x60, s1;
	[dreg:$0x6] =	wrdreg s19  }
0x12: {  	s15 =	simm.s32 $0x0;
	s22 =	sadd.s32 $0x51C00, s0;
	[dreg:$0x7] =	wrdreg s1  }
0x13: {  	s14 =	sadd.s32 $0x10000, s5;
	s23 =	sadd.s32 $0x52400, s0;
	[dreg:$0xa] =	wrdreg s22  }
0x14: {  	s20 =	simm.s32 $0x14400;
	s24 =	sadd.s32 $0x52C00, s0;
	[dreg:$0xb] =	wrdreg s23  }
0x15: {  	s21 =	simm.s32 $0x7;
	s25 =	sadd.s32 $0x53400, s0;
	[dreg:$0xc] =	wrdreg s24  }
0x16: {  	s10 =	simm.s32 $0x14380;
	s0 =	sadd.s32 $0x53C00, s0;
	[dreg:$0xd] =	wrdreg s25  }
0x17: {  	s18 =	sadd.s32 $0x4000, s5;
	s19 =	sadd.s32 $0x8000, s5;
	[dreg:$0xe] =	wrdreg s0  }
0x18: {  	s22 =	simm.s32 $0x14000;
	s23 =	simm.s32 $0x14100;
	s24 =	simm.s32 $0x14200  }
0x19: {  	v1 =	vimm.f32 $0.0e+00;
	s25 =	simm.s32 $0x14300;
	s0 =	simm.s32 $0x14080;
	s1 =	simm.s32 $0x3  }
.LBB2_1:
0x1a: {  	s16 =	simm.s32 $0x0;
	s17 =	simm.s32 $0x200  }
.LBB2_2:
0x1b: {  	p0 =	sne.s32 s17, $0xFE00;
	[tilespmem:s16+$0x14470] =	vst v1  }
0x1c: {  	[tilespmem:s16+$0x14400] =	vst v1  }
0x1d: {  	[tilespmem:s16+$0x14410] =	vst v1  }
.Ltmp0:
0x1e: {  	[tilespmem:s16+$0x14420] =	vst v1;
	(pc) =	sbr.rel @p0 .LBB2_2-.Ltmp0, $4  }
0x1f: {  	[tilespmem:s16+$0x14430] =	vst v1  }
0x20: {  	[tilespmem:s16+$0x14440] =	vst v1  }
0x21: {  	[tilespmem:s16+$0x14450] =	vst v1  }
0x22: {  	[tilespmem:s16+$0x14460] =	vst v1;
	s16 =	sshra.s32 s17, $0x2;
	s17 =	sadd.s32 $0x200, s17  }
0x23: {  	[tilespmem:s16+$0x14470] =	vst v1  }
0x24: {  	[tilespmem:s16+$0x14400] =	vst v1  }
0x25: {  	[tilespmem:s16+$0x14410] =	vst v1  }
0x26: {  	[tilespmem:s16+$0x14420] =	vst v1  }
0x27: {  	[tilespmem:s16+$0x14430] =	vst v1  }
0x28: {  	[tilespmem:s16+$0x14440] =	vst v1  }
0x29: {  	[tilespmem:s16+$0x14450] =	vst v1  }
0x2a: {  	[tilespmem:s16+$0x14460] =	vst v1  }
0x2b: {  	[spmem:s5] =	stream.linear.scatter [tilespmem:s20], [sflag:$0x7], $0x4000, $0x38;
	[tilespmem:$0x1C400] =	vst v63  }
0x2c: {  	_ =	swait.ge [sflag:s21], $0x4000  }
0x2d: {  	[sflag:s21] =	ssyncset.done $0x0  }
0x2e: {  	[sflag:s21] =	ssyncadd.s32 $0xFFFFC000  }
0x2f: {  	[spmem:s18] =	stream.linear.scatter [tilespmem:s20], [sflag:$0x7], $0x4000, $0x38;
	[tilespmem:$0x1C400] =	vst v63  }
0x30: {  	_ =	swait.ge [sflag:s21], $0x4000  }
0x31: {  	[sflag:s21] =	ssyncset.done $0x0  }
0x32: {  	[sflag:s21] =	ssyncadd.s32 $0xFFFFC000  }
0x33: {  	[spmem:s19] =	stream.linear.scatter [tilespmem:s20], [sflag:$0x7], $0x4000, $0x38;
	[tilespmem:$0x1C400] =	vst v63  }
0x34: {  	_ =	swait.ge [sflag:s21], $0x4000  }
0x35: {  	[sflag:s21] =	ssyncset.done $0x0  }
0x36: {  	s11 =	rddreg [dreg:$0x9];
	[sflag:s21] =	ssyncadd.s32 $0xFFFFC000  }
0x37: {  	[spmem:s11] =	stream.linear.scatter [tilespmem:s20], [sflag:$0x7], $0x4000, $0x38;
	[tilespmem:$0x1C400] =	vst v63  }
0x38: {  	_ =	swait.ge [sflag:s21], $0x4000  }
0x39: {  	[sflag:s21] =	ssyncset.done $0x0  }
0x3a: {  	[sflag:s21] =	ssyncadd.s32 $0xFFFFC000  }
0x3b: {  	[spmem:s14] =	stream.linear.scatter [tilespmem:s20], [sflag:$0x7], $0x4000, $0x38;
	[tilespmem:$0x1C400] =	vst v63  }
0x3c: {  	_ =	swait.ge [sflag:s21], $0x4000  }
0x3d: {  	[sflag:s21] =	ssyncset.done $0x0  }
0x3e: {  	[sflag:s21] =	ssyncadd.s32 $0xFFFFC000  }
0x3f: {  	s16 =	simm.s32 $0x0;
	[bflag:$0x0] =	sbarrier.arrive $0xFFFF  }
0x40: {  	[tilespmem:s22], [sflag:$0x1] =	stream.linear.gather [hbm4b:s6+s16], $0x100, $0x38;
	[tilespmem:$0x1C400] =	vst v63  }
0x41: {  	s12 =	smov.u32 s18;
	s18 =	rddreg [dreg:$0x5]  }
0x42: {  	[tilespmem:s23], [sflag:$0x2] =	stream.linear.gather [hbm4b:s18+s16], $0x100, $0x38;
	[tilespmem:$0x1C400] =	vst v63  }
0x43: {  	s13 =	smov.u32 s19;
	s19 =	rddreg [dreg:$0x6]  }
0x44: {  	[tilespmem:s24], [sflag:$0x3] =	stream.linear.gather [hbm4b:s19+s16], $0x100, $0x38;
	[tilespmem:$0x1C400] =	vst v63  }
0x45: {  	s17 =	rddreg [dreg:$0x7]  }
0x46: {  	[tilespmem:s25], [sflag:$0x4] =	stream.linear.gather [hbm4b:s17+s16], $0x100, $0x38;
	[tilespmem:$0x1C400] =	vst v63  }
0x47: {  	_ =	swait.ge [sflag:s26], $0x100  }
0x48: {  	[sflag:s26] =	ssyncset.done $0x0  }
0x49: {  	[sflag:s26] =	ssyncadd.s32 $0xFFFFFF00  }
0x4a: {  	v2 =	vld [tilespmem:$0x14000]  }
0x4b: {  	v3 =	vld [tilespmem:$0x14010]  }
0x4c: {  	v4 =	vld [tilespmem:$0x14020]  }
0x4d: {  	v5 =	vld [tilespmem:$0x14030]  }
0x4e: {  	v6 =	vld [tilespmem:$0x14040]  }
0x4f: {  	v7 =	vld [tilespmem:$0x14050];
	v2 =	vadd.s32 v0, v2  }
0x50: {  	[tilespmem:$0x14000] =	vst v2;
	v2 =	vadd.s32 v0, v3;
	v3 =	vld [tilespmem:$0x14060]  }
0x51: {  	[tilespmem:$0x14010] =	vst v2;
	v2 =	vadd.s32 v0, v4;
	v4 =	vld [tilespmem:$0x14070]  }
0x52: {  	[tilespmem:$0x14020] =	vst v2;
	v2 =	vadd.s32 v0, v5  }
0x53: {  	[tilespmem:$0x14030] =	vst v2;
	v2 =	vadd.s32 v0, v6  }
0x54: {  	[tilespmem:$0x14040] =	vst v2;
	v2 =	vadd.s32 v0, v7  }
0x55: {  	[tilespmem:$0x14050] =	vst v2;
	v2 =	vadd.s32 v0, v3  }
0x56: {  	[tilespmem:$0x14060] =	vst v2;
	v2 =	vadd.s32 v0, v4  }
0x57: {  	[tilespmem:$0x14070] =	vst v2  }
0x58: {  	[tilespmem:s20], [sflag:$0x5] =	stream.indirect.gather [hbm4b:s4+s28], $0x80, s22, s28, $0xb8;
	[tilespmem:$0x1C400] =	vst v63  }
0x59: {  	_ =	swait.ge [sflag:s29], $0x100  }
0x5a: {  	[sflag:s29] =	ssyncset.done $0x0  }
0x5b: {  	[sflag:s29] =	ssyncadd.s32 $0xFFFFFF00  }
0x5c: {  	v2 =	vld [tilespmem:$0x14100]  }
0x5d: {  	v3 =	vld [tilespmem:$0x14110]  }
0x5e: {  	v4 =	vld [tilespmem:$0x14120]  }
0x5f: {  	v5 =	vld [tilespmem:$0x14130]  }
0x60: {  	v6 =	vld [tilespmem:$0x14140]  }
0x61: {  	v7 =	vld [tilespmem:$0x14150];
	v2 =	vadd.s32 v0, v2  }
0x62: {  	[tilespmem:$0x14100] =	vst v2;
	v2 =	vadd.s32 v0, v3;
	v3 =	vld [tilespmem:$0x14160]  }
0x63: {  	[tilespmem:$0x14110] =	vst v2;
	v2 =	vadd.s32 v0, v4;
	v4 =	vld [tilespmem:$0x14170]  }
0x64: {  	[tilespmem:$0x14120] =	vst v2;
	v2 =	vadd.s32 v0, v5  }
0x65: {  	[tilespmem:$0x14130] =	vst v2;
	v2 =	vadd.s32 v0, v6  }
0x66: {  	[tilespmem:$0x14140] =	vst v2;
	v2 =	vadd.s32 v0, v7  }
0x67: {  	[tilespmem:$0x14150] =	vst v2;
	v2 =	vadd.s32 v0, v3  }
0x68: {  	[tilespmem:$0x14160] =	vst v2;
	v2 =	vadd.s32 v0, v4  }
0x69: {  	[tilespmem:$0x14170] =	vst v2  }
0x6a: {  	[tilespmem:s30], [sflag:$0x6] =	stream.indirect.gather [hbm4b:s4+s28], $0x80, s23, s28, $0xb8;
	[tilespmem:$0x1C400] =	vst v63  }
0x6b: {  	_ =	swait.ge [sflag:s31], $0x4000  }
0x6c: {  	[sflag:s31] =	ssyncset.done $0x0  }
0x6d: {  	[sflag:s31] =	ssyncadd.s32 $0xFFFFC000  }
0x6e: {  	[spmem:s2] =	stream.indirect.scatter.add.f32 [tilespmem:s20], [sflag:$0x7], $0x80, s0, s28, $0xb8;
	[tilespmem:$0x1C400] =	vst v63  }
0x6f: {  	_ =	swait.ge [sflag:s21], $0x4000  }
0x70: {  	s18 =	sadd.s32 $0x0, s6;
	[sflag:s21] =	ssyncset.done $0x0  }
0x71: {  	s17 =	sadd.s32 $0x80, s18;
	[sflag:s21] =	ssyncadd.s32 $0xFFFFC000  }
0x72: {  	[tilespmem:s22], [sflag:$0x1] =	stream.linear.gather [hbm4b:s17+s3], $0x100, $0x38;
	[tilespmem:$0x1C400] =	vst v63  }
0x73: {  	_ =	swait.ge [sflag:s1], $0x100  }
0x74: {  	[sflag:s1] =	ssyncset.done $0x0  }
0x75: {  	[sflag:s1] =	ssyncadd.s32 $0xFFFFFF00  }
0x76: {  	v2 =	vld [tilespmem:$0x14270]  }
0x77: {  	v3 =	vld [tilespmem:$0x14250]  }
0x78: {  	v4 =	vld [tilespmem:$0x14210]  }
0x79: {  	v5 =	vld [tilespmem:$0x14240]  }
0x7a: {  	v6 =	vld [tilespmem:$0x14220]  }
0x7b: {  	v7 =	vld [tilespmem:$0x14200];
	v2 =	vadd.s32 v0, v2  }
0x7c: {  	v8 =	vld [tilespmem:$0x14230];
	v3 =	vadd.s32 v0, v3;
	[tilespmem:$0x14270] =	vst v2  }
0x7d: {  	v4 =	vadd.s32 v0, v4;
	v2 =	vld [tilespmem:$0x14260];
	[tilespmem:$0x14250] =	vst v3  }
0x7e: {  	[tilespmem:$0x14210] =	vst v4;
	v3 =	vadd.s32 v0, v5  }
0x7f: {  	v4 =	vadd.s32 v0, v6;
	[tilespmem:$0x14240] =	vst v3  }
0x80: {  	v3 =	vadd.s32 v0, v7;
	[tilespmem:$0x14220] =	vst v4  }
0x81: {  	v4 =	vadd.s32 v0, v8;
	[tilespmem:$0x14200] =	vst v3  }
0x82: {  	[tilespmem:$0x14230] =	vst v4;
	v2 =	vadd.s32 v0, v2  }
0x83: {  	[tilespmem:$0x14260] =	vst v2  }
0x84: {  	[tilespmem:s20], [sflag:$0x5] =	stream.indirect.gather [hbm4b:s4+s28], $0x80, s24, s28, $0xb8;
	[tilespmem:$0x1C400] =	vst v63  }
0x85: {  	_ =	swait.ge [sflag:s7], $0x4000  }
0x86: {  	[sflag:s7] =	ssyncset.done $0x0  }
0x87: {  	[sflag:s7] =	ssyncadd.s32 $0xFFFFC000  }
0x88: {  	[spmem:s2] =	stream.indirect.scatter.add.f32 [tilespmem:s30], [sflag:$0x7], $0x80, s8, s28, $0xb8;
	[tilespmem:$0x1C400] =	vst v63  }
0x89: {  	_ =	swait.ge [sflag:s21], $0x4000  }
0x8a: {  	[sflag:s21] =	ssyncset.done $0x0  }
0x8b: {  	s16 =	sadd.s32 $0xA0, s18;
	[sflag:s21] =	ssyncadd.s32 $0xFFFFC000  }
0x8c: {  	[tilespmem:s23], [sflag:$0x2] =	stream.linear.gather [hbm4b:s16+s3], $0x100, $0x38;
	[tilespmem:$0x1C400] =	vst v63  }
0x8d: {  	_ =	swait.ge [sflag:s9], $0x100  }
0x8e: {  	[sflag:s9] =	ssyncset.done $0x0  }
0x8f: {  	[sflag:s9] =	ssyncadd.s32 $0xFFFFFF00  }
0x90: {  	v2 =	vld [tilespmem:$0x14300]  }
0x91: {  	v3 =	vld [tilespmem:$0x14360]  }
0x92: {  	v4 =	vld [tilespmem:$0x14370]  }
0x93: {  	v5 =	vld [tilespmem:$0x14340]  }
0x94: {  	v6 =	vld [tilespmem:$0x14330]  }
0x95: {  	v7 =	vld [tilespmem:$0x14350];
	v2 =	vadd.s32 v0, v2  }
0x96: {  	v3 =	vadd.s32 v0, v3;
	[tilespmem:$0x14300] =	vst v2;
	v2 =	vld [tilespmem:$0x14310]  }
0x97: {  	v63 =	vld [tilespmem:$0x14320];
	[tilespmem:$0x14360] =	vst v3;
	v3 =	vadd.s32 v0, v4  }
0x98: {  	v4 =	vadd.s32 v0, v5;
	[tilespmem:$0x14370] =	vst v3  }
0x99: {  	v3 =	vadd.s32 v0, v6;
	[tilespmem:$0x14340] =	vst v4  }
0x9a: {  	[tilespmem:$0x14330] =	vst v3;
	v3 =	vadd.s32 v0, v7  }
0x9b: {  	[tilespmem:$0x14350] =	vst v3;
	v2 =	vadd.s32 v0, v2  }
0x9c: {  	[tilespmem:$0x14310] =	vst v2;
	v2 =	vadd.s32 v0, v63  }
0x9d: {  	[tilespmem:$0x14320] =	vst v2  }
0x9e: {  	[tilespmem:s30], [sflag:$0x6] =	stream.indirect.gather [hbm4b:s4+s28], $0x80, s25, s28, $0xb8;
	[tilespmem:$0x1C400] =	vst v63  }
0x9f: {  	_ =	swait.ge [sflag:s31], $0x4000  }
0xa0: {  	[sflag:s31] =	ssyncset.done $0x0  }
0xa1: {  	s19 =	rddreg [dreg:$0x4];
	[sflag:s31] =	ssyncadd.s32 $0xFFFFC000  }
0xa2: {  	[spmem:s2] =	stream.indirect.scatter.add.f32 [tilespmem:s20], [sflag:$0x7], $0x80, s19, s28, $0xb8;
	[tilespmem:$0x1C400] =	vst v63  }
0xa3: {  	p1 =	por $0x0, $0x0;
	_ =	swait.ge [sflag:s21], $0x4000  }
0xa4: {  	s18 =	simm.s32 @!p1 $0x0;
	s17 =	sadd.s32 @!p1 $0x0, s6;
	[sflag:s21] =	ssyncset.done $0x0  }
0xa5: {  	s16 =	simm.s32 @!p1 $0x14200;
	s19 =	sadd.s32 @!p1 $0xC0, s17;
	[sflag:s21] =	ssyncadd.s32 $0xFFFFC000  }
0xa6: {  	[tilespmem:s16], [sflag:$0x3] =	stream.linear.gather @!p1 [hbm4b:s19+s18], $0x100, $0x38;
	[tilespmem:$0x1C400] =	vst v63  }
0xa7: {  	_ =	swait.ge [sflag:s26], $0x100  }
0xa8: {  	[sflag:s26] =	ssyncset.done $0x0  }
0xa9: {  	[sflag:s26] =	ssyncadd.s32 $0xFFFFFF00  }
0xaa: {  	v4 =	vld [tilespmem:$0x14000]  }
0xab: {  	v3 =	vld [tilespmem:$0x14010]  }
0xac: {  	s16 =	simm.s32 $0x80;
	s19 =	sadd.s32 @!p1 $0xE0, s17;
	v2 =	vld [tilespmem:$0x14040]  }
.LBB2_4:
0xad: {  	v5 =	vld [tilespmem:$0x14050]  }
0xae: {  	v6 =	vld [tilespmem:$0x14070]  }
0xaf: {  	v7 =	vld [tilespmem:$0x14030];
	v4 =	vadd.s32 v0, v4  }
0xb0: {  	v3 =	vadd.s32 v0, v3;
	[tilespmem:$0x14000] =	vst v4;
	v4 =	vld [tilespmem:$0x14020]  }
0xb1: {  	v2 =	vadd.s32 v0, v2;
	[tilespmem:$0x14010] =	vst v3;
	v3 =	vld [tilespmem:$0x14060]  }
0xb2: {  	v5 =	vadd.s32 v0, v5;
	[tilespmem:$0x14040] =	vst v2  }
0xb3: {  	[tilespmem:$0x14050] =	vst v5;
	v5 =	vadd.s32 v0, v6  }
0xb4: {  	v6 =	vadd.s32 v0, v7;
	[tilespmem:$0x14070] =	vst v5  }
0xb5: {  	[tilespmem:$0x14030] =	vst v6;
	v4 =	vadd.s32 v0, v4  }
0xb6: {  	v2 =	vadd.s32 v0, v3;
	[tilespmem:$0x14020] =	vst v4  }
0xb7: {  	[tilespmem:$0x14060] =	vst v2  }
0xb8: {  	[tilespmem:s20], [sflag:$0x5] =	stream.indirect.gather [hbm4b:s4+s28], $0x80, s22, s28, $0xb8;
	[tilespmem:$0x1C400] =	vst v63  }
0xb9: {  	_ =	swait.ge [sflag:s7], $0x4000  }
0xba: {  	[sflag:s7] =	ssyncset.done $0x0  }
0xbb: {  	[sflag:s7] =	ssyncadd.s32 $0xFFFFC000  }
0xbc: {  	[spmem:s2] =	stream.indirect.scatter.add.f32 [tilespmem:s30], [sflag:$0x7], $0x80, s10, s28, $0xb8;
	[tilespmem:$0x1C400] =	vst v63  }
0xbd: {  	_ =	swait.ge [sflag:s21], $0x4000  }
0xbe: {  	[sflag:s21] =	ssyncset.done $0x0  }
0xbf: {  	s11 =	simm.s32 @!p1 $0x14300;
	[sflag:s21] =	ssyncadd.s32 $0xFFFFC000  }
0xc0: {  	[tilespmem:s11], [sflag:$0x4] =	stream.linear.gather @!p1 [hbm4b:s19+s18], $0x100, $0x38;
	[tilespmem:$0x1C400] =	vst v63  }
0xc1: {  	_ =	swait.ge [sflag:s29], $0x100  }
0xc2: {  	[sflag:s29] =	ssyncset.done $0x0  }
0xc3: {  	[sflag:s29] =	ssyncadd.s32 $0xFFFFFF00  }
0xc4: {  	v2 =	vld [tilespmem:$0x14100]  }
0xc5: {  	v3 =	vld [tilespmem:$0x14110]  }
0xc6: {  	v4 =	vld [tilespmem:$0x14130]  }
0xc7: {  	v5 =	vld [tilespmem:$0x14140]  }
0xc8: {  	v6 =	vld [tilespmem:$0x14150]  }
0xc9: {  	v7 =	vld [tilespmem:$0x14160];
	v2 =	vadd.s32 v0, v2  }
0xca: {  	[tilespmem:$0x14100] =	vst v2;
	v2 =	vadd.s32 v0, v3;
	v3 =	vld [tilespmem:$0x14120]  }
0xcb: {  	[tilespmem:$0x14110] =	vst v2;
	v2 =	vadd.s32 v0, v4;
	v4 =	vld [tilespmem:$0x14170]  }
0xcc: {  	[tilespmem:$0x14130] =	vst v2;
	v2 =	vadd.s32 v0, v5  }
0xcd: {  	[tilespmem:$0x14140] =	vst v2;
	v2 =	vadd.s32 v0, v6  }
0xce: {  	[tilespmem:$0x14150] =	vst v2;
	v2 =	vadd.s32 v0, v7  }
0xcf: {  	v3 =	vadd.s32 v0, v3;
	[tilespmem:$0x14160] =	vst v2  }
0xd0: {  	[tilespmem:$0x14120] =	vst v3;
	v3 =	vadd.s32 v0, v4  }
0xd1: {  	[tilespmem:$0x14170] =	vst v3  }
0xd2: {  	[tilespmem:s30], [sflag:$0x6] =	stream.indirect.gather [hbm4b:s4+s28], $0x80, s23, s28, $0xb8;
	[tilespmem:$0x1C400] =	vst v63  }
0xd3: {  	_ =	swait.ge [sflag:s31], $0x4000  }
0xd4: {  	[sflag:s31] =	ssyncset.done $0x0  }
0xd5: {  	[sflag:s31] =	ssyncadd.s32 $0xFFFFC000  }
0xd6: {  	[spmem:s2] =	stream.indirect.scatter.add.f32 [tilespmem:s20], [sflag:$0x7], $0x80, s0, s28, $0xb8;
	[tilespmem:$0x1C400] =	vst v63  }
0xd7: {  	s17 =	smov.u32 s16;
	_ =	swait.ge [sflag:s21], $0x4000  }
0xd8: {  	s18 =	sadd.s32 s17, s6;
	[sflag:s21] =	ssyncset.done $0x0  }
0xd9: {  	s19 =	sadd.s32 $0x80, s18;
	[sflag:s21] =	ssyncadd.s32 $0xFFFFC000  }
0xda: {  	[tilespmem:s22], [sflag:$0x1] =	stream.linear.gather [hbm4b:s19+s3], $0x100, $0x38;
	[tilespmem:$0x1C400] =	vst v63  }
0xdb: {  	_ =	swait.ge [sflag:s1], $0x100  }
0xdc: {  	[sflag:s1] =	ssyncset.done $0x0  }
0xdd: {  	[sflag:s1] =	ssyncadd.s32 $0xFFFFFF00  }
0xde: {  	v3 =	vld [tilespmem:$0x14270]  }
0xdf: {  	v2 =	vld [tilespmem:$0x14250]  }
0xe0: {  	v5 =	vld [tilespmem:$0x14210]  }
0xe1: {  	v6 =	vld [tilespmem:$0x14240]  }
0xe2: {  	v7 =	vld [tilespmem:$0x14220]  }
0xe3: {  	v8 =	vld [tilespmem:$0x14200];
	v3 =	vadd.s32 v0, v3  }
0xe4: {  	v4 =	vld [tilespmem:$0x14230];
	v2 =	vadd.s32 v0, v2;
	[tilespmem:$0x14270] =	vst v3  }
0xe5: {  	v9 =	vld [tilespmem:$0x14260];
	v3 =	vadd.s32 v0, v5;
	[tilespmem:$0x14250] =	vst v2  }
0xe6: {  	v2 =	vadd.s32 v0, v6;
	[tilespmem:$0x14210] =	vst v3  }
0xe7: {  	v3 =	vadd.s32 v0, v7;
	[tilespmem:$0x14240] =	vst v2  }
0xe8: {  	v2 =	vadd.s32 v0, v8;
	[tilespmem:$0x14220] =	vst v3  }
0xe9: {  	v3 =	vadd.s32 v0, v4;
	[tilespmem:$0x14200] =	vst v2  }
0xea: {  	v2 =	vadd.s32 v0, v9;
	[tilespmem:$0x14230] =	vst v3  }
0xeb: {  	[tilespmem:$0x14260] =	vst v2  }
0xec: {  	[tilespmem:s20], [sflag:$0x5] =	stream.indirect.gather [hbm4b:s4+s28], $0x80, s24, s28, $0xb8;
	[tilespmem:$0x1C400] =	vst v63  }
0xed: {  	_ =	swait.ge [sflag:s7], $0x4000  }
0xee: {  	[sflag:s7] =	ssyncset.done $0x0  }
0xef: {  	[sflag:s7] =	ssyncadd.s32 $0xFFFFC000  }
0xf0: {  	[spmem:s2] =	stream.indirect.scatter.add.f32 [tilespmem:s30], [sflag:$0x7], $0x80, s8, s28, $0xb8;
	[tilespmem:$0x1C400] =	vst v63  }
0xf1: {  	_ =	swait.ge [sflag:s21], $0x4000  }
0xf2: {  	[sflag:s21] =	ssyncset.done $0x0  }
0xf3: {  	s18 =	sadd.s32 $0xA0, s18;
	[sflag:s21] =	ssyncadd.s32 $0xFFFFC000  }
0xf4: {  	[tilespmem:s23], [sflag:$0x2] =	stream.linear.gather [hbm4b:s18+s3], $0x100, $0x38;
	[tilespmem:$0x1C400] =	vst v63  }
0xf5: {  	_ =	swait.ge [sflag:s9], $0x100  }
0xf6: {  	[sflag:s9] =	ssyncset.done $0x0  }
0xf7: {  	[sflag:s9] =	ssyncadd.s32 $0xFFFFFF00  }
0xf8: {  	v2 =	vld [tilespmem:$0x14300]  }
0xf9: {  	v3 =	vld [tilespmem:$0x14360]  }
0xfa: {  	v4 =	vld [tilespmem:$0x14370]  }
0xfb: {  	v5 =	vld [tilespmem:$0x14340]  }
0xfc: {  	v6 =	vld [tilespmem:$0x14330]  }
0xfd: {  	v7 =	vld [tilespmem:$0x14350];
	v2 =	vadd.s32 v0, v2  }
0xfe: {  	v3 =	vadd.s32 v0, v3;
	[tilespmem:$0x14300] =	vst v2;
	v2 =	vld [tilespmem:$0x14310]  }
0xff: {  	v63 =	vld [tilespmem:$0x14320];
	[tilespmem:$0x14360] =	vst v3;
	v3 =	vadd.s32 v0, v4  }
0x100: {  	v4 =	vadd.s32 v0, v5;
	[tilespmem:$0x14370] =	vst v3  }
0x101: {  	v3 =	vadd.s32 v0, v6;
	[tilespmem:$0x14340] =	vst v4  }
0x102: {  	[tilespmem:$0x14330] =	vst v3;
	v3 =	vadd.s32 v0, v7  }
0x103: {  	[tilespmem:$0x14350] =	vst v3;
	v2 =	vadd.s32 v0, v2  }
0x104: {  	[tilespmem:$0x14310] =	vst v2;
	v2 =	vadd.s32 v0, v63  }
0x105: {  	[tilespmem:$0x14320] =	vst v2  }
0x106: {  	[tilespmem:s30], [sflag:$0x6] =	stream.indirect.gather [hbm4b:s4+s28], $0x80, s25, s28, $0xb8;
	[tilespmem:$0x1C400] =	vst v63  }
0x107: {  	_ =	swait.ge [sflag:s31], $0x4000  }
0x108: {  	[sflag:s31] =	ssyncset.done $0x0  }
0x109: {  	s19 =	rddreg [dreg:$0x4];
	[sflag:s31] =	ssyncadd.s32 $0xFFFFC000  }
0x10a: {  	[spmem:s2] =	stream.indirect.scatter.add.f32 [tilespmem:s20], [sflag:$0x7], $0x80, s19, s28, $0xb8;
	[tilespmem:$0x1C400] =	vst v63  }
0x10b: {  	s16 =	sadd.s32 $0x80, s16;
	p1 =	seq.s32 s17, $0x1300;
	_ =	swait.ge [sflag:s21], $0x4000  }
0x10c: {  	s11 =	sadd.s32 @!p1 s17, s6;
	s17 =	simm.s32 @!p1 $0x14200;
	[sflag:s21] =	ssyncset.done $0x0  }
0x10d: {  	s18 =	simm.s32 @!p1 $0x0;
	s19 =	sadd.s32 @!p1 $0xC0, s11;
	[sflag:s21] =	ssyncadd.s32 $0xFFFFC000  }
0x10e: {  	[tilespmem:s17], [sflag:$0x3] =	stream.linear.gather @!p1 [hbm4b:s19+s18], $0x100, $0x38;
	[tilespmem:$0x1C400] =	vst v63  }
0x10f: {  	p0 =	sne.s32 s16, $0x1380;
	_ =	swait.ge [sflag:s26], $0x100  }
.Ltmp1:
0x110: {  	[sflag:s26] =	ssyncset.done $0x0;
	(pc) =	sbr.rel @p0 .LBB2_4-.Ltmp1, $4  }
0x111: {  	[sflag:s26] =	ssyncadd.s32 $0xFFFFFF00  }
0x112: {  	v4 =	vld [tilespmem:$0x14000]  }
0x113: {  	v3 =	vld [tilespmem:$0x14010]  }
0x114: {  	s19 =	sadd.s32 @!p1 $0xE0, s11;
	v2 =	vld [tilespmem:$0x14040]  }
0x115: {  	v5 =	vld [tilespmem:$0x14050]  }
0x116: {  	v6 =	vld [tilespmem:$0x14070]  }
0x117: {  	v7 =	vld [tilespmem:$0x14030];
	v4 =	vadd.s32 v0, v4  }
0x118: {  	v54 =	vld [tilespmem:$0x14020];
	[tilespmem:$0x14000] =	vst v4;
	v3 =	vadd.s32 v0, v3  }
0x119: {  	[tilespmem:$0x14010] =	vst v3;
	v3 =	vld [tilespmem:$0x14060];
	v2 =	vadd.s32 v0, v2  }
0x11a: {  	v5 =	vadd.s32 v0, v5;
	[tilespmem:$0x14040] =	vst v2  }
0x11b: {  	v55 =	vadd.s32 v0, v6;
	[tilespmem:$0x14050] =	vst v5  }
0x11c: {  	v56 =	vadd.s32 v0, v7;
	[tilespmem:$0x14070] =	vst v55  }
0x11d: {  	v4 =	vadd.s32 v0, v54;
	[tilespmem:$0x14030] =	vst v56  }
0x11e: {  	[tilespmem:$0x14020] =	vst v4;
	v2 =	vadd.s32 v0, v3  }
0x11f: {  	[tilespmem:$0x14060] =	vst v2  }
0x120: {  	[tilespmem:s20], [sflag:$0x5] =	stream.indirect.gather [hbm4b:s4+s28], $0x80, s22, s28, $0xb8;
	[tilespmem:$0x1C400] =	vst v63  }
0x121: {  	_ =	swait.ge [sflag:s7], $0x4000  }
0x122: {  	[sflag:s7] =	ssyncset.done $0x0  }
0x123: {  	[sflag:s7] =	ssyncadd.s32 $0xFFFFC000  }
0x124: {  	[spmem:s2] =	stream.indirect.scatter.add.f32 [tilespmem:s30], [sflag:$0x7], $0x80, s10, s28, $0xb8;
	[tilespmem:$0x1C400] =	vst v63  }
0x125: {  	_ =	swait.ge [sflag:s21], $0x4000  }
0x126: {  	[sflag:s21] =	ssyncset.done $0x0  }
0x127: {  	s11 =	simm.s32 @!p1 $0x14300;
	[sflag:s21] =	ssyncadd.s32 $0xFFFFC000  }
0x128: {  	[tilespmem:s11], [sflag:$0x4] =	stream.linear.gather @!p1 [hbm4b:s19+s18], $0x100, $0x38;
	[tilespmem:$0x1C400] =	vst v63  }
0x129: {  	_ =	swait.ge [sflag:s29], $0x100  }
0x12a: {  	[sflag:s29] =	ssyncset.done $0x0  }
0x12b: {  	[sflag:s29] =	ssyncadd.s32 $0xFFFFFF00  }
0x12c: {  	v2 =	vld [tilespmem:$0x14100]  }
0x12d: {  	v3 =	vld [tilespmem:$0x14110]  }
0x12e: {  	v57 =	vld [tilespmem:$0x14130]  }
0x12f: {  	v58 =	vld [tilespmem:$0x14140]  }
0x130: {  	v59 =	vld [tilespmem:$0x14150]  }
0x131: {  	v60 =	vld [tilespmem:$0x14120];
	v2 =	vadd.s32 v0, v2  }
0x132: {  	[tilespmem:$0x14100] =	vst v2;
	v2 =	vadd.s32 v0, v3;
	v3 =	vld [tilespmem:$0x14170]  }
0x133: {  	v4 =	vadd.s32 v0, v57;
	[tilespmem:$0x14110] =	vst v2;
	v2 =	vld [tilespmem:$0x14160]  }
0x134: {  	v61 =	vadd.s32 v0, v58;
	[tilespmem:$0x14130] =	vst v4  }
0x135: {  	v62 =	vadd.s32 v0, v59;
	[tilespmem:$0x14140] =	vst v61  }
0x136: {  	v63 =	vadd.s32 v0, v60;
	[tilespmem:$0x14150] =	vst v62  }
0x137: {  	[tilespmem:$0x14120] =	vst v63;
	v3 =	vadd.s32 v0, v3  }
0x138: {  	v2 =	vadd.s32 v0, v2;
	[tilespmem:$0x14170] =	vst v3  }
0x139: {  	[tilespmem:$0x14160] =	vst v2  }
0x13a: {  	[tilespmem:s30], [sflag:$0x6] =	stream.indirect.gather [hbm4b:s4+s28], $0x80, s23, s28, $0xb8;
	[tilespmem:$0x1C400] =	vst v63  }
0x13b: {  	_ =	swait.ge [sflag:s31], $0x4000  }
0x13c: {  	[sflag:s31] =	ssyncset.done $0x0  }
0x13d: {  	[sflag:s31] =	ssyncadd.s32 $0xFFFFC000  }
0x13e: {  	[spmem:s2] =	stream.indirect.scatter.add.f32 [tilespmem:s20], [sflag:$0x7], $0x80, s0, s28, $0xb8;
	[tilespmem:$0x1C400] =	vst v63  }
0x13f: {  	_ =	swait.ge [sflag:s21], $0x4000  }
0x140: {  	[sflag:s21] =	ssyncset.done $0x0  }
0x141: {  	[sflag:s21] =	ssyncadd.s32 $0xFFFFC000  }
0x142: {  	_ =	swait.ge [sflag:s7], $0x4000  }
0x143: {  	[sflag:s7] =	ssyncset.done $0x0  }
0x144: {  	[sflag:s7] =	ssyncadd.s32 $0xFFFFC000  }
0x145: {  	[spmem:s2] =	stream.indirect.scatter.add.f32 [tilespmem:s30], [sflag:$0x7], $0x80, s8, s28, $0xb8;
	[tilespmem:$0x1C400] =	vst v63  }
0x146: {  	_ =	swait.ge [sflag:s21], $0x4000  }
0x147: {  	[sflag:s21] =	ssyncset.done $0x0  }
0x148: {  	[sflag:s21] =	ssyncadd.s32 $0xFFFFC000  }
0x149: {  	[bflag:$0x0] =	sbarrier.arrive $0xFFFF  }
0x14a: {  	[tilespmem:s20], [sflag:$0x7] =	stream.linear.gather [spmem:s5], $0x4000, $0x38;
	[tilespmem:$0x1C400] =	vst v63  }
0x14b: {  	_ =	swait.ge [sflag:s21], $0x4000  }
0x14c: {  	[sflag:s21] =	ssyncset.done $0x0  }
0x14d: {  	s19 =	rddreg [dreg:$0xa];
	[sflag:s21] =	ssyncadd.s32 $0xFFFFC000  }
0x14e: {  	[hbm4b:s19+s3] =	stream.linear.scatter [tilespmem:s20], [sflag:$0x7], $0x4000, $0x38;
	[tilespmem:$0x1C400] =	vst v63  }
0x14f: {  	_ =	swait.ge [sflag:s21], $0x4000  }
0x150: {  	[sflag:s21] =	ssyncset.done $0x0  }
0x151: {  	[sflag:s21] =	ssyncadd.s32 $0xFFFFC000  }
0x152: {  	[tilespmem:s20], [sflag:$0x7] =	stream.linear.gather [spmem:s12], $0x4000, $0x38;
	[tilespmem:$0x1C400] =	vst v63  }
0x153: {  	_ =	swait.ge [sflag:s21], $0x4000  }
0x154: {  	[sflag:s21] =	ssyncset.done $0x0  }
0x155: {  	s16 =	rddreg [dreg:$0xb];
	[sflag:s21] =	ssyncadd.s32 $0xFFFFC000  }
0x156: {  	[hbm4b:s16+s3] =	stream.linear.scatter [tilespmem:s20], [sflag:$0x7], $0x4000, $0x38;
	[tilespmem:$0x1C400] =	vst v63  }
0x157: {  	_ =	swait.ge [sflag:s21], $0x4000  }
0x158: {  	[sflag:s21] =	ssyncset.done $0x0  }
0x159: {  	[sflag:s21] =	ssyncadd.s32 $0xFFFFC000  }
0x15a: {  	[tilespmem:s20], [sflag:$0x7] =	stream.linear.gather [spmem:s13], $0x4000, $0x38;
	[tilespmem:$0x1C400] =	vst v63  }
0x15b: {  	_ =	swait.ge [sflag:s21], $0x4000  }
0x15c: {  	[sflag:s21] =	ssyncset.done $0x0  }
0x15d: {  	s17 =	rddreg [dreg:$0xc];
	[sflag:s21] =	ssyncadd.s32 $0xFFFFC000  }
0x15e: {  	[hbm4b:s17+s3] =	stream.linear.scatter [tilespmem:s20], [sflag:$0x7], $0x4000, $0x38;
	[tilespmem:$0x1C400] =	vst v63  }
0x15f: {  	_ =	swait.ge [sflag:s21], $0x4000  }
0x160: {  	[sflag:s21] =	ssyncset.done $0x0  }
0x161: {  	s18 =	smov.u32 s12;
	s12 =	rddreg [dreg:$0x9];
	[sflag:s21] =	ssyncadd.s32 $0xFFFFC000  }
0x162: {  	[tilespmem:s20], [sflag:$0x7] =	stream.linear.gather [spmem:s12], $0x4000, $0x38;
	[tilespmem:$0x1C400] =	vst v63  }
0x163: {  	_ =	swait.ge [sflag:s21], $0x4000  }
0x164: {  	[sflag:s21] =	ssyncset.done $0x0  }
0x165: {  	s19 =	smov.u32 s13;
	s13 =	rddreg [dreg:$0xd];
	[sflag:s21] =	ssyncadd.s32 $0xFFFFC000  }
0x166: {  	[hbm4b:s13+s3] =	stream.linear.scatter [tilespmem:s20], [sflag:$0x7], $0x4000, $0x38;
	[tilespmem:$0x1C400] =	vst v63  }
0x167: {  	_ =	swait.ge [sflag:s21], $0x4000  }
0x168: {  	[sflag:s21] =	ssyncset.done $0x0  }
0x169: {  	[sflag:s21] =	ssyncadd.s32 $0xFFFFC000  }
0x16a: {  	[tilespmem:s20], [sflag:$0x7] =	stream.linear.gather [spmem:s14], $0x4000, $0x38;
	[tilespmem:$0x1C400] =	vst v63  }
0x16b: {  	_ =	swait.ge [sflag:s21], $0x4000  }
0x16c: {  	[sflag:s21] =	ssyncset.done $0x0  }
0x16d: {  	s16 =	rddreg [dreg:$0xe];
	[sflag:s21] =	ssyncadd.s32 $0xFFFFC000  }
0x16e: {  	[hbm4b:s16+s3] =	stream.linear.scatter [tilespmem:s20], [sflag:$0x7], $0x4000, $0x38;
	[tilespmem:$0x1C400] =	vst v63  }
0x16f: {  	_ =	swait.ge [sflag:s21], $0x4000  }
0x170: {  	s15 =	sadd.s32 $0x1, s15;
	s17 =	rddreg [dreg:$0x8]  }
0x171: {  	p0 =	sne.s32 s15, s17  }
.Ltmp2:
0x172: {  	_ = 	snop;
	(pc) =	sbr.rel @p0 .LBB2_1-.Ltmp2, $3  }
0x173: {  	_ =	sdelay $0x1  }
0x174: {  	[sflag:s21] =	ssyncset.done $0x0  }
0x175: {  	[sflag:s21] =	ssyncadd.s32 $0xFFFFC000  }
0x176: {  	_ =	sfence.sel $0x180000  }
0x177: {  	[bflag:$0x0] =	sbarrier.arrive $0xFFFF  }
0x178: {  	_ =	strace $0x9000004A  }
0x179: {  	s0 =	stileid.u32;
	[bflag:$0x2] =	sbarrier.arrive $0xFFFF  }
0x17a: {  	p0 =	sne.s32 s0, $0x0;
	s0 =	rddreg [dreg:$0x3]  }
0x17b: {  	s0 =	sadd.s32 @!p0 $0x100000, s0  }
0x17c: {  	[sflag:s0] =	ssyncadd.tile.s32 @!p0 $0x1;
	_ =	shalt  }
.Lfunc_end2:
_tile_overlayer_lowered:
.L_overlay_start_2:
0x17d: {  	(tag) =	ssettag $0x2  }
0x17e: {  	s0 =	rddreg [dreg:$0x0];
	s2 =	stileid.u32  }
0x17f: {  	s1 =	rddreg [dreg:$0x1];
	p0 =	sne.s32 s2, $0x0  }
0x180: {  	s3 =	rddreg [dreg:$0x2];
	[bflag:$0x3] =	sbarrier.arrive $0xFFFF;
	s2 =	simm.s32 @!p0 $0x1C07  }
0x181: {  	[timem:s3], [sflag:s2] =	dma.local @!p0 [hbm:s0], s1  }
0x182: {  	s0 =	simm.s32 @!p0 $0x7  }
0x183: {  	_ =	swait.ge @!p0 [sflag:s0], s1  }
0x184: {  	s1 =	ssub.s32 @!p0 $0x0, s1;
	[sflag:s0] =	ssyncset.done @!p0 $0x0  }
0x185: {  	[sflag:s0] =	ssyncadd.s32 @!p0 s1  }
0x186: {  	[bflag:$0x3] =	sbarrier.arrive $0xFFFF  }
0x187: {  	_ =	shalt  }

// kernel: kernel.14.cloned.1.call-start
scs
__scs_entry_jumppad:
0x0: {  	(pc) =	sbr.rel $0x88, $3  }
0x1: {  	(tag) =	ssettag $0x0;
	lr =	simm.s32 $0x1  }
0x2: {  	[smem:$0x3F9B] =	sst lr;
	_ =	strace $0xD0000000  }
0x3: {  	_ = 	snop  }
0x4: {  	_ = 	snop  }
0x5: {  	_ = 	snop  }
0x6: {  	_ = 	snop  }
0x7: {  	_ = 	snop  }
__scs_overlays_trampoline_lowered:
0x8: {  	[smem:$0x3FAA] =	sst s0  }
0x9: {  	[smem:$0x3FAB] =	sst s1  }
0xa: {  	[smem:$0x3FAC] =	sst s2  }
0xb: {  	[smem:$0x3FAD] =	sst s3  }
0xc: {  	[smem:$0x3FAE] =	sst s4  }
0xd: {  	[smem:$0x3FAF] =	sst s5  }
0xe: {  	[smem:$0x3FB0] =	sst s6  }
0xf: {  	[smem:$0x3FB1] =	sst s7  }
0x10: {  	[smem:$0x3FB2] =	sst s8  }
0x11: {  	[smem:$0x3FB3] =	sst s9;
	s0 =	simm.s32 @!p0 $0x0  }
0x12: {  	s1 =	sld [smem:$0x3F99];
	s0 =	simm.s32 @p0 $0x1  }
0x13: {  	[smem:$0x3FB4] =	sst s0;
	s0 =	simm.s32 @!p1 $0x0  }
0x14: {  	s2 =	sld [smem:$0x3F98];
	s0 =	simm.s32 @p1 $0x1  }
0x15: {  	[smem:$0x3FB5] =	sst s0;
	s0 =	simm.s32 @!p2 $0x0  }
0x16: {  	s3 =	sld [smem:$0x3FDB];
	s0 =	simm.s32 @p2 $0x1  }
0x17: {  	s4 =	simm.s32 $0x1BF5;
	[smem:$0x3FB7] =	sst s0  }
0x18: {  	s0 =	sld [smem:$0x3F9A];
	_ =	swait.ge [sflag:s4], $0x0  }
0x19: {  	s7 =	sld [smem:$0x3F9B]  }
0x1a: {  	s8 =	sadd.s32 $0xFFFFE003, lr  }
0x1b: {  	s9 =	sadd.s32 $0xFFFFFEF7, lr;
	s5 =	simm.s32 $0xFFFFFFFF;
	p2 =	slt.u32 s8, $0xFFFFF086  }
0x1c: {  	p1 =	slt.u32 s9, $0xF7A;
	s5 =	simm.s32 @!p2 $0x0  }
0x1d: {  	s5 =	simm.s32 @p1 $0x1;
	p0 =	seq.s32 s7, s2  }
0x1e: {  	s7 =	smul.u32 @!p0 $0xF7A, s2;
	p2 =	seq.s32 @!p0 s5, $0x0  }
0x1f: {  	s9 =	smul.u32 $0xF7A, s1;
	s8 =	simm.s32 @!p0 $0x1BF5;
	p2 =	por !p2, p0  }
0x20: {  	[sflag:s8] =	ssyncset.s32 @!p0 $0xFFFFF086;
	s6 =	sadd.s32 @!p0 s3, s7;
	s7 =	simm.s32 @!p0 $0x108  }
0x21: {  	s3 =	sadd.s32 s3, s9;
	s6 =	sadd.s32 @!p0 $0x88, s6;
	s7 =	simm.s32 @p2 $0x1082  }
0x22: {  	[simem:s7], [sflag:s8] =	dma.local @!p0 [hbm:s6], $0xF7A  }
0x23: {  	s9 =	sor.u32 $0xD0000000, s2;
	s6 =	simm.s32 $0x108;
	_ =	swait.ge @!p0 [sflag:s8], $0x0  }
0x24: {  	s3 =	sadd.s32 $0x88, s3;
	s6 =	simm.s32 @!p1 $0x1082;
	[sflag:s4] =	ssyncset.s32 $0xFFFFF086  }
0x25: {  	[simem:s6], [sflag:s4] =	dma.local [hbm:s3], $0xF7A  }
0x26: {  	[smem:$0x3F9B] =	sst s1;
	(tag) =	ssettag s2;
	_ =	strace s9  }
0x27: {  	s1 =	sld [smem:$0x3FAB]  }
0x28: {  	s2 =	sld [smem:$0x3FAC]  }
0x29: {  	s4 =	sld [smem:$0x3FAE]  }
0x2a: {  	p0 =	seq.s32 s5, $0x0;
	s5 =	sld [smem:$0x3FAF]  }
0x2b: {  	s6 =	sld [smem:$0x3FB0]  }
0x2c: {  	s7 =	sld [smem:$0x3FB1]  }
0x2d: {  	s3 =	simm.s32 $0x108;
	s8 =	sld [smem:$0x3FB2]  }
0x2e: {  	s3 =	simm.s32 @!p0 $0x1082;
	s9 =	sld [smem:$0x3FB3]  }
0x2f: {  	lr =	sadd.s32 s0, s3;
	s0 =	sld [smem:$0x3FAA]  }
0x30: {  	s3 =	sld [smem:$0x3FAD]  }
0x31: {  	[smem:$0x3FB6] =	sst s10  }
0x32: {  	s10 =	sld [smem:$0x3FB4];
	_ =	sdelay $0x3  }
0x33: {  	p0 =	seq.s32 s10, $0x1;
	s10 =	sld [smem:$0x3FB6];
	_ =	sdelay $0x3  }
0x34: {  	[smem:$0x3FB6] =	sst s10  }
0x35: {  	s10 =	sld [smem:$0x3FB5];
	_ =	sdelay $0x3  }
0x36: {  	p1 =	seq.s32 s10, $0x1;
	s10 =	sld [smem:$0x3FB6];
	_ =	sdelay $0x3  }
0x37: {  	[smem:$0x3FB6] =	sst s10  }
0x38: {  	s10 =	sld [smem:$0x3FB7]  }
0x39: {  	_ = 	snop;
	(pc) =	sbr.ind lr, $3  }
0x3a: {  	_ = 	snop  }
0x3b: {  	_ = 	snop  }
0x3c: {  	p2 =	seq.s32 s10, $0x1;
	s10 =	sld [smem:$0x3FB6]  }
0x3d: {  	_ =	shalt  }
0x3e: {  	_ =	shalt  }
0x3f: {  	_ =	shalt  }
0x40: {  	_ =	shalt  }
0x41: {  	_ =	shalt  }
0x42: {  	_ =	shalt  }
0x43: {  	_ =	shalt  }
0x44: {  	_ =	shalt  }
0x45: {  	_ =	shalt  }
0x46: {  	_ =	shalt  }
0x47: {  	_ =	shalt  }
0x48: {  	_ =	shalt  }
0x49: {  	_ =	shalt  }
0x4a: {  	_ =	shalt  }
0x4b: {  	_ =	shalt  }
0x4c: {  	_ =	shalt  }
0x4d: {  	_ =	shalt  }
0x4e: {  	_ =	shalt  }
0x4f: {  	_ =	shalt  }
0x50: {  	_ =	shalt  }
0x51: {  	_ =	shalt  }
0x52: {  	_ =	shalt  }
0x53: {  	_ =	shalt  }
0x54: {  	_ =	shalt  }
0x55: {  	_ =	shalt  }
0x56: {  	_ =	shalt  }
0x57: {  	_ =	shalt  }
0x58: {  	_ =	shalt  }
0x59: {  	_ =	shalt  }
0x5a: {  	_ =	shalt  }
0x5b: {  	_ =	shalt  }
0x5c: {  	_ =	shalt  }
0x5d: {  	_ =	shalt  }
0x5e: {  	_ =	shalt  }
0x5f: {  	_ =	shalt  }
0x60: {  	_ =	shalt  }
0x61: {  	_ =	shalt  }
0x62: {  	_ =	shalt  }
0x63: {  	_ =	shalt  }
0x64: {  	_ =	shalt  }
0x65: {  	_ =	shalt  }
0x66: {  	_ =	shalt  }
0x67: {  	_ =	shalt  }
0x68: {  	_ =	shalt  }
0x69: {  	_ =	shalt  }
0x6a: {  	_ =	shalt  }
0x6b: {  	_ =	shalt  }
0x6c: {  	_ =	shalt  }
0x6d: {  	_ =	shalt  }
0x6e: {  	_ =	shalt  }
0x6f: {  	_ =	shalt  }
0x70: {  	_ =	shalt  }
0x71: {  	_ =	shalt  }
0x72: {  	_ =	shalt  }
0x73: {  	_ =	shalt  }
0x74: {  	_ =	shalt  }
0x75: {  	_ =	shalt  }
0x76: {  	_ =	shalt  }
0x77: {  	_ =	shalt  }
0x78: {  	_ =	shalt  }
0x79: {  	_ =	shalt  }
0x7a: {  	_ =	shalt  }
0x7b: {  	_ =	shalt  }
0x7c: {  	_ =	shalt  }
0x7d: {  	_ =	shalt  }
0x7e: {  	_ =	shalt  }
0x7f: {  	_ =	shalt  }
0x80: {  	_ =	shalt  }
0x81: {  	_ =	shalt  }
0x82: {  	_ =	shalt  }
0x83: {  	_ =	shalt  }
0x84: {  	_ =	shalt  }
0x85: {  	_ =	shalt  }
0x86: {  	_ =	shalt  }
0x87: {  	_ =	shalt  }
.Lfunc_end0:
.L_simem_size_0:
called_computation.2_lowered:
.L_overlay_start_0:
0x88: {  	s2 =	sld [smem:$0x3FD9]  }
0x89: {  	s3 =	sld [smem:$0x3FFE];
	_ =	sdelay $0x1  }
0x8a: {  	s1 =	srdreg.scid  }
0x8b: {  	s0 =	sand.u32 $0x1, s1  }
0x8c: {  	s17 =	sshll.u32 s0, $0xA;
	s2 =	sadd.s32 s3, s2  }
0x8d: {  	s2 =	sadd.s32 s2, s17  }
0x8e: {  	[smem:$0x3FC2] =	sst s2  }
0x8f: {  	_ = 	snop  }
0x90: {  	s2 =	sld [smem:$0x3FD0];
	(tm) =	ssettm $0x1  }
0x91: {  	s18 =	sld [smem:$0x3FFB];
	_ =	sdelay $0x3  }
0x92: {  	_ =	strace s18  }
0x93: {  	s3 =	sld [smem:$0x3FFC];
	_ =	sdelay $0x3  }
0x94: {  	_ =	strace s3  }
0x95: {  	s3 =	sld [smem:$0x3FFD];
	_ =	sdelay $0x3  }
0x96: {  	_ =	strace s3  }
0x97: {  	_ =	strace $0x8FFFFFFF  }
0x98: {  	s19 =	sld [smem:$0x3FDB];
	_ =	sdelay $0x1  }
0x99: {  	s4 =	simm.s32 $_scs_section_size  }
0x9a: {  	s5 =	simm.s32 $_size__tile_overlayer_lowered;
	s6 =	simm.s32 $_tile_overlayer_lowered  }
0x9b: {  	s22 =	simm.s32 $0x1BFF;
	s21 =	sshll.u32 s6, $0x1;
	s3 =	sadd.s32 s4, s19  }
0x9c: {  	s7 =	simm.s32 $0x0;
	s20 =	sshll.u32 s5, $0x1;
	s5 =	sadd.s32 s21, s3  }
0x9d: {  	[timem:s7], [sflag:s22] =	dma.local [hbm:s5], s20  }
0x9e: {  	_ =	swait.ge [sflag:s22], s20  }
0x9f: {  	s4 =	ssub.s32 $0x0, s20;
	[sflag:s22] =	ssyncset.done $0x0  }
0xa0: {  	[sflag:s22] =	ssyncadd.s32 s4;
	_ =	sdelay $0x1  }
0xa1: {  	s23 =	simm.s32 $0x1B8B  }
0xa2: {  	_ =	swait.ge [sflag:s23], $0x1  }
0xa3: {  	[sflag:s23] =	ssyncset.done $0x0  }
0xa4: {  	s25 =	simm.s32 $0x1B8E;
	s24 =	sld [smem:$0x3FFE];
	[sflag:s23] =	ssyncadd.s32 $0xFFFFFFFF  }
0xa5: {  	s26 =	simm.s32 $execute0_lowered;
	[smem:$0x3FD2] =	sst s25  }
0xa6: {  	s5 =	sshll.u32 s26, $0x1;
	_ =	strace $0x8000004C;
	[dreg:$0x1] =	wrdreg $0xFFFFFFFF  }
0xa7: {  	s28 =	simm.s32 $_size_execute0_lowered;
	s3 =	sadd.s32 s3, s5;
	[dreg:$0x0] =	wrdreg $0x0  }
0xa8: {  	s5 =	sshll.u32 s28, $0x1;
	[dreg:$0x2] =	wrdreg s3  }
0xa9: {  	[dreg:$0x3] =	wrdreg s5  }
0xaa: {  	[dreg:$0x4] =	wrdreg $0xC0  }
0xab: {  	_ =	task [dreg:s7], $0x5FFFF  }
0xac: {  	[dreg:$0x1] =	wrdreg $0xFFFFFFFF  }
0xad: {  	[dreg:$0x0] =	wrdreg $0x60  }
0xae: {  	[dreg:$0x2] =	wrdreg s24  }
0xaf: {  	[dreg:$0x3] =	wrdreg s2  }
0xb0: {  	[dreg:$0x4] =	wrdreg $0x0  }
0xb1: {  	[dreg:$0x5] =	wrdreg $0x9  }
0xb2: {  	_ =	task.clear_ibuf [dreg:s7], $0x6FFFF;
	_ =	strace $0x9000004C  }
0xb3: {  	s29 =	simm.s32 $0x9;
	_ =	strace $0x8000004E  }
0xb4: {  	_ =	swait.ge [sflag:s29], $0x1  }
0xb5: {  	[sflag:s29] =	ssyncadd.s32 $0xFFFFFFFF  }
0xb6: {  	_ =	strace $0x9000004E  }
0xb7: {  	_ =	sfence  }
0xb8: {  	s30 =	sld [smem:$0x0];
	_ =	sdelay $0x2  }
0xb9: {  	s31 =	sshll.u32 s1, $0xD;
	s1 =	sshrl.u32 s1, $0x2  }
0xba: {  	s3 =	sand.u32 $0x4000, s31;
	s1 =	sadd.s32 s1, s30  }
0xbb: {  	s0 =	sor.u32 s3, s0;
	s1 =	sshll.u32 s1, $0x11  }
0xbc: {  	s0 =	sor.u32 s1, s0  }
0xbd: {  	s0 =	sadd.s32 $0x8F2B, s0  }
0xbe: {  	[sflag:s0] =	ssyncadd.remote.s32 $0x1  }
0xbf: {  	_ =	sfence.sel $0xFFFF  }
0xc0: {  	[dreg:$0x0] =	wrdreg $0xFFFFFFFF;
	(pc) =	sbr.abs _section_cstart, $3  }
0xc1: {  	[dreg:$0x1] =	wrdreg $0xFFFFFFFF  }
0xc2: {  	_ =	task.clear_ibuf [dreg:s7], $0x2FFFF;
	_ =	strace $0x9FFFFFFF  }
0xc3: {  	(tm) =	ssettm $0x7FFFFFFF  }
tec
execute0_lowered:
.L_overlay_start_1:
0x0: {  	(tag) =	ssettag $0x1  }
0x1: {  	s0 =	rddreg [dreg:$0x0]  }
0x2: {  	s1 =	rddreg [dreg:$0x1];
	s3 =	srdreg.scid  }
0x3: {  	s15 =	stileid.u32;
	s2 =	rddreg [dreg:$0x2];
	s26 =	simm.s32 $0x14380  }
0x4: {  	s28 =	simm.s32 $0x1;
	s29 =	simm.s32 $0x80;
	s4 =	smul.u32 $0x280, s15  }
0x5: {  	s30 =	simm.s32 $0x2;
	s31 =	simm.s32 $0x18400;
	s9 =	smul.u32 $0x50000, s15  }
0x6: {  	s6 =	sand.u32 $0x1, s3;
	s3 =	simm.s32 $0x0;
	s21 =	smul.u32 $0x13C0, s15  }
0x7: {  	s7 =	sshll.u32 s15, $0x1;
	s5 =	smul.u32 $0x2800, s6;
	[smem:$0x7FF] =	sst s3  }
0x8: {  	s7 =	sor.u32 s6, s7;
	s13 =	ssub.s32 $0x2, s6;
	s6 =	smul.u32 $0x9E0, s6  }
0x9: {  	s15 =	simm.s32 $0x0;
	_ =	strace $0x8000004D;
	s8 =	smul.u32 $0x4F00, s7  }
0xa: {  	s10 =	sshrl.u32 s13, $0x1;
	s7 =	smul.u32 $0x9E0, s7;
	s14 =	sshrl.u32 s9, $0x2  }
0xb: {  	s25 =	sadd.s32 s21, s1;
	s21 =	simm.s32 $0x14400;
	[dreg:$0x4] =	wrdreg s26  }
0xc: {  	s26 =	simm.s32 $0x14300;
	s9 =	simm.s32 $0x4;
	s5 =	sadd.s32 s5, s4  }
0xd: {  	s4 =	sadd.s32 $0x1C00, s0;
	s10 =	ssub.s32 s13, s10;
	s5 =	sshll.u32 s5, $0x4  }
0xe: {  	s8 =	sshrl.u32 s8, $0x3;
	s7 =	sadd.s32 s1, s7;
	s19 =	smax.u32 s10, $0x1  }
0xf: {  	s10 =	simm.s32 $0x14280;
	s8 =	sadd.s32 s1, s8;
	[dreg:$0x5] =	wrdreg s7  }
0x10: {  	s0 =	sadd.s32 s5, s0;
	[dreg:$0x9] =	wrdreg s19;
	s16 =	sadd.s32 $0x20, s8  }
0x11: {  	s5 =	sadd.s32 s14, s2;
	s17 =	sadd.s32 $0x40, s8;
	[dreg:$0x6] =	wrdreg s16  }
0x12: {  	s1 =	simm.s32 $0x5;
	s18 =	sadd.s32 $0x60, s8;
	[dreg:$0x7] =	wrdreg s17  }
0x13: {  	s7 =	simm.s32 $0x6;
	s20 =	sadd.s32 $0x29C00, s0;
	[dreg:$0x8] =	wrdreg s18  }
0x14: {  	s11 =	sadd.s32 $0x4000, s5;
	s22 =	sadd.s32 $0x2A400, s0;
	[dreg:$0xa] =	wrdreg s20  }
0x15: {  	s12 =	sadd.s32 $0x8000, s5;
	s23 =	sadd.s32 $0x2AC00, s0;
	[dreg:$0xb] =	wrdreg s22  }
0x16: {  	s13 =	sadd.s32 $0xC000, s5;
	s24 =	sadd.s32 $0x2B400, s0;
	[dreg:$0xc] =	wrdreg s23  }
0x17: {  	s14 =	sadd.s32 $0x10000, s5;
	s0 =	sadd.s32 $0x2BC00, s0;
	[dreg:$0xd] =	wrdreg s24  }
0x18: {  	s8 =	simm.s32 $0x14180;
	[dreg:$0xe] =	wrdreg s0;
	s20 =	sadd.s32 s6, s25  }
0x19: {  	s22 =	simm.s32 $0x7;
	s23 =	simm.s32 $0x14000;
	s24 =	simm.s32 $0x14100  }
0x1a: {  	v0 =	vimm.f32 $0.0e+00;
	s25 =	simm.s32 $0x14200;
	s0 =	simm.s32 $0x14080;
	s6 =	simm.s32 $0x3  }
.LBB2_1:
0x1b: {  	s16 =	simm.s32 $0x0;
	s17 =	simm.s32 $0x200  }
.LBB2_2:
0x1c: {  	p0 =	sne.s32 s17, $0xFE00;
	[tilespmem:s16+$0x14470] =	vst v0  }
0x1d: {  	[tilespmem:s16+$0x14400] =	vst v0  }
0x1e: {  	[tilespmem:s16+$0x14410] =	vst v0  }
.Ltmp0:
0x1f: {  	[tilespmem:s16+$0x14420] =	vst v0;
	(pc) =	sbr.rel @p0 .LBB2_2-.Ltmp0, $4  }
0x20: {  	[tilespmem:s16+$0x14430] =	vst v0  }
0x21: {  	[tilespmem:s16+$0x14440] =	vst v0  }
0x22: {  	[tilespmem:s16+$0x14450] =	vst v0  }
0x23: {  	[tilespmem:s16+$0x14460] =	vst v0;
	s16 =	sshra.s32 s17, $0x2;
	s17 =	sadd.s32 $0x200, s17  }
0x24: {  	[tilespmem:s16+$0x14470] =	vst v0  }
0x25: {  	[tilespmem:s16+$0x14400] =	vst v0  }
0x26: {  	[tilespmem:s16+$0x14410] =	vst v0  }
0x27: {  	[tilespmem:s16+$0x14420] =	vst v0  }
0x28: {  	[tilespmem:s16+$0x14430] =	vst v0  }
0x29: {  	[tilespmem:s16+$0x14440] =	vst v0  }
0x2a: {  	[tilespmem:s16+$0x14450] =	vst v0  }
0x2b: {  	[tilespmem:s16+$0x14460] =	vst v0  }
0x2c: {  	[spmem:s5] =	stream.linear.scatter [tilespmem:s21], [sflag:$0x7], $0x4000, $0x38;
	[tilespmem:$0x1C400] =	vst v63  }
0x2d: {  	_ =	swait.ge [sflag:s22], $0x4000  }
0x2e: {  	[sflag:s22] =	ssyncset.done $0x0  }
0x2f: {  	[sflag:s22] =	ssyncadd.s32 $0xFFFFC000  }
0x30: {  	[spmem:s11] =	stream.linear.scatter [tilespmem:s21], [sflag:$0x7], $0x4000, $0x38;
	[tilespmem:$0x1C400] =	vst v63  }
0x31: {  	_ =	swait.ge [sflag:s22], $0x4000  }
0x32: {  	[sflag:s22] =	ssyncset.done $0x0  }
0x33: {  	[sflag:s22] =	ssyncadd.s32 $0xFFFFC000  }
0x34: {  	[spmem:s12] =	stream.linear.scatter [tilespmem:s21], [sflag:$0x7], $0x4000, $0x38;
	[tilespmem:$0x1C400] =	vst v63  }
0x35: {  	_ =	swait.ge [sflag:s22], $0x4000  }
0x36: {  	[sflag:s22] =	ssyncset.done $0x0  }
0x37: {  	[sflag:s22] =	ssyncadd.s32 $0xFFFFC000  }
0x38: {  	[spmem:s13] =	stream.linear.scatter [tilespmem:s21], [sflag:$0x7], $0x4000, $0x38;
	[tilespmem:$0x1C400] =	vst v63  }
0x39: {  	_ =	swait.ge [sflag:s22], $0x4000  }
0x3a: {  	[sflag:s22] =	ssyncset.done $0x0  }
0x3b: {  	[sflag:s22] =	ssyncadd.s32 $0xFFFFC000  }
0x3c: {  	[spmem:s14] =	stream.linear.scatter [tilespmem:s21], [sflag:$0x7], $0x4000, $0x38;
	[tilespmem:$0x1C400] =	vst v63  }
0x3d: {  	_ =	swait.ge [sflag:s22], $0x4000  }
0x3e: {  	[sflag:s22] =	ssyncset.done $0x0  }
0x3f: {  	[sflag:s22] =	ssyncadd.s32 $0xFFFFC000  }
0x40: {  	[bflag:$0x0] =	sbarrier.arrive $0xFFFF  }
0x41: {  	s16 =	simm.s32 $0x0;
	s17 =	rddreg [dreg:$0x5]  }
0x42: {  	[tilespmem:s23], [sflag:$0x1] =	stream.linear.gather [hbm4b:s17+s16], $0x100, $0x38;
	[tilespmem:$0x1C400] =	vst v63  }
0x43: {  	s18 =	rddreg [dreg:$0x6]  }
0x44: {  	[tilespmem:s24], [sflag:$0x2] =	stream.linear.gather [hbm4b:s18+s16], $0x100, $0x38;
	[tilespmem:$0x1C400] =	vst v63  }
0x45: {  	s19 =	rddreg [dreg:$0x7]  }
0x46: {  	[tilespmem:s25], [sflag:$0x3] =	stream.linear.gather [hbm4b:s19+s16], $0x100, $0x38;
	[tilespmem:$0x1C400] =	vst v63  }
0x47: {  	s18 =	rddreg [dreg:$0x8]  }
0x48: {  	[tilespmem:s26], [sflag:$0x4] =	stream.linear.gather [hbm4b:s18+s16], $0x100, $0x38;
	[tilespmem:$0x1C400] =	vst v63  }
0x49: {  	_ =	swait.ge [sflag:s28], $0x100  }
0x4a: {  	[sflag:s28] =	ssyncset.done $0x0  }
0x4b: {  	[sflag:s28] =	ssyncadd.s32 $0xFFFFFF00  }
0x4c: {  	[tilespmem:s21], [sflag:$0x5] =	stream.indirect.gather [hbm4b:s4+s29], $0x80, s23, s29, $0xb8;
	[tilespmem:$0x1C400] =	vst v63  }
0x4d: {  	_ =	swait.ge [sflag:s30], $0x100  }
0x4e: {  	[sflag:s30] =	ssyncset.done $0x0  }
0x4f: {  	[sflag:s30] =	ssyncadd.s32 $0xFFFFFF00  }
0x50: {  	[tilespmem:s31], [sflag:$0x6] =	stream.indirect.gather [hbm4b:s4+s29], $0x80, s24, s29, $0xb8;
	[tilespmem:$0x1C400] =	vst v63  }
0x51: {  	_ =	swait.ge [sflag:s1], $0x4000  }
0x52: {  	[sflag:s1] =	ssyncset.done $0x0  }
0x53: {  	[sflag:s1] =	ssyncadd.s32 $0xFFFFC000  }
0x54: {  	[spmem:s2] =	stream.indirect.scatter.add.f32 [tilespmem:s21], [sflag:$0x7], $0x80, s0, s29, $0xb8;
	[tilespmem:$0x1C400] =	vst v63  }
0x55: {  	_ =	swait.ge [sflag:s22], $0x4000  }
0x56: {  	s16 =	sadd.s32 $0x0, s20;
	[sflag:s22] =	ssyncset.done $0x0  }
0x57: {  	s19 =	sadd.s32 $0x80, s16;
	[sflag:s22] =	ssyncadd.s32 $0xFFFFC000  }
0x58: {  	[tilespmem:s23], [sflag:$0x1] =	stream.linear.gather [hbm4b:s19+s3], $0x100, $0x38;
	[tilespmem:$0x1C400] =	vst v63  }
0x59: {  	_ =	swait.ge [sflag:s6], $0x100  }
0x5a: {  	[sflag:s6] =	ssyncset.done $0x0  }
0x5b: {  	[sflag:s6] =	ssyncadd.s32 $0xFFFFFF00  }
0x5c: {  	[tilespmem:s21], [sflag:$0x5] =	stream.indirect.gather [hbm4b:s4+s29], $0x80, s25, s29, $0xb8;
	[tilespmem:$0x1C400] =	vst v63  }
0x5d: {  	_ =	swait.ge [sflag:s7], $0x4000  }
0x5e: {  	[sflag:s7] =	ssyncset.done $0x0  }
0x5f: {  	[sflag:s7] =	ssyncadd.s32 $0xFFFFC000  }
0x60: {  	[spmem:s2] =	stream.indirect.scatter.add.f32 [tilespmem:s31], [sflag:$0x7], $0x80, s8, s29, $0xb8;
	[tilespmem:$0x1C400] =	vst v63  }
0x61: {  	_ =	swait.ge [sflag:s22], $0x4000  }
0x62: {  	[sflag:s22] =	ssyncset.done $0x0  }
0x63: {  	s18 =	sadd.s32 $0xA0, s16;
	[sflag:s22] =	ssyncadd.s32 $0xFFFFC000  }
0x64: {  	[tilespmem:s24], [sflag:$0x2] =	stream.linear.gather [hbm4b:s18+s3], $0x100, $0x38;
	[tilespmem:$0x1C400] =	vst v63  }
0x65: {  	_ =	swait.ge [sflag:s9], $0x100  }
0x66: {  	[sflag:s9] =	ssyncset.done $0x0  }
0x67: {  	[sflag:s9] =	ssyncadd.s32 $0xFFFFFF00  }
0x68: {  	[tilespmem:s31], [sflag:$0x6] =	stream.indirect.gather [hbm4b:s4+s29], $0x80, s26, s29, $0xb8;
	[tilespmem:$0x1C400] =	vst v63  }
0x69: {  	_ =	swait.ge [sflag:s1], $0x4000  }
0x6a: {  	[sflag:s1] =	ssyncset.done $0x0  }
0x6b: {  	[sflag:s1] =	ssyncadd.s32 $0xFFFFC000  }
0x6c: {  	[spmem:s2] =	stream.indirect.scatter.add.f32 [tilespmem:s21], [sflag:$0x7], $0x80, s10, s29, $0xb8;
	[tilespmem:$0x1C400] =	vst v63  }
0x6d: {  	_ =	swait.ge [sflag:s22], $0x4000  }
0x6e: {  	[sflag:s22] =	ssyncset.done $0x0  }
0x6f: {  	s16 =	sadd.s32 $0xC0, s16;
	[sflag:s22] =	ssyncadd.s32 $0xFFFFC000  }
0x70: {  	[tilespmem:s25], [sflag:$0x3] =	stream.linear.gather [hbm4b:s16+s3], $0x100, $0x38;
	[tilespmem:$0x1C400] =	vst v63  }
0x71: {  	_ =	swait.ge [sflag:s28], $0x100  }
0x72: {  	[sflag:s28] =	ssyncset.done $0x0  }
0x73: {  	[sflag:s28] =	ssyncadd.s32 $0xFFFFFF00  }
0x74: {  	[tilespmem:s21], [sflag:$0x5] =	stream.indirect.gather [hbm4b:s4+s29], $0x80, s23, s29, $0xb8;
	[tilespmem:$0x1C400] =	vst v63  }
0x75: {  	_ =	swait.ge [sflag:s7], $0x4000  }
0x76: {  	[sflag:s7] =	ssyncset.done $0x0  }
0x77: {  	s19 =	rddreg [dreg:$0x4];
	[sflag:s7] =	ssyncadd.s32 $0xFFFFC000  }
0x78: {  	[spmem:s2] =	stream.indirect.scatter.add.f32 [tilespmem:s31], [sflag:$0x7], $0x80, s19, s29, $0xb8;
	[tilespmem:$0x1C400] =	vst v63  }
0x79: {  	p0 =	por $0x0, $0x0;
	_ =	swait.ge [sflag:s22], $0x4000  }
0x7a: {  	s17 =	simm.s32 @!p0 $0x14300;
	s16 =	sadd.s32 @!p0 $0x0, s20;
	[sflag:s22] =	ssyncset.done $0x0  }
0x7b: {  	s18 =	simm.s32 @!p0 $0x0;
	s16 =	sadd.s32 @!p0 $0xE0, s16;
	[sflag:s22] =	ssyncadd.s32 $0xFFFFC000  }
0x7c: {  	[tilespmem:s17], [sflag:$0x4] =	stream.linear.gather @!p0 [hbm4b:s16+s18], $0x100, $0x38;
	[tilespmem:$0x1C400] =	vst v63  }
0x7d: {  	_ =	swait.ge [sflag:s30], $0x100  }
0x7e: {  	[sflag:s30] =	ssyncset.done $0x0  }
0x7f: {  	s16 =	simm.s32 $0x80;
	[sflag:s30] =	ssyncadd.s32 $0xFFFFFF00  }
.LBB2_4:
0x80: {  	[tilespmem:s31], [sflag:$0x6] =	stream.indirect.gather [hbm4b:s4+s29], $0x80, s24, s29, $0xb8;
	[tilespmem:$0x1C400] =	vst v63  }
0x81: {  	_ =	swait.ge [sflag:s1], $0x4000  }
0x82: {  	[sflag:s1] =	ssyncset.done $0x0  }
0x83: {  	[sflag:s1] =	ssyncadd.s32 $0xFFFFC000  }
0x84: {  	[spmem:s2] =	stream.indirect.scatter.add.f32 [tilespmem:s21], [sflag:$0x7], $0x80, s0, s29, $0xb8;
	[tilespmem:$0x1C400] =	vst v63  }
0x85: {  	s17 =	smov.u32 s16;
	_ =	swait.ge [sflag:s22], $0x4000  }
0x86: {  	s18 =	sadd.s32 s17, s20;
	[sflag:s22] =	ssyncset.done $0x0  }
0x87: {  	s19 =	sadd.s32 $0x80, s18;
	[sflag:s22] =	ssyncadd.s32 $0xFFFFC000  }
0x88: {  	[tilespmem:s23], [sflag:$0x1] =	stream.linear.gather [hbm4b:s19+s3], $0x100, $0x38;
	[tilespmem:$0x1C400] =	vst v63  }
0x89: {  	_ =	swait.ge [sflag:s6], $0x100  }
0x8a: {  	[sflag:s6] =	ssyncset.done $0x0  }
0x8b: {  	[sflag:s6] =	ssyncadd.s32 $0xFFFFFF00  }
0x8c: {  	[tilespmem:s21], [sflag:$0x5] =	stream.indirect.gather [hbm4b:s4+s29], $0x80, s25, s29, $0xb8;
	[tilespmem:$0x1C400] =	vst v63  }
0x8d: {  	_ =	swait.ge [sflag:s7], $0x4000  }
0x8e: {  	[sflag:s7] =	ssyncset.done $0x0  }
0x8f: {  	[sflag:s7] =	ssyncadd.s32 $0xFFFFC000  }
0x90: {  	[spmem:s2] =	stream.indirect.scatter.add.f32 [tilespmem:s31], [sflag:$0x7], $0x80, s8, s29, $0xb8;
	[tilespmem:$0x1C400] =	vst v63  }
0x91: {  	_ =	swait.ge [sflag:s22], $0x4000  }
0x92: {  	[sflag:s22] =	ssyncset.done $0x0  }
0x93: {  	s19 =	sadd.s32 $0xA0, s18;
	[sflag:s22] =	ssyncadd.s32 $0xFFFFC000  }
0x94: {  	[tilespmem:s24], [sflag:$0x2] =	stream.linear.gather [hbm4b:s19+s3], $0x100, $0x38;
	[tilespmem:$0x1C400] =	vst v63  }
0x95: {  	_ =	swait.ge [sflag:s9], $0x100  }
0x96: {  	[sflag:s9] =	ssyncset.done $0x0  }
0x97: {  	[sflag:s9] =	ssyncadd.s32 $0xFFFFFF00  }
0x98: {  	[tilespmem:s31], [sflag:$0x6] =	stream.indirect.gather [hbm4b:s4+s29], $0x80, s26, s29, $0xb8;
	[tilespmem:$0x1C400] =	vst v63  }
0x99: {  	_ =	swait.ge [sflag:s1], $0x4000  }
0x9a: {  	[sflag:s1] =	ssyncset.done $0x0  }
0x9b: {  	[sflag:s1] =	ssyncadd.s32 $0xFFFFC000  }
0x9c: {  	[spmem:s2] =	stream.indirect.scatter.add.f32 [tilespmem:s21], [sflag:$0x7], $0x80, s10, s29, $0xb8;
	[tilespmem:$0x1C400] =	vst v63  }
0x9d: {  	_ =	swait.ge [sflag:s22], $0x4000  }
0x9e: {  	[sflag:s22] =	ssyncset.done $0x0  }
0x9f: {  	s18 =	sadd.s32 $0xC0, s18;
	[sflag:s22] =	ssyncadd.s32 $0xFFFFC000  }
0xa0: {  	[tilespmem:s25], [sflag:$0x3] =	stream.linear.gather [hbm4b:s18+s3], $0x100, $0x38;
	[tilespmem:$0x1C400] =	vst v63  }
0xa1: {  	_ =	swait.ge [sflag:s28], $0x100  }
0xa2: {  	[sflag:s28] =	ssyncset.done $0x0  }
0xa3: {  	[sflag:s28] =	ssyncadd.s32 $0xFFFFFF00  }
0xa4: {  	[tilespmem:s21], [sflag:$0x5] =	stream.indirect.gather [hbm4b:s4+s29], $0x80, s23, s29, $0xb8;
	[tilespmem:$0x1C400] =	vst v63  }
0xa5: {  	_ =	swait.ge [sflag:s7], $0x4000  }
0xa6: {  	s16 =	sadd.s32 $0x80, s16;
	[sflag:s7] =	ssyncset.done $0x0  }
0xa7: {  	p1 =	seq.s32 s17, $0x900;
	s19 =	rddreg [dreg:$0x4];
	[sflag:s7] =	ssyncadd.s32 $0xFFFFC000  }
0xa8: {  	[spmem:s2] =	stream.indirect.scatter.add.f32 [tilespmem:s31], [sflag:$0x7], $0x80, s19, s29, $0xb8;
	[tilespmem:$0x1C400] =	vst v63  }
0xa9: {  	p0 =	sne.s32 s16, $0x980;
	s17 =	sadd.s32 @!p1 s17, s20;
	_ =	swait.ge [sflag:s22], $0x4000  }
0xaa: {  	s17 =	sadd.s32 @!p1 $0xE0, s17;
	s18 =	simm.s32 @!p1 $0x14300;
	[sflag:s22] =	ssyncset.done $0x0  }
.Ltmp1:
0xab: {  	s19 =	simm.s32 @!p1 $0x0;
	[sflag:s22] =	ssyncadd.s32 $0xFFFFC000;
	(pc) =	sbr.rel @p0 .LBB2_4-.Ltmp1, $4  }
0xac: {  	[tilespmem:s18], [sflag:$0x4] =	stream.linear.gather @!p1 [hbm4b:s17+s19], $0x100, $0x38;
	[tilespmem:$0x1C400] =	vst v63  }
0xad: {  	_ =	swait.ge [sflag:s30], $0x100  }
0xae: {  	[sflag:s30] =	ssyncset.done $0x0  }
0xaf: {  	[sflag:s30] =	ssyncadd.s32 $0xFFFFFF00  }
0xb0: {  	[tilespmem:s31], [sflag:$0x6] =	stream.indirect.gather [hbm4b:s4+s29], $0x80, s24, s29, $0xb8;
	[tilespmem:$0x1C400] =	vst v63  }
0xb1: {  	_ =	swait.ge [sflag:s1], $0x4000  }
0xb2: {  	[sflag:s1] =	ssyncset.done $0x0  }
0xb3: {  	[sflag:s1] =	ssyncadd.s32 $0xFFFFC000  }
0xb4: {  	[spmem:s2] =	stream.indirect.scatter.add.f32 [tilespmem:s21], [sflag:$0x7], $0x80, s0, s29, $0xb8;
	[tilespmem:$0x1C400] =	vst v63  }
0xb5: {  	_ =	swait.ge [sflag:s22], $0x4000  }
0xb6: {  	[sflag:s22] =	ssyncset.done $0x0  }
0xb7: {  	[sflag:s22] =	ssyncadd.s32 $0xFFFFC000  }
0xb8: {  	_ =	swait.ge [sflag:s6], $0x100  }
0xb9: {  	[sflag:s6] =	ssyncset.done $0x0  }
0xba: {  	[sflag:s6] =	ssyncadd.s32 $0xFFFFFF00  }
0xbb: {  	[tilespmem:s21], [sflag:$0x5] =	stream.indirect.gather [hbm4b:s4+s29], $0x80, s25, s29, $0xb8;
	[tilespmem:$0x1C400] =	vst v63  }
0xbc: {  	_ =	swait.ge [sflag:s7], $0x4000  }
0xbd: {  	[sflag:s7] =	ssyncset.done $0x0  }
0xbe: {  	[sflag:s7] =	ssyncadd.s32 $0xFFFFC000  }
0xbf: {  	[spmem:s2] =	stream.indirect.scatter.add.f32 [tilespmem:s31], [sflag:$0x7], $0x80, s8, s29, $0xb8;
	[tilespmem:$0x1C400] =	vst v63  }
0xc0: {  	_ =	swait.ge [sflag:s22], $0x4000  }
0xc1: {  	[sflag:s22] =	ssyncset.done $0x0  }
0xc2: {  	[sflag:s22] =	ssyncadd.s32 $0xFFFFC000  }
0xc3: {  	_ =	swait.ge [sflag:s1], $0x4000  }
0xc4: {  	[sflag:s1] =	ssyncset.done $0x0  }
0xc5: {  	[sflag:s1] =	ssyncadd.s32 $0xFFFFC000  }
0xc6: {  	[spmem:s2] =	stream.indirect.scatter.add.f32 [tilespmem:s21], [sflag:$0x7], $0x80, s10, s29, $0xb8;
	[tilespmem:$0x1C400] =	vst v63  }
0xc7: {  	_ =	swait.ge [sflag:s22], $0x4000  }
0xc8: {  	[sflag:s22] =	ssyncset.done $0x0  }
0xc9: {  	[sflag:s22] =	ssyncadd.s32 $0xFFFFC000  }
0xca: {  	[bflag:$0x0] =	sbarrier.arrive $0xFFFF  }
0xcb: {  	[tilespmem:s21], [sflag:$0x7] =	stream.linear.gather [spmem:s5], $0x4000, $0x38;
	[tilespmem:$0x1C400] =	vst v63  }
0xcc: {  	_ =	swait.ge [sflag:s22], $0x4000  }
0xcd: {  	[sflag:s22] =	ssyncset.done $0x0  }
0xce: {  	s16 =	rddreg [dreg:$0xa];
	[sflag:s22] =	ssyncadd.s32 $0xFFFFC000  }
0xcf: {  	[hbm4b:s16+s3] =	stream.linear.scatter [tilespmem:s21], [sflag:$0x7], $0x4000, $0x38;
	[tilespmem:$0x1C400] =	vst v63  }
0xd0: {  	_ =	swait.ge [sflag:s22], $0x4000  }
0xd1: {  	[sflag:s22] =	ssyncset.done $0x0  }
0xd2: {  	[sflag:s22] =	ssyncadd.s32 $0xFFFFC000  }
0xd3: {  	[tilespmem:s21], [sflag:$0x7] =	stream.linear.gather [spmem:s11], $0x4000, $0x38;
	[tilespmem:$0x1C400] =	vst v63  }
0xd4: {  	_ =	swait.ge [sflag:s22], $0x4000  }
0xd5: {  	[sflag:s22] =	ssyncset.done $0x0  }
0xd6: {  	s18 =	rddreg [dreg:$0xb];
	[sflag:s22] =	ssyncadd.s32 $0xFFFFC000  }
0xd7: {  	[hbm4b:s18+s3] =	stream.linear.scatter [tilespmem:s21], [sflag:$0x7], $0x4000, $0x38;
	[tilespmem:$0x1C400] =	vst v63  }
0xd8: {  	_ =	swait.ge [sflag:s22], $0x4000  }
0xd9: {  	[sflag:s22] =	ssyncset.done $0x0  }
0xda: {  	[sflag:s22] =	ssyncadd.s32 $0xFFFFC000  }
0xdb: {  	[tilespmem:s21], [sflag:$0x7] =	stream.linear.gather [spmem:s12], $0x4000, $0x38;
	[tilespmem:$0x1C400] =	vst v63  }
0xdc: {  	_ =	swait.ge [sflag:s22], $0x4000  }
0xdd: {  	[sflag:s22] =	ssyncset.done $0x0  }
0xde: {  	s19 =	rddreg [dreg:$0xc];
	[sflag:s22] =	ssyncadd.s32 $0xFFFFC000  }
0xdf: {  	[hbm4b:s19+s3] =	stream.linear.scatter [tilespmem:s21], [sflag:$0x7], $0x4000, $0x38;
	[tilespmem:$0x1C400] =	vst v63  }
0xe0: {  	_ =	swait.ge [sflag:s22], $0x4000  }
0xe1: {  	[sflag:s22] =	ssyncset.done $0x0  }
0xe2: {  	[sflag:s22] =	ssyncadd.s32 $0xFFFFC000  }
0xe3: {  	[tilespmem:s21], [sflag:$0x7] =	stream.linear.gather [spmem:s13], $0x4000, $0x38;
	[tilespmem:$0x1C400] =	vst v63  }
0xe4: {  	_ =	swait.ge [sflag:s22], $0x4000  }
0xe5: {  	[sflag:s22] =	ssyncset.done $0x0  }
0xe6: {  	s17 =	rddreg [dreg:$0xd];
	[sflag:s22] =	ssyncadd.s32 $0xFFFFC000  }
0xe7: {  	[hbm4b:s17+s3] =	stream.linear.scatter [tilespmem:s21], [sflag:$0x7], $0x4000, $0x38;
	[tilespmem:$0x1C400] =	vst v63  }
0xe8: {  	_ =	swait.ge [sflag:s22], $0x4000  }
0xe9: {  	[sflag:s22] =	ssyncset.done $0x0  }
0xea: {  	[sflag:s22] =	ssyncadd.s32 $0xFFFFC000  }
0xeb: {  	[tilespmem:s21], [sflag:$0x7] =	stream.linear.gather [spmem:s14], $0x4000, $0x38;
	[tilespmem:$0x1C400] =	vst v63  }
0xec: {  	_ =	swait.ge [sflag:s22], $0x4000  }
0xed: {  	[sflag:s22] =	ssyncset.done $0x0  }
0xee: {  	s18 =	rddreg [dreg:$0xe];
	[sflag:s22] =	ssyncadd.s32 $0xFFFFC000  }
0xef: {  	[hbm4b:s18+s3] =	stream.linear.scatter [tilespmem:s21], [sflag:$0x7], $0x4000, $0x38;
	[tilespmem:$0x1C400] =	vst v63  }
0xf0: {  	_ =	swait.ge [sflag:s22], $0x4000  }
0xf1: {  	s15 =	sadd.s32 $0x1, s15;
	s19 =	rddreg [dreg:$0x9]  }
0xf2: {  	p0 =	sne.s32 s15, s19  }
.Ltmp2:
0xf3: {  	_ = 	snop;
	(pc) =	sbr.rel @p0 .LBB2_1-.Ltmp2, $3  }
0xf4: {  	_ =	sdelay $0x1  }
0xf5: {  	[sflag:s22] =	ssyncset.done $0x0  }
0xf6: {  	[sflag:s22] =	ssyncadd.s32 $0xFFFFC000  }
0xf7: {  	_ =	sfence.sel $0x180000  }
0xf8: {  	[bflag:$0x0] =	sbarrier.arrive $0xFFFF  }
0xf9: {  	_ =	strace $0x9000004D  }
0xfa: {  	s0 =	stileid.u32;
	[bflag:$0x2] =	sbarrier.arrive $0xFFFF  }
0xfb: {  	p0 =	sne.s32 s0, $0x0;
	s0 =	rddreg [dreg:$0x3]  }
0xfc: {  	s0 =	sadd.s32 @!p0 $0x100000, s0  }
0xfd: {  	[sflag:s0] =	ssyncadd.tile.s32 @!p0 $0x1;
	_ =	shalt  }
.Lfunc_end2:
_tile_overlayer_lowered:
.L_overlay_start_2:
0xfe: {  	(tag) =	ssettag $0x2  }
0xff: {  	s0 =	rddreg [dreg:$0x0];
	s2 =	stileid.u32  }
0x100: {  	s1 =	rddreg [dreg:$0x1];
	p0 =	sne.s32 s2, $0x0  }
0x101: {  	s3 =	rddreg [dreg:$0x2];
	[bflag:$0x3] =	sbarrier.arrive $0xFFFF;
	s2 =	simm.s32 @!p0 $0x1C07  }
0x102: {  	[timem:s3], [sflag:s2] =	dma.local @!p0 [hbm:s0], s1  }
0x103: {  	s0 =	simm.s32 @!p0 $0x7  }
0x104: {  	_ =	swait.ge @!p0 [sflag:s0], s1  }
0x105: {  	s1 =	ssub.s32 @!p0 $0x0, s1;
	[sflag:s0] =	ssyncset.done @!p0 $0x0  }
0x106: {  	[sflag:s0] =	ssyncadd.s32 @!p0 s1  }
0x107: {  	[bflag:$0x3] =	sbarrier.arrive $0xFFFF  }
0x108: {  	_ =	shalt  }

// kernel: kernel.8.cloned.1.call-start
scs
__scs_entry_jumppad:
0x0: {  	(pc) =	sbr.rel $0x88, $3  }
0x1: {  	(tag) =	ssettag $0x0;
	lr =	simm.s32 $0x1  }
0x2: {  	[smem:$0x3F9B] =	sst lr;
	_ =	strace $0xD0000000  }
0x3: {  	_ = 	snop  }
0x4: {  	_ = 	snop  }
0x5: {  	_ = 	snop  }
0x6: {  	_ = 	snop  }
0x7: {  	_ = 	snop  }
__scs_overlays_trampoline_lowered:
0x8: {  	[smem:$0x3FAA] =	sst s0  }
0x9: {  	[smem:$0x3FAB] =	sst s1  }
0xa: {  	[smem:$0x3FAC] =	sst s2  }
0xb: {  	[smem:$0x3FAD] =	sst s3  }
0xc: {  	[smem:$0x3FAE] =	sst s4  }
0xd: {  	[smem:$0x3FAF] =	sst s5  }
0xe: {  	[smem:$0x3FB0] =	sst s6  }
0xf: {  	[smem:$0x3FB1] =	sst s7  }
0x10: {  	[smem:$0x3FB2] =	sst s8  }
0x11: {  	[smem:$0x3FB3] =	sst s9;
	s0 =	simm.s32 @!p0 $0x0  }
0x12: {  	s1 =	sld [smem:$0x3F99];
	s0 =	simm.s32 @p0 $0x1  }
0x13: {  	[smem:$0x3FB4] =	sst s0;
	s0 =	simm.s32 @!p1 $0x0  }
0x14: {  	s2 =	sld [smem:$0x3F98];
	s0 =	simm.s32 @p1 $0x1  }
0x15: {  	[smem:$0x3FB5] =	sst s0;
	s0 =	simm.s32 @!p2 $0x0  }
0x16: {  	s3 =	sld [smem:$0x3FDB];
	s0 =	simm.s32 @p2 $0x1  }
0x17: {  	s4 =	simm.s32 $0x1BF5;
	[smem:$0x3FB7] =	sst s0  }
0x18: {  	s0 =	sld [smem:$0x3F9A];
	_ =	swait.ge [sflag:s4], $0x0  }
0x19: {  	s7 =	sld [smem:$0x3F9B]  }
0x1a: {  	s8 =	sadd.s32 $0xFFFFE003, lr  }
0x1b: {  	s9 =	sadd.s32 $0xFFFFFEF7, lr;
	s5 =	simm.s32 $0xFFFFFFFF;
	p2 =	slt.u32 s8, $0xFFFFF086  }
0x1c: {  	p1 =	slt.u32 s9, $0xF7A;
	s5 =	simm.s32 @!p2 $0x0  }
0x1d: {  	s5 =	simm.s32 @p1 $0x1;
	p0 =	seq.s32 s7, s2  }
0x1e: {  	s7 =	smul.u32 @!p0 $0xF7A, s2;
	p2 =	seq.s32 @!p0 s5, $0x0  }
0x1f: {  	s9 =	smul.u32 $0xF7A, s1;
	s8 =	simm.s32 @!p0 $0x1BF5;
	p2 =	por !p2, p0  }
0x20: {  	[sflag:s8] =	ssyncset.s32 @!p0 $0xFFFFF086;
	s6 =	sadd.s32 @!p0 s3, s7;
	s7 =	simm.s32 @!p0 $0x108  }
0x21: {  	s3 =	sadd.s32 s3, s9;
	s6 =	sadd.s32 @!p0 $0x88, s6;
	s7 =	simm.s32 @p2 $0x1082  }
0x22: {  	[simem:s7], [sflag:s8] =	dma.local @!p0 [hbm:s6], $0xF7A  }
0x23: {  	s9 =	sor.u32 $0xD0000000, s2;
	s6 =	simm.s32 $0x108;
	_ =	swait.ge @!p0 [sflag:s8], $0x0  }
0x24: {  	s3 =	sadd.s32 $0x88, s3;
	s6 =	simm.s32 @!p1 $0x1082;
	[sflag:s4] =	ssyncset.s32 $0xFFFFF086  }
0x25: {  	[simem:s6], [sflag:s4] =	dma.local [hbm:s3], $0xF7A  }
0x26: {  	[smem:$0x3F9B] =	sst s1;
	(tag) =	ssettag s2;
	_ =	strace s9  }
0x27: {  	s1 =	sld [smem:$0x3FAB]  }
0x28: {  	s2 =	sld [smem:$0x3FAC]  }
0x29: {  	s4 =	sld [smem:$0x3FAE]  }
0x2a: {  	p0 =	seq.s32 s5, $0x0;
	s5 =	sld [smem:$0x3FAF]  }
0x2b: {  	s6 =	sld [smem:$0x3FB0]  }
0x2c: {  	s7 =	sld [smem:$0x3FB1]  }
0x2d: {  	s3 =	simm.s32 $0x108;
	s8 =	sld [smem:$0x3FB2]  }
0x2e: {  	s3 =	simm.s32 @!p0 $0x1082;
	s9 =	sld [smem:$0x3FB3]  }
0x2f: {  	lr =	sadd.s32 s0, s3;
	s0 =	sld [smem:$0x3FAA]  }
0x30: {  	s3 =	sld [smem:$0x3FAD]  }
0x31: {  	[smem:$0x3FB6] =	sst s10  }
0x32: {  	s10 =	sld [smem:$0x3FB4];
	_ =	sdelay $0x3  }
0x33: {  	p0 =	seq.s32 s10, $0x1;
	s10 =	sld [smem:$0x3FB6];
	_ =	sdelay $0x3  }
0x34: {  	[smem:$0x3FB6] =	sst s10  }
0x35: {  	s10 =	sld [smem:$0x3FB5];
	_ =	sdelay $0x3  }
0x36: {  	p1 =	seq.s32 s10, $0x1;
	s10 =	sld [smem:$0x3FB6];
	_ =	sdelay $0x3  }
0x37: {  	[smem:$0x3FB6] =	sst s10  }
0x38: {  	s10 =	sld [smem:$0x3FB7]  }
0x39: {  	_ = 	snop;
	(pc) =	sbr.ind lr, $3  }
0x3a: {  	_ = 	snop  }
0x3b: {  	_ = 	snop  }
0x3c: {  	p2 =	seq.s32 s10, $0x1;
	s10 =	sld [smem:$0x3FB6]  }
0x3d: {  	_ =	shalt  }
0x3e: {  	_ =	shalt  }
0x3f: {  	_ =	shalt  }
0x40: {  	_ =	shalt  }
0x41: {  	_ =	shalt  }
0x42: {  	_ =	shalt  }
0x43: {  	_ =	shalt  }
0x44: {  	_ =	shalt  }
0x45: {  	_ =	shalt  }
0x46: {  	_ =	shalt  }
0x47: {  	_ =	shalt  }
0x48: {  	_ =	shalt  }
0x49: {  	_ =	shalt  }
0x4a: {  	_ =	shalt  }
0x4b: {  	_ =	shalt  }
0x4c: {  	_ =	shalt  }
0x4d: {  	_ =	shalt  }
0x4e: {  	_ =	shalt  }
0x4f: {  	_ =	shalt  }
0x50: {  	_ =	shalt  }
0x51: {  	_ =	shalt  }
0x52: {  	_ =	shalt  }
0x53: {  	_ =	shalt  }
0x54: {  	_ =	shalt  }
0x55: {  	_ =	shalt  }
0x56: {  	_ =	shalt  }
0x57: {  	_ =	shalt  }
0x58: {  	_ =	shalt  }
0x59: {  	_ =	shalt  }
0x5a: {  	_ =	shalt  }
0x5b: {  	_ =	shalt  }
0x5c: {  	_ =	shalt  }
0x5d: {  	_ =	shalt  }
0x5e: {  	_ =	shalt  }
0x5f: {  	_ =	shalt  }
0x60: {  	_ =	shalt  }
0x61: {  	_ =	shalt  }
0x62: {  	_ =	shalt  }
0x63: {  	_ =	shalt  }
0x64: {  	_ =	shalt  }
0x65: {  	_ =	shalt  }
0x66: {  	_ =	shalt  }
0x67: {  	_ =	shalt  }
0x68: {  	_ =	shalt  }
0x69: {  	_ =	shalt  }
0x6a: {  	_ =	shalt  }
0x6b: {  	_ =	shalt  }
0x6c: {  	_ =	shalt  }
0x6d: {  	_ =	shalt  }
0x6e: {  	_ =	shalt  }
0x6f: {  	_ =	shalt  }
0x70: {  	_ =	shalt  }
0x71: {  	_ =	shalt  }
0x72: {  	_ =	shalt  }
0x73: {  	_ =	shalt  }
0x74: {  	_ =	shalt  }
0x75: {  	_ =	shalt  }
0x76: {  	_ =	shalt  }
0x77: {  	_ =	shalt  }
0x78: {  	_ =	shalt  }
0x79: {  	_ =	shalt  }
0x7a: {  	_ =	shalt  }
0x7b: {  	_ =	shalt  }
0x7c: {  	_ =	shalt  }
0x7d: {  	_ =	shalt  }
0x7e: {  	_ =	shalt  }
0x7f: {  	_ =	shalt  }
0x80: {  	_ =	shalt  }
0x81: {  	_ =	shalt  }
0x82: {  	_ =	shalt  }
0x83: {  	_ =	shalt  }
0x84: {  	_ =	shalt  }
0x85: {  	_ =	shalt  }
0x86: {  	_ =	shalt  }
0x87: {  	_ =	shalt  }
.Lfunc_end0:
.L_simem_size_0:
called_computation_lowered:
.L_overlay_start_0:
0x88: {  	s2 =	sld [smem:$0x3FD9]  }
0x89: {  	s3 =	sld [smem:$0x3FFE];
	_ =	sdelay $0x1  }
0x8a: {  	s1 =	srdreg.scid  }
0x8b: {  	s0 =	sand.u32 $0x1, s1  }
0x8c: {  	s16 =	sshll.u32 s0, $0xA;
	s2 =	sadd.s32 s3, s2  }
0x8d: {  	s2 =	sadd.s32 s2, s16  }
0x8e: {  	[smem:$0x3FC2] =	sst s2  }
0x8f: {  	_ = 	snop  }
0x90: {  	(tm) =	ssettm $0x1  }
0x91: {  	s17 =	sld [smem:$0x3FFB];
	_ =	sdelay $0x3  }
0x92: {  	_ =	strace s17  }
0x93: {  	s2 =	sld [smem:$0x3FFC];
	_ =	sdelay $0x3  }
0x94: {  	_ =	strace s2  }
0x95: {  	s2 =	sld [smem:$0x3FFD];
	_ =	sdelay $0x3  }
0x96: {  	_ =	strace s2  }
0x97: {  	_ =	strace $0x8FFFFFFF  }
0x98: {  	s18 =	sld [smem:$0x3FDB];
	_ =	sdelay $0x1  }
0x99: {  	s19 =	simm.s32 $_scs_section_size  }
0x9a: {  	s4 =	simm.s32 $_size__tile_overlayer_lowered;
	s5 =	simm.s32 $_tile_overlayer_lowered  }
0x9b: {  	s22 =	simm.s32 $0x1BFF;
	s21 =	sshll.u32 s5, $0x1;
	s2 =	sadd.s32 s19, s18  }
0x9c: {  	s6 =	simm.s32 $0x0;
	s20 =	sshll.u32 s4, $0x1;
	s4 =	sadd.s32 s21, s2  }
0x9d: {  	[timem:s6], [sflag:s22] =	dma.local [hbm:s4], s20  }
0x9e: {  	_ =	swait.ge [sflag:s22], s20  }
0x9f: {  	s3 =	ssub.s32 $0x0, s20;
	[sflag:s22] =	ssyncset.done $0x0  }
0xa0: {  	[sflag:s22] =	ssyncadd.s32 s3;
	_ =	sdelay $0x1  }
0xa1: {  	s23 =	simm.s32 $0x1B8B  }
0xa2: {  	_ =	swait.ge [sflag:s23], $0x1  }
0xa3: {  	[sflag:s23] =	ssyncset.done $0x0  }
0xa4: {  	s25 =	simm.s32 $0x1B8E;
	s24 =	sld [smem:$0x3FFE];
	[sflag:s23] =	ssyncadd.s32 $0xFFFFFFFF  }
0xa5: {  	s26 =	simm.s32 $execute0_lowered;
	[smem:$0x3FD2] =	sst s25  }
0xa6: {  	s4 =	sshll.u32 s26, $0x1;
	_ =	strace $0x80000046;
	[dreg:$0x1] =	wrdreg $0xFFFFFFFF  }
0xa7: {  	s28 =	simm.s32 $_size_execute0_lowered;
	s2 =	sadd.s32 s2, s4;
	[dreg:$0x0] =	wrdreg $0x0  }
0xa8: {  	s4 =	sshll.u32 s28, $0x1;
	[dreg:$0x2] =	wrdreg s2  }
0xa9: {  	[dreg:$0x3] =	wrdreg s4  }
0xaa: {  	[dreg:$0x4] =	wrdreg $0xC0  }
0xab: {  	_ =	task [dreg:s6], $0x5FFFF  }
0xac: {  	[dreg:$0x1] =	wrdreg $0xFFFFFFFF  }
0xad: {  	[dreg:$0x0] =	wrdreg $0x60  }
0xae: {  	[dreg:$0x2] =	wrdreg s24  }
0xaf: {  	[dreg:$0x3] =	wrdreg $0x0  }
0xb0: {  	[dreg:$0x4] =	wrdreg $0x9  }
0xb1: {  	_ =	task.clear_ibuf [dreg:s6], $0x5FFFF;
	_ =	strace $0x90000046  }
0xb2: {  	s29 =	simm.s32 $0x9;
	_ =	strace $0x80000048  }
0xb3: {  	_ =	swait.ge [sflag:s29], $0x1  }
0xb4: {  	[sflag:s29] =	ssyncadd.s32 $0xFFFFFFFF  }
0xb5: {  	_ =	strace $0x90000048  }
0xb6: {  	_ =	sfence  }
0xb7: {  	s30 =	sld [smem:$0x0];
	_ =	sdelay $0x2  }
0xb8: {  	s31 =	sshll.u32 s1, $0xD;
	s1 =	sshrl.u32 s1, $0x2  }
0xb9: {  	s3 =	sand.u32 $0x4000, s31;
	s1 =	sadd.s32 s1, s30  }
0xba: {  	s0 =	sor.u32 s3, s0;
	s1 =	sshll.u32 s1, $0x11  }
0xbb: {  	s0 =	sor.u32 s1, s0  }
0xbc: {  	s0 =	sadd.s32 $0x8F2B, s0  }
0xbd: {  	[sflag:s0] =	ssyncadd.remote.s32 $0x1  }
0xbe: {  	_ =	sfence.sel $0xFFFF  }
0xbf: {  	[dreg:$0x0] =	wrdreg $0xFFFFFFFF;
	(pc) =	sbr.abs _section_cstart, $3  }
0xc0: {  	[dreg:$0x1] =	wrdreg $0xFFFFFFFF  }
0xc1: {  	_ =	task.clear_ibuf [dreg:s6], $0x2FFFF;
	_ =	strace $0x9FFFFFFF  }
0xc2: {  	(tm) =	ssettm $0x7FFFFFFF  }
0xc3: {  	_ =	shalt  }
tec
execute0_lowered:
.L_overlay_start_1:
0x0: {  	(tag) =	ssettag $0x1  }
0x1: {  	s4 =	rddreg [dreg:$0x0]  }
0x2: {  	s2 =	rddreg [dreg:$0x1]  }
0x3: {  	s0 =	rddreg [dreg:$0x2];
	s1 =	stileid.u32  }
0x4: {  	s3 =	simm.s32 $0x0;
	s6 =	srdreg.scid;
	s9 =	simm.s32 $0x1  }
0x5: {  	s10 =	simm.s32 $0x280;
	s12 =	simm.s32 $0x5280;
	s15 =	simm.s32 $0x0  }
0x6: {  	s5 =	smul.u32 $0x280, s1;
	[smem:$0x7FF] =	sst s3;
	s11 =	sand.u32 $0x1, s6  }
0x7: {  	s7 =	smul.u32 $0xA00, s1;
	_ =	strace $0x80000047;
	s8 =	ssub.s32 $0x2, s11  }
0x8: {  	p0 =	sne.s32 s11, $0x0;
	s11 =	simm.s32 $0x80;
	s30 =	sshrl.u32 s5, $0x3  }
0x9: {  	s7 =	sadd.s32 s7, s4;
	s31 =	sshrl.u32 s8, $0x1;
	s13 =	sshll.u32 @!p0 s1, $0x6  }
0xa: {  	s6 =	sadd.s32 s30, s4;
	s8 =	ssub.s32 s8, s31;
	s4 =	sadd.s32 s5, s2  }
0xb: {  	s5 =	sadd.s32 $0x1C00, s7;
	s13 =	sor.u32 @!p0 $0x1C01, s13;
	s6 =	sadd.s32 $0xBC00, s6  }
0xc: {  	v0 =	vimm.f32 $0.0e+00;
	v1 =	vimm.f32 $1.000000000e+00;
	s7 =	smax.u32 s8, $0x1;
	s8 =	simm.s32 $0x5300;
	s14 =	sshrl.u32 @!p0 s4, $0x3  }
.LBB2_1:
0xd: {  	[tilespmem:$0x5300] =	vst v0  }
0xe: {  	[tilespmem:$0x5310] =	vst v0  }
0xf: {  	[tilespmem:$0x5320] =	vst v0  }
0x10: {  	[tilespmem:$0x5330] =	vst v0  }
0x11: {  	[tilespmem:$0x5340] =	vst v0  }
0x12: {  	[tilespmem:$0x5350] =	vst v0  }
0x13: {  	[tilespmem:$0x5360] =	vst v0  }
0x14: {  	[tilespmem:$0x5370] =	vst v0  }
0x15: {  	[tilespmem:$0x5380] =	vst v0  }
0x16: {  	[tilespmem:$0x5390] =	vst v0  }
0x17: {  	[tilespmem:$0x53A0] =	vst v0  }
0x18: {  	[tilespmem:$0x53B0] =	vst v0  }
0x19: {  	[tilespmem:$0x53C0] =	vst v0  }
0x1a: {  	[tilespmem:$0x53D0] =	vst v0  }
0x1b: {  	[tilespmem:$0x53E0] =	vst v0  }
0x1c: {  	[tilespmem:$0x53F0] =	vst v0  }
0x1d: {  	[tilespmem:$0x5400] =	vst v0  }
0x1e: {  	[tilespmem:$0x5410] =	vst v0  }
0x1f: {  	[tilespmem:$0x5420] =	vst v0  }
0x20: {  	[tilespmem:$0x5430] =	vst v0  }
0x21: {  	[tilespmem:$0x5440] =	vst v0  }
0x22: {  	[tilespmem:$0x5450] =	vst v0  }
0x23: {  	[tilespmem:$0x5460] =	vst v0  }
0x24: {  	[tilespmem:$0x5470] =	vst v0  }
0x25: {  	[tilespmem:$0x5480] =	vst v0  }
0x26: {  	[tilespmem:$0x5490] =	vst v0  }
0x27: {  	[tilespmem:$0x54A0] =	vst v0  }
0x28: {  	[tilespmem:$0x54B0] =	vst v0  }
0x29: {  	[tilespmem:$0x54C0] =	vst v0  }
0x2a: {  	[tilespmem:$0x54D0] =	vst v0  }
0x2b: {  	[tilespmem:$0x54E0] =	vst v0  }
0x2c: {  	[tilespmem:$0x54F0] =	vst v0  }
0x2d: {  	[tilespmem:$0x5500] =	vst v0  }
0x2e: {  	[tilespmem:$0x5510] =	vst v0  }
0x2f: {  	[tilespmem:$0x5520] =	vst v0  }
0x30: {  	[tilespmem:$0x5530] =	vst v0  }
0x31: {  	[tilespmem:$0x5540] =	vst v0  }
0x32: {  	[tilespmem:$0x5550] =	vst v0  }
0x33: {  	[tilespmem:$0x5560] =	vst v0  }
0x34: {  	[tilespmem:$0x5570] =	vst v0  }
0x35: {  	[tilespmem:$0x5280] =	vst v1  }
0x36: {  	[tilespmem:$0x5290] =	vst v1  }
0x37: {  	[tilespmem:$0x52A0] =	vst v1  }
0x38: {  	[tilespmem:$0x52B0] =	vst v1  }
0x39: {  	[tilespmem:$0x52C0] =	vst v1  }
0x3a: {  	[tilespmem:$0x52D0] =	vst v1  }
0x3b: {  	[tilespmem:$0x52E0] =	vst v1  }
0x3c: {  	[tilespmem:$0x52F0] =	vst v1  }
0x3d: {  	[spmem:s4] =	stream.linear.scatter [tilespmem:s8], [sflag:$0x1], $0x280, $0x38;
	[tilespmem:$0x5580] =	vst v63  }
0x3e: {  	_ =	swait.ge [sflag:s9], $0x280  }
0x3f: {  	[sflag:s9] =	ssyncset.done $0x0  }
0x40: {  	[sflag:s9] =	ssyncadd.s32 $0xFFFFFD80  }
0x41: {  	[tilespmem:s10], [sflag:$0x1] =	stream.linear.gather [hbm4b:s5+s3], $0x4F00, $0x38;
	[tilespmem:$0x5580] =	vst v63  }
0x42: {  	_ =	swait.ge [sflag:s9], $0x4F00  }
0x43: {  	[sflag:s9] =	ssyncset.done $0x0  }
0x44: {  	[sflag:s9] =	ssyncadd.s32 $0xFFFFB100  }
0x45: {  	s16 =	simm.s32 $0x280;
	[bflag:$0x0] =	sbarrier.arrive $0xFFFF  }
0x46: {  	[spmem:s2] =	stream.indirect.scatter.add.f32 [tilespmem:s12], [sflag:$0x1], $0x1, s16, s11, $0xb8;
	[tilespmem:$0x5580] =	vst v63  }
0x47: {  	s16 =	simm.s32 $0x200;
	_ =	swait.ge [sflag:s9], $0x80  }
.LBB2_2:
0x48: {  	s17 =	sshra.s32 s16, $0x2;
	[sflag:s9] =	ssyncset.done $0x0;
	p1 =	sne.s32 s16, $0x13A00  }
.Ltmp0:
0x49: {  	s17 =	sadd.s32 $0x280, s17;
	[sflag:s9] =	ssyncadd.s32 $0xFFFFFF80;
	(pc) =	sbr.rel @p1 .LBB2_2-.Ltmp0, $3  }
0x4a: {  	[spmem:s2] =	stream.indirect.scatter.add.f32 [tilespmem:s12], [sflag:$0x1], $0x1, s17, s11, $0xb8;
	[tilespmem:$0x5580] =	vst v63  }
0x4b: {  	s16 =	sadd.s32 $0x200, s16;
	_ =	sdelay $0x1  }
0x4c: {  	_ =	swait.ge [sflag:s9], $0x80  }
0x4d: {  	[sflag:s9] =	ssyncset.done $0x0;
	s15 =	sadd.s32 $0x1, s15  }
0x4e: {  	[sflag:s9] =	ssyncadd.s32 $0xFFFFFF80;
	p1 =	sne.s32 s15, s7  }
.Ltmp1:
0x4f: {  	s16 =	simm.s32 @!p0 $0x1;
	[bflag:$0x0] =	sbarrier.arrive $0xFFFF;
	(pc) =	sbr.rel @p1 .LBB2_1-.Ltmp1, $4  }
0x50: {  	[hbm:s6], [sflag:s13] =	dma.local @!p0 [spmem:s14], $0x50  }
0x51: {  	_ =	swait.ge @!p0 [sflag:s16], $0x50  }
0x52: {  	[sflag:s16] =	ssyncset.done @!p0 $0x0  }
0x53: {  	[sflag:s16] =	ssyncadd.s32 @!p0 $0xFFFFFFB0  }
0x54: {  	_ =	sfence.sel $0x180000  }
0x55: {  	[bflag:$0x0] =	sbarrier.arrive $0xFFFF  }
0x56: {  	p0 =	sne.s32 s1, $0x0;
	_ =	strace $0x90000047  }
0x57: {  	s0 =	sadd.s32 @!p0 $0x100000, s0;
	[bflag:$0x2] =	sbarrier.arrive $0xFFFF  }
0x58: {  	[sflag:s0] =	ssyncadd.tile.s32 @!p0 $0x1;
	_ =	shalt  }
.Lfunc_end2:
_tile_overlayer_lowered:
.L_overlay_start_2:
0x59: {  	(tag) =	ssettag $0x2  }
0x5a: {  	s0 =	rddreg [dreg:$0x0];
	s2 =	stileid.u32  }
0x5b: {  	s1 =	rddreg [dreg:$0x1];
	p0 =	sne.s32 s2, $0x0  }
0x5c: {  	s3 =	rddreg [dreg:$0x2];
	[bflag:$0x3] =	sbarrier.arrive $0xFFFF;
	s2 =	simm.s32 @!p0 $0x1C01  }
0x5d: {  	[timem:s3], [sflag:s2] =	dma.local @!p0 [hbm:s0], s1  }
0x5e: {  	s0 =	simm.s32 @!p0 $0x1  }
0x5f: {  	_ =	swait.ge @!p0 [sflag:s0], s1  }
0x60: {  	s1 =	ssub.s32 @!p0 $0x0, s1;
	[sflag:s0] =	ssyncset.done @!p0 $0x0  }
0x61: {  	[sflag:s0] =	ssyncadd.s32 @!p0 s1  }
0x62: {  	[bflag:$0x3] =	sbarrier.arrive $0xFFFF  }
0x63: {  	_ =	shalt  }

</sc_bundles>
